<compile_context>
chip_gen: v7x
topology: tpu7x:2x2x1
jax: 0.10.2.dev20260603
libtpu: 0.0.44.dev20260713+nightly
codegen_flags: <defaults>
</compile_context>

<pallas_src>
import functools

import jax
import jax.numpy as jnp
from jax import lax
from jax.experimental import pallas as pl
from jax.experimental.pallas import tpu as pltpu
from jax.experimental.pallas import tpu_sc as plsc

N = 10000
E = 320000
D = 128
R = 8

NC = 2
NS = 16
NW = NC * NS
B = 128
CH = 80
B2 = 64
CH2 = 160
TCH = NW * CH2
K0 = 216
K1 = 2 * CH2 - K0
E_PAD = NW * CH * B
NACC = 10112
HALLOC = 81920

_mesh = plsc.VectorSubcoreMesh(core_axis_name="c", subcore_axis_name="s")
_f32 = jnp.float32
_i32 = jnp.int32



@functools.partial(
    pl.kernel,
    out_type=jax.ShapeDtypeStruct((NC, HALLOC), _f32),
    mesh=_mesh,
    compiler_params=pltpu.CompilerParams(use_tc_tiling_on_sc=False,
                                         needs_layout_passes=False),
    scratch_types=[
        pltpu.VMEM((CH, B), _i32),
        pltpu.VMEM((B, 16), _f32),
        pltpu.VMEM((1280, 16), _f32),
        pltpu.VMEM((5120,), _f32),
        pltpu.VMEM_SHARED((HALLOC, 16), _f32),
    ],
)
def _deg_kernel(key_hbm, out_hbm, key_v, ones_v, zbuf, compact_v, hist):
    c = lax.axis_index("c")
    s = lax.axis_index("s")
    wid = s * NC + c

    def fill_row(i, _):
        ones_v[i, pl.ds(0, 16)] = jnp.ones((16,), _f32)
        return 0
    lax.fori_loop(0, B, fill_row, 0)

    def zero_row(i, _):
        zbuf[i, pl.ds(0, 16)] = jnp.zeros((16,), _f32)
        return 0
    lax.fori_loop(0, 1280, zero_row, 0)

    for t in range(4):
        pltpu.sync_copy(zbuf, hist.at[pl.ds(s * 5120 + t * 1280, 1280)])
    plsc.subcore_barrier()

    pltpu.sync_copy(key_hbm.at[wid], key_v)

    def chunk(j, _):
        pltpu.sync_copy(ones_v, hist.at[key_v.at[j]], add=True)
        return 0
    lax.fori_loop(0, CH, chunk, 0)
    plsc.subcore_barrier()

    lanes = lax.iota(_i32, 16)
    col0 = jnp.zeros((16,), _i32)
    for p in range(4):
        pltpu.sync_copy(hist.at[pl.ds(s * 5120 + p * 1280, 1280)], zbuf)

        def compact_row(i, _):
            v = plsc.load_gather(zbuf, [i * 16 + lanes, col0])
            compact_v[pl.ds(p * 1280 + i * 16, 16)] = v
            return 0
        lax.fori_loop(0, 80, compact_row, 0)

    pltpu.sync_copy(compact_v, out_hbm.at[c, pl.ds(s * 5120, 5120)])


@functools.partial(
    pl.kernel,
    out_type=jax.ShapeDtypeStruct((NW, CH, B), _f32),
    mesh=_mesh,
    compiler_params=pltpu.CompilerParams(needs_layout_passes=False),
    scratch_types=[
        pltpu.VMEM((HALLOC,), _f32),
        pltpu.VMEM((CH, B), _i32),
        pltpu.VMEM((CH, B), _f32),
    ],
)
def _weights_kernel(inv_hbm, key_hbm, w_hbm, inv_v, key_v, w_v):
    c = lax.axis_index("c")
    s = lax.axis_index("s")
    wid = s * NC + c
    pltpu.sync_copy(inv_hbm, inv_v)
    pltpu.sync_copy(key_hbm.at[wid], key_v)

    def gather16(t, _):
        ch = t // 8
        cc = jnp.remainder(t, 8)
        k16 = key_v[ch, pl.ds(cc * 16, 16)]
        w_v[ch, pl.ds(cc * 16, 16)] = plsc.load_gather(inv_v, [k16])
        return 0
    lax.fori_loop(0, CH * 8, gather16, 0)
    pltpu.sync_copy(w_v, w_hbm.at[wid])


@functools.partial(
    pl.kernel,
    out_type=jax.ShapeDtypeStruct((NC, NACC, D), _f32),
    mesh=_mesh,
    compiler_params=pltpu.CompilerParams(use_tc_tiling_on_sc=False,
                                         needs_layout_passes=False),
    scratch_types=[
        pltpu.VMEM((2, 8, B2), _i32),
        pltpu.VMEM((8, B2), _i32),
        pltpu.VMEM((8, B2), _f32),
        pltpu.VMEM((2, B2, D // 2), _i32),
        pltpu.VMEM((2, B2, D), _f32),
        pltpu.VMEM_SHARED((NACC, D), _f32),
        pltpu.SemaphoreType.DMA,
        pltpu.SemaphoreType.DMA,
    ],
)
def _edge_kernel(xr_hbm, gidx_hbm, dst_hbm, w_hbm, out_hbm,
                 gidx_v, dst_v, w_v, rows16_v, rowsf_v, acc, semg, sems):
    c = lax.axis_index("c")
    s = lax.axis_index("s")
    nch = jnp.where(c == 0, K0, K1)
    base = jnp.where(c == 0, s * K0, NS * K0 + s * K1)

    def zero_row(i, _):
        for cb in range(8):
            rowsf_v[0, i, pl.ds(cb * 16, 16)] = jnp.zeros((16,), _f32)
        return 0
    lax.fori_loop(0, B2, zero_row, 0)

    zsrc = rowsf_v.at[0]
    for t in range(9):
        pltpu.sync_copy(zsrc, acc.at[pl.ds(s * 632 + t * 64, 64)])
    pltpu.sync_copy(zsrc.at[pl.ds(0, 56)],
                    acc.at[pl.ds(s * 632 + 576, 56)])
    plsc.subcore_barrier()

    pltpu.sync_copy(gidx_hbm.at[pl.ds(base, 8)], gidx_v.at[0])
    pltpu.sync_copy(dst_hbm.at[pl.ds(base, 8)], dst_v)
    pltpu.sync_copy(w_hbm.at[pl.ds(base, 8)], w_v)
    pltpu.async_copy(xr_hbm.at[gidx_v.at[0, 0]], rows16_v.at[0], semg)

    def chunk(j, _):
        cur = jnp.remainder(j, 2)
        nxt = jnp.remainder(j + 1, 2)
        jm = jnp.remainder(j, 8)
        gp = jnp.remainder(j // 8, 2)
        pltpu.make_async_copy(xr_hbm.at[gidx_v.at[gp, jm]],
                              rows16_v.at[cur], semg).wait()
        @pl.when(j > 0)
        def _():
            pltpu.make_async_copy(rowsf_v.at[nxt], acc.at[dst_v.at[0]],
                                  sems).wait()
        @pl.when(jnp.logical_and(jnp.remainder(j, 8) == 0, j > 0))
        def _():
            g8 = (j // 8) * 8
            pltpu.sync_copy(dst_hbm.at[pl.ds(base + g8, 8)], dst_v)
            pltpu.sync_copy(w_hbm.at[pl.ds(base + g8, 8)], w_v)
        @pl.when(jnp.logical_and(jnp.remainder(j, 8) == 0, j + 8 < nch))
        def _():
            pltpu.sync_copy(gidx_hbm.at[pl.ds(base + (j // 8) * 8 + 8, 8)],
                            gidx_v.at[jnp.remainder(j // 8 + 1, 2)])
        @pl.when(j + 1 < nch)
        def _():
            pltpu.async_copy(
                xr_hbm.at[gidx_v.at[jnp.remainder((j + 1) // 8, 2),
                                    jnp.remainder(j + 1, 8)]],
                rows16_v.at[nxt], semg)

        @plsc.parallel_loop(0, B2, unroll=4)
        def scale_row(r):
            wv = plsc.load_gather(
                w_v, [jnp.full((16,), jm, _i32), jnp.full((16,), r, _i32)])
            for q in range(4):
                u32 = rows16_v[cur, r, pl.ds(16 * q, 16)]
                u = plsc.bitcast(u32, jnp.bfloat16)
                a, b = plsc.unpack(u, format=plsc.PackFormat.INTERLEAVED)
                rowsf_v[cur, r, pl.ds(16 * q, 16)] = a * wv
                rowsf_v[cur, r, pl.ds(64 + 16 * q, 16)] = b * wv

        pltpu.async_copy(rowsf_v.at[cur], acc.at[dst_v.at[jm]], sems, add=True)
        return 0
    lax.fori_loop(0, nch, chunk, 0)
    pltpu.make_async_copy(rowsf_v.at[0], acc.at[dst_v.at[0]], sems).wait()
    plsc.subcore_barrier()

    pltpu.sync_copy(acc.at[pl.ds(s * 632, 632)],
                    out_hbm.at[c, pl.ds(s * 632, 632)])



def _xr_body(x_ref, w_ref, o_ref):
    y = jnp.dot(x_ref[...], w_ref[0], preferred_element_type=_f32)
    yb = y.astype(jnp.bfloat16).astype(_f32)
    bits = lax.bitcast_convert_type(yb, jnp.uint32)
    word = (bits[:, :64] >> 16) | (bits[:, 64:] & jnp.uint32(0xFFFF0000))
    o_ref[0] = lax.bitcast_convert_type(word, _i32)


def _per_relation_transform(x, wr):
    return pl.pallas_call(
        _xr_body,
        grid=(R, 5),
        in_specs=[
            pl.BlockSpec((2000, D), lambda r, i: (i, 0)),
            pl.BlockSpec((1, D, D), lambda r, i: (r, 0, 0)),
        ],
        out_specs=pl.BlockSpec((1, 2000, D // 2), lambda r, i: (r, i, 0)),
        out_shape=jax.ShapeDtypeStruct((R, N, D // 2), _i32),
    )(x, wr)


def _combine_body(x_ref, w_ref, a_ref, o_ref, *, relu):
    y = jnp.dot(x_ref[...], w_ref[...], preferred_element_type=_f32)
    y = y + a_ref[0] + a_ref[1]
    o_ref[...] = jnp.maximum(y, 0.0) if relu else y


def _combine(x, w0, acc2, relu):
    return pl.pallas_call(
        functools.partial(_combine_body, relu=relu),
        grid=(5,),
        in_specs=[
            pl.BlockSpec((2000, D), lambda i: (i, 0)),
            pl.BlockSpec((D, D), lambda i: (0, 0)),
            pl.BlockSpec((NC, 2000, D), lambda i: (0, i, 0)),
        ],
        out_specs=pl.BlockSpec((2000, D), lambda i: (i, 0)),
        out_shape=jax.ShapeDtypeStruct((N, D), _f32),
    )(x, w0, acc2)



def _pad_tiles(a, fill):
    pad = jnp.full((E_PAD - E,), fill, a.dtype)
    return jnp.concatenate([a, pad]).reshape(NW, CH, B)


def kernel(inputs, support, edge_type, W1, W01, W2, W02):
    src = support[0]
    dst = support[1]
    key = dst * R + edge_type

    key_pad = _pad_tiles(key, N * R)
    histc = _deg_kernel(key_pad)
    inv = 1.0 / jnp.maximum(histc[0] + histc[1], 1.0)
    w_pad = _weights_kernel(inv, key_pad)

    gidx_pad = _pad_tiles(edge_type * N + src, 0)
    dst_pad = _pad_tiles(dst, N)
    gidx2 = gidx_pad.reshape(TCH, B2)
    dst2 = dst_pad.reshape(TCH, B2)
    w2 = w_pad.reshape(TCH, B2)

    def layer(x, wr, w0, relu):
        xr = _per_relation_transform(x, wr).reshape(R * N, D // 2)
        acc2 = _edge_kernel(xr, gidx2, dst2, w2)
        return _combine(x, w0, acc2, relu)

    h = layer(inputs, W1, W01, True)
    return layer(h, W2, W02, False)

# --- scband reference (transcript-rebuilt; emitter-appended) ---
"""Pipeline reference for scband-rgcnmodel-14164802142949 (READ-ONLY COPY).

The authoritative reference and input builder live on the scoring server;
editing this copy changes nothing except your own understanding.
"""

import jax, jax.numpy as jnp
import numpy as np

N = 10000
E = 320000
D = 128
R = 8
U1 = 128
U2 = 128


def setup_inputs(seed: int = 0) -> dict:
    key = jax.random.key(seed)
    ks = jax.random.split(key, 8)
    inputs = jax.random.normal(ks[0], (N, D), dtype=jnp.float32)
    support = jax.random.randint(ks[1], (2, E), 0, N, dtype=jnp.int32)
    edge_type = jax.random.randint(ks[2], (E,), 0, R, dtype=jnp.int32)
    W1 = jax.random.normal(ks[3], (R, D, U1), dtype=jnp.float32) * 0.05
    W01 = jax.random.normal(ks[4], (D, U1), dtype=jnp.float32) * 0.05
    W2 = jax.random.normal(ks[5], (R, U1, U2), dtype=jnp.float32) * 0.05
    W02 = jax.random.normal(ks[6], (U1, U2), dtype=jnp.float32) * 0.05
    return {"inputs": inputs, "support": support, "edge_type": edge_type,
            "W1": W1, "W01": W01, "W2": W2, "W02": W02}


def _rgc_layer(x, src, dst, edge_type, Wr, W0):
    # Relational graph convolution: h' = X W0 + sum_r norm(A_r) X W_r
    out = x @ W0
    for r in range(R):
        xr = x @ Wr[r]                      # transform per relation [N, U]
        w = (edge_type == r).astype(x.dtype)[:, None]   # relation mask [E, 1]
        m = jnp.take(xr, src, axis=0) * w   # gather messages on relation-r edges
        agg = jax.ops.segment_sum(m, dst, num_segments=N)
        deg = jax.ops.segment_sum(w, dst, num_segments=N)
        out = out + agg / jnp.maximum(deg, 1.0)
    return out


def reference(inputs, support, edge_type, W1, W01, W2, W02):
    src = support[0]
    dst = support[1]
    h = jax.nn.relu(_rgc_layer(inputs, src, dst, edge_type, W1, W01))
    out = _rgc_layer(h, src, dst, edge_type, W2, W02)
    return out

if __name__ == "__main__":
    import jax
    _d = setup_inputs()
    print(jax.jit(kernel)(*tuple(_d.values())))

</pallas_src>

<mosaic_0001>
#map = affine_map<(d0, d1) -> (0, 0, 0)>
#map1 = affine_map<(d0, d1) -> (0, 0)>
module attributes {stable_mosaic.version = 14 : i64} {
  func.func @_deg_kernel(%arg0: i32, %arg1: i32, %arg2: memref<32x80x128xi32, #tpu.memory_space<hbm>>, %arg3: memref<2x81920xf32, #tpu.memory_space<hbm>>, %arg4: memref<80x128xi32, #tpu.memory_space<vmem>>, %arg5: memref<128x16xf32, #tpu.memory_space<vmem>>, %arg6: memref<1280x16xf32, #tpu.memory_space<vmem>>, %arg7: memref<5120xf32, #tpu.memory_space<vmem>>, %arg8: memref<81920x16xf32, #tpu.memory_space<vmem_shared>>) attributes {dimension_semantics = [#tpu.dimension_semantics<core_parallel>, #tpu.dimension_semantics<subcore_parallel>], iteration_bounds = array<i64: 2, 16>, scalar_prefetch = 0 : i64, scratch_operands = 5 : i64, tpu.core_type = #tpu.core_type<sc_vector_subcore>, window_params = [{transform_indices = #map}, {transform_indices = #map1}]} {
    %mul3A = arith.constant 2 : i32
    %mul3A_0 = arith.muli %arg1, %mul3A : i32
    %add3A = arith.addi %mul3A_0, %arg0 : i32
    %scan3A = arith.constant 0 : i32
    %scan3A_1 = arith.constant 0 : i32
    %scan3A_2 = arith.constant 128 : i32
    %scan3A_3 = arith.addi %scan3A_1, %scan3A_2 : i32
    %scan3A_4 = arith.constant 1 : i32
    %scan3A_5 = scf.for %scan3A_85 = %scan3A_1 to %scan3A_3 step %scan3A_4 iter_args(%scan3A_86 = %scan3A) -> (i32)  : i32 {
      %broadcast_in_dim3A_87 = arith.constant 1.000000e+00 : f32
      %broadcast_in_dim3A_88 = vector.broadcast %broadcast_in_dim3A_87 : f32 to vector<16xf32>
      %swap3A = arith.index_cast %scan3A_85 : i32 to index
      %swap3A_89 = arith.constant 0 : index
      %swap3A_90 = tpu.vector_load %arg5[%swap3A, %swap3A_89] {strides = array<i32>} : memref<128x16xf32, #tpu.memory_space<vmem>>, vector<16xf32>,
      tpu.vector_store %arg5[%swap3A, %swap3A_89], %broadcast_in_dim3A_88 {strides = array<i32>} : memref<128x16xf32, #tpu.memory_space<vmem>>, vector<16xf32>,
      %scan3A_91 = arith.constant 0 : i32
      scf.yield %scan3A_91 : i32
    }
    %scan3A_6 = arith.constant 128 : i32
    %scan3A_7 = arith.constant 0 : i32
    %scan3A_8 = arith.constant 0 : i32
    %scan3A_9 = arith.constant 1280 : i32
    %scan3A_10 = arith.addi %scan3A_8, %scan3A_9 : i32
    %scan3A_11 = arith.constant 1 : i32
    %scan3A_12 = scf.for %scan3A_85 = %scan3A_8 to %scan3A_10 step %scan3A_11 iter_args(%scan3A_86 = %scan3A_7) -> (i32)  : i32 {
      %broadcast_in_dim3A_87 = arith.constant 0.000000e+00 : f32
      %broadcast_in_dim3A_88 = vector.broadcast %broadcast_in_dim3A_87 : f32 to vector<16xf32>
      %swap3A = arith.index_cast %scan3A_85 : i32 to index
      %swap3A_89 = arith.constant 0 : index
      %swap3A_90 = tpu.vector_load %arg6[%swap3A, %swap3A_89] {strides = array<i32>} : memref<1280x16xf32, #tpu.memory_space<vmem>>, vector<16xf32>,
      tpu.vector_store %arg6[%swap3A, %swap3A_89], %broadcast_in_dim3A_88 {strides = array<i32>} : memref<1280x16xf32, #tpu.memory_space<vmem>>, vector<16xf32>,
      %scan3A_91 = arith.constant 0 : i32
      scf.yield %scan3A_91 : i32
    }
    %scan3A_13 = arith.constant 1280 : i32
    %mul3A_14 = arith.constant 5120 : i32
    %mul3A_15 = arith.muli %arg1, %mul3A_14 : i32
    %add3A_16 = arith.constant 0 : i32
    %add3A_17 = arith.addi %mul3A_15, %add3A_16 : i32
    "tpu.region"() ({
      %run_scoped3A = tpu.sem_alloc : memref<!tpu.dma_semaphore, #tpu.memory_space<semaphore_mem>>
      %dma_start3A = arith.constant 0 : i32
      %dma_start3A_85 = tpu.memref_slice %arg8[%add3A_17, %dma_start3A] : memref<81920x16xf32, #tpu.memory_space<vmem_shared>> -> memref<1280x16xf32, #tpu.memory_space<vmem_shared>>
      %dma_start3A_86 = arith.constant 0 : i32
      %dma_start3A_87 = tpu.memref_slice %arg8[%add3A_17, %dma_start3A_86] : memref<81920x16xf32, #tpu.memory_space<vmem_shared>> -> memref<1280x16xf32, #tpu.memory_space<vmem_shared>>
      tpu.enqueue_dma source(%arg6 : memref<1280x16xf32, #tpu.memory_space<vmem>>) target(%dma_start3A_87 : memref<1280x16xf32, #tpu.memory_space<vmem_shared>>) target_semaphore(%run_scoped3A : memref<!tpu.dma_semaphore, #tpu.memory_space<semaphore_mem>>)
      %dma_wait3A = arith.constant 0 : i32
      %dma_wait3A_88 = tpu.memref_slice %arg8[%add3A_17, %dma_wait3A] : memref<81920x16xf32, #tpu.memory_space<vmem_shared>> -> memref<1280x16xf32, #tpu.memory_space<vmem_shared>>
      %dma_wait3A_89 = arith.constant 0 : i32
      %dma_wait3A_90 = tpu.memref_slice %arg8[%add3A_17, %dma_wait3A_89] : memref<81920x16xf32, #tpu.memory_space<vmem_shared>> -> memref<1280x16xf32, #tpu.memory_space<vmem_shared>>
      tpu.wait_dma2 semaphore(%run_scoped3A : memref<!tpu.dma_semaphore, #tpu.memory_space<semaphore_mem>>) src(%arg6 : memref<1280x16xf32, #tpu.memory_space<vmem>>) dst(%dma_wait3A_90 : memref<1280x16xf32, #tpu.memory_space<vmem_shared>>)
      tpu.yield
    }) : () -> ()
    %mul3A_18 = arith.constant 5120 : i32
    %mul3A_19 = arith.muli %arg1, %mul3A_18 : i32
    %add3A_20 = arith.constant 1280 : i32
    %add3A_21 = arith.addi %mul3A_19, %add3A_20 : i32
    "tpu.region"() ({
      %run_scoped3A = tpu.sem_alloc : memref<!tpu.dma_semaphore, #tpu.memory_space<semaphore_mem>>
      %dma_start3A = arith.constant 0 : i32
      %dma_start3A_85 = tpu.memref_slice %arg8[%add3A_21, %dma_start3A] : memref<81920x16xf32, #tpu.memory_space<vmem_shared>> -> memref<1280x16xf32, #tpu.memory_space<vmem_shared>>
      %dma_start3A_86 = arith.constant 0 : i32
      %dma_start3A_87 = tpu.memref_slice %arg8[%add3A_21, %dma_start3A_86] : memref<81920x16xf32, #tpu.memory_space<vmem_shared>> -> memref<1280x16xf32, #tpu.memory_space<vmem_shared>>
      tpu.enqueue_dma source(%arg6 : memref<1280x16xf32, #tpu.memory_space<vmem>>) target(%dma_start3A_87 : memref<1280x16xf32, #tpu.memory_space<vmem_shared>>) target_semaphore(%run_scoped3A : memref<!tpu.dma_semaphore, #tpu.memory_space<semaphore_mem>>)
      %dma_wait3A = arith.constant 0 : i32
      %dma_wait3A_88 = tpu.memref_slice %arg8[%add3A_21, %dma_wait3A] : memref<81920x16xf32, #tpu.memory_space<vmem_shared>> -> memref<1280x16xf32, #tpu.memory_space<vmem_shared>>
      %dma_wait3A_89 = arith.constant 0 : i32
      %dma_wait3A_90 = tpu.memref_slice %arg8[%add3A_21, %dma_wait3A_89] : memref<81920x16xf32, #tpu.memory_space<vmem_shared>> -> memref<1280x16xf32, #tpu.memory_space<vmem_shared>>
      tpu.wait_dma2 semaphore(%run_scoped3A : memref<!tpu.dma_semaphore, #tpu.memory_space<semaphore_mem>>) src(%arg6 : memref<1280x16xf32, #tpu.memory_space<vmem>>) dst(%dma_wait3A_90 : memref<1280x16xf32, #tpu.memory_space<vmem_shared>>)
      tpu.yield
    }) : () -> ()
    %mul3A_22 = arith.constant 5120 : i32
    %mul3A_23 = arith.muli %arg1, %mul3A_22 : i32
    %add3A_24 = arith.constant 2560 : i32
    %add3A_25 = arith.addi %mul3A_23, %add3A_24 : i32
    "tpu.region"() ({
      %run_scoped3A = tpu.sem_alloc : memref<!tpu.dma_semaphore, #tpu.memory_space<semaphore_mem>>
      %dma_start3A = arith.constant 0 : i32
      %dma_start3A_85 = tpu.memref_slice %arg8[%add3A_25, %dma_start3A] : memref<81920x16xf32, #tpu.memory_space<vmem_shared>> -> memref<1280x16xf32, #tpu.memory_space<vmem_shared>>
      %dma_start3A_86 = arith.constant 0 : i32
      %dma_start3A_87 = tpu.memref_slice %arg8[%add3A_25, %dma_start3A_86] : memref<81920x16xf32, #tpu.memory_space<vmem_shared>> -> memref<1280x16xf32, #tpu.memory_space<vmem_shared>>
      tpu.enqueue_dma source(%arg6 : memref<1280x16xf32, #tpu.memory_space<vmem>>) target(%dma_start3A_87 : memref<1280x16xf32, #tpu.memory_space<vmem_shared>>) target_semaphore(%run_scoped3A : memref<!tpu.dma_semaphore, #tpu.memory_space<semaphore_mem>>)
      %dma_wait3A = arith.constant 0 : i32
      %dma_wait3A_88 = tpu.memref_slice %arg8[%add3A_25, %dma_wait3A] : memref<81920x16xf32, #tpu.memory_space<vmem_shared>> -> memref<1280x16xf32, #tpu.memory_space<vmem_shared>>
      %dma_wait3A_89 = arith.constant 0 : i32
      %dma_wait3A_90 = tpu.memref_slice %arg8[%add3A_25, %dma_wait3A_89] : memref<81920x16xf32, #tpu.memory_space<vmem_shared>> -> memref<1280x16xf32, #tpu.memory_space<vmem_shared>>
      tpu.wait_dma2 semaphore(%run_scoped3A : memref<!tpu.dma_semaphore, #tpu.memory_space<semaphore_mem>>) src(%arg6 : memref<1280x16xf32, #tpu.memory_space<vmem>>) dst(%dma_wait3A_90 : memref<1280x16xf32, #tpu.memory_space<vmem_shared>>)
      tpu.yield
    }) : () -> ()
    %mul3A_26 = arith.constant 5120 : i32
    %mul3A_27 = arith.muli %arg1, %mul3A_26 : i32
    %add3A_28 = arith.constant 3840 : i32
    %add3A_29 = arith.addi %mul3A_27, %add3A_28 : i32
    "tpu.region"() ({
      %run_scoped3A = tpu.sem_alloc : memref<!tpu.dma_semaphore, #tpu.memory_space<semaphore_mem>>
      %dma_start3A = arith.constant 0 : i32
      %dma_start3A_85 = tpu.memref_slice %arg8[%add3A_29, %dma_start3A] : memref<81920x16xf32, #tpu.memory_space<vmem_shared>> -> memref<1280x16xf32, #tpu.memory_space<vmem_shared>>
      %dma_start3A_86 = arith.constant 0 : i32
      %dma_start3A_87 = tpu.memref_slice %arg8[%add3A_29, %dma_start3A_86] : memref<81920x16xf32, #tpu.memory_space<vmem_shared>> -> memref<1280x16xf32, #tpu.memory_space<vmem_shared>>
      tpu.enqueue_dma source(%arg6 : memref<1280x16xf32, #tpu.memory_space<vmem>>) target(%dma_start3A_87 : memref<1280x16xf32, #tpu.memory_space<vmem_shared>>) target_semaphore(%run_scoped3A : memref<!tpu.dma_semaphore, #tpu.memory_space<semaphore_mem>>)
      %dma_wait3A = arith.constant 0 : i32
      %dma_wait3A_88 = tpu.memref_slice %arg8[%add3A_29, %dma_wait3A] : memref<81920x16xf32, #tpu.memory_space<vmem_shared>> -> memref<1280x16xf32, #tpu.memory_space<vmem_shared>>
      %dma_wait3A_89 = arith.constant 0 : i32
      %dma_wait3A_90 = tpu.memref_slice %arg8[%add3A_29, %dma_wait3A_89] : memref<81920x16xf32, #tpu.memory_space<vmem_shared>> -> memref<1280x16xf32, #tpu.memory_space<vmem_shared>>
      tpu.wait_dma2 semaphore(%run_scoped3A : memref<!tpu.dma_semaphore, #tpu.memory_space<semaphore_mem>>) src(%arg6 : memref<1280x16xf32, #tpu.memory_space<vmem>>) dst(%dma_wait3A_90 : memref<1280x16xf32, #tpu.memory_space<vmem_shared>>)
      tpu.yield
    }) : () -> ()
    %barrier3A = arith.constant 0 : index
    tpu.barrier barrier_id(%barrier3A)
    "tpu.region"() ({
      %run_scoped3A = tpu.sem_alloc : memref<!tpu.dma_semaphore, #tpu.memory_space<semaphore_mem>>
      %dma_start3A = arith.constant 0 : i32
      %dma_start3A_85 = arith.constant 0 : i32
      %dma_start3A_86 = tpu.memref_slice %arg2[%add3A, %dma_start3A, %dma_start3A_85] : memref<32x80x128xi32, #tpu.memory_space<hbm>> -> memref<1x80x128xi32, #tpu.memory_space<hbm>>
      %dma_start3A_87 = tpu.memref_squeeze %dma_start3A_86 : memref<1x80x128xi32, #tpu.memory_space<hbm>> -> memref<80x128xi32, #tpu.memory_space<hbm>>
      %dma_start3A_88 = arith.constant 0 : i32
      %dma_start3A_89 = arith.constant 0 : i32
      %dma_start3A_90 = tpu.memref_slice %arg2[%add3A, %dma_start3A_88, %dma_start3A_89] : memref<32x80x128xi32, #tpu.memory_space<hbm>> -> memref<1x80x128xi32, #tpu.memory_space<hbm>>
      %dma_start3A_91 = tpu.memref_squeeze %dma_start3A_90 : memref<1x80x128xi32, #tpu.memory_space<hbm>> -> memref<80x128xi32, #tpu.memory_space<hbm>>
      tpu.enqueue_dma source(%dma_start3A_91 : memref<80x128xi32, #tpu.memory_space<hbm>>) target(%arg4 : memref<80x128xi32, #tpu.memory_space<vmem>>) target_semaphore(%run_scoped3A : memref<!tpu.dma_semaphore, #tpu.memory_space<semaphore_mem>>)
      %dma_wait3A = arith.constant 0 : i32
      %dma_wait3A_92 = arith.constant 0 : i32
      %dma_wait3A_93 = tpu.memref_slice %arg2[%add3A, %dma_wait3A, %dma_wait3A_92] : memref<32x80x128xi32, #tpu.memory_space<hbm>> -> memref<1x80x128xi32, #tpu.memory_space<hbm>>
      %dma_wait3A_94 = tpu.memref_squeeze %dma_wait3A_93 : memref<1x80x128xi32, #tpu.memory_space<hbm>> -> memref<80x128xi32, #tpu.memory_space<hbm>>
      %dma_wait3A_95 = arith.constant 0 : i32
      %dma_wait3A_96 = arith.constant 0 : i32
      %dma_wait3A_97 = tpu.memref_slice %arg2[%add3A, %dma_wait3A_95, %dma_wait3A_96] : memref<32x80x128xi32, #tpu.memory_space<hbm>> -> memref<1x80x128xi32, #tpu.memory_space<hbm>>
      %dma_wait3A_98 = tpu.memref_squeeze %dma_wait3A_97 : memref<1x80x128xi32, #tpu.memory_space<hbm>> -> memref<80x128xi32, #tpu.memory_space<hbm>>
      tpu.wait_dma2 semaphore(%run_scoped3A : memref<!tpu.dma_semaphore, #tpu.memory_space<semaphore_mem>>) src(%dma_wait3A_98 : memref<80x128xi32, #tpu.memory_space<hbm>>) dst(%arg4 : memref<80x128xi32, #tpu.memory_space<vmem>>)
      tpu.yield
    }) : () -> ()
    %scan3A_30 = arith.constant 0 : i32
    %scan3A_31 = arith.constant 0 : i32
    %scan3A_32 = arith.constant 80 : i32
    %scan3A_33 = arith.addi %scan3A_31, %scan3A_32 : i32
    %scan3A_34 = arith.constant 1 : i32
    %scan3A_35 = scf.for %scan3A_85 = %scan3A_31 to %scan3A_33 step %scan3A_34 iter_args(%scan3A_86 = %scan3A_30) -> (i32)  : i32 {
      "tpu.region"() ({
        %run_scoped3A = tpu.sem_alloc : memref<!tpu.dma_semaphore, #tpu.memory_space<semaphore_mem>>
        %dma_start3A = arith.constant 0 : i32
        %dma_start3A_88 = tpu.memref_slice %arg4[%scan3A_85, %dma_start3A] : memref<80x128xi32, #tpu.memory_space<vmem>> -> memref<1x128xi32, #tpu.memory_space<vmem>>
        %dma_start3A_89 = tpu.memref_squeeze %dma_start3A_88 : memref<1x128xi32, #tpu.memory_space<vmem>> -> memref<128xi32, #tpu.memory_space<vmem>>
        %dma_start3A_90 = arith.constant 0 : i32
        %dma_start3A_91 = arith.constant 0 : i32
        %dma_start3A_92 = tpu.memref_slice %arg8[%dma_start3A_90, %dma_start3A_91] : memref<81920x16xf32, #tpu.memory_space<vmem_shared>> -> memref<81920x16xf32, #tpu.memory_space<vmem_shared>>
        tpu.enqueue_indirect_dma source(%arg5 : memref<128x16xf32, #tpu.memory_space<vmem>>) target(%dma_start3A_92 : memref<81920x16xf32, #tpu.memory_space<vmem_shared>>) offsets(%dma_start3A_89 : memref<128xi32, #tpu.memory_space<vmem>>) semaphore(%run_scoped3A : memref<!tpu.dma_semaphore, #tpu.memory_space<semaphore_mem>>) {add = true}
        %dma_wait3A = arith.constant 0 : i32
        %dma_wait3A_93 = tpu.memref_slice %arg4[%scan3A_85, %dma_wait3A] : memref<80x128xi32, #tpu.memory_space<vmem>> -> memref<1x128xi32, #tpu.memory_space<vmem>>
        %dma_wait3A_94 = tpu.memref_squeeze %dma_wait3A_93 : memref<1x128xi32, #tpu.memory_space<vmem>> -> memref<128xi32, #tpu.memory_space<vmem>>
        %dma_wait3A_95 = arith.constant 0 : i32
        %dma_wait3A_96 = arith.constant 0 : i32
        %dma_wait3A_97 = tpu.memref_slice %arg8[%dma_wait3A_95, %dma_wait3A_96] : memref<81920x16xf32, #tpu.memory_space<vmem_shared>> -> memref<81920x16xf32, #tpu.memory_space<vmem_shared>>
        tpu.wait_indirect_dma semaphore(%run_scoped3A : memref<!tpu.dma_semaphore, #tpu.memory_space<semaphore_mem>>) src(%arg5 : memref<128x16xf32, #tpu.memory_space<vmem>>) dst(%dma_wait3A_97 : memref<81920x16xf32, #tpu.memory_space<vmem_shared>>)
        tpu.yield
      }) : () -> ()
      %scan3A_87 = arith.constant 0 : i32
      scf.yield %scan3A_87 : i32
    }
    %scan3A_36 = arith.constant 80 : i32
    %barrier3A_37 = arith.constant 0 : index
    tpu.barrier barrier_id(%barrier3A_37)
    %iota3A = tpu.iota {dimensions = array<i32: 0>} : vector<16xi32>
    %broadcast_in_dim3A = arith.constant 0 : i32
    %broadcast_in_dim3A_38 = vector.broadcast %broadcast_in_dim3A : i32 to vector<16xi32>
    %mul3A_39 = arith.constant 5120 : i32
    %mul3A_40 = arith.muli %arg1, %mul3A_39 : i32
    %add3A_41 = arith.constant 0 : i32
    %add3A_42 = arith.addi %mul3A_40, %add3A_41 : i32
    "tpu.region"() ({
      %run_scoped3A = tpu.sem_alloc : memref<!tpu.dma_semaphore, #tpu.memory_space<semaphore_mem>>
      %dma_start3A = arith.constant 0 : i32
      %dma_start3A_85 = tpu.memref_slice %arg8[%add3A_42, %dma_start3A] : memref<81920x16xf32, #tpu.memory_space<vmem_shared>> -> memref<1280x16xf32, #tpu.memory_space<vmem_shared>>
      %dma_start3A_86 = arith.constant 0 : i32
      %dma_start3A_87 = tpu.memref_slice %arg8[%add3A_42, %dma_start3A_86] : memref<81920x16xf32, #tpu.memory_space<vmem_shared>> -> memref<1280x16xf32, #tpu.memory_space<vmem_shared>>
      tpu.enqueue_dma source(%dma_start3A_87 : memref<1280x16xf32, #tpu.memory_space<vmem_shared>>) target(%arg6 : memref<1280x16xf32, #tpu.memory_space<vmem>>) target_semaphore(%run_scoped3A : memref<!tpu.dma_semaphore, #tpu.memory_space<semaphore_mem>>)
      %dma_wait3A = arith.constant 0 : i32
      %dma_wait3A_88 = tpu.memref_slice %arg8[%add3A_42, %dma_wait3A] : memref<81920x16xf32, #tpu.memory_space<vmem_shared>> -> memref<1280x16xf32, #tpu.memory_space<vmem_shared>>
      %dma_wait3A_89 = arith.constant 0 : i32
      %dma_wait3A_90 = tpu.memref_slice %arg8[%add3A_42, %dma_wait3A_89] : memref<81920x16xf32, #tpu.memory_space<vmem_shared>> -> memref<1280x16xf32, #tpu.memory_space<vmem_shared>>
      tpu.wait_dma2 semaphore(%run_scoped3A : memref<!tpu.dma_semaphore, #tpu.memory_space<semaphore_mem>>) src(%dma_wait3A_90 : memref<1280x16xf32, #tpu.memory_space<vmem_shared>>) dst(%arg6 : memref<1280x16xf32, #tpu.memory_space<vmem>>)
      tpu.yield
    }) : () -> ()
    %scan3A_43 = arith.constant 0 : i32
    %scan3A_44 = arith.constant 0 : i32
    %scan3A_45 = arith.constant 80 : i32
    %scan3A_46 = arith.addi %scan3A_44, %scan3A_45 : i32
    %scan3A_47 = arith.constant 1 : i32
    %scan3A_48 = scf.for %scan3A_85 = %scan3A_44 to %scan3A_46 step %scan3A_47 iter_args(%scan3A_86 = %scan3A_43) -> (i32)  : i32 {
      %mul3A_87 = arith.constant 16 : i32
      %mul3A_88 = arith.muli %scan3A_85, %mul3A_87 : i32
      %add3A_89 = vector.broadcast %mul3A_88 : i32 to vector<16xi32>
      %add3A_90 = arith.addi %add3A_89, %iota3A : vector<16xi32>
      %gather3A = tpu.vector_load_idx %arg6[%add3A_90, %broadcast_in_dim3A_38] : memref<1280x16xf32, #tpu.memory_space<vmem>>[vector<16xi32>, vector<16xi32>], vector<16xf32>,
      %mul3A_91 = arith.constant 16 : i32
      %mul3A_92 = arith.muli %scan3A_85, %mul3A_91 : i32
      %add3A_93 = arith.constant 0 : i32
      %add3A_94 = arith.addi %add3A_93, %mul3A_92 : i32
      %swap3A = arith.index_cast %add3A_94 : i32 to index
      %swap3A_95 = tpu.vector_load %arg7[%swap3A] {strides = array<i32>} : memref<5120xf32, #tpu.memory_space<vmem>>, vector<16xf32>,
      tpu.vector_store %arg7[%swap3A], %gather3A {strides = array<i32>} : memref<5120xf32, #tpu.memory_space<vmem>>, vector<16xf32>,
      %scan3A_96 = arith.constant 0 : i32
      scf.yield %scan3A_96 : i32
    }
    %scan3A_49 = arith.constant 80 : i32
    %mul3A_50 = arith.constant 5120 : i32
    %mul3A_51 = arith.muli %arg1, %mul3A_50 : i32
    %add3A_52 = arith.constant 1280 : i32
    %add3A_53 = arith.addi %mul3A_51, %add3A_52 : i32
    "tpu.region"() ({
      %run_scoped3A = tpu.sem_alloc : memref<!tpu.dma_semaphore, #tpu.memory_space<semaphore_mem>>
      %dma_start3A = arith.constant 0 : i32
      %dma_start3A_85 = tpu.memref_slice %arg8[%add3A_53, %dma_start3A] : memref<81920x16xf32, #tpu.memory_space<vmem_shared>> -> memref<1280x16xf32, #tpu.memory_space<vmem_shared>>
      %dma_start3A_86 = arith.constant 0 : i32
      %dma_start3A_87 = tpu.memref_slice %arg8[%add3A_53, %dma_start3A_86] : memref<81920x16xf32, #tpu.memory_space<vmem_shared>> -> memref<1280x16xf32, #tpu.memory_space<vmem_shared>>
      tpu.enqueue_dma source(%dma_start3A_87 : memref<1280x16xf32, #tpu.memory_space<vmem_shared>>) target(%arg6 : memref<1280x16xf32, #tpu.memory_space<vmem>>) target_semaphore(%run_scoped3A : memref<!tpu.dma_semaphore, #tpu.memory_space<semaphore_mem>>)
      %dma_wait3A = arith.constant 0 : i32
      %dma_wait3A_88 = tpu.memref_slice %arg8[%add3A_53, %dma_wait3A] : memref<81920x16xf32, #tpu.memory_space<vmem_shared>> -> memref<1280x16xf32, #tpu.memory_space<vmem_shared>>
      %dma_wait3A_89 = arith.constant 0 : i32
      %dma_wait3A_90 = tpu.memref_slice %arg8[%add3A_53, %dma_wait3A_89] : memref<81920x16xf32, #tpu.memory_space<vmem_shared>> -> memref<1280x16xf32, #tpu.memory_space<vmem_shared>>
      tpu.wait_dma2 semaphore(%run_scoped3A : memref<!tpu.dma_semaphore, #tpu.memory_space<semaphore_mem>>) src(%dma_wait3A_90 : memref<1280x16xf32, #tpu.memory_space<vmem_shared>>) dst(%arg6 : memref<1280x16xf32, #tpu.memory_space<vmem>>)
      tpu.yield
    }) : () -> ()
    %scan3A_54 = arith.constant 0 : i32
    %scan3A_55 = arith.constant 0 : i32
    %scan3A_56 = arith.constant 80 : i32
    %scan3A_57 = arith.addi %scan3A_55, %scan3A_56 : i32
    %scan3A_58 = arith.constant 1 : i32
    %scan3A_59 = scf.for %scan3A_85 = %scan3A_55 to %scan3A_57 step %scan3A_58 iter_args(%scan3A_86 = %scan3A_54) -> (i32)  : i32 {
      %mul3A_87 = arith.constant 16 : i32
      %mul3A_88 = arith.muli %scan3A_85, %mul3A_87 : i32
      %add3A_89 = vector.broadcast %mul3A_88 : i32 to vector<16xi32>
      %add3A_90 = arith.addi %add3A_89, %iota3A : vector<16xi32>
      %gather3A = tpu.vector_load_idx %arg6[%add3A_90, %broadcast_in_dim3A_38] : memref<1280x16xf32, #tpu.memory_space<vmem>>[vector<16xi32>, vector<16xi32>], vector<16xf32>,
      %mul3A_91 = arith.constant 16 : i32
      %mul3A_92 = arith.muli %scan3A_85, %mul3A_91 : i32
      %add3A_93 = arith.constant 1280 : i32
      %add3A_94 = arith.addi %add3A_93, %mul3A_92 : i32
      %swap3A = arith.index_cast %add3A_94 : i32 to index
      %swap3A_95 = tpu.vector_load %arg7[%swap3A] {strides = array<i32>} : memref<5120xf32, #tpu.memory_space<vmem>>, vector<16xf32>,
      tpu.vector_store %arg7[%swap3A], %gather3A {strides = array<i32>} : memref<5120xf32, #tpu.memory_space<vmem>>, vector<16xf32>,
      %scan3A_96 = arith.constant 0 : i32
      scf.yield %scan3A_96 : i32
    }
    %scan3A_60 = arith.constant 80 : i32
    %mul3A_61 = arith.constant 5120 : i32
    %mul3A_62 = arith.muli %arg1, %mul3A_61 : i32
    %add3A_63 = arith.constant 2560 : i32
    %add3A_64 = arith.addi %mul3A_62, %add3A_63 : i32
    "tpu.region"() ({
      %run_scoped3A = tpu.sem_alloc : memref<!tpu.dma_semaphore, #tpu.memory_space<semaphore_mem>>
      %dma_start3A = arith.constant 0 : i32
      %dma_start3A_85 = tpu.memref_slice %arg8[%add3A_64, %dma_start3A] : memref<81920x16xf32, #tpu.memory_space<vmem_shared>> -> memref<1280x16xf32, #tpu.memory_space<vmem_shared>>
      %dma_start3A_86 = arith.constant 0 : i32
      %dma_start3A_87 = tpu.memref_slice %arg8[%add3A_64, %dma_start3A_86] : memref<81920x16xf32, #tpu.memory_space<vmem_shared>> -> memref<1280x16xf32, #tpu.memory_space<vmem_shared>>
      tpu.enqueue_dma source(%dma_start3A_87 : memref<1280x16xf32, #tpu.memory_space<vmem_shared>>) target(%arg6 : memref<1280x16xf32, #tpu.memory_space<vmem>>) target_semaphore(%run_scoped3A : memref<!tpu.dma_semaphore, #tpu.memory_space<semaphore_mem>>)
      %dma_wait3A = arith.constant 0 : i32
      %dma_wait3A_88 = tpu.memref_slice %arg8[%add3A_64, %dma_wait3A] : memref<81920x16xf32, #tpu.memory_space<vmem_shared>> -> memref<1280x16xf32, #tpu.memory_space<vmem_shared>>
      %dma_wait3A_89 = arith.constant 0 : i32
      %dma_wait3A_90 = tpu.memref_slice %arg8[%add3A_64, %dma_wait3A_89] : memref<81920x16xf32, #tpu.memory_space<vmem_shared>> -> memref<1280x16xf32, #tpu.memory_space<vmem_shared>>
      tpu.wait_dma2 semaphore(%run_scoped3A : memref<!tpu.dma_semaphore, #tpu.memory_space<semaphore_mem>>) src(%dma_wait3A_90 : memref<1280x16xf32, #tpu.memory_space<vmem_shared>>) dst(%arg6 : memref<1280x16xf32, #tpu.memory_space<vmem>>)
      tpu.yield
    }) : () -> ()
    %scan3A_65 = arith.constant 0 : i32
    %scan3A_66 = arith.constant 0 : i32
    %scan3A_67 = arith.constant 80 : i32
    %scan3A_68 = arith.addi %scan3A_66, %scan3A_67 : i32
    %scan3A_69 = arith.constant 1 : i32
    %scan3A_70 = scf.for %scan3A_85 = %scan3A_66 to %scan3A_68 step %scan3A_69 iter_args(%scan3A_86 = %scan3A_65) -> (i32)  : i32 {
      %mul3A_87 = arith.constant 16 : i32
      %mul3A_88 = arith.muli %scan3A_85, %mul3A_87 : i32
      %add3A_89 = vector.broadcast %mul3A_88 : i32 to vector<16xi32>
      %add3A_90 = arith.addi %add3A_89, %iota3A : vector<16xi32>
      %gather3A = tpu.vector_load_idx %arg6[%add3A_90, %broadcast_in_dim3A_38] : memref<1280x16xf32, #tpu.memory_space<vmem>>[vector<16xi32>, vector<16xi32>], vector<16xf32>,
      %mul3A_91 = arith.constant 16 : i32
      %mul3A_92 = arith.muli %scan3A_85, %mul3A_91 : i32
      %add3A_93 = arith.constant 2560 : i32
      %add3A_94 = arith.addi %add3A_93, %mul3A_92 : i32
      %swap3A = arith.index_cast %add3A_94 : i32 to index
      %swap3A_95 = tpu.vector_load %arg7[%swap3A] {strides = array<i32>} : memref<5120xf32, #tpu.memory_space<vmem>>, vector<16xf32>,
      tpu.vector_store %arg7[%swap3A], %gather3A {strides = array<i32>} : memref<5120xf32, #tpu.memory_space<vmem>>, vector<16xf32>,
      %scan3A_96 = arith.constant 0 : i32
      scf.yield %scan3A_96 : i32
    }
    %scan3A_71 = arith.constant 80 : i32
    %mul3A_72 = arith.constant 5120 : i32
    %mul3A_73 = arith.muli %arg1, %mul3A_72 : i32
    %add3A_74 = arith.constant 3840 : i32
    %add3A_75 = arith.addi %mul3A_73, %add3A_74 : i32
    "tpu.region"() ({
      %run_scoped3A = tpu.sem_alloc : memref<!tpu.dma_semaphore, #tpu.memory_space<semaphore_mem>>
      %dma_start3A = arith.constant 0 : i32
      %dma_start3A_85 = tpu.memref_slice %arg8[%add3A_75, %dma_start3A] : memref<81920x16xf32, #tpu.memory_space<vmem_shared>> -> memref<1280x16xf32, #tpu.memory_space<vmem_shared>>
      %dma_start3A_86 = arith.constant 0 : i32
      %dma_start3A_87 = tpu.memref_slice %arg8[%add3A_75, %dma_start3A_86] : memref<81920x16xf32, #tpu.memory_space<vmem_shared>> -> memref<1280x16xf32, #tpu.memory_space<vmem_shared>>
      tpu.enqueue_dma source(%dma_start3A_87 : memref<1280x16xf32, #tpu.memory_space<vmem_shared>>) target(%arg6 : memref<1280x16xf32, #tpu.memory_space<vmem>>) target_semaphore(%run_scoped3A : memref<!tpu.dma_semaphore, #tpu.memory_space<semaphore_mem>>)
      %dma_wait3A = arith.constant 0 : i32
      %dma_wait3A_88 = tpu.memref_slice %arg8[%add3A_75, %dma_wait3A] : memref<81920x16xf32, #tpu.memory_space<vmem_shared>> -> memref<1280x16xf32, #tpu.memory_space<vmem_shared>>
      %dma_wait3A_89 = arith.constant 0 : i32
      %dma_wait3A_90 = tpu.memref_slice %arg8[%add3A_75, %dma_wait3A_89] : memref<81920x16xf32, #tpu.memory_space<vmem_shared>> -> memref<1280x16xf32, #tpu.memory_space<vmem_shared>>
      tpu.wait_dma2 semaphore(%run_scoped3A : memref<!tpu.dma_semaphore, #tpu.memory_space<semaphore_mem>>) src(%dma_wait3A_90 : memref<1280x16xf32, #tpu.memory_space<vmem_shared>>) dst(%arg6 : memref<1280x16xf32, #tpu.memory_space<vmem>>)
      tpu.yield
    }) : () -> ()
    %scan3A_76 = arith.constant 0 : i32
    %scan3A_77 = arith.constant 0 : i32
    %scan3A_78 = arith.constant 80 : i32
    %scan3A_79 = arith.addi %scan3A_77, %scan3A_78 : i32
    %scan3A_80 = arith.constant 1 : i32
    %scan3A_81 = scf.for %scan3A_85 = %scan3A_77 to %scan3A_79 step %scan3A_80 iter_args(%scan3A_86 = %scan3A_76) -> (i32)  : i32 {
      %mul3A_87 = arith.constant 16 : i32
      %mul3A_88 = arith.muli %scan3A_85, %mul3A_87 : i32
      %add3A_89 = vector.broadcast %mul3A_88 : i32 to vector<16xi32>
      %add3A_90 = arith.addi %add3A_89, %iota3A : vector<16xi32>
      %gather3A = tpu.vector_load_idx %arg6[%add3A_90, %broadcast_in_dim3A_38] : memref<1280x16xf32, #tpu.memory_space<vmem>>[vector<16xi32>, vector<16xi32>], vector<16xf32>,
      %mul3A_91 = arith.constant 16 : i32
      %mul3A_92 = arith.muli %scan3A_85, %mul3A_91 : i32
      %add3A_93 = arith.constant 3840 : i32
      %add3A_94 = arith.addi %add3A_93, %mul3A_92 : i32
      %swap3A = arith.index_cast %add3A_94 : i32 to index
      %swap3A_95 = tpu.vector_load %arg7[%swap3A] {strides = array<i32>} : memref<5120xf32, #tpu.memory_space<vmem>>, vector<16xf32>,
      tpu.vector_store %arg7[%swap3A], %gather3A {strides = array<i32>} : memref<5120xf32, #tpu.memory_space<vmem>>, vector<16xf32>,
      %scan3A_96 = arith.constant 0 : i32
      scf.yield %scan3A_96 : i32
    }
    %scan3A_82 = arith.constant 80 : i32
    %mul3A_83 = arith.constant 5120 : i32
    %mul3A_84 = arith.muli %arg1, %mul3A_83 : i32
    "tpu.region"() ({
      %run_scoped3A = tpu.sem_alloc : memref<!tpu.dma_semaphore, #tpu.memory_space<semaphore_mem>>
      %dma_start3A = tpu.memref_slice %arg3[%arg0, %mul3A_84] : memref<2x81920xf32, #tpu.memory_space<hbm>> -> memref<1x5120xf32, #tpu.memory_space<hbm>>
      %dma_start3A_85 = tpu.memref_squeeze %dma_start3A : memref<1x5120xf32, #tpu.memory_space<hbm>> -> memref<5120xf32, #tpu.memory_space<hbm>>
      %dma_start3A_86 = tpu.memref_slice %arg3[%arg0, %mul3A_84] : memref<2x81920xf32, #tpu.memory_space<hbm>> -> memref<1x5120xf32, #tpu.memory_space<hbm>>
      %dma_start3A_87 = tpu.memref_squeeze %dma_start3A_86 : memref<1x5120xf32, #tpu.memory_space<hbm>> -> memref<5120xf32, #tpu.memory_space<hbm>>
      tpu.enqueue_dma source(%arg7 : memref<5120xf32, #tpu.memory_space<vmem>>) target(%dma_start3A_87 : memref<5120xf32, #tpu.memory_space<hbm>>) target_semaphore(%run_scoped3A : memref<!tpu.dma_semaphore, #tpu.memory_space<semaphore_mem>>)
      %dma_wait3A = tpu.memref_slice %arg3[%arg0, %mul3A_84] : memref<2x81920xf32, #tpu.memory_space<hbm>> -> memref<1x5120xf32, #tpu.memory_space<hbm>>
      %dma_wait3A_88 = tpu.memref_squeeze %dma_wait3A : memref<1x5120xf32, #tpu.memory_space<hbm>> -> memref<5120xf32, #tpu.memory_space<hbm>>
      %dma_wait3A_89 = tpu.memref_slice %arg3[%arg0, %mul3A_84] : memref<2x81920xf32, #tpu.memory_space<hbm>> -> memref<1x5120xf32, #tpu.memory_space<hbm>>
      %dma_wait3A_90 = tpu.memref_squeeze %dma_wait3A_89 : memref<1x5120xf32, #tpu.memory_space<hbm>> -> memref<5120xf32, #tpu.memory_space<hbm>>
      tpu.wait_dma2 semaphore(%run_scoped3A : memref<!tpu.dma_semaphore, #tpu.memory_space<semaphore_mem>>) src(%arg7 : memref<5120xf32, #tpu.memory_space<vmem>>) dst(%dma_wait3A_90 : memref<5120xf32, #tpu.memory_space<hbm>>)
      tpu.yield
    }) : () -> ()
    return
  }
}

#map = affine_map<(d0, d1) -> (0)>
#map1 = affine_map<(d0, d1) -> (0, 0, 0)>
module attributes {stable_mosaic.version = 14 : i64} {
  func.func @_weights_kernel(%arg0: i32, %arg1: i32, %arg2: memref<81920xf32, #tpu.memory_space<hbm>>, %arg3: memref<32x80x128xi32, #tpu.memory_space<hbm>>, %arg4: memref<32x80x128xf32, #tpu.memory_space<hbm>>, %arg5: memref<81920xf32, #tpu.memory_space<vmem>>, %arg6: memref<80x128xi32, #tpu.memory_space<vmem>>, %arg7: memref<80x128xf32, #tpu.memory_space<vmem>>) attributes {dimension_semantics = [#tpu.dimension_semantics<core_parallel>, #tpu.dimension_semantics<subcore_parallel>], iteration_bounds = array<i64: 2, 16>, scalar_prefetch = 0 : i64, scratch_operands = 3 : i64, tpu.core_type = #tpu.core_type<sc_vector_subcore>, window_params = [{transform_indices = #map}, {transform_indices = #map1}, {transform_indices = #map1}]} {
    %mul3A = arith.constant 2 : i32
    %mul3A_0 = arith.muli %arg1, %mul3A : i32
    %add3A = arith.addi %mul3A_0, %arg0 : i32
    "tpu.region"() ({
      %run_scoped3A = tpu.sem_alloc : memref<!tpu.dma_semaphore, #tpu.memory_space<semaphore_mem>>
      tpu.enqueue_dma source(%arg2 : memref<81920xf32, #tpu.memory_space<hbm>>) target(%arg5 : memref<81920xf32, #tpu.memory_space<vmem>>) target_semaphore(%run_scoped3A : memref<!tpu.dma_semaphore, #tpu.memory_space<semaphore_mem>>)
      tpu.wait_dma2 semaphore(%run_scoped3A : memref<!tpu.dma_semaphore, #tpu.memory_space<semaphore_mem>>) src(%arg2 : memref<81920xf32, #tpu.memory_space<hbm>>) dst(%arg5 : memref<81920xf32, #tpu.memory_space<vmem>>)
      tpu.yield
    }) : () -> ()
    "tpu.region"() ({
      %run_scoped3A = tpu.sem_alloc : memref<!tpu.dma_semaphore, #tpu.memory_space<semaphore_mem>>
      %dma_start3A = arith.constant 0 : i32
      %dma_start3A_7 = arith.constant 0 : i32
      %dma_start3A_8 = tpu.memref_slice %arg3[%add3A, %dma_start3A, %dma_start3A_7] : memref<32x80x128xi32, #tpu.memory_space<hbm>> -> memref<1x80x128xi32, #tpu.memory_space<hbm>>
      %dma_start3A_9 = tpu.memref_squeeze %dma_start3A_8 : memref<1x80x128xi32, #tpu.memory_space<hbm>> -> memref<80x128xi32, #tpu.memory_space<hbm>>
      %dma_start3A_10 = arith.constant 0 : i32
      %dma_start3A_11 = arith.constant 0 : i32
      %dma_start3A_12 = tpu.memref_slice %arg3[%add3A, %dma_start3A_10, %dma_start3A_11] : memref<32x80x128xi32, #tpu.memory_space<hbm>> -> memref<1x80x128xi32, #tpu.memory_space<hbm>>
      %dma_start3A_13 = tpu.memref_squeeze %dma_start3A_12 : memref<1x80x128xi32, #tpu.memory_space<hbm>> -> memref<80x128xi32, #tpu.memory_space<hbm>>
      tpu.enqueue_dma source(%dma_start3A_13 : memref<80x128xi32, #tpu.memory_space<hbm>>) target(%arg6 : memref<80x128xi32, #tpu.memory_space<vmem>>) target_semaphore(%run_scoped3A : memref<!tpu.dma_semaphore, #tpu.memory_space<semaphore_mem>>)
      %dma_wait3A = arith.constant 0 : i32
      %dma_wait3A_14 = arith.constant 0 : i32
      %dma_wait3A_15 = tpu.memref_slice %arg3[%add3A, %dma_wait3A, %dma_wait3A_14] : memref<32x80x128xi32, #tpu.memory_space<hbm>> -> memref<1x80x128xi32, #tpu.memory_space<hbm>>
      %dma_wait3A_16 = tpu.memref_squeeze %dma_wait3A_15 : memref<1x80x128xi32, #tpu.memory_space<hbm>> -> memref<80x128xi32, #tpu.memory_space<hbm>>
      %dma_wait3A_17 = arith.constant 0 : i32
      %dma_wait3A_18 = arith.constant 0 : i32
      %dma_wait3A_19 = tpu.memref_slice %arg3[%add3A, %dma_wait3A_17, %dma_wait3A_18] : memref<32x80x128xi32, #tpu.memory_space<hbm>> -> memref<1x80x128xi32, #tpu.memory_space<hbm>>
      %dma_wait3A_20 = tpu.memref_squeeze %dma_wait3A_19 : memref<1x80x128xi32, #tpu.memory_space<hbm>> -> memref<80x128xi32, #tpu.memory_space<hbm>>
      tpu.wait_dma2 semaphore(%run_scoped3A : memref<!tpu.dma_semaphore, #tpu.memory_space<semaphore_mem>>) src(%dma_wait3A_20 : memref<80x128xi32, #tpu.memory_space<hbm>>) dst(%arg6 : memref<80x128xi32, #tpu.memory_space<vmem>>)
      tpu.yield
    }) : () -> ()
    %scan3A = arith.constant 0 : i32
    %scan3A_1 = arith.constant 0 : i32
    %scan3A_2 = arith.constant 640 : i32
    %scan3A_3 = arith.addi %scan3A_1, %scan3A_2 : i32
    %scan3A_4 = arith.constant 1 : i32
    %scan3A_5 = scf.for %scan3A_7 = %scan3A_1 to %scan3A_3 step %scan3A_4 iter_args(%scan3A_8 = %scan3A) -> (i32)  : i32 {
      %jit3A = arith.constant 8 : i32
      %div3A = arith.divsi %scan3A_7, %jit3A : i32
      %sign3A = arith.constant 0 : i32
      %sign3A_9 = arith.cmpi sgt, %scan3A_7, %sign3A : i32
      %sign3A_10 = arith.extui %sign3A_9 : i1 to i32
      %sign3A_11 = arith.constant 0 : i32
      %sign3A_12 = arith.cmpi slt, %scan3A_7, %sign3A_11 : i32
      %sign3A_13 = arith.extui %sign3A_12 : i1 to i32
      %sign3A_14 = arith.subi %sign3A_10, %sign3A_13 : i32
      %sign3A_15 = arith.constant 0 : i32
      %sign3A_16 = arith.cmpi sgt, %jit3A, %sign3A_15 : i32
      %sign3A_17 = arith.extui %sign3A_16 : i1 to i32
      %sign3A_18 = arith.constant 0 : i32
      %sign3A_19 = arith.cmpi slt, %jit3A, %sign3A_18 : i32
      %sign3A_20 = arith.extui %sign3A_19 : i1 to i32
      %sign3A_21 = arith.subi %sign3A_17, %sign3A_20 : i32
      %ne3A = arith.cmpi ne, %sign3A_14, %sign3A_21 : i32
      %rem3A = arith.remsi %scan3A_7, %jit3A : i32
      %ne3A_22 = arith.constant 0 : i32
      %ne3A_23 = arith.cmpi ne, %rem3A, %ne3A_22 : i32
      %and3A = arith.andi %ne3A, %ne3A_23 : i1
      %sub3A = arith.constant 1 : i32
      %sub3A_24 = arith.subi %div3A, %sub3A : i32
      %select_n3A = arith.select %and3A, %sub3A_24, %div3A : i32
      %jit3A_25 = arith.constant 8 : i32
      %eq3A = arith.constant 0 : i32
      %eq3A_26 = arith.cmpi eq, %jit3A_25, %eq3A : i32
      %jit3A_27 = arith.constant 1 : i32
      %select_n3A_28 = arith.select %eq3A_26, %jit3A_27, %jit3A_25 : i32
      %rem3A_29 = arith.remsi %scan3A_7, %select_n3A_28 : i32
      %ne3A_30 = arith.constant 0 : i32
      %ne3A_31 = arith.cmpi ne, %rem3A_29, %ne3A_30 : i32
      %lt3A = arith.constant 0 : i32
      %lt3A_32 = arith.cmpi slt, %rem3A_29, %lt3A : i32
      %lt3A_33 = arith.constant 0 : i32
      %lt3A_34 = arith.cmpi slt, %select_n3A_28, %lt3A_33 : i32
      %ne3A_35 = arith.xori %lt3A_32, %lt3A_34 : i1
      %and3A_36 = arith.andi %ne3A_35, %ne3A_31 : i1
      %add3A_37 = arith.addi %rem3A_29, %select_n3A_28 : i32
      %select_n3A_38 = arith.select %and3A_36, %add3A_37, %rem3A_29 : i32
      %mul3A_39 = arith.constant 16 : i32
      %mul3A_40 = arith.muli %select_n3A_38, %mul3A_39 : i32
      %get3A = arith.index_cast %select_n3A : i32 to index
      %get3A_41 = arith.index_cast %mul3A_40 : i32 to index
      %get3A_42 = tpu.vector_load %arg6[%get3A, %get3A_41] {strides = array<i32>} : memref<80x128xi32, #tpu.memory_space<vmem>>, vector<16xi32>,
      %gather3A = tpu.vector_load_idx %arg5[%get3A_42] : memref<81920xf32, #tpu.memory_space<vmem>>[vector<16xi32>], vector<16xf32>,
      %mul3A_43 = arith.constant 16 : i32
      %mul3A_44 = arith.muli %select_n3A_38, %mul3A_43 : i32
      %swap3A = arith.index_cast %select_n3A : i32 to index
      %swap3A_45 = arith.index_cast %mul3A_44 : i32 to index
      %swap3A_46 = tpu.vector_load %arg7[%swap3A, %swap3A_45] {strides = array<i32>} : memref<80x128xf32, #tpu.memory_space<vmem>>, vector<16xf32>,
      tpu.vector_store %arg7[%swap3A, %swap3A_45], %gather3A {strides = array<i32>} : memref<80x128xf32, #tpu.memory_space<vmem>>, vector<16xf32>,
      %scan3A_47 = arith.constant 0 : i32
      scf.yield %scan3A_47 : i32
    }
    %scan3A_6 = arith.constant 640 : i32
    "tpu.region"() ({
      %run_scoped3A = tpu.sem_alloc : memref<!tpu.dma_semaphore, #tpu.memory_space<semaphore_mem>>
      %dma_start3A = arith.constant 0 : i32
      %dma_start3A_7 = arith.constant 0 : i32
      %dma_start3A_8 = tpu.memref_slice %arg4[%add3A, %dma_start3A, %dma_start3A_7] : memref<32x80x128xf32, #tpu.memory_space<hbm>> -> memref<1x80x128xf32, #tpu.memory_space<hbm>>
      %dma_start3A_9 = tpu.memref_squeeze %dma_start3A_8 : memref<1x80x128xf32, #tpu.memory_space<hbm>> -> memref<80x128xf32, #tpu.memory_space<hbm>>
      %dma_start3A_10 = arith.constant 0 : i32
      %dma_start3A_11 = arith.constant 0 : i32
      %dma_start3A_12 = tpu.memref_slice %arg4[%add3A, %dma_start3A_10, %dma_start3A_11] : memref<32x80x128xf32, #tpu.memory_space<hbm>> -> memref<1x80x128xf32, #tpu.memory_space<hbm>>
      %dma_start3A_13 = tpu.memref_squeeze %dma_start3A_12 : memref<1x80x128xf32, #tpu.memory_space<hbm>> -> memref<80x128xf32, #tpu.memory_space<hbm>>
      tpu.enqueue_dma source(%arg7 : memref<80x128xf32, #tpu.memory_space<vmem>>) target(%dma_start3A_13 : memref<80x128xf32, #tpu.memory_space<hbm>>) target_semaphore(%run_scoped3A : memref<!tpu.dma_semaphore, #tpu.memory_space<semaphore_mem>>)
      %dma_wait3A = arith.constant 0 : i32
      %dma_wait3A_14 = arith.constant 0 : i32
      %dma_wait3A_15 = tpu.memref_slice %arg4[%add3A, %dma_wait3A, %dma_wait3A_14] : memref<32x80x128xf32, #tpu.memory_space<hbm>> -> memref<1x80x128xf32, #tpu.memory_space<hbm>>
      %dma_wait3A_16 = tpu.memref_squeeze %dma_wait3A_15 : memref<1x80x128xf32, #tpu.memory_space<hbm>> -> memref<80x128xf32, #tpu.memory_space<hbm>>
      %dma_wait3A_17 = arith.constant 0 : i32
      %dma_wait3A_18 = arith.constant 0 : i32
      %dma_wait3A_19 = tpu.memref_slice %arg4[%add3A, %dma_wait3A_17, %dma_wait3A_18] : memref<32x80x128xf32, #tpu.memory_space<hbm>> -> memref<1x80x128xf32, #tpu.memory_space<hbm>>
      %dma_wait3A_20 = tpu.memref_squeeze %dma_wait3A_19 : memref<1x80x128xf32, #tpu.memory_space<hbm>> -> memref<80x128xf32, #tpu.memory_space<hbm>>
      tpu.wait_dma2 semaphore(%run_scoped3A : memref<!tpu.dma_semaphore, #tpu.memory_space<semaphore_mem>>) src(%arg7 : memref<80x128xf32, #tpu.memory_space<vmem>>) dst(%dma_wait3A_20 : memref<80x128xf32, #tpu.memory_space<hbm>>)
      tpu.yield
    }) : () -> ()
    return
  }
}

#map = affine_map<(d0, d1) -> (0, 0)>
#map1 = affine_map<(d0, d1) -> (0, 0, 0)>
module attributes {stable_mosaic.version = 14 : i64} {
  func.func @_edge_kernel(%arg0: i32, %arg1: i32, %arg2: memref<80000x64xi32, #tpu.memory_space<hbm>>, %arg3: memref<5120x64xi32, #tpu.memory_space<hbm>>, %arg4: memref<5120x64xi32, #tpu.memory_space<hbm>>, %arg5: memref<5120x64xf32, #tpu.memory_space<hbm>>, %arg6: memref<2x10112x128xf32, #tpu.memory_space<hbm>>, %arg7: memref<2x8x64xi32, #tpu.memory_space<vmem>>, %arg8: memref<8x64xi32, #tpu.memory_space<vmem>>, %arg9: memref<8x64xf32, #tpu.memory_space<vmem>>, %arg10: memref<2x64x64xi32, #tpu.memory_space<vmem>>, %arg11: memref<2x64x128xf32, #tpu.memory_space<vmem>>, %arg12: memref<10112x128xf32, #tpu.memory_space<vmem_shared>>, %arg13: memref<!tpu.dma_semaphore, #tpu.memory_space<semaphore_mem>>, %arg14: memref<!tpu.dma_semaphore, #tpu.memory_space<semaphore_mem>>) attributes {dimension_semantics = [#tpu.dimension_semantics<core_parallel>, #tpu.dimension_semantics<subcore_parallel>], iteration_bounds = array<i64: 2, 16>, scalar_prefetch = 0 : i64, scratch_operands = 8 : i64, tpu.core_type = #tpu.core_type<sc_vector_subcore>, window_params = [{transform_indices = #map}, {transform_indices = #map}, {transform_indices = #map}, {transform_indices = #map}, {transform_indices = #map1}]} {
    %eq3A = arith.constant 0 : i32
    %eq3A_0 = arith.cmpi eq, %arg0, %eq3A : i32
    %jit3A = arith.constant 216 : i32
    %jit3A_1 = arith.constant 104 : i32
    %select_n3A = arith.select %eq3A_0, %jit3A, %jit3A_1 : i32
    %eq3A_2 = arith.constant 0 : i32
    %eq3A_3 = arith.cmpi eq, %arg0, %eq3A_2 : i32
    %mul3A = arith.constant 216 : i32
    %mul3A_4 = arith.muli %arg1, %mul3A : i32
    %mul3A_5 = arith.constant 104 : i32
    %mul3A_6 = arith.muli %arg1, %mul3A_5 : i32
    %add3A = arith.constant 3456 : i32
    %add3A_7 = arith.addi %add3A, %mul3A_6 : i32
    %select_n3A_8 = arith.select %eq3A_3, %mul3A_4, %add3A_7 : i32
    %scan3A = arith.constant 0 : i32
    %scan3A_9 = arith.constant 0 : i32
    %scan3A_10 = arith.constant 64 : i32
    %scan3A_11 = arith.addi %scan3A_9, %scan3A_10 : i32
    %scan3A_12 = arith.constant 1 : i32
    %scan3A_13 = scf.for %scan3A_104 = %scan3A_9 to %scan3A_11 step %scan3A_12 iter_args(%scan3A_105 = %scan3A) -> (i32)  : i32 {
      %broadcast_in_dim3A = arith.constant 0.000000e+00 : f32
      %broadcast_in_dim3A_106 = vector.broadcast %broadcast_in_dim3A : f32 to vector<16xf32>
      %swap3A = arith.constant 0 : i32
      %swap3A_107 = arith.index_cast %swap3A : i32 to index
      %swap3A_108 = arith.index_cast %scan3A_104 : i32 to index
      %swap3A_109 = arith.constant 0 : index
      %swap3A_110 = tpu.vector_load %arg11[%swap3A_107, %swap3A_108, %swap3A_109] {strides = array<i32>} : memref<2x64x128xf32, #tpu.memory_space<vmem>>, vector<16xf32>,
      tpu.vector_store %arg11[%swap3A_107, %swap3A_108, %swap3A_109], %broadcast_in_dim3A_106 {strides = array<i32>} : memref<2x64x128xf32, #tpu.memory_space<vmem>>, vector<16xf32>,
      %broadcast_in_dim3A_111 = arith.constant 0.000000e+00 : f32
      %broadcast_in_dim3A_112 = vector.broadcast %broadcast_in_dim3A_111 : f32 to vector<16xf32>
      %swap3A_113 = arith.constant 0 : i32
      %swap3A_114 = arith.index_cast %swap3A_113 : i32 to index
      %swap3A_115 = arith.index_cast %scan3A_104 : i32 to index
      %swap3A_116 = arith.constant 16 : index
      %swap3A_117 = tpu.vector_load %arg11[%swap3A_114, %swap3A_115, %swap3A_116] {strides = array<i32>} : memref<2x64x128xf32, #tpu.memory_space<vmem>>, vector<16xf32>,
      tpu.vector_store %arg11[%swap3A_114, %swap3A_115, %swap3A_116], %broadcast_in_dim3A_112 {strides = array<i32>} : memref<2x64x128xf32, #tpu.memory_space<vmem>>, vector<16xf32>,
      %broadcast_in_dim3A_118 = arith.constant 0.000000e+00 : f32
      %broadcast_in_dim3A_119 = vector.broadcast %broadcast_in_dim3A_118 : f32 to vector<16xf32>
      %swap3A_120 = arith.constant 0 : i32
      %swap3A_121 = arith.index_cast %swap3A_120 : i32 to index
      %swap3A_122 = arith.index_cast %scan3A_104 : i32 to index
      %swap3A_123 = arith.constant 32 : index
      %swap3A_124 = tpu.vector_load %arg11[%swap3A_121, %swap3A_122, %swap3A_123] {strides = array<i32>} : memref<2x64x128xf32, #tpu.memory_space<vmem>>, vector<16xf32>,
      tpu.vector_store %arg11[%swap3A_121, %swap3A_122, %swap3A_123], %broadcast_in_dim3A_119 {strides = array<i32>} : memref<2x64x128xf32, #tpu.memory_space<vmem>>, vector<16xf32>,
      %broadcast_in_dim3A_125 = arith.constant 0.000000e+00 : f32
      %broadcast_in_dim3A_126 = vector.broadcast %broadcast_in_dim3A_125 : f32 to vector<16xf32>
      %swap3A_127 = arith.constant 0 : i32
      %swap3A_128 = arith.index_cast %swap3A_127 : i32 to index
      %swap3A_129 = arith.index_cast %scan3A_104 : i32 to index
      %swap3A_130 = arith.constant 48 : index
      %swap3A_131 = tpu.vector_load %arg11[%swap3A_128, %swap3A_129, %swap3A_130] {strides = array<i32>} : memref<2x64x128xf32, #tpu.memory_space<vmem>>, vector<16xf32>,
      tpu.vector_store %arg11[%swap3A_128, %swap3A_129, %swap3A_130], %broadcast_in_dim3A_126 {strides = array<i32>} : memref<2x64x128xf32, #tpu.memory_space<vmem>>, vector<16xf32>,
      %broadcast_in_dim3A_132 = arith.constant 0.000000e+00 : f32
      %broadcast_in_dim3A_133 = vector.broadcast %broadcast_in_dim3A_132 : f32 to vector<16xf32>
      %swap3A_134 = arith.constant 0 : i32
      %swap3A_135 = arith.index_cast %swap3A_134 : i32 to index
      %swap3A_136 = arith.index_cast %scan3A_104 : i32 to index
      %swap3A_137 = arith.constant 64 : index
      %swap3A_138 = tpu.vector_load %arg11[%swap3A_135, %swap3A_136, %swap3A_137] {strides = array<i32>} : memref<2x64x128xf32, #tpu.memory_space<vmem>>, vector<16xf32>,
      tpu.vector_store %arg11[%swap3A_135, %swap3A_136, %swap3A_137], %broadcast_in_dim3A_133 {strides = array<i32>} : memref<2x64x128xf32, #tpu.memory_space<vmem>>, vector<16xf32>,
      %broadcast_in_dim3A_139 = arith.constant 0.000000e+00 : f32
      %broadcast_in_dim3A_140 = vector.broadcast %broadcast_in_dim3A_139 : f32 to vector<16xf32>
      %swap3A_141 = arith.constant 0 : i32
      %swap3A_142 = arith.index_cast %swap3A_141 : i32 to index
      %swap3A_143 = arith.index_cast %scan3A_104 : i32 to index
      %swap3A_144 = arith.constant 80 : index
      %swap3A_145 = tpu.vector_load %arg11[%swap3A_142, %swap3A_143, %swap3A_144] {strides = array<i32>} : memref<2x64x128xf32, #tpu.memory_space<vmem>>, vector<16xf32>,
      tpu.vector_store %arg11[%swap3A_142, %swap3A_143, %swap3A_144], %broadcast_in_dim3A_140 {strides = array<i32>} : memref<2x64x128xf32, #tpu.memory_space<vmem>>, vector<16xf32>,
      %broadcast_in_dim3A_146 = arith.constant 0.000000e+00 : f32
      %broadcast_in_dim3A_147 = vector.broadcast %broadcast_in_dim3A_146 : f32 to vector<16xf32>
      %swap3A_148 = arith.constant 0 : i32
      %swap3A_149 = arith.index_cast %swap3A_148 : i32 to index
      %swap3A_150 = arith.index_cast %scan3A_104 : i32 to index
      %swap3A_151 = arith.constant 96 : index
      %swap3A_152 = tpu.vector_load %arg11[%swap3A_149, %swap3A_150, %swap3A_151] {strides = array<i32>} : memref<2x64x128xf32, #tpu.memory_space<vmem>>, vector<16xf32>,
      tpu.vector_store %arg11[%swap3A_149, %swap3A_150, %swap3A_151], %broadcast_in_dim3A_147 {strides = array<i32>} : memref<2x64x128xf32, #tpu.memory_space<vmem>>, vector<16xf32>,
      %broadcast_in_dim3A_153 = arith.constant 0.000000e+00 : f32
      %broadcast_in_dim3A_154 = vector.broadcast %broadcast_in_dim3A_153 : f32 to vector<16xf32>
      %swap3A_155 = arith.constant 0 : i32
      %swap3A_156 = arith.index_cast %swap3A_155 : i32 to index
      %swap3A_157 = arith.index_cast %scan3A_104 : i32 to index
      %swap3A_158 = arith.constant 112 : index
      %swap3A_159 = tpu.vector_load %arg11[%swap3A_156, %swap3A_157, %swap3A_158] {strides = array<i32>} : memref<2x64x128xf32, #tpu.memory_space<vmem>>, vector<16xf32>,
      tpu.vector_store %arg11[%swap3A_156, %swap3A_157, %swap3A_158], %broadcast_in_dim3A_154 {strides = array<i32>} : memref<2x64x128xf32, #tpu.memory_space<vmem>>, vector<16xf32>,
      %scan3A_160 = arith.constant 0 : i32
      scf.yield %scan3A_160 : i32
    }
    %scan3A_14 = arith.constant 64 : i32
    %mul3A_15 = arith.constant 632 : i32
    %mul3A_16 = arith.muli %arg1, %mul3A_15 : i32
    %add3A_17 = arith.constant 0 : i32
    %add3A_18 = arith.addi %mul3A_16, %add3A_17 : i32
    %run_scoped3A = arith.constant 0 : i32
    "tpu.region"() ({
      %run_scoped3A_104 = tpu.sem_alloc : memref<!tpu.dma_semaphore, #tpu.memory_space<semaphore_mem>>
      %dma_start3A_105 = arith.constant 0 : i32
      %dma_start3A_106 = arith.constant 0 : i32
      %dma_start3A_107 = tpu.memref_slice %arg11[%run_scoped3A, %dma_start3A_105, %dma_start3A_106] : memref<2x64x128xf32, #tpu.memory_space<vmem>> -> memref<1x64x128xf32, #tpu.memory_space<vmem>>
      %dma_start3A_108 = tpu.memref_squeeze %dma_start3A_107 : memref<1x64x128xf32, #tpu.memory_space<vmem>> -> memref<64x128xf32, #tpu.memory_space<vmem>>
      %dma_start3A_109 = arith.constant 0 : i32
      %dma_start3A_110 = tpu.memref_slice %arg12[%add3A_18, %dma_start3A_109] : memref<10112x128xf32, #tpu.memory_space<vmem_shared>> -> memref<64x128xf32, #tpu.memory_space<vmem_shared>>
      %dma_start3A_111 = arith.constant 0 : i32
      %dma_start3A_112 = tpu.memref_slice %arg12[%add3A_18, %dma_start3A_111] : memref<10112x128xf32, #tpu.memory_space<vmem_shared>> -> memref<64x128xf32, #tpu.memory_space<vmem_shared>>
      %dma_start3A_113 = arith.constant 0 : i32
      %dma_start3A_114 = arith.constant 0 : i32
      %dma_start3A_115 = tpu.memref_slice %arg11[%run_scoped3A, %dma_start3A_113, %dma_start3A_114] : memref<2x64x128xf32, #tpu.memory_space<vmem>> -> memref<1x64x128xf32, #tpu.memory_space<vmem>>
      %dma_start3A_116 = tpu.memref_squeeze %dma_start3A_115 : memref<1x64x128xf32, #tpu.memory_space<vmem>> -> memref<64x128xf32, #tpu.memory_space<vmem>>
      tpu.enqueue_dma source(%dma_start3A_116 : memref<64x128xf32, #tpu.memory_space<vmem>>) target(%dma_start3A_112 : memref<64x128xf32, #tpu.memory_space<vmem_shared>>) target_semaphore(%run_scoped3A_104 : memref<!tpu.dma_semaphore, #tpu.memory_space<semaphore_mem>>)
      %dma_wait3A_117 = arith.constant 0 : i32
      %dma_wait3A_118 = arith.constant 0 : i32
      %dma_wait3A_119 = tpu.memref_slice %arg11[%run_scoped3A, %dma_wait3A_117, %dma_wait3A_118] : memref<2x64x128xf32, #tpu.memory_space<vmem>> -> memref<1x64x128xf32, #tpu.memory_space<vmem>>
      %dma_wait3A_120 = tpu.memref_squeeze %dma_wait3A_119 : memref<1x64x128xf32, #tpu.memory_space<vmem>> -> memref<64x128xf32, #tpu.memory_space<vmem>>
      %dma_wait3A_121 = arith.constant 0 : i32
      %dma_wait3A_122 = tpu.memref_slice %arg12[%add3A_18, %dma_wait3A_121] : memref<10112x128xf32, #tpu.memory_space<vmem_shared>> -> memref<64x128xf32, #tpu.memory_space<vmem_shared>>
      %dma_wait3A_123 = arith.constant 0 : i32
      %dma_wait3A_124 = tpu.memref_slice %arg12[%add3A_18, %dma_wait3A_123] : memref<10112x128xf32, #tpu.memory_space<vmem_shared>> -> memref<64x128xf32, #tpu.memory_space<vmem_shared>>
      %dma_wait3A_125 = arith.constant 0 : i32
      %dma_wait3A_126 = arith.constant 0 : i32
      %dma_wait3A_127 = tpu.memref_slice %arg11[%run_scoped3A, %dma_wait3A_125, %dma_wait3A_126] : memref<2x64x128xf32, #tpu.memory_space<vmem>> -> memref<1x64x128xf32, #tpu.memory_space<vmem>>
      %dma_wait3A_128 = tpu.memref_squeeze %dma_wait3A_127 : memref<1x64x128xf32, #tpu.memory_space<vmem>> -> memref<64x128xf32, #tpu.memory_space<vmem>>
      tpu.wait_dma2 semaphore(%run_scoped3A_104 : memref<!tpu.dma_semaphore, #tpu.memory_space<semaphore_mem>>) src(%dma_wait3A_128 : memref<64x128xf32, #tpu.memory_space<vmem>>) dst(%dma_wait3A_124 : memref<64x128xf32, #tpu.memory_space<vmem_shared>>)
      tpu.yield
    }) : () -> ()
    %mul3A_19 = arith.constant 632 : i32
    %mul3A_20 = arith.muli %arg1, %mul3A_19 : i32
    %add3A_21 = arith.constant 64 : i32
    %add3A_22 = arith.addi %mul3A_20, %add3A_21 : i32
    %run_scoped3A_23 = arith.constant 0 : i32
    "tpu.region"() ({
      %run_scoped3A_104 = tpu.sem_alloc : memref<!tpu.dma_semaphore, #tpu.memory_space<semaphore_mem>>
      %dma_start3A_105 = arith.constant 0 : i32
      %dma_start3A_106 = arith.constant 0 : i32
      %dma_start3A_107 = tpu.memref_slice %arg11[%run_scoped3A_23, %dma_start3A_105, %dma_start3A_106] : memref<2x64x128xf32, #tpu.memory_space<vmem>> -> memref<1x64x128xf32, #tpu.memory_space<vmem>>
      %dma_start3A_108 = tpu.memref_squeeze %dma_start3A_107 : memref<1x64x128xf32, #tpu.memory_space<vmem>> -> memref<64x128xf32, #tpu.memory_space<vmem>>
      %dma_start3A_109 = arith.constant 0 : i32
      %dma_start3A_110 = tpu.memref_slice %arg12[%add3A_22, %dma_start3A_109] : memref<10112x128xf32, #tpu.memory_space<vmem_shared>> -> memref<64x128xf32, #tpu.memory_space<vmem_shared>>
      %dma_start3A_111 = arith.constant 0 : i32
      %dma_start3A_112 = tpu.memref_slice %arg12[%add3A_22, %dma_start3A_111] : memref<10112x128xf32, #tpu.memory_space<vmem_shared>> -> memref<64x128xf32, #tpu.memory_space<vmem_shared>>
      %dma_start3A_113 = arith.constant 0 : i32
      %dma_start3A_114 = arith.constant 0 : i32
      %dma_start3A_115 = tpu.memref_slice %arg11[%run_scoped3A_23, %dma_start3A_113, %dma_start3A_114] : memref<2x64x128xf32, #tpu.memory_space<vmem>> -> memref<1x64x128xf32, #tpu.memory_space<vmem>>
      %dma_start3A_116 = tpu.memref_squeeze %dma_start3A_115 : memref<1x64x128xf32, #tpu.memory_space<vmem>> -> memref<64x128xf32, #tpu.memory_space<vmem>>
      tpu.enqueue_dma source(%dma_start3A_116 : memref<64x128xf32, #tpu.memory_space<vmem>>) target(%dma_start3A_112 : memref<64x128xf32, #tpu.memory_space<vmem_shared>>) target_semaphore(%run_scoped3A_104 : memref<!tpu.dma_semaphore, #tpu.memory_space<semaphore_mem>>)
      %dma_wait3A_117 = arith.constant 0 : i32
      %dma_wait3A_118 = arith.constant 0 : i32
      %dma_wait3A_119 = tpu.memref_slice %arg11[%run_scoped3A_23, %dma_wait3A_117, %dma_wait3A_118] : memref<2x64x128xf32, #tpu.memory_space<vmem>> -> memref<1x64x128xf32, #tpu.memory_space<vmem>>
      %dma_wait3A_120 = tpu.memref_squeeze %dma_wait3A_119 : memref<1x64x128xf32, #tpu.memory_space<vmem>> -> memref<64x128xf32, #tpu.memory_space<vmem>>
      %dma_wait3A_121 = arith.constant 0 : i32
      %dma_wait3A_122 = tpu.memref_slice %arg12[%add3A_22, %dma_wait3A_121] : memref<10112x128xf32, #tpu.memory_space<vmem_shared>> -> memref<64x128xf32, #tpu.memory_space<vmem_shared>>
      %dma_wait3A_123 = arith.constant 0 : i32
      %dma_wait3A_124 = tpu.memref_slice %arg12[%add3A_22, %dma_wait3A_123] : memref<10112x128xf32, #tpu.memory_space<vmem_shared>> -> memref<64x128xf32, #tpu.memory_space<vmem_shared>>
      %dma_wait3A_125 = arith.constant 0 : i32
      %dma_wait3A_126 = arith.constant 0 : i32
      %dma_wait3A_127 = tpu.memref_slice %arg11[%run_scoped3A_23, %dma_wait3A_125, %dma_wait3A_126] : memref<2x64x128xf32, #tpu.memory_space<vmem>> -> memref<1x64x128xf32, #tpu.memory_space<vmem>>
      %dma_wait3A_128 = tpu.memref_squeeze %dma_wait3A_127 : memref<1x64x128xf32, #tpu.memory_space<vmem>> -> memref<64x128xf32, #tpu.memory_space<vmem>>
      tpu.wait_dma2 semaphore(%run_scoped3A_104 : memref<!tpu.dma_semaphore, #tpu.memory_space<semaphore_mem>>) src(%dma_wait3A_128 : memref<64x128xf32, #tpu.memory_space<vmem>>) dst(%dma_wait3A_124 : memref<64x128xf32, #tpu.memory_space<vmem_shared>>)
      tpu.yield
    }) : () -> ()
    %mul3A_24 = arith.constant 632 : i32
    %mul3A_25 = arith.muli %arg1, %mul3A_24 : i32
    %add3A_26 = arith.constant 128 : i32
    %add3A_27 = arith.addi %mul3A_25, %add3A_26 : i32
    %run_scoped3A_28 = arith.constant 0 : i32
    "tpu.region"() ({
      %run_scoped3A_104 = tpu.sem_alloc : memref<!tpu.dma_semaphore, #tpu.memory_space<semaphore_mem>>
      %dma_start3A_105 = arith.constant 0 : i32
      %dma_start3A_106 = arith.constant 0 : i32
      %dma_start3A_107 = tpu.memref_slice %arg11[%run_scoped3A_28, %dma_start3A_105, %dma_start3A_106] : memref<2x64x128xf32, #tpu.memory_space<vmem>> -> memref<1x64x128xf32, #tpu.memory_space<vmem>>
      %dma_start3A_108 = tpu.memref_squeeze %dma_start3A_107 : memref<1x64x128xf32, #tpu.memory_space<vmem>> -> memref<64x128xf32, #tpu.memory_space<vmem>>
      %dma_start3A_109 = arith.constant 0 : i32
      %dma_start3A_110 = tpu.memref_slice %arg12[%add3A_27, %dma_start3A_109] : memref<10112x128xf32, #tpu.memory_space<vmem_shared>> -> memref<64x128xf32, #tpu.memory_space<vmem_shared>>
      %dma_start3A_111 = arith.constant 0 : i32
      %dma_start3A_112 = tpu.memref_slice %arg12[%add3A_27, %dma_start3A_111] : memref<10112x128xf32, #tpu.memory_space<vmem_shared>> -> memref<64x128xf32, #tpu.memory_space<vmem_shared>>
      %dma_start3A_113 = arith.constant 0 : i32
      %dma_start3A_114 = arith.constant 0 : i32
      %dma_start3A_115 = tpu.memref_slice %arg11[%run_scoped3A_28, %dma_start3A_113, %dma_start3A_114] : memref<2x64x128xf32, #tpu.memory_space<vmem>> -> memref<1x64x128xf32, #tpu.memory_space<vmem>>
      %dma_start3A_116 = tpu.memref_squeeze %dma_start3A_115 : memref<1x64x128xf32, #tpu.memory_space<vmem>> -> memref<64x128xf32, #tpu.memory_space<vmem>>
      tpu.enqueue_dma source(%dma_start3A_116 : memref<64x128xf32, #tpu.memory_space<vmem>>) target(%dma_start3A_112 : memref<64x128xf32, #tpu.memory_space<vmem_shared>>) target_semaphore(%run_scoped3A_104 : memref<!tpu.dma_semaphore, #tpu.memory_space<semaphore_mem>>)
      %dma_wait3A_117 = arith.constant 0 : i32
      %dma_wait3A_118 = arith.constant 0 : i32
      %dma_wait3A_119 = tpu.memref_slice %arg11[%run_scoped3A_28, %dma_wait3A_117, %dma_wait3A_118] : memref<2x64x128xf32, #tpu.memory_space<vmem>> -> memref<1x64x128xf32, #tpu.memory_space<vmem>>
      %dma_wait3A_120 = tpu.memref_squeeze %dma_wait3A_119 : memref<1x64x128xf32, #tpu.memory_space<vmem>> -> memref<64x128xf32, #tpu.memory_space<vmem>>
      %dma_wait3A_121 = arith.constant 0 : i32
      %dma_wait3A_122 = tpu.memref_slice %arg12[%add3A_27, %dma_wait3A_121] : memref<10112x128xf32, #tpu.memory_space<vmem_shared>> -> memref<64x128xf32, #tpu.memory_space<vmem_shared>>
      %dma_wait3A_123 = arith.constant 0 : i32
      %dma_wait3A_124 = tpu.memref_slice %arg12[%add3A_27, %dma_wait3A_123] : memref<10112x128xf32, #tpu.memory_space<vmem_shared>> -> memref<64x128xf32, #tpu.memory_space<vmem_shared>>
      %dma_wait3A_125 = arith.constant 0 : i32
      %dma_wait3A_126 = arith.constant 0 : i32
      %dma_wait3A_127 = tpu.memref_slice %arg11[%run_scoped3A_28, %dma_wait3A_125, %dma_wait3A_126] : memref<2x64x128xf32, #tpu.memory_space<vmem>> -> memref<1x64x128xf32, #tpu.memory_space<vmem>>
      %dma_wait3A_128 = tpu.memref_squeeze %dma_wait3A_127 : memref<1x64x128xf32, #tpu.memory_space<vmem>> -> memref<64x128xf32, #tpu.memory_space<vmem>>
      tpu.wait_dma2 semaphore(%run_scoped3A_104 : memref<!tpu.dma_semaphore, #tpu.memory_space<semaphore_mem>>) src(%dma_wait3A_128 : memref<64x128xf32, #tpu.memory_space<vmem>>) dst(%dma_wait3A_124 : memref<64x128xf32, #tpu.memory_space<vmem_shared>>)
      tpu.yield
    }) : () -> ()
    %mul3A_29 = arith.constant 632 : i32
    %mul3A_30 = arith.muli %arg1, %mul3A_29 : i32
    %add3A_31 = arith.constant 192 : i32
    %add3A_32 = arith.addi %mul3A_30, %add3A_31 : i32
    %run_scoped3A_33 = arith.constant 0 : i32
    "tpu.region"() ({
      %run_scoped3A_104 = tpu.sem_alloc : memref<!tpu.dma_semaphore, #tpu.memory_space<semaphore_mem>>
      %dma_start3A_105 = arith.constant 0 : i32
      %dma_start3A_106 = arith.constant 0 : i32
      %dma_start3A_107 = tpu.memref_slice %arg11[%run_scoped3A_33, %dma_start3A_105, %dma_start3A_106] : memref<2x64x128xf32, #tpu.memory_space<vmem>> -> memref<1x64x128xf32, #tpu.memory_space<vmem>>
      %dma_start3A_108 = tpu.memref_squeeze %dma_start3A_107 : memref<1x64x128xf32, #tpu.memory_space<vmem>> -> memref<64x128xf32, #tpu.memory_space<vmem>>
      %dma_start3A_109 = arith.constant 0 : i32
      %dma_start3A_110 = tpu.memref_slice %arg12[%add3A_32, %dma_start3A_109] : memref<10112x128xf32, #tpu.memory_space<vmem_shared>> -> memref<64x128xf32, #tpu.memory_space<vmem_shared>>
      %dma_start3A_111 = arith.constant 0 : i32
      %dma_start3A_112 = tpu.memref_slice %arg12[%add3A_32, %dma_start3A_111] : memref<10112x128xf32, #tpu.memory_space<vmem_shared>> -> memref<64x128xf32, #tpu.memory_space<vmem_shared>>
      %dma_start3A_113 = arith.constant 0 : i32
      %dma_start3A_114 = arith.constant 0 : i32
      %dma_start3A_115 = tpu.memref_slice %arg11[%run_scoped3A_33, %dma_start3A_113, %dma_start3A_114] : memref<2x64x128xf32, #tpu.memory_space<vmem>> -> memref<1x64x128xf32, #tpu.memory_space<vmem>>
      %dma_start3A_116 = tpu.memref_squeeze %dma_start3A_115 : memref<1x64x128xf32, #tpu.memory_space<vmem>> -> memref<64x128xf32, #tpu.memory_space<vmem>>
      tpu.enqueue_dma source(%dma_start3A_116 : memref<64x128xf32, #tpu.memory_space<vmem>>) target(%dma_start3A_112 : memref<64x128xf32, #tpu.memory_space<vmem_shared>>) target_semaphore(%run_scoped3A_104 : memref<!tpu.dma_semaphore, #tpu.memory_space<semaphore_mem>>)
      %dma_wait3A_117 = arith.constant 0 : i32
      %dma_wait3A_118 = arith.constant 0 : i32
      %dma_wait3A_119 = tpu.memref_slice %arg11[%run_scoped3A_33, %dma_wait3A_117, %dma_wait3A_118] : memref<2x64x128xf32, #tpu.memory_space<vmem>> -> memref<1x64x128xf32, #tpu.memory_space<vmem>>
      %dma_wait3A_120 = tpu.memref_squeeze %dma_wait3A_119 : memref<1x64x128xf32, #tpu.memory_space<vmem>> -> memref<64x128xf32, #tpu.memory_space<vmem>>
      %dma_wait3A_121 = arith.constant 0 : i32
      %dma_wait3A_122 = tpu.memref_slice %arg12[%add3A_32, %dma_wait3A_121] : memref<10112x128xf32, #tpu.memory_space<vmem_shared>> -> memref<64x128xf32, #tpu.memory_space<vmem_shared>>
      %dma_wait3A_123 = arith.constant 0 : i32
      %dma_wait3A_124 = tpu.memref_slice %arg12[%add3A_32, %dma_wait3A_123] : memref<10112x128xf32, #tpu.memory_space<vmem_shared>> -> memref<64x128xf32, #tpu.memory_space<vmem_shared>>
      %dma_wait3A_125 = arith.constant 0 : i32
      %dma_wait3A_126 = arith.constant 0 : i32
      %dma_wait3A_127 = tpu.memref_slice %arg11[%run_scoped3A_33, %dma_wait3A_125, %dma_wait3A_126] : memref<2x64x128xf32, #tpu.memory_space<vmem>> -> memref<1x64x128xf32, #tpu.memory_space<vmem>>
      %dma_wait3A_128 = tpu.memref_squeeze %dma_wait3A_127 : memref<1x64x128xf32, #tpu.memory_space<vmem>> -> memref<64x128xf32, #tpu.memory_space<vmem>>
      tpu.wait_dma2 semaphore(%run_scoped3A_104 : memref<!tpu.dma_semaphore, #tpu.memory_space<semaphore_mem>>) src(%dma_wait3A_128 : memref<64x128xf32, #tpu.memory_space<vmem>>) dst(%dma_wait3A_124 : memref<64x128xf32, #tpu.memory_space<vmem_shared>>)
      tpu.yield
    }) : () -> ()
    %mul3A_34 = arith.constant 632 : i32
    %mul3A_35 = arith.muli %arg1, %mul3A_34 : i32
    %add3A_36 = arith.constant 256 : i32
    %add3A_37 = arith.addi %mul3A_35, %add3A_36 : i32
    %run_scoped3A_38 = arith.constant 0 : i32
    "tpu.region"() ({
      %run_scoped3A_104 = tpu.sem_alloc : memref<!tpu.dma_semaphore, #tpu.memory_space<semaphore_mem>>
      %dma_start3A_105 = arith.constant 0 : i32
      %dma_start3A_106 = arith.constant 0 : i32
      %dma_start3A_107 = tpu.memref_slice %arg11[%run_scoped3A_38, %dma_start3A_105, %dma_start3A_106] : memref<2x64x128xf32, #tpu.memory_space<vmem>> -> memref<1x64x128xf32, #tpu.memory_space<vmem>>
      %dma_start3A_108 = tpu.memref_squeeze %dma_start3A_107 : memref<1x64x128xf32, #tpu.memory_space<vmem>> -> memref<64x128xf32, #tpu.memory_space<vmem>>
      %dma_start3A_109 = arith.constant 0 : i32
      %dma_start3A_110 = tpu.memref_slice %arg12[%add3A_37, %dma_start3A_109] : memref<10112x128xf32, #tpu.memory_space<vmem_shared>> -> memref<64x128xf32, #tpu.memory_space<vmem_shared>>
      %dma_start3A_111 = arith.constant 0 : i32
      %dma_start3A_112 = tpu.memref_slice %arg12[%add3A_37, %dma_start3A_111] : memref<10112x128xf32, #tpu.memory_space<vmem_shared>> -> memref<64x128xf32, #tpu.memory_space<vmem_shared>>
      %dma_start3A_113 = arith.constant 0 : i32
      %dma_start3A_114 = arith.constant 0 : i32
      %dma_start3A_115 = tpu.memref_slice %arg11[%run_scoped3A_38, %dma_start3A_113, %dma_start3A_114] : memref<2x64x128xf32, #tpu.memory_space<vmem>> -> memref<1x64x128xf32, #tpu.memory_space<vmem>>
      %dma_start3A_116 = tpu.memref_squeeze %dma_start3A_115 : memref<1x64x128xf32, #tpu.memory_space<vmem>> -> memref<64x128xf32, #tpu.memory_space<vmem>>
      tpu.enqueue_dma source(%dma_start3A_116 : memref<64x128xf32, #tpu.memory_space<vmem>>) target(%dma_start3A_112 : memref<64x128xf32, #tpu.memory_space<vmem_shared>>) target_semaphore(%run_scoped3A_104 : memref<!tpu.dma_semaphore, #tpu.memory_space<semaphore_mem>>)
      %dma_wait3A_117 = arith.constant 0 : i32
      %dma_wait3A_118 = arith.constant 0 : i32
      %dma_wait3A_119 = tpu.memref_slice %arg11[%run_scoped3A_38, %dma_wait3A_117, %dma_wait3A_118] : memref<2x64x128xf32, #tpu.memory_space<vmem>> -> memref<1x64x128xf32, #tpu.memory_space<vmem>>
      %dma_wait3A_120 = tpu.memref_squeeze %dma_wait3A_119 : memref<1x64x128xf32, #tpu.memory_space<vmem>> -> memref<64x128xf32, #tpu.memory_space<vmem>>
      %dma_wait3A_121 = arith.constant 0 : i32
      %dma_wait3A_122 = tpu.memref_slice %arg12[%add3A_37, %dma_wait3A_121] : memref<10112x128xf32, #tpu.memory_space<vmem_shared>> -> memref<64x128xf32, #tpu.memory_space<vmem_shared>>
      %dma_wait3A_123 = arith.constant 0 : i32
      %dma_wait3A_124 = tpu.memref_slice %arg12[%add3A_37, %dma_wait3A_123] : memref<10112x128xf32, #tpu.memory_space<vmem_shared>> -> memref<64x128xf32, #tpu.memory_space<vmem_shared>>
      %dma_wait3A_125 = arith.constant 0 : i32
      %dma_wait3A_126 = arith.constant 0 : i32
      %dma_wait3A_127 = tpu.memref_slice %arg11[%run_scoped3A_38, %dma_wait3A_125, %dma_wait3A_126] : memref<2x64x128xf32, #tpu.memory_space<vmem>> -> memref<1x64x128xf32, #tpu.memory_space<vmem>>
      %dma_wait3A_128 = tpu.memref_squeeze %dma_wait3A_127 : memref<1x64x128xf32, #tpu.memory_space<vmem>> -> memref<64x128xf32, #tpu.memory_space<vmem>>
      tpu.wait_dma2 semaphore(%run_scoped3A_104 : memref<!tpu.dma_semaphore, #tpu.memory_space<semaphore_mem>>) src(%dma_wait3A_128 : memref<64x128xf32, #tpu.memory_space<vmem>>) dst(%dma_wait3A_124 : memref<64x128xf32, #tpu.memory_space<vmem_shared>>)
      tpu.yield
    }) : () -> ()
    %mul3A_39 = arith.constant 632 : i32
    %mul3A_40 = arith.muli %arg1, %mul3A_39 : i32
    %add3A_41 = arith.constant 320 : i32
    %add3A_42 = arith.addi %mul3A_40, %add3A_41 : i32
    %run_scoped3A_43 = arith.constant 0 : i32
    "tpu.region"() ({
      %run_scoped3A_104 = tpu.sem_alloc : memref<!tpu.dma_semaphore, #tpu.memory_space<semaphore_mem>>
      %dma_start3A_105 = arith.constant 0 : i32
      %dma_start3A_106 = arith.constant 0 : i32
      %dma_start3A_107 = tpu.memref_slice %arg11[%run_scoped3A_43, %dma_start3A_105, %dma_start3A_106] : memref<2x64x128xf32, #tpu.memory_space<vmem>> -> memref<1x64x128xf32, #tpu.memory_space<vmem>>
      %dma_start3A_108 = tpu.memref_squeeze %dma_start3A_107 : memref<1x64x128xf32, #tpu.memory_space<vmem>> -> memref<64x128xf32, #tpu.memory_space<vmem>>
      %dma_start3A_109 = arith.constant 0 : i32
      %dma_start3A_110 = tpu.memref_slice %arg12[%add3A_42, %dma_start3A_109] : memref<10112x128xf32, #tpu.memory_space<vmem_shared>> -> memref<64x128xf32, #tpu.memory_space<vmem_shared>>
      %dma_start3A_111 = arith.constant 0 : i32
      %dma_start3A_112 = tpu.memref_slice %arg12[%add3A_42, %dma_start3A_111] : memref<10112x128xf32, #tpu.memory_space<vmem_shared>> -> memref<64x128xf32, #tpu.memory_space<vmem_shared>>
      %dma_start3A_113 = arith.constant 0 : i32
      %dma_start3A_114 = arith.constant 0 : i32
      %dma_start3A_115 = tpu.memref_slice %arg11[%run_scoped3A_43, %dma_start3A_113, %dma_start3A_114] : memref<2x64x128xf32, #tpu.memory_space<vmem>> -> memref<1x64x128xf32, #tpu.memory_space<vmem>>
      %dma_start3A_116 = tpu.memref_squeeze %dma_start3A_115 : memref<1x64x128xf32, #tpu.memory_space<vmem>> -> memref<64x128xf32, #tpu.memory_space<vmem>>
      tpu.enqueue_dma source(%dma_start3A_116 : memref<64x128xf32, #tpu.memory_space<vmem>>) target(%dma_start3A_112 : memref<64x128xf32, #tpu.memory_space<vmem_shared>>) target_semaphore(%run_scoped3A_104 : memref<!tpu.dma_semaphore, #tpu.memory_space<semaphore_mem>>)
      %dma_wait3A_117 = arith.constant 0 : i32
      %dma_wait3A_118 = arith.constant 0 : i32
      %dma_wait3A_119 = tpu.memref_slice %arg11[%run_scoped3A_43, %dma_wait3A_117, %dma_wait3A_118] : memref<2x64x128xf32, #tpu.memory_space<vmem>> -> memref<1x64x128xf32, #tpu.memory_space<vmem>>
      %dma_wait3A_120 = tpu.memref_squeeze %dma_wait3A_119 : memref<1x64x128xf32, #tpu.memory_space<vmem>> -> memref<64x128xf32, #tpu.memory_space<vmem>>
      %dma_wait3A_121 = arith.constant 0 : i32
      %dma_wait3A_122 = tpu.memref_slice %arg12[%add3A_42, %dma_wait3A_121] : memref<10112x128xf32, #tpu.memory_space<vmem_shared>> -> memref<64x128xf32, #tpu.memory_space<vmem_shared>>
      %dma_wait3A_123 = arith.constant 0 : i32
      %dma_wait3A_124 = tpu.memref_slice %arg12[%add3A_42, %dma_wait3A_123] : memref<10112x128xf32, #tpu.memory_space<vmem_shared>> -> memref<64x128xf32, #tpu.memory_space<vmem_shared>>
      %dma_wait3A_125 = arith.constant 0 : i32
      %dma_wait3A_126 = arith.constant 0 : i32
      %dma_wait3A_127 = tpu.memref_slice %arg11[%run_scoped3A_43, %dma_wait3A_125, %dma_wait3A_126] : memref<2x64x128xf32, #tpu.memory_space<vmem>> -> memref<1x64x128xf32, #tpu.memory_space<vmem>>
      %dma_wait3A_128 = tpu.memref_squeeze %dma_wait3A_127 : memref<1x64x128xf32, #tpu.memory_space<vmem>> -> memref<64x128xf32, #tpu.memory_space<vmem>>
      tpu.wait_dma2 semaphore(%run_scoped3A_104 : memref<!tpu.dma_semaphore, #tpu.memory_space<semaphore_mem>>) src(%dma_wait3A_128 : memref<64x128xf32, #tpu.memory_space<vmem>>) dst(%dma_wait3A_124 : memref<64x128xf32, #tpu.memory_space<vmem_shared>>)
      tpu.yield
    }) : () -> ()
    %mul3A_44 = arith.constant 632 : i32
    %mul3A_45 = arith.muli %arg1, %mul3A_44 : i32
    %add3A_46 = arith.constant 384 : i32
    %add3A_47 = arith.addi %mul3A_45, %add3A_46 : i32
    %run_scoped3A_48 = arith.constant 0 : i32
    "tpu.region"() ({
      %run_scoped3A_104 = tpu.sem_alloc : memref<!tpu.dma_semaphore, #tpu.memory_space<semaphore_mem>>
      %dma_start3A_105 = arith.constant 0 : i32
      %dma_start3A_106 = arith.constant 0 : i32
      %dma_start3A_107 = tpu.memref_slice %arg11[%run_scoped3A_48, %dma_start3A_105, %dma_start3A_106] : memref<2x64x128xf32, #tpu.memory_space<vmem>> -> memref<1x64x128xf32, #tpu.memory_space<vmem>>
      %dma_start3A_108 = tpu.memref_squeeze %dma_start3A_107 : memref<1x64x128xf32, #tpu.memory_space<vmem>> -> memref<64x128xf32, #tpu.memory_space<vmem>>
      %dma_start3A_109 = arith.constant 0 : i32
      %dma_start3A_110 = tpu.memref_slice %arg12[%add3A_47, %dma_start3A_109] : memref<10112x128xf32, #tpu.memory_space<vmem_shared>> -> memref<64x128xf32, #tpu.memory_space<vmem_shared>>
      %dma_start3A_111 = arith.constant 0 : i32
      %dma_start3A_112 = tpu.memref_slice %arg12[%add3A_47, %dma_start3A_111] : memref<10112x128xf32, #tpu.memory_space<vmem_shared>> -> memref<64x128xf32, #tpu.memory_space<vmem_shared>>
      %dma_start3A_113 = arith.constant 0 : i32
      %dma_start3A_114 = arith.constant 0 : i32
      %dma_start3A_115 = tpu.memref_slice %arg11[%run_scoped3A_48, %dma_start3A_113, %dma_start3A_114] : memref<2x64x128xf32, #tpu.memory_space<vmem>> -> memref<1x64x128xf32, #tpu.memory_space<vmem>>
      %dma_start3A_116 = tpu.memref_squeeze %dma_start3A_115 : memref<1x64x128xf32, #tpu.memory_space<vmem>> -> memref<64x128xf32, #tpu.memory_space<vmem>>
      tpu.enqueue_dma source(%dma_start3A_116 : memref<64x128xf32, #tpu.memory_space<vmem>>) target(%dma_start3A_112 : memref<64x128xf32, #tpu.memory_space<vmem_shared>>) target_semaphore(%run_scoped3A_104 : memref<!tpu.dma_semaphore, #tpu.memory_space<semaphore_mem>>)
      %dma_wait3A_117 = arith.constant 0 : i32
      %dma_wait3A_118 = arith.constant 0 : i32
      %dma_wait3A_119 = tpu.memref_slice %arg11[%run_scoped3A_48, %dma_wait3A_117, %dma_wait3A_118] : memref<2x64x128xf32, #tpu.memory_space<vmem>> -> memref<1x64x128xf32, #tpu.memory_space<vmem>>
      %dma_wait3A_120 = tpu.memref_squeeze %dma_wait3A_119 : memref<1x64x128xf32, #tpu.memory_space<vmem>> -> memref<64x128xf32, #tpu.memory_space<vmem>>
      %dma_wait3A_121 = arith.constant 0 : i32
      %dma_wait3A_122 = tpu.memref_slice %arg12[%add3A_47, %dma_wait3A_121] : memref<10112x128xf32, #tpu.memory_space<vmem_shared>> -> memref<64x128xf32, #tpu.memory_space<vmem_shared>>
      %dma_wait3A_123 = arith.constant 0 : i32
      %dma_wait3A_124 = tpu.memref_slice %arg12[%add3A_47, %dma_wait3A_123] : memref<10112x128xf32, #tpu.memory_space<vmem_shared>> -> memref<64x128xf32, #tpu.memory_space<vmem_shared>>
      %dma_wait3A_125 = arith.constant 0 : i32
      %dma_wait3A_126 = arith.constant 0 : i32
      %dma_wait3A_127 = tpu.memref_slice %arg11[%run_scoped3A_48, %dma_wait3A_125, %dma_wait3A_126] : memref<2x64x128xf32, #tpu.memory_space<vmem>> -> memref<1x64x128xf32, #tpu.memory_space<vmem>>
      %dma_wait3A_128 = tpu.memref_squeeze %dma_wait3A_127 : memref<1x64x128xf32, #tpu.memory_space<vmem>> -> memref<64x128xf32, #tpu.memory_space<vmem>>
      tpu.wait_dma2 semaphore(%run_scoped3A_104 : memref<!tpu.dma_semaphore, #tpu.memory_space<semaphore_mem>>) src(%dma_wait3A_128 : memref<64x128xf32, #tpu.memory_space<vmem>>) dst(%dma_wait3A_124 : memref<64x128xf32, #tpu.memory_space<vmem_shared>>)
      tpu.yield
    }) : () -> ()
    %mul3A_49 = arith.constant 632 : i32
    %mul3A_50 = arith.muli %arg1, %mul3A_49 : i32
    %add3A_51 = arith.constant 448 : i32
    %add3A_52 = arith.addi %mul3A_50, %add3A_51 : i32
    %run_scoped3A_53 = arith.constant 0 : i32
    "tpu.region"() ({
      %run_scoped3A_104 = tpu.sem_alloc : memref<!tpu.dma_semaphore, #tpu.memory_space<semaphore_mem>>
      %dma_start3A_105 = arith.constant 0 : i32
      %dma_start3A_106 = arith.constant 0 : i32
      %dma_start3A_107 = tpu.memref_slice %arg11[%run_scoped3A_53, %dma_start3A_105, %dma_start3A_106] : memref<2x64x128xf32, #tpu.memory_space<vmem>> -> memref<1x64x128xf32, #tpu.memory_space<vmem>>
      %dma_start3A_108 = tpu.memref_squeeze %dma_start3A_107 : memref<1x64x128xf32, #tpu.memory_space<vmem>> -> memref<64x128xf32, #tpu.memory_space<vmem>>
      %dma_start3A_109 = arith.constant 0 : i32
      %dma_start3A_110 = tpu.memref_slice %arg12[%add3A_52, %dma_start3A_109] : memref<10112x128xf32, #tpu.memory_space<vmem_shared>> -> memref<64x128xf32, #tpu.memory_space<vmem_shared>>
      %dma_start3A_111 = arith.constant 0 : i32
      %dma_start3A_112 = tpu.memref_slice %arg12[%add3A_52, %dma_start3A_111] : memref<10112x128xf32, #tpu.memory_space<vmem_shared>> -> memref<64x128xf32, #tpu.memory_space<vmem_shared>>
      %dma_start3A_113 = arith.constant 0 : i32
      %dma_start3A_114 = arith.constant 0 : i32
      %dma_start3A_115 = tpu.memref_slice %arg11[%run_scoped3A_53, %dma_start3A_113, %dma_start3A_114] : memref<2x64x128xf32, #tpu.memory_space<vmem>> -> memref<1x64x128xf32, #tpu.memory_space<vmem>>
      %dma_start3A_116 = tpu.memref_squeeze %dma_start3A_115 : memref<1x64x128xf32, #tpu.memory_space<vmem>> -> memref<64x128xf32, #tpu.memory_space<vmem>>
      tpu.enqueue_dma source(%dma_start3A_116 : memref<64x128xf32, #tpu.memory_space<vmem>>) target(%dma_start3A_112 : memref<64x128xf32, #tpu.memory_space<vmem_shared>>) target_semaphore(%run_scoped3A_104 : memref<!tpu.dma_semaphore, #tpu.memory_space<semaphore_mem>>)
      %dma_wait3A_117 = arith.constant 0 : i32
      %dma_wait3A_118 = arith.constant 0 : i32
      %dma_wait3A_119 = tpu.memref_slice %arg11[%run_scoped3A_53, %dma_wait3A_117, %dma_wait3A_118] : memref<2x64x128xf32, #tpu.memory_space<vmem>> -> memref<1x64x128xf32, #tpu.memory_space<vmem>>
      %dma_wait3A_120 = tpu.memref_squeeze %dma_wait3A_119 : memref<1x64x128xf32, #tpu.memory_space<vmem>> -> memref<64x128xf32, #tpu.memory_space<vmem>>
      %dma_wait3A_121 = arith.constant 0 : i32
      %dma_wait3A_122 = tpu.memref_slice %arg12[%add3A_52, %dma_wait3A_121] : memref<10112x128xf32, #tpu.memory_space<vmem_shared>> -> memref<64x128xf32, #tpu.memory_space<vmem_shared>>
      %dma_wait3A_123 = arith.constant 0 : i32
      %dma_wait3A_124 = tpu.memref_slice %arg12[%add3A_52, %dma_wait3A_123] : memref<10112x128xf32, #tpu.memory_space<vmem_shared>> -> memref<64x128xf32, #tpu.memory_space<vmem_shared>>
      %dma_wait3A_125 = arith.constant 0 : i32
      %dma_wait3A_126 = arith.constant 0 : i32
      %dma_wait3A_127 = tpu.memref_slice %arg11[%run_scoped3A_53, %dma_wait3A_125, %dma_wait3A_126] : memref<2x64x128xf32, #tpu.memory_space<vmem>> -> memref<1x64x128xf32, #tpu.memory_space<vmem>>
      %dma_wait3A_128 = tpu.memref_squeeze %dma_wait3A_127 : memref<1x64x128xf32, #tpu.memory_space<vmem>> -> memref<64x128xf32, #tpu.memory_space<vmem>>
      tpu.wait_dma2 semaphore(%run_scoped3A_104 : memref<!tpu.dma_semaphore, #tpu.memory_space<semaphore_mem>>) src(%dma_wait3A_128 : memref<64x128xf32, #tpu.memory_space<vmem>>) dst(%dma_wait3A_124 : memref<64x128xf32, #tpu.memory_space<vmem_shared>>)
      tpu.yield
    }) : () -> ()
    %mul3A_54 = arith.constant 632 : i32
    %mul3A_55 = arith.muli %arg1, %mul3A_54 : i32
    %add3A_56 = arith.constant 512 : i32
    %add3A_57 = arith.addi %mul3A_55, %add3A_56 : i32
    %run_scoped3A_58 = arith.constant 0 : i32
    "tpu.region"() ({
      %run_scoped3A_104 = tpu.sem_alloc : memref<!tpu.dma_semaphore, #tpu.memory_space<semaphore_mem>>
      %dma_start3A_105 = arith.constant 0 : i32
      %dma_start3A_106 = arith.constant 0 : i32
      %dma_start3A_107 = tpu.memref_slice %arg11[%run_scoped3A_58, %dma_start3A_105, %dma_start3A_106] : memref<2x64x128xf32, #tpu.memory_space<vmem>> -> memref<1x64x128xf32, #tpu.memory_space<vmem>>
      %dma_start3A_108 = tpu.memref_squeeze %dma_start3A_107 : memref<1x64x128xf32, #tpu.memory_space<vmem>> -> memref<64x128xf32, #tpu.memory_space<vmem>>
      %dma_start3A_109 = arith.constant 0 : i32
      %dma_start3A_110 = tpu.memref_slice %arg12[%add3A_57, %dma_start3A_109] : memref<10112x128xf32, #tpu.memory_space<vmem_shared>> -> memref<64x128xf32, #tpu.memory_space<vmem_shared>>
      %dma_start3A_111 = arith.constant 0 : i32
      %dma_start3A_112 = tpu.memref_slice %arg12[%add3A_57, %dma_start3A_111] : memref<10112x128xf32, #tpu.memory_space<vmem_shared>> -> memref<64x128xf32, #tpu.memory_space<vmem_shared>>
      %dma_start3A_113 = arith.constant 0 : i32
      %dma_start3A_114 = arith.constant 0 : i32
      %dma_start3A_115 = tpu.memref_slice %arg11[%run_scoped3A_58, %dma_start3A_113, %dma_start3A_114] : memref<2x64x128xf32, #tpu.memory_space<vmem>> -> memref<1x64x128xf32, #tpu.memory_space<vmem>>
      %dma_start3A_116 = tpu.memref_squeeze %dma_start3A_115 : memref<1x64x128xf32, #tpu.memory_space<vmem>> -> memref<64x128xf32, #tpu.memory_space<vmem>>
      tpu.enqueue_dma source(%dma_start3A_116 : memref<64x128xf32, #tpu.memory_space<vmem>>) target(%dma_start3A_112 : memref<64x128xf32, #tpu.memory_space<vmem_shared>>) target_semaphore(%run_scoped3A_104 : memref<!tpu.dma_semaphore, #tpu.memory_space<semaphore_mem>>)
      %dma_wait3A_117 = arith.constant 0 : i32
      %dma_wait3A_118 = arith.constant 0 : i32
      %dma_wait3A_119 = tpu.memref_slice %arg11[%run_scoped3A_58, %dma_wait3A_117, %dma_wait3A_118] : memref<2x64x128xf32, #tpu.memory_space<vmem>> -> memref<1x64x128xf32, #tpu.memory_space<vmem>>
      %dma_wait3A_120 = tpu.memref_squeeze %dma_wait3A_119 : memref<1x64x128xf32, #tpu.memory_space<vmem>> -> memref<64x128xf32, #tpu.memory_space<vmem>>
      %dma_wait3A_121 = arith.constant 0 : i32
      %dma_wait3A_122 = tpu.memref_slice %arg12[%add3A_57, %dma_wait3A_121] : memref<10112x128xf32, #tpu.memory_space<vmem_shared>> -> memref<64x128xf32, #tpu.memory_space<vmem_shared>>
      %dma_wait3A_123 = arith.constant 0 : i32
      %dma_wait3A_124 = tpu.memref_slice %arg12[%add3A_57, %dma_wait3A_123] : memref<10112x128xf32, #tpu.memory_space<vmem_shared>> -> memref<64x128xf32, #tpu.memory_space<vmem_shared>>
      %dma_wait3A_125 = arith.constant 0 : i32
      %dma_wait3A_126 = arith.constant 0 : i32
      %dma_wait3A_127 = tpu.memref_slice %arg11[%run_scoped3A_58, %dma_wait3A_125, %dma_wait3A_126] : memref<2x64x128xf32, #tpu.memory_space<vmem>> -> memref<1x64x128xf32, #tpu.memory_space<vmem>>
      %dma_wait3A_128 = tpu.memref_squeeze %dma_wait3A_127 : memref<1x64x128xf32, #tpu.memory_space<vmem>> -> memref<64x128xf32, #tpu.memory_space<vmem>>
      tpu.wait_dma2 semaphore(%run_scoped3A_104 : memref<!tpu.dma_semaphore, #tpu.memory_space<semaphore_mem>>) src(%dma_wait3A_128 : memref<64x128xf32, #tpu.memory_space<vmem>>) dst(%dma_wait3A_124 : memref<64x128xf32, #tpu.memory_space<vmem_shared>>)
      tpu.yield
    }) : () -> ()
    %mul3A_59 = arith.constant 632 : i32
    %mul3A_60 = arith.muli %arg1, %mul3A_59 : i32
    %add3A_61 = arith.constant 576 : i32
    %add3A_62 = arith.addi %mul3A_60, %add3A_61 : i32
    %run_scoped3A_63 = arith.constant 0 : i32
    "tpu.region"() ({
      %run_scoped3A_104 = tpu.sem_alloc : memref<!tpu.dma_semaphore, #tpu.memory_space<semaphore_mem>>
      %dma_start3A_105 = arith.constant 0 : i32
      %dma_start3A_106 = arith.constant 0 : i32
      %dma_start3A_107 = tpu.memref_slice %arg11[%run_scoped3A_63, %dma_start3A_105, %dma_start3A_106] : memref<2x64x128xf32, #tpu.memory_space<vmem>> -> memref<1x64x128xf32, #tpu.memory_space<vmem>>
      %dma_start3A_108 = tpu.memref_squeeze %dma_start3A_107 : memref<1x64x128xf32, #tpu.memory_space<vmem>> -> memref<64x128xf32, #tpu.memory_space<vmem>>
      %dma_start3A_109 = arith.constant 0 : i32
      %dma_start3A_110 = arith.constant 0 : i32
      %dma_start3A_111 = tpu.memref_slice %dma_start3A_108[%dma_start3A_109, %dma_start3A_110] : memref<64x128xf32, #tpu.memory_space<vmem>> -> memref<56x128xf32, #tpu.memory_space<vmem>>
      %dma_start3A_112 = arith.constant 0 : i32
      %dma_start3A_113 = tpu.memref_slice %arg12[%add3A_62, %dma_start3A_112] : memref<10112x128xf32, #tpu.memory_space<vmem_shared>> -> memref<56x128xf32, #tpu.memory_space<vmem_shared>>
      %dma_start3A_114 = arith.constant 0 : i32
      %dma_start3A_115 = tpu.memref_slice %arg12[%add3A_62, %dma_start3A_114] : memref<10112x128xf32, #tpu.memory_space<vmem_shared>> -> memref<56x128xf32, #tpu.memory_space<vmem_shared>>
      %dma_start3A_116 = arith.constant 0 : i32
      %dma_start3A_117 = arith.constant 0 : i32
      %dma_start3A_118 = tpu.memref_slice %arg11[%run_scoped3A_63, %dma_start3A_116, %dma_start3A_117] : memref<2x64x128xf32, #tpu.memory_space<vmem>> -> memref<1x64x128xf32, #tpu.memory_space<vmem>>
      %dma_start3A_119 = tpu.memref_squeeze %dma_start3A_118 : memref<1x64x128xf32, #tpu.memory_space<vmem>> -> memref<64x128xf32, #tpu.memory_space<vmem>>
      %dma_start3A_120 = arith.constant 0 : i32
      %dma_start3A_121 = arith.constant 0 : i32
      %dma_start3A_122 = tpu.memref_slice %dma_start3A_119[%dma_start3A_120, %dma_start3A_121] : memref<64x128xf32, #tpu.memory_space<vmem>> -> memref<56x128xf32, #tpu.memory_space<vmem>>
      tpu.enqueue_dma source(%dma_start3A_122 : memref<56x128xf32, #tpu.memory_space<vmem>>) target(%dma_start3A_115 : memref<56x128xf32, #tpu.memory_space<vmem_shared>>) target_semaphore(%run_scoped3A_104 : memref<!tpu.dma_semaphore, #tpu.memory_space<semaphore_mem>>)
      %dma_wait3A_123 = arith.constant 0 : i32
      %dma_wait3A_124 = arith.constant 0 : i32
      %dma_wait3A_125 = tpu.memref_slice %arg11[%run_scoped3A_63, %dma_wait3A_123, %dma_wait3A_124] : memref<2x64x128xf32, #tpu.memory_space<vmem>> -> memref<1x64x128xf32, #tpu.memory_space<vmem>>
      %dma_wait3A_126 = tpu.memref_squeeze %dma_wait3A_125 : memref<1x64x128xf32, #tpu.memory_space<vmem>> -> memref<64x128xf32, #tpu.memory_space<vmem>>
      %dma_wait3A_127 = arith.constant 0 : i32
      %dma_wait3A_128 = arith.constant 0 : i32
      %dma_wait3A_129 = tpu.memref_slice %dma_wait3A_126[%dma_wait3A_127, %dma_wait3A_128] : memref<64x128xf32, #tpu.memory_space<vmem>> -> memref<56x128xf32, #tpu.memory_space<vmem>>
      %dma_wait3A_130 = arith.constant 0 : i32
      %dma_wait3A_131 = tpu.memref_slice %arg12[%add3A_62, %dma_wait3A_130] : memref<10112x128xf32, #tpu.memory_space<vmem_shared>> -> memref<56x128xf32, #tpu.memory_space<vmem_shared>>
      %dma_wait3A_132 = arith.constant 0 : i32
      %dma_wait3A_133 = tpu.memref_slice %arg12[%add3A_62, %dma_wait3A_132] : memref<10112x128xf32, #tpu.memory_space<vmem_shared>> -> memref<56x128xf32, #tpu.memory_space<vmem_shared>>
      %dma_wait3A_134 = arith.constant 0 : i32
      %dma_wait3A_135 = arith.constant 0 : i32
      %dma_wait3A_136 = tpu.memref_slice %arg11[%run_scoped3A_63, %dma_wait3A_134, %dma_wait3A_135] : memref<2x64x128xf32, #tpu.memory_space<vmem>> -> memref<1x64x128xf32, #tpu.memory_space<vmem>>
      %dma_wait3A_137 = tpu.memref_squeeze %dma_wait3A_136 : memref<1x64x128xf32, #tpu.memory_space<vmem>> -> memref<64x128xf32, #tpu.memory_space<vmem>>
      %dma_wait3A_138 = arith.constant 0 : i32
      %dma_wait3A_139 = arith.constant 0 : i32
      %dma_wait3A_140 = tpu.memref_slice %dma_wait3A_137[%dma_wait3A_138, %dma_wait3A_139] : memref<64x128xf32, #tpu.memory_space<vmem>> -> memref<56x128xf32, #tpu.memory_space<vmem>>
      tpu.wait_dma2 semaphore(%run_scoped3A_104 : memref<!tpu.dma_semaphore, #tpu.memory_space<semaphore_mem>>) src(%dma_wait3A_140 : memref<56x128xf32, #tpu.memory_space<vmem>>) dst(%dma_wait3A_133 : memref<56x128xf32, #tpu.memory_space<vmem_shared>>)
      tpu.yield
    }) : () -> ()
    %barrier3A = arith.constant 0 : index
    tpu.barrier barrier_id(%barrier3A)
    %run_scoped3A_64 = arith.constant 0 : i32
    "tpu.region"() ({
      %run_scoped3A_104 = tpu.sem_alloc : memref<!tpu.dma_semaphore, #tpu.memory_space<semaphore_mem>>
      %dma_start3A_105 = arith.constant 0 : i32
      %dma_start3A_106 = arith.constant 0 : i32
      %dma_start3A_107 = tpu.memref_slice %arg7[%run_scoped3A_64, %dma_start3A_105, %dma_start3A_106] : memref<2x8x64xi32, #tpu.memory_space<vmem>> -> memref<1x8x64xi32, #tpu.memory_space<vmem>>
      %dma_start3A_108 = tpu.memref_squeeze %dma_start3A_107 : memref<1x8x64xi32, #tpu.memory_space<vmem>> -> memref<8x64xi32, #tpu.memory_space<vmem>>
      %dma_start3A_109 = arith.constant 0 : i32
      %dma_start3A_110 = tpu.memref_slice %arg3[%select_n3A_8, %dma_start3A_109] : memref<5120x64xi32, #tpu.memory_space<hbm>> -> memref<8x64xi32, #tpu.memory_space<hbm>>
      %dma_start3A_111 = arith.constant 0 : i32
      %dma_start3A_112 = arith.constant 0 : i32
      %dma_start3A_113 = tpu.memref_slice %arg7[%run_scoped3A_64, %dma_start3A_111, %dma_start3A_112] : memref<2x8x64xi32, #tpu.memory_space<vmem>> -> memref<1x8x64xi32, #tpu.memory_space<vmem>>
      %dma_start3A_114 = tpu.memref_squeeze %dma_start3A_113 : memref<1x8x64xi32, #tpu.memory_space<vmem>> -> memref<8x64xi32, #tpu.memory_space<vmem>>
      %dma_start3A_115 = arith.constant 0 : i32
      %dma_start3A_116 = tpu.memref_slice %arg3[%select_n3A_8, %dma_start3A_115] : memref<5120x64xi32, #tpu.memory_space<hbm>> -> memref<8x64xi32, #tpu.memory_space<hbm>>
      tpu.enqueue_dma source(%dma_start3A_116 : memref<8x64xi32, #tpu.memory_space<hbm>>) target(%dma_start3A_114 : memref<8x64xi32, #tpu.memory_space<vmem>>) target_semaphore(%run_scoped3A_104 : memref<!tpu.dma_semaphore, #tpu.memory_space<semaphore_mem>>)
      %dma_wait3A_117 = arith.constant 0 : i32
      %dma_wait3A_118 = arith.constant 0 : i32
      %dma_wait3A_119 = tpu.memref_slice %arg7[%run_scoped3A_64, %dma_wait3A_117, %dma_wait3A_118] : memref<2x8x64xi32, #tpu.memory_space<vmem>> -> memref<1x8x64xi32, #tpu.memory_space<vmem>>
      %dma_wait3A_120 = tpu.memref_squeeze %dma_wait3A_119 : memref<1x8x64xi32, #tpu.memory_space<vmem>> -> memref<8x64xi32, #tpu.memory_space<vmem>>
      %dma_wait3A_121 = arith.constant 0 : i32
      %dma_wait3A_122 = tpu.memref_slice %arg3[%select_n3A_8, %dma_wait3A_121] : memref<5120x64xi32, #tpu.memory_space<hbm>> -> memref<8x64xi32, #tpu.memory_space<hbm>>
      %dma_wait3A_123 = arith.constant 0 : i32
      %dma_wait3A_124 = arith.constant 0 : i32
      %dma_wait3A_125 = tpu.memref_slice %arg7[%run_scoped3A_64, %dma_wait3A_123, %dma_wait3A_124] : memref<2x8x64xi32, #tpu.memory_space<vmem>> -> memref<1x8x64xi32, #tpu.memory_space<vmem>>
      %dma_wait3A_126 = tpu.memref_squeeze %dma_wait3A_125 : memref<1x8x64xi32, #tpu.memory_space<vmem>> -> memref<8x64xi32, #tpu.memory_space<vmem>>
      %dma_wait3A_127 = arith.constant 0 : i32
      %dma_wait3A_128 = tpu.memref_slice %arg3[%select_n3A_8, %dma_wait3A_127] : memref<5120x64xi32, #tpu.memory_space<hbm>> -> memref<8x64xi32, #tpu.memory_space<hbm>>
      tpu.wait_dma2 semaphore(%run_scoped3A_104 : memref<!tpu.dma_semaphore, #tpu.memory_space<semaphore_mem>>) src(%dma_wait3A_128 : memref<8x64xi32, #tpu.memory_space<hbm>>) dst(%dma_wait3A_126 : memref<8x64xi32, #tpu.memory_space<vmem>>)
      tpu.yield
    }) : () -> ()
    "tpu.region"() ({
      %run_scoped3A_104 = tpu.sem_alloc : memref<!tpu.dma_semaphore, #tpu.memory_space<semaphore_mem>>
      %dma_start3A_105 = arith.constant 0 : i32
      %dma_start3A_106 = tpu.memref_slice %arg4[%select_n3A_8, %dma_start3A_105] : memref<5120x64xi32, #tpu.memory_space<hbm>> -> memref<8x64xi32, #tpu.memory_space<hbm>>
      %dma_start3A_107 = arith.constant 0 : i32
      %dma_start3A_108 = tpu.memref_slice %arg4[%select_n3A_8, %dma_start3A_107] : memref<5120x64xi32, #tpu.memory_space<hbm>> -> memref<8x64xi32, #tpu.memory_space<hbm>>
      tpu.enqueue_dma source(%dma_start3A_108 : memref<8x64xi32, #tpu.memory_space<hbm>>) target(%arg8 : memref<8x64xi32, #tpu.memory_space<vmem>>) target_semaphore(%run_scoped3A_104 : memref<!tpu.dma_semaphore, #tpu.memory_space<semaphore_mem>>)
      %dma_wait3A_109 = arith.constant 0 : i32
      %dma_wait3A_110 = tpu.memref_slice %arg4[%select_n3A_8, %dma_wait3A_109] : memref<5120x64xi32, #tpu.memory_space<hbm>> -> memref<8x64xi32, #tpu.memory_space<hbm>>
      %dma_wait3A_111 = arith.constant 0 : i32
      %dma_wait3A_112 = tpu.memref_slice %arg4[%select_n3A_8, %dma_wait3A_111] : memref<5120x64xi32, #tpu.memory_space<hbm>> -> memref<8x64xi32, #tpu.memory_space<hbm>>
      tpu.wait_dma2 semaphore(%run_scoped3A_104 : memref<!tpu.dma_semaphore, #tpu.memory_space<semaphore_mem>>) src(%dma_wait3A_112 : memref<8x64xi32, #tpu.memory_space<hbm>>) dst(%arg8 : memref<8x64xi32, #tpu.memory_space<vmem>>)
      tpu.yield
    }) : () -> ()
    "tpu.region"() ({
      %run_scoped3A_104 = tpu.sem_alloc : memref<!tpu.dma_semaphore, #tpu.memory_space<semaphore_mem>>
      %dma_start3A_105 = arith.constant 0 : i32
      %dma_start3A_106 = tpu.memref_slice %arg5[%select_n3A_8, %dma_start3A_105] : memref<5120x64xf32, #tpu.memory_space<hbm>> -> memref<8x64xf32, #tpu.memory_space<hbm>>
      %dma_start3A_107 = arith.constant 0 : i32
      %dma_start3A_108 = tpu.memref_slice %arg5[%select_n3A_8, %dma_start3A_107] : memref<5120x64xf32, #tpu.memory_space<hbm>> -> memref<8x64xf32, #tpu.memory_space<hbm>>
      tpu.enqueue_dma source(%dma_start3A_108 : memref<8x64xf32, #tpu.memory_space<hbm>>) target(%arg9 : memref<8x64xf32, #tpu.memory_space<vmem>>) target_semaphore(%run_scoped3A_104 : memref<!tpu.dma_semaphore, #tpu.memory_space<semaphore_mem>>)
      %dma_wait3A_109 = arith.constant 0 : i32
      %dma_wait3A_110 = tpu.memref_slice %arg5[%select_n3A_8, %dma_wait3A_109] : memref<5120x64xf32, #tpu.memory_space<hbm>> -> memref<8x64xf32, #tpu.memory_space<hbm>>
      %dma_wait3A_111 = arith.constant 0 : i32
      %dma_wait3A_112 = tpu.memref_slice %arg5[%select_n3A_8, %dma_wait3A_111] : memref<5120x64xf32, #tpu.memory_space<hbm>> -> memref<8x64xf32, #tpu.memory_space<hbm>>
      tpu.wait_dma2 semaphore(%run_scoped3A_104 : memref<!tpu.dma_semaphore, #tpu.memory_space<semaphore_mem>>) src(%dma_wait3A_112 : memref<8x64xf32, #tpu.memory_space<hbm>>) dst(%arg9 : memref<8x64xf32, #tpu.memory_space<vmem>>)
      tpu.yield
    }) : () -> ()
    %dma_start3A = arith.constant 0 : i32
    %dma_start3A_65 = arith.constant 0 : i32
    %dma_start3A_66 = arith.constant 0 : i32
    %dma_start3A_67 = arith.constant 0 : i32
    %dma_start3A_68 = arith.constant 0 : i32
    %dma_start3A_69 = tpu.memref_slice %arg10[%dma_start3A_66, %dma_start3A_67, %dma_start3A_68] : memref<2x64x64xi32, #tpu.memory_space<vmem>> -> memref<1x64x64xi32, #tpu.memory_space<vmem>>
    %dma_start3A_70 = tpu.memref_squeeze %dma_start3A_69 : memref<1x64x64xi32, #tpu.memory_space<vmem>> -> memref<64x64xi32, #tpu.memory_space<vmem>>
    %dma_start3A_71 = arith.constant 0 : i32
    %dma_start3A_72 = tpu.memref_slice %arg7[%dma_start3A, %dma_start3A_65, %dma_start3A_71] : memref<2x8x64xi32, #tpu.memory_space<vmem>> -> memref<1x1x64xi32, #tpu.memory_space<vmem>>
    %dma_start3A_73 = tpu.memref_squeeze %dma_start3A_72 : memref<1x1x64xi32, #tpu.memory_space<vmem>> -> memref<64xi32, #tpu.memory_space<vmem>>
    %dma_start3A_74 = arith.constant 0 : i32
    %dma_start3A_75 = arith.constant 0 : i32
    %dma_start3A_76 = tpu.memref_slice %arg2[%dma_start3A_74, %dma_start3A_75] : memref<80000x64xi32, #tpu.memory_space<hbm>> -> memref<80000x64xi32, #tpu.memory_space<hbm>>
    tpu.enqueue_indirect_dma source(%dma_start3A_76 : memref<80000x64xi32, #tpu.memory_space<hbm>>) target(%dma_start3A_70 : memref<64x64xi32, #tpu.memory_space<vmem>>) offsets(%dma_start3A_73 : memref<64xi32, #tpu.memory_space<vmem>>) semaphore(%arg13 : memref<!tpu.dma_semaphore, #tpu.memory_space<semaphore_mem>>)
    %while3A = arith.constant 0 : i32
    %while3A_77 = arith.constant 0 : i32
    %while3A_78 = arith.subi %select_n3A, %while3A : i32
    %while3A_79 = arith.addi %while3A, %while3A_78 : i32
    %while3A_80 = arith.constant 1 : i32
    %while3A_81 = arith.divsi %while3A_78, %while3A_80 : i32
    %while3A_82 = arith.muli %while3A_81, %while3A_80 : i32
    %while3A_83 = arith.addi %while3A, %while3A_82 : i32
    %while3A_84 = arith.constant 1 : i32
    %while3A_85 = scf.for %while3A_104 = %while3A to %while3A_83 step %while3A_84 iter_args(%while3A_105 = %while3A_77) -> (i32)  : i32 {
      %jit3A_106 = arith.constant 2 : i32
      %eq3A_107 = arith.constant 0 : i32
      %eq3A_108 = arith.cmpi eq, %jit3A_106, %eq3A_107 : i32
      %jit3A_109 = arith.constant 1 : i32
      %select_n3A_110 = arith.select %eq3A_108, %jit3A_109, %jit3A_106 : i32
      %rem3A = arith.remsi %while3A_104, %select_n3A_110 : i32
      %ne3A = arith.constant 0 : i32
      %ne3A_111 = arith.cmpi ne, %rem3A, %ne3A : i32
      %lt3A = arith.constant 0 : i32
      %lt3A_112 = arith.cmpi slt, %rem3A, %lt3A : i32
      %lt3A_113 = arith.constant 0 : i32
      %lt3A_114 = arith.cmpi slt, %select_n3A_110, %lt3A_113 : i32
      %ne3A_115 = arith.xori %lt3A_112, %lt3A_114 : i1
      %and3A = arith.andi %ne3A_115, %ne3A_111 : i1
      %add3A_116 = arith.addi %rem3A, %select_n3A_110 : i32
      %select_n3A_117 = arith.select %and3A, %add3A_116, %rem3A : i32
      %add3A_118 = arith.constant 1 : i32
      %add3A_119 = arith.addi %while3A_104, %add3A_118 : i32
      %jit3A_120 = arith.constant 2 : i32
      %eq3A_121 = arith.constant 0 : i32
      %eq3A_122 = arith.cmpi eq, %jit3A_120, %eq3A_121 : i32
      %jit3A_123 = arith.constant 1 : i32
      %select_n3A_124 = arith.select %eq3A_122, %jit3A_123, %jit3A_120 : i32
      %rem3A_125 = arith.remsi %add3A_119, %select_n3A_124 : i32
      %ne3A_126 = arith.constant 0 : i32
      %ne3A_127 = arith.cmpi ne, %rem3A_125, %ne3A_126 : i32
      %lt3A_128 = arith.constant 0 : i32
      %lt3A_129 = arith.cmpi slt, %rem3A_125, %lt3A_128 : i32
      %lt3A_130 = arith.constant 0 : i32
      %lt3A_131 = arith.cmpi slt, %select_n3A_124, %lt3A_130 : i32
      %ne3A_132 = arith.xori %lt3A_129, %lt3A_131 : i1
      %and3A_133 = arith.andi %ne3A_132, %ne3A_127 : i1
      %add3A_134 = arith.addi %rem3A_125, %select_n3A_124 : i32
      %select_n3A_135 = arith.select %and3A_133, %add3A_134, %rem3A_125 : i32
      %jit3A_136 = arith.constant 8 : i32
      %eq3A_137 = arith.constant 0 : i32
      %eq3A_138 = arith.cmpi eq, %jit3A_136, %eq3A_137 : i32
      %jit3A_139 = arith.constant 1 : i32
      %select_n3A_140 = arith.select %eq3A_138, %jit3A_139, %jit3A_136 : i32
      %rem3A_141 = arith.remsi %while3A_104, %select_n3A_140 : i32
      %ne3A_142 = arith.constant 0 : i32
      %ne3A_143 = arith.cmpi ne, %rem3A_141, %ne3A_142 : i32
      %lt3A_144 = arith.constant 0 : i32
      %lt3A_145 = arith.cmpi slt, %rem3A_141, %lt3A_144 : i32
      %lt3A_146 = arith.constant 0 : i32
      %lt3A_147 = arith.cmpi slt, %select_n3A_140, %lt3A_146 : i32
      %ne3A_148 = arith.xori %lt3A_145, %lt3A_147 : i1
      %and3A_149 = arith.andi %ne3A_148, %ne3A_143 : i1
      %add3A_150 = arith.addi %rem3A_141, %select_n3A_140 : i32
      %select_n3A_151 = arith.select %and3A_149, %add3A_150, %rem3A_141 : i32
      %jit3A_152 = arith.constant 8 : i32
      %div3A = arith.divsi %while3A_104, %jit3A_152 : i32
      %sign3A = arith.constant 0 : i32
      %sign3A_153 = arith.cmpi sgt, %while3A_104, %sign3A : i32
      %sign3A_154 = arith.extui %sign3A_153 : i1 to i32
      %sign3A_155 = arith.constant 0 : i32
      %sign3A_156 = arith.cmpi slt, %while3A_104, %sign3A_155 : i32
      %sign3A_157 = arith.extui %sign3A_156 : i1 to i32
      %sign3A_158 = arith.subi %sign3A_154, %sign3A_157 : i32
      %sign3A_159 = arith.constant 0 : i32
      %sign3A_160 = arith.cmpi sgt, %jit3A_152, %sign3A_159 : i32
      %sign3A_161 = arith.extui %sign3A_160 : i1 to i32
      %sign3A_162 = arith.constant 0 : i32
      %sign3A_163 = arith.cmpi slt, %jit3A_152, %sign3A_162 : i32
      %sign3A_164 = arith.extui %sign3A_163 : i1 to i32
      %sign3A_165 = arith.subi %sign3A_161, %sign3A_164 : i32
      %ne3A_166 = arith.cmpi ne, %sign3A_158, %sign3A_165 : i32
      %rem3A_167 = arith.remsi %while3A_104, %jit3A_152 : i32
      %ne3A_168 = arith.constant 0 : i32
      %ne3A_169 = arith.cmpi ne, %rem3A_167, %ne3A_168 : i32
      %and3A_170 = arith.andi %ne3A_166, %ne3A_169 : i1
      %sub3A = arith.constant 1 : i32
      %sub3A_171 = arith.subi %div3A, %sub3A : i32
      %select_n3A_172 = arith.select %and3A_170, %sub3A_171, %div3A : i32
      %jit3A_173 = arith.constant 2 : i32
      %eq3A_174 = arith.constant 0 : i32
      %eq3A_175 = arith.cmpi eq, %jit3A_173, %eq3A_174 : i32
      %jit3A_176 = arith.constant 1 : i32
      %select_n3A_177 = arith.select %eq3A_175, %jit3A_176, %jit3A_173 : i32
      %rem3A_178 = arith.remsi %select_n3A_172, %select_n3A_177 : i32
      %ne3A_179 = arith.constant 0 : i32
      %ne3A_180 = arith.cmpi ne, %rem3A_178, %ne3A_179 : i32
      %lt3A_181 = arith.constant 0 : i32
      %lt3A_182 = arith.cmpi slt, %rem3A_178, %lt3A_181 : i32
      %lt3A_183 = arith.constant 0 : i32
      %lt3A_184 = arith.cmpi slt, %select_n3A_177, %lt3A_183 : i32
      %ne3A_185 = arith.xori %lt3A_182, %lt3A_184 : i1
      %and3A_186 = arith.andi %ne3A_185, %ne3A_180 : i1
      %add3A_187 = arith.addi %rem3A_178, %select_n3A_177 : i32
      %select_n3A_188 = arith.select %and3A_186, %add3A_187, %rem3A_178 : i32
      %dma_wait3A_189 = arith.constant 0 : i32
      %dma_wait3A_190 = arith.constant 0 : i32
      %dma_wait3A_191 = tpu.memref_slice %arg10[%select_n3A_117, %dma_wait3A_189, %dma_wait3A_190] : memref<2x64x64xi32, #tpu.memory_space<vmem>> -> memref<1x64x64xi32, #tpu.memory_space<vmem>>
      %dma_wait3A_192 = tpu.memref_squeeze %dma_wait3A_191 : memref<1x64x64xi32, #tpu.memory_space<vmem>> -> memref<64x64xi32, #tpu.memory_space<vmem>>
      %dma_wait3A_193 = arith.constant 0 : i32
      %dma_wait3A_194 = tpu.memref_slice %arg7[%select_n3A_188, %select_n3A_151, %dma_wait3A_193] : memref<2x8x64xi32, #tpu.memory_space<vmem>> -> memref<1x1x64xi32, #tpu.memory_space<vmem>>
      %dma_wait3A_195 = tpu.memref_squeeze %dma_wait3A_194 : memref<1x1x64xi32, #tpu.memory_space<vmem>> -> memref<64xi32, #tpu.memory_space<vmem>>
      %dma_wait3A_196 = arith.constant 0 : i32
      %dma_wait3A_197 = arith.constant 0 : i32
      %dma_wait3A_198 = tpu.memref_slice %arg2[%dma_wait3A_196, %dma_wait3A_197] : memref<80000x64xi32, #tpu.memory_space<hbm>> -> memref<80000x64xi32, #tpu.memory_space<hbm>>
      tpu.wait_indirect_dma semaphore(%arg13 : memref<!tpu.dma_semaphore, #tpu.memory_space<semaphore_mem>>) src(%dma_wait3A_198 : memref<80000x64xi32, #tpu.memory_space<hbm>>) dst(%dma_wait3A_192 : memref<64x64xi32, #tpu.memory_space<vmem>>)
      %gt3A = arith.constant 0 : i32
      %gt3A_199 = arith.cmpi sgt, %while3A_104, %gt3A : i32
      %convert_element_type3A = arith.extui %gt3A_199 : i1 to i32
      %cond3A = arith.constant 0 : i32
      %cond3A_200 = arith.cmpi ne, %convert_element_type3A, %cond3A : i32
      scf.if %cond3A_200 {
        %dma_wait3A_269 = arith.constant 0 : i32
        %dma_wait3A_270 = arith.constant 0 : i32
        %dma_wait3A_271 = arith.constant 0 : i32
        %dma_wait3A_272 = tpu.memref_slice %arg11[%select_n3A_135, %dma_wait3A_270, %dma_wait3A_271] : memref<2x64x128xf32, #tpu.memory_space<vmem>> -> memref<1x64x128xf32, #tpu.memory_space<vmem>>
        %dma_wait3A_273 = tpu.memref_squeeze %dma_wait3A_272 : memref<1x64x128xf32, #tpu.memory_space<vmem>> -> memref<64x128xf32, #tpu.memory_space<vmem>>
        %dma_wait3A_274 = arith.constant 0 : i32
        %dma_wait3A_275 = tpu.memref_slice %arg8[%dma_wait3A_269, %dma_wait3A_274] : memref<8x64xi32, #tpu.memory_space<vmem>> -> memref<1x64xi32, #tpu.memory_space<vmem>>
        %dma_wait3A_276 = tpu.memref_squeeze %dma_wait3A_275 : memref<1x64xi32, #tpu.memory_space<vmem>> -> memref<64xi32, #tpu.memory_space<vmem>>
        %dma_wait3A_277 = arith.constant 0 : i32
        %dma_wait3A_278 = arith.constant 0 : i32
        %dma_wait3A_279 = tpu.memref_slice %arg12[%dma_wait3A_277, %dma_wait3A_278] : memref<10112x128xf32, #tpu.memory_space<vmem_shared>> -> memref<10112x128xf32, #tpu.memory_space<vmem_shared>>
        tpu.wait_indirect_dma semaphore(%arg14 : memref<!tpu.dma_semaphore, #tpu.memory_space<semaphore_mem>>) src(%dma_wait3A_273 : memref<64x128xf32, #tpu.memory_space<vmem>>) dst(%dma_wait3A_279 : memref<10112x128xf32, #tpu.memory_space<vmem_shared>>)
      } else {
      }
      %jit3A_201 = arith.constant 8 : i32
      %eq3A_202 = arith.constant 0 : i32
      %eq3A_203 = arith.cmpi eq, %jit3A_201, %eq3A_202 : i32
      %jit3A_204 = arith.constant 1 : i32
      %select_n3A_205 = arith.select %eq3A_203, %jit3A_204, %jit3A_201 : i32
      %rem3A_206 = arith.remsi %while3A_104, %select_n3A_205 : i32
      %ne3A_207 = arith.constant 0 : i32
      %ne3A_208 = arith.cmpi ne, %rem3A_206, %ne3A_207 : i32
      %lt3A_209 = arith.constant 0 : i32
      %lt3A_210 = arith.cmpi slt, %rem3A_206, %lt3A_209 : i32
      %lt3A_211 = arith.constant 0 : i32
      %lt3A_212 = arith.cmpi slt, %select_n3A_205, %lt3A_211 : i32
      %ne3A_213 = arith.xori %lt3A_210, %lt3A_212 : i1
      %and3A_214 = arith.andi %ne3A_213, %ne3A_208 : i1
      %add3A_215 = arith.addi %rem3A_206, %select_n3A_205 : i32
      %select_n3A_216 = arith.select %and3A_214, %add3A_215, %rem3A_206 : i32
      %eq3A_217 = arith.constant 0 : i32
      %eq3A_218 = arith.cmpi eq, %select_n3A_216, %eq3A_217 : i32
      %gt3A_219 = arith.constant 0 : i32
      %gt3A_220 = arith.cmpi sgt, %while3A_104, %gt3A_219 : i32
      %and3A_221 = arith.andi %eq3A_218, %gt3A_220 : i1
      %convert_element_type3A_222 = arith.extui %and3A_221 : i1 to i32
      %cond3A_223 = arith.constant 0 : i32
      %cond3A_224 = arith.cmpi ne, %convert_element_type3A_222, %cond3A_223 : i32
      scf.if %cond3A_224 {
        %jit3A_269 = arith.constant 8 : i32
        %div3A_270 = arith.divsi %while3A_104, %jit3A_269 : i32
        %sign3A_271 = arith.constant 0 : i32
        %sign3A_272 = arith.cmpi sgt, %while3A_104, %sign3A_271 : i32
        %sign3A_273 = arith.extui %sign3A_272 : i1 to i32
        %sign3A_274 = arith.constant 0 : i32
        %sign3A_275 = arith.cmpi slt, %while3A_104, %sign3A_274 : i32
        %sign3A_276 = arith.extui %sign3A_275 : i1 to i32
        %sign3A_277 = arith.subi %sign3A_273, %sign3A_276 : i32
        %sign3A_278 = arith.constant 0 : i32
        %sign3A_279 = arith.cmpi sgt, %jit3A_269, %sign3A_278 : i32
        %sign3A_280 = arith.extui %sign3A_279 : i1 to i32
        %sign3A_281 = arith.constant 0 : i32
        %sign3A_282 = arith.cmpi slt, %jit3A_269, %sign3A_281 : i32
        %sign3A_283 = arith.extui %sign3A_282 : i1 to i32
        %sign3A_284 = arith.subi %sign3A_280, %sign3A_283 : i32
        %ne3A_285 = arith.cmpi ne, %sign3A_277, %sign3A_284 : i32
        %rem3A_286 = arith.remsi %while3A_104, %jit3A_269 : i32
        %ne3A_287 = arith.constant 0 : i32
        %ne3A_288 = arith.cmpi ne, %rem3A_286, %ne3A_287 : i32
        %and3A_289 = arith.andi %ne3A_285, %ne3A_288 : i1
        %sub3A_290 = arith.constant 1 : i32
        %sub3A_291 = arith.subi %div3A_270, %sub3A_290 : i32
        %select_n3A_292 = arith.select %and3A_289, %sub3A_291, %div3A_270 : i32
        %mul3A_293 = arith.constant 8 : i32
        %mul3A_294 = arith.muli %select_n3A_292, %mul3A_293 : i32
        %add3A_295 = arith.addi %select_n3A_8, %mul3A_294 : i32
        "tpu.region"() ({
          %run_scoped3A_297 = tpu.sem_alloc : memref<!tpu.dma_semaphore, #tpu.memory_space<semaphore_mem>>
          %dma_start3A_298 = arith.constant 0 : i32
          %dma_start3A_299 = tpu.memref_slice %arg4[%add3A_295, %dma_start3A_298] : memref<5120x64xi32, #tpu.memory_space<hbm>> -> memref<8x64xi32, #tpu.memory_space<hbm>>
          %dma_start3A_300 = arith.constant 0 : i32
          %dma_start3A_301 = tpu.memref_slice %arg4[%add3A_295, %dma_start3A_300] : memref<5120x64xi32, #tpu.memory_space<hbm>> -> memref<8x64xi32, #tpu.memory_space<hbm>>
          tpu.enqueue_dma source(%dma_start3A_301 : memref<8x64xi32, #tpu.memory_space<hbm>>) target(%arg8 : memref<8x64xi32, #tpu.memory_space<vmem>>) target_semaphore(%run_scoped3A_297 : memref<!tpu.dma_semaphore, #tpu.memory_space<semaphore_mem>>)
          %dma_wait3A_302 = arith.constant 0 : i32
          %dma_wait3A_303 = tpu.memref_slice %arg4[%add3A_295, %dma_wait3A_302] : memref<5120x64xi32, #tpu.memory_space<hbm>> -> memref<8x64xi32, #tpu.memory_space<hbm>>
          %dma_wait3A_304 = arith.constant 0 : i32
          %dma_wait3A_305 = tpu.memref_slice %arg4[%add3A_295, %dma_wait3A_304] : memref<5120x64xi32, #tpu.memory_space<hbm>> -> memref<8x64xi32, #tpu.memory_space<hbm>>
          tpu.wait_dma2 semaphore(%run_scoped3A_297 : memref<!tpu.dma_semaphore, #tpu.memory_space<semaphore_mem>>) src(%dma_wait3A_305 : memref<8x64xi32, #tpu.memory_space<hbm>>) dst(%arg8 : memref<8x64xi32, #tpu.memory_space<vmem>>)
          tpu.yield
        }) : () -> ()
        %add3A_296 = arith.addi %select_n3A_8, %mul3A_294 : i32
        "tpu.region"() ({
          %run_scoped3A_297 = tpu.sem_alloc : memref<!tpu.dma_semaphore, #tpu.memory_space<semaphore_mem>>
          %dma_start3A_298 = arith.constant 0 : i32
          %dma_start3A_299 = tpu.memref_slice %arg5[%add3A_296, %dma_start3A_298] : memref<5120x64xf32, #tpu.memory_space<hbm>> -> memref<8x64xf32, #tpu.memory_space<hbm>>
          %dma_start3A_300 = arith.constant 0 : i32
          %dma_start3A_301 = tpu.memref_slice %arg5[%add3A_296, %dma_start3A_300] : memref<5120x64xf32, #tpu.memory_space<hbm>> -> memref<8x64xf32, #tpu.memory_space<hbm>>
          tpu.enqueue_dma source(%dma_start3A_301 : memref<8x64xf32, #tpu.memory_space<hbm>>) target(%arg9 : memref<8x64xf32, #tpu.memory_space<vmem>>) target_semaphore(%run_scoped3A_297 : memref<!tpu.dma_semaphore, #tpu.memory_space<semaphore_mem>>)
          %dma_wait3A_302 = arith.constant 0 : i32
          %dma_wait3A_303 = tpu.memref_slice %arg5[%add3A_296, %dma_wait3A_302] : memref<5120x64xf32, #tpu.memory_space<hbm>> -> memref<8x64xf32, #tpu.memory_space<hbm>>
          %dma_wait3A_304 = arith.constant 0 : i32
          %dma_wait3A_305 = tpu.memref_slice %arg5[%add3A_296, %dma_wait3A_304] : memref<5120x64xf32, #tpu.memory_space<hbm>> -> memref<8x64xf32, #tpu.memory_space<hbm>>
          tpu.wait_dma2 semaphore(%run_scoped3A_297 : memref<!tpu.dma_semaphore, #tpu.memory_space<semaphore_mem>>) src(%dma_wait3A_305 : memref<8x64xf32, #tpu.memory_space<hbm>>) dst(%arg9 : memref<8x64xf32, #tpu.memory_space<vmem>>)
          tpu.yield
        }) : () -> ()
      } else {
      }
      %jit3A_225 = arith.constant 8 : i32
      %eq3A_226 = arith.constant 0 : i32
      %eq3A_227 = arith.cmpi eq, %jit3A_225, %eq3A_226 : i32
      %jit3A_228 = arith.constant 1 : i32
      %select_n3A_229 = arith.select %eq3A_227, %jit3A_228, %jit3A_225 : i32
      %rem3A_230 = arith.remsi %while3A_104, %select_n3A_229 : i32
      %ne3A_231 = arith.constant 0 : i32
      %ne3A_232 = arith.cmpi ne, %rem3A_230, %ne3A_231 : i32
      %lt3A_233 = arith.constant 0 : i32
      %lt3A_234 = arith.cmpi slt, %rem3A_230, %lt3A_233 : i32
      %lt3A_235 = arith.constant 0 : i32
      %lt3A_236 = arith.cmpi slt, %select_n3A_229, %lt3A_235 : i32
      %ne3A_237 = arith.xori %lt3A_234, %lt3A_236 : i1
      %and3A_238 = arith.andi %ne3A_237, %ne3A_232 : i1
      %add3A_239 = arith.addi %rem3A_230, %select_n3A_229 : i32
      %select_n3A_240 = arith.select %and3A_238, %add3A_239, %rem3A_230 : i32
      %eq3A_241 = arith.constant 0 : i32
      %eq3A_242 = arith.cmpi eq, %select_n3A_240, %eq3A_241 : i32
      %add3A_243 = arith.constant 8 : i32
      %add3A_244 = arith.addi %while3A_104, %add3A_243 : i32
      %lt3A_245 = arith.cmpi slt, %add3A_244, %select_n3A : i32
      %and3A_246 = arith.andi %eq3A_242, %lt3A_245 : i1
      %convert_element_type3A_247 = arith.extui %and3A_246 : i1 to i32
      %cond3A_248 = arith.constant 0 : i32
      %cond3A_249 = arith.cmpi ne, %convert_element_type3A_247, %cond3A_248 : i32
      scf.if %cond3A_249 {
        %jit3A_269 = arith.constant 8 : i32
        %div3A_270 = arith.divsi %while3A_104, %jit3A_269 : i32
        %sign3A_271 = arith.constant 0 : i32
        %sign3A_272 = arith.cmpi sgt, %while3A_104, %sign3A_271 : i32
        %sign3A_273 = arith.extui %sign3A_272 : i1 to i32
        %sign3A_274 = arith.constant 0 : i32
        %sign3A_275 = arith.cmpi slt, %while3A_104, %sign3A_274 : i32
        %sign3A_276 = arith.extui %sign3A_275 : i1 to i32
        %sign3A_277 = arith.subi %sign3A_273, %sign3A_276 : i32
        %sign3A_278 = arith.constant 0 : i32
        %sign3A_279 = arith.cmpi sgt, %jit3A_269, %sign3A_278 : i32
        %sign3A_280 = arith.extui %sign3A_279 : i1 to i32
        %sign3A_281 = arith.constant 0 : i32
        %sign3A_282 = arith.cmpi slt, %jit3A_269, %sign3A_281 : i32
        %sign3A_283 = arith.extui %sign3A_282 : i1 to i32
        %sign3A_284 = arith.subi %sign3A_280, %sign3A_283 : i32
        %ne3A_285 = arith.cmpi ne, %sign3A_277, %sign3A_284 : i32
        %rem3A_286 = arith.remsi %while3A_104, %jit3A_269 : i32
        %ne3A_287 = arith.constant 0 : i32
        %ne3A_288 = arith.cmpi ne, %rem3A_286, %ne3A_287 : i32
        %and3A_289 = arith.andi %ne3A_285, %ne3A_288 : i1
        %sub3A_290 = arith.constant 1 : i32
        %sub3A_291 = arith.subi %div3A_270, %sub3A_290 : i32
        %select_n3A_292 = arith.select %and3A_289, %sub3A_291, %div3A_270 : i32
        %mul3A_293 = arith.constant 8 : i32
        %mul3A_294 = arith.muli %select_n3A_292, %mul3A_293 : i32
        %add3A_295 = arith.addi %select_n3A_8, %mul3A_294 : i32
        %add3A_296 = arith.constant 8 : i32
        %add3A_297 = arith.addi %add3A_295, %add3A_296 : i32
        %jit3A_298 = arith.constant 8 : i32
        %div3A_299 = arith.divsi %while3A_104, %jit3A_298 : i32
        %sign3A_300 = arith.constant 0 : i32
        %sign3A_301 = arith.cmpi sgt, %while3A_104, %sign3A_300 : i32
        %sign3A_302 = arith.extui %sign3A_301 : i1 to i32
        %sign3A_303 = arith.constant 0 : i32
        %sign3A_304 = arith.cmpi slt, %while3A_104, %sign3A_303 : i32
        %sign3A_305 = arith.extui %sign3A_304 : i1 to i32
        %sign3A_306 = arith.subi %sign3A_302, %sign3A_305 : i32
        %sign3A_307 = arith.constant 0 : i32
        %sign3A_308 = arith.cmpi sgt, %jit3A_298, %sign3A_307 : i32
        %sign3A_309 = arith.extui %sign3A_308 : i1 to i32
        %sign3A_310 = arith.constant 0 : i32
        %sign3A_311 = arith.cmpi slt, %jit3A_298, %sign3A_310 : i32
        %sign3A_312 = arith.extui %sign3A_311 : i1 to i32
        %sign3A_313 = arith.subi %sign3A_309, %sign3A_312 : i32
        %ne3A_314 = arith.cmpi ne, %sign3A_306, %sign3A_313 : i32
        %rem3A_315 = arith.remsi %while3A_104, %jit3A_298 : i32
        %ne3A_316 = arith.constant 0 : i32
        %ne3A_317 = arith.cmpi ne, %rem3A_315, %ne3A_316 : i32
        %and3A_318 = arith.andi %ne3A_314, %ne3A_317 : i1
        %sub3A_319 = arith.constant 1 : i32
        %sub3A_320 = arith.subi %div3A_299, %sub3A_319 : i32
        %select_n3A_321 = arith.select %and3A_318, %sub3A_320, %div3A_299 : i32
        %add3A_322 = arith.constant 1 : i32
        %add3A_323 = arith.addi %select_n3A_321, %add3A_322 : i32
        %jit3A_324 = arith.constant 2 : i32
        %eq3A_325 = arith.constant 0 : i32
        %eq3A_326 = arith.cmpi eq, %jit3A_324, %eq3A_325 : i32
        %jit3A_327 = arith.constant 1 : i32
        %select_n3A_328 = arith.select %eq3A_326, %jit3A_327, %jit3A_324 : i32
        %rem3A_329 = arith.remsi %add3A_323, %select_n3A_328 : i32
        %ne3A_330 = arith.constant 0 : i32
        %ne3A_331 = arith.cmpi ne, %rem3A_329, %ne3A_330 : i32
        %lt3A_332 = arith.constant 0 : i32
        %lt3A_333 = arith.cmpi slt, %rem3A_329, %lt3A_332 : i32
        %lt3A_334 = arith.constant 0 : i32
        %lt3A_335 = arith.cmpi slt, %select_n3A_328, %lt3A_334 : i32
        %ne3A_336 = arith.xori %lt3A_333, %lt3A_335 : i1
        %and3A_337 = arith.andi %ne3A_336, %ne3A_331 : i1
        %add3A_338 = arith.addi %rem3A_329, %select_n3A_328 : i32
        %select_n3A_339 = arith.select %and3A_337, %add3A_338, %rem3A_329 : i32
        "tpu.region"() ({
          %run_scoped3A_340 = tpu.sem_alloc : memref<!tpu.dma_semaphore, #tpu.memory_space<semaphore_mem>>
          %dma_start3A_341 = arith.constant 0 : i32
          %dma_start3A_342 = arith.constant 0 : i32
          %dma_start3A_343 = tpu.memref_slice %arg7[%select_n3A_339, %dma_start3A_341, %dma_start3A_342] : memref<2x8x64xi32, #tpu.memory_space<vmem>> -> memref<1x8x64xi32, #tpu.memory_space<vmem>>
          %dma_start3A_344 = tpu.memref_squeeze %dma_start3A_343 : memref<1x8x64xi32, #tpu.memory_space<vmem>> -> memref<8x64xi32, #tpu.memory_space<vmem>>
          %dma_start3A_345 = arith.constant 0 : i32
          %dma_start3A_346 = tpu.memref_slice %arg3[%add3A_297, %dma_start3A_345] : memref<5120x64xi32, #tpu.memory_space<hbm>> -> memref<8x64xi32, #tpu.memory_space<hbm>>
          %dma_start3A_347 = arith.constant 0 : i32
          %dma_start3A_348 = arith.constant 0 : i32
          %dma_start3A_349 = tpu.memref_slice %arg7[%select_n3A_339, %dma_start3A_347, %dma_start3A_348] : memref<2x8x64xi32, #tpu.memory_space<vmem>> -> memref<1x8x64xi32, #tpu.memory_space<vmem>>
          %dma_start3A_350 = tpu.memref_squeeze %dma_start3A_349 : memref<1x8x64xi32, #tpu.memory_space<vmem>> -> memref<8x64xi32, #tpu.memory_space<vmem>>
          %dma_start3A_351 = arith.constant 0 : i32
          %dma_start3A_352 = tpu.memref_slice %arg3[%add3A_297, %dma_start3A_351] : memref<5120x64xi32, #tpu.memory_space<hbm>> -> memref<8x64xi32, #tpu.memory_space<hbm>>
          tpu.enqueue_dma source(%dma_start3A_352 : memref<8x64xi32, #tpu.memory_space<hbm>>) target(%dma_start3A_350 : memref<8x64xi32, #tpu.memory_space<vmem>>) target_semaphore(%run_scoped3A_340 : memref<!tpu.dma_semaphore, #tpu.memory_space<semaphore_mem>>)
          %dma_wait3A_353 = arith.constant 0 : i32
          %dma_wait3A_354 = arith.constant 0 : i32
          %dma_wait3A_355 = tpu.memref_slice %arg7[%select_n3A_339, %dma_wait3A_353, %dma_wait3A_354] : memref<2x8x64xi32, #tpu.memory_space<vmem>> -> memref<1x8x64xi32, #tpu.memory_space<vmem>>
          %dma_wait3A_356 = tpu.memref_squeeze %dma_wait3A_355 : memref<1x8x64xi32, #tpu.memory_space<vmem>> -> memref<8x64xi32, #tpu.memory_space<vmem>>
          %dma_wait3A_357 = arith.constant 0 : i32
          %dma_wait3A_358 = tpu.memref_slice %arg3[%add3A_297, %dma_wait3A_357] : memref<5120x64xi32, #tpu.memory_space<hbm>> -> memref<8x64xi32, #tpu.memory_space<hbm>>
          %dma_wait3A_359 = arith.constant 0 : i32
          %dma_wait3A_360 = arith.constant 0 : i32
          %dma_wait3A_361 = tpu.memref_slice %arg7[%select_n3A_339, %dma_wait3A_359, %dma_wait3A_360] : memref<2x8x64xi32, #tpu.memory_space<vmem>> -> memref<1x8x64xi32, #tpu.memory_space<vmem>>
          %dma_wait3A_362 = tpu.memref_squeeze %dma_wait3A_361 : memref<1x8x64xi32, #tpu.memory_space<vmem>> -> memref<8x64xi32, #tpu.memory_space<vmem>>
          %dma_wait3A_363 = arith.constant 0 : i32
          %dma_wait3A_364 = tpu.memref_slice %arg3[%add3A_297, %dma_wait3A_363] : memref<5120x64xi32, #tpu.memory_space<hbm>> -> memref<8x64xi32, #tpu.memory_space<hbm>>
          tpu.wait_dma2 semaphore(%run_scoped3A_340 : memref<!tpu.dma_semaphore, #tpu.memory_space<semaphore_mem>>) src(%dma_wait3A_364 : memref<8x64xi32, #tpu.memory_space<hbm>>) dst(%dma_wait3A_362 : memref<8x64xi32, #tpu.memory_space<vmem>>)
          tpu.yield
        }) : () -> ()
      } else {
      }
      %add3A_250 = arith.constant 1 : i32
      %add3A_251 = arith.addi %while3A_104, %add3A_250 : i32
      %lt3A_252 = arith.cmpi slt, %add3A_251, %select_n3A : i32
      %convert_element_type3A_253 = arith.extui %lt3A_252 : i1 to i32
      %cond3A_254 = arith.constant 0 : i32
      %cond3A_255 = arith.cmpi ne, %convert_element_type3A_253, %cond3A_254 : i32
      scf.if %cond3A_255 {
        %add3A_269 = arith.constant 1 : i32
        %add3A_270 = arith.addi %while3A_104, %add3A_269 : i32
        %jit3A_271 = arith.constant 8 : i32
        %div3A_272 = arith.divsi %add3A_270, %jit3A_271 : i32
        %sign3A_273 = arith.constant 0 : i32
        %sign3A_274 = arith.cmpi sgt, %add3A_270, %sign3A_273 : i32
        %sign3A_275 = arith.extui %sign3A_274 : i1 to i32
        %sign3A_276 = arith.constant 0 : i32
        %sign3A_277 = arith.cmpi slt, %add3A_270, %sign3A_276 : i32
        %sign3A_278 = arith.extui %sign3A_277 : i1 to i32
        %sign3A_279 = arith.subi %sign3A_275, %sign3A_278 : i32
        %sign3A_280 = arith.constant 0 : i32
        %sign3A_281 = arith.cmpi sgt, %jit3A_271, %sign3A_280 : i32
        %sign3A_282 = arith.extui %sign3A_281 : i1 to i32
        %sign3A_283 = arith.constant 0 : i32
        %sign3A_284 = arith.cmpi slt, %jit3A_271, %sign3A_283 : i32
        %sign3A_285 = arith.extui %sign3A_284 : i1 to i32
        %sign3A_286 = arith.subi %sign3A_282, %sign3A_285 : i32
        %ne3A_287 = arith.cmpi ne, %sign3A_279, %sign3A_286 : i32
        %rem3A_288 = arith.remsi %add3A_270, %jit3A_271 : i32
        %ne3A_289 = arith.constant 0 : i32
        %ne3A_290 = arith.cmpi ne, %rem3A_288, %ne3A_289 : i32
        %and3A_291 = arith.andi %ne3A_287, %ne3A_290 : i1
        %sub3A_292 = arith.constant 1 : i32
        %sub3A_293 = arith.subi %div3A_272, %sub3A_292 : i32
        %select_n3A_294 = arith.select %and3A_291, %sub3A_293, %div3A_272 : i32
        %jit3A_295 = arith.constant 2 : i32
        %eq3A_296 = arith.constant 0 : i32
        %eq3A_297 = arith.cmpi eq, %jit3A_295, %eq3A_296 : i32
        %jit3A_298 = arith.constant 1 : i32
        %select_n3A_299 = arith.select %eq3A_297, %jit3A_298, %jit3A_295 : i32
        %rem3A_300 = arith.remsi %select_n3A_294, %select_n3A_299 : i32
        %ne3A_301 = arith.constant 0 : i32
        %ne3A_302 = arith.cmpi ne, %rem3A_300, %ne3A_301 : i32
        %lt3A_303 = arith.constant 0 : i32
        %lt3A_304 = arith.cmpi slt, %rem3A_300, %lt3A_303 : i32
        %lt3A_305 = arith.constant 0 : i32
        %lt3A_306 = arith.cmpi slt, %select_n3A_299, %lt3A_305 : i32
        %ne3A_307 = arith.xori %lt3A_304, %lt3A_306 : i1
        %and3A_308 = arith.andi %ne3A_307, %ne3A_302 : i1
        %add3A_309 = arith.addi %rem3A_300, %select_n3A_299 : i32
        %select_n3A_310 = arith.select %and3A_308, %add3A_309, %rem3A_300 : i32
        %add3A_311 = arith.constant 1 : i32
        %add3A_312 = arith.addi %while3A_104, %add3A_311 : i32
        %jit3A_313 = arith.constant 8 : i32
        %eq3A_314 = arith.constant 0 : i32
        %eq3A_315 = arith.cmpi eq, %jit3A_313, %eq3A_314 : i32
        %jit3A_316 = arith.constant 1 : i32
        %select_n3A_317 = arith.select %eq3A_315, %jit3A_316, %jit3A_313 : i32
        %rem3A_318 = arith.remsi %add3A_312, %select_n3A_317 : i32
        %ne3A_319 = arith.constant 0 : i32
        %ne3A_320 = arith.cmpi ne, %rem3A_318, %ne3A_319 : i32
        %lt3A_321 = arith.constant 0 : i32
        %lt3A_322 = arith.cmpi slt, %rem3A_318, %lt3A_321 : i32
        %lt3A_323 = arith.constant 0 : i32
        %lt3A_324 = arith.cmpi slt, %select_n3A_317, %lt3A_323 : i32
        %ne3A_325 = arith.xori %lt3A_322, %lt3A_324 : i1
        %and3A_326 = arith.andi %ne3A_325, %ne3A_320 : i1
        %add3A_327 = arith.addi %rem3A_318, %select_n3A_317 : i32
        %select_n3A_328 = arith.select %and3A_326, %add3A_327, %rem3A_318 : i32
        %dma_start3A_329 = arith.constant 0 : i32
        %dma_start3A_330 = arith.constant 0 : i32
        %dma_start3A_331 = tpu.memref_slice %arg10[%select_n3A_135, %dma_start3A_329, %dma_start3A_330] : memref<2x64x64xi32, #tpu.memory_space<vmem>> -> memref<1x64x64xi32, #tpu.memory_space<vmem>>
        %dma_start3A_332 = tpu.memref_squeeze %dma_start3A_331 : memref<1x64x64xi32, #tpu.memory_space<vmem>> -> memref<64x64xi32, #tpu.memory_space<vmem>>
        %dma_start3A_333 = arith.constant 0 : i32
        %dma_start3A_334 = tpu.memref_slice %arg7[%select_n3A_310, %select_n3A_328, %dma_start3A_333] : memref<2x8x64xi32, #tpu.memory_space<vmem>> -> memref<1x1x64xi32, #tpu.memory_space<vmem>>
        %dma_start3A_335 = tpu.memref_squeeze %dma_start3A_334 : memref<1x1x64xi32, #tpu.memory_space<vmem>> -> memref<64xi32, #tpu.memory_space<vmem>>
        %dma_start3A_336 = arith.constant 0 : i32
        %dma_start3A_337 = arith.constant 0 : i32
        %dma_start3A_338 = tpu.memref_slice %arg2[%dma_start3A_336, %dma_start3A_337] : memref<80000x64xi32, #tpu.memory_space<hbm>> -> memref<80000x64xi32, #tpu.memory_space<hbm>>
        tpu.enqueue_indirect_dma source(%dma_start3A_338 : memref<80000x64xi32, #tpu.memory_space<hbm>>) target(%dma_start3A_332 : memref<64x64xi32, #tpu.memory_space<vmem>>) offsets(%dma_start3A_335 : memref<64xi32, #tpu.memory_space<vmem>>) semaphore(%arg13 : memref<!tpu.dma_semaphore, #tpu.memory_space<semaphore_mem>>)
      } else {
      }
      %parallel_loop3A = arith.constant 0 : i32
      %parallel_loop3A_256 = arith.constant 64 : i32
      %parallel_loop3A_257 = arith.constant 1 : i32
      scf.for %parallel_loop3A_269 = %parallel_loop3A to %parallel_loop3A_256 step %parallel_loop3A_257  : i32 {
        %parallel_loop3A_270 = vector.broadcast %select_n3A_151 : i32 to vector<16xi32>
        %parallel_loop3A_271 = vector.broadcast %parallel_loop3A_269 : i32 to vector<16xi32>
        %parallel_loop3A_272 = tpu.vector_load_idx %arg9[%parallel_loop3A_270, %parallel_loop3A_271] : memref<8x64xf32, #tpu.memory_space<vmem>>[vector<16xi32>, vector<16xi32>], vector<16xf32>,
        %parallel_loop3A_273 = arith.index_cast %select_n3A_117 : i32 to index
        %parallel_loop3A_274 = arith.index_cast %parallel_loop3A_269 : i32 to index
        %parallel_loop3A_275 = arith.constant 0 : index
        %parallel_loop3A_276 = tpu.vector_load %arg10[%parallel_loop3A_273, %parallel_loop3A_274, %parallel_loop3A_275] {strides = array<i32>} : memref<2x64x64xi32, #tpu.memory_space<vmem>>, vector<16xi32>,
        %parallel_loop3A_277 = vector.bitcast %parallel_loop3A_276 : vector<16xi32> to vector<32xbf16>
        %parallel_loop3A_278 = tpu.unpack_subelements %parallel_loop3A_277, 0 {pack_format = #tpu.pack_format<interleaved>} : vector<32xbf16> -> vector<16xf32>
        %parallel_loop3A_279 = tpu.unpack_subelements %parallel_loop3A_277, 1 {pack_format = #tpu.pack_format<interleaved>} : vector<32xbf16> -> vector<16xf32>
        %parallel_loop3A_280 = arith.mulf %parallel_loop3A_278, %parallel_loop3A_272 : vector<16xf32>
        %parallel_loop3A_281 = arith.index_cast %select_n3A_117 : i32 to index
        %parallel_loop3A_282 = arith.index_cast %parallel_loop3A_269 : i32 to index
        %parallel_loop3A_283 = arith.constant 0 : index
        %parallel_loop3A_284 = tpu.vector_load %arg11[%parallel_loop3A_281, %parallel_loop3A_282, %parallel_loop3A_283] {strides = array<i32>} : memref<2x64x128xf32, #tpu.memory_space<vmem>>, vector<16xf32>,
        tpu.vector_store %arg11[%parallel_loop3A_281, %parallel_loop3A_282, %parallel_loop3A_283], %parallel_loop3A_280 {strides = array<i32>} : memref<2x64x128xf32, #tpu.memory_space<vmem>>, vector<16xf32>,
        %parallel_loop3A_285 = arith.mulf %parallel_loop3A_279, %parallel_loop3A_272 : vector<16xf32>
        %parallel_loop3A_286 = arith.index_cast %select_n3A_117 : i32 to index
        %parallel_loop3A_287 = arith.index_cast %parallel_loop3A_269 : i32 to index
        %parallel_loop3A_288 = arith.constant 64 : index
        %parallel_loop3A_289 = tpu.vector_load %arg11[%parallel_loop3A_286, %parallel_loop3A_287, %parallel_loop3A_288] {strides = array<i32>} : memref<2x64x128xf32, #tpu.memory_space<vmem>>, vector<16xf32>,
        tpu.vector_store %arg11[%parallel_loop3A_286, %parallel_loop3A_287, %parallel_loop3A_288], %parallel_loop3A_285 {strides = array<i32>} : memref<2x64x128xf32, #tpu.memory_space<vmem>>, vector<16xf32>,
        %parallel_loop3A_290 = arith.index_cast %select_n3A_117 : i32 to index
        %parallel_loop3A_291 = arith.index_cast %parallel_loop3A_269 : i32 to index
        %parallel_loop3A_292 = arith.constant 16 : index
        %parallel_loop3A_293 = tpu.vector_load %arg10[%parallel_loop3A_290, %parallel_loop3A_291, %parallel_loop3A_292] {strides = array<i32>} : memref<2x64x64xi32, #tpu.memory_space<vmem>>, vector<16xi32>,
        %parallel_loop3A_294 = vector.bitcast %parallel_loop3A_293 : vector<16xi32> to vector<32xbf16>
        %parallel_loop3A_295 = tpu.unpack_subelements %parallel_loop3A_294, 0 {pack_format = #tpu.pack_format<interleaved>} : vector<32xbf16> -> vector<16xf32>
        %parallel_loop3A_296 = tpu.unpack_subelements %parallel_loop3A_294, 1 {pack_format = #tpu.pack_format<interleaved>} : vector<32xbf16> -> vector<16xf32>
        %parallel_loop3A_297 = arith.mulf %parallel_loop3A_295, %parallel_loop3A_272 : vector<16xf32>
        %parallel_loop3A_298 = arith.index_cast %select_n3A_117 : i32 to index
        %parallel_loop3A_299 = arith.index_cast %parallel_loop3A_269 : i32 to index
        %parallel_loop3A_300 = arith.constant 16 : index
        %parallel_loop3A_301 = tpu.vector_load %arg11[%parallel_loop3A_298, %parallel_loop3A_299, %parallel_loop3A_300] {strides = array<i32>} : memref<2x64x128xf32, #tpu.memory_space<vmem>>, vector<16xf32>,
        tpu.vector_store %arg11[%parallel_loop3A_298, %parallel_loop3A_299, %parallel_loop3A_300], %parallel_loop3A_297 {strides = array<i32>} : memref<2x64x128xf32, #tpu.memory_space<vmem>>, vector<16xf32>,
        %parallel_loop3A_302 = arith.mulf %parallel_loop3A_296, %parallel_loop3A_272 : vector<16xf32>
        %parallel_loop3A_303 = arith.index_cast %select_n3A_117 : i32 to index
        %parallel_loop3A_304 = arith.index_cast %parallel_loop3A_269 : i32 to index
        %parallel_loop3A_305 = arith.constant 80 : index
        %parallel_loop3A_306 = tpu.vector_load %arg11[%parallel_loop3A_303, %parallel_loop3A_304, %parallel_loop3A_305] {strides = array<i32>} : memref<2x64x128xf32, #tpu.memory_space<vmem>>, vector<16xf32>,
        tpu.vector_store %arg11[%parallel_loop3A_303, %parallel_loop3A_304, %parallel_loop3A_305], %parallel_loop3A_302 {strides = array<i32>} : memref<2x64x128xf32, #tpu.memory_space<vmem>>, vector<16xf32>,
        %parallel_loop3A_307 = arith.index_cast %select_n3A_117 : i32 to index
        %parallel_loop3A_308 = arith.index_cast %parallel_loop3A_269 : i32 to index
        %parallel_loop3A_309 = arith.constant 32 : index
        %parallel_loop3A_310 = tpu.vector_load %arg10[%parallel_loop3A_307, %parallel_loop3A_308, %parallel_loop3A_309] {strides = array<i32>} : memref<2x64x64xi32, #tpu.memory_space<vmem>>, vector<16xi32>,
        %parallel_loop3A_311 = vector.bitcast %parallel_loop3A_310 : vector<16xi32> to vector<32xbf16>
        %parallel_loop3A_312 = tpu.unpack_subelements %parallel_loop3A_311, 0 {pack_format = #tpu.pack_format<interleaved>} : vector<32xbf16> -> vector<16xf32>
        %parallel_loop3A_313 = tpu.unpack_subelements %parallel_loop3A_311, 1 {pack_format = #tpu.pack_format<interleaved>} : vector<32xbf16> -> vector<16xf32>
        %parallel_loop3A_314 = arith.mulf %parallel_loop3A_312, %parallel_loop3A_272 : vector<16xf32>
        %parallel_loop3A_315 = arith.index_cast %select_n3A_117 : i32 to index
        %parallel_loop3A_316 = arith.index_cast %parallel_loop3A_269 : i32 to index
        %parallel_loop3A_317 = arith.constant 32 : index
        %parallel_loop3A_318 = tpu.vector_load %arg11[%parallel_loop3A_315, %parallel_loop3A_316, %parallel_loop3A_317] {strides = array<i32>} : memref<2x64x128xf32, #tpu.memory_space<vmem>>, vector<16xf32>,
        tpu.vector_store %arg11[%parallel_loop3A_315, %parallel_loop3A_316, %parallel_loop3A_317], %parallel_loop3A_314 {strides = array<i32>} : memref<2x64x128xf32, #tpu.memory_space<vmem>>, vector<16xf32>,
        %parallel_loop3A_319 = arith.mulf %parallel_loop3A_313, %parallel_loop3A_272 : vector<16xf32>
        %parallel_loop3A_320 = arith.index_cast %select_n3A_117 : i32 to index
        %parallel_loop3A_321 = arith.index_cast %parallel_loop3A_269 : i32 to index
        %parallel_loop3A_322 = arith.constant 96 : index
        %parallel_loop3A_323 = tpu.vector_load %arg11[%parallel_loop3A_320, %parallel_loop3A_321, %parallel_loop3A_322] {strides = array<i32>} : memref<2x64x128xf32, #tpu.memory_space<vmem>>, vector<16xf32>,
        tpu.vector_store %arg11[%parallel_loop3A_320, %parallel_loop3A_321, %parallel_loop3A_322], %parallel_loop3A_319 {strides = array<i32>} : memref<2x64x128xf32, #tpu.memory_space<vmem>>, vector<16xf32>,
        %parallel_loop3A_324 = arith.index_cast %select_n3A_117 : i32 to index
        %parallel_loop3A_325 = arith.index_cast %parallel_loop3A_269 : i32 to index
        %parallel_loop3A_326 = arith.constant 48 : index
        %parallel_loop3A_327 = tpu.vector_load %arg10[%parallel_loop3A_324, %parallel_loop3A_325, %parallel_loop3A_326] {strides = array<i32>} : memref<2x64x64xi32, #tpu.memory_space<vmem>>, vector<16xi32>,
        %parallel_loop3A_328 = vector.bitcast %parallel_loop3A_327 : vector<16xi32> to vector<32xbf16>
        %parallel_loop3A_329 = tpu.unpack_subelements %parallel_loop3A_328, 0 {pack_format = #tpu.pack_format<interleaved>} : vector<32xbf16> -> vector<16xf32>
        %parallel_loop3A_330 = tpu.unpack_subelements %parallel_loop3A_328, 1 {pack_format = #tpu.pack_format<interleaved>} : vector<32xbf16> -> vector<16xf32>
        %parallel_loop3A_331 = arith.mulf %parallel_loop3A_329, %parallel_loop3A_272 : vector<16xf32>
        %parallel_loop3A_332 = arith.index_cast %select_n3A_117 : i32 to index
        %parallel_loop3A_333 = arith.index_cast %parallel_loop3A_269 : i32 to index
        %parallel_loop3A_334 = arith.constant 48 : index
        %parallel_loop3A_335 = tpu.vector_load %arg11[%parallel_loop3A_332, %parallel_loop3A_333, %parallel_loop3A_334] {strides = array<i32>} : memref<2x64x128xf32, #tpu.memory_space<vmem>>, vector<16xf32>,
        tpu.vector_store %arg11[%parallel_loop3A_332, %parallel_loop3A_333, %parallel_loop3A_334], %parallel_loop3A_331 {strides = array<i32>} : memref<2x64x128xf32, #tpu.memory_space<vmem>>, vector<16xf32>,
        %parallel_loop3A_336 = arith.mulf %parallel_loop3A_330, %parallel_loop3A_272 : vector<16xf32>
        %parallel_loop3A_337 = arith.index_cast %select_n3A_117 : i32 to index
        %parallel_loop3A_338 = arith.index_cast %parallel_loop3A_269 : i32 to index
        %parallel_loop3A_339 = arith.constant 112 : index
        %parallel_loop3A_340 = tpu.vector_load %arg11[%parallel_loop3A_337, %parallel_loop3A_338, %parallel_loop3A_339] {strides = array<i32>} : memref<2x64x128xf32, #tpu.memory_space<vmem>>, vector<16xf32>,
        tpu.vector_store %arg11[%parallel_loop3A_337, %parallel_loop3A_338, %parallel_loop3A_339], %parallel_loop3A_336 {strides = array<i32>} : memref<2x64x128xf32, #tpu.memory_space<vmem>>, vector<16xf32>,
      } {sc.loop_unroll_factor = 4 : i64, sc.parallel_access}
      %dma_start3A_258 = arith.constant 0 : i32
      %dma_start3A_259 = arith.constant 0 : i32
      %dma_start3A_260 = tpu.memref_slice %arg11[%select_n3A_117, %dma_start3A_258, %dma_start3A_259] : memref<2x64x128xf32, #tpu.memory_space<vmem>> -> memref<1x64x128xf32, #tpu.memory_space<vmem>>
      %dma_start3A_261 = tpu.memref_squeeze %dma_start3A_260 : memref<1x64x128xf32, #tpu.memory_space<vmem>> -> memref<64x128xf32, #tpu.memory_space<vmem>>
      %dma_start3A_262 = arith.constant 0 : i32
      %dma_start3A_263 = tpu.memref_slice %arg8[%select_n3A_151, %dma_start3A_262] : memref<8x64xi32, #tpu.memory_space<vmem>> -> memref<1x64xi32, #tpu.memory_space<vmem>>
      %dma_start3A_264 = tpu.memref_squeeze %dma_start3A_263 : memref<1x64xi32, #tpu.memory_space<vmem>> -> memref<64xi32, #tpu.memory_space<vmem>>
      %dma_start3A_265 = arith.constant 0 : i32
      %dma_start3A_266 = arith.constant 0 : i32
      %dma_start3A_267 = tpu.memref_slice %arg12[%dma_start3A_265, %dma_start3A_266] : memref<10112x128xf32, #tpu.memory_space<vmem_shared>> -> memref<10112x128xf32, #tpu.memory_space<vmem_shared>>
      tpu.enqueue_indirect_dma source(%dma_start3A_261 : memref<64x128xf32, #tpu.memory_space<vmem>>) target(%dma_start3A_267 : memref<10112x128xf32, #tpu.memory_space<vmem_shared>>) offsets(%dma_start3A_264 : memref<64xi32, #tpu.memory_space<vmem>>) semaphore(%arg14 : memref<!tpu.dma_semaphore, #tpu.memory_space<semaphore_mem>>) {add = true}
      %while3A_268 = arith.constant 0 : i32
      scf.yield %while3A_268 : i32
    }
    %while3A_86 = arith.constant 1 : i32
    %while3A_87 = scf.for %while3A_104 = %while3A_83 to %while3A_79 step %while3A_86 iter_args(%while3A_105 = %while3A_85) -> (i32)  : i32 {
      %jit3A_106 = arith.constant 2 : i32
      %eq3A_107 = arith.constant 0 : i32
      %eq3A_108 = arith.cmpi eq, %jit3A_106, %eq3A_107 : i32
      %jit3A_109 = arith.constant 1 : i32
      %select_n3A_110 = arith.select %eq3A_108, %jit3A_109, %jit3A_106 : i32
      %rem3A = arith.remsi %while3A_104, %select_n3A_110 : i32
      %ne3A = arith.constant 0 : i32
      %ne3A_111 = arith.cmpi ne, %rem3A, %ne3A : i32
      %lt3A = arith.constant 0 : i32
      %lt3A_112 = arith.cmpi slt, %rem3A, %lt3A : i32
      %lt3A_113 = arith.constant 0 : i32
      %lt3A_114 = arith.cmpi slt, %select_n3A_110, %lt3A_113 : i32
      %ne3A_115 = arith.xori %lt3A_112, %lt3A_114 : i1
      %and3A = arith.andi %ne3A_115, %ne3A_111 : i1
      %add3A_116 = arith.addi %rem3A, %select_n3A_110 : i32
      %select_n3A_117 = arith.select %and3A, %add3A_116, %rem3A : i32
      %add3A_118 = arith.constant 1 : i32
      %add3A_119 = arith.addi %while3A_104, %add3A_118 : i32
      %jit3A_120 = arith.constant 2 : i32
      %eq3A_121 = arith.constant 0 : i32
      %eq3A_122 = arith.cmpi eq, %jit3A_120, %eq3A_121 : i32
      %jit3A_123 = arith.constant 1 : i32
      %select_n3A_124 = arith.select %eq3A_122, %jit3A_123, %jit3A_120 : i32
      %rem3A_125 = arith.remsi %add3A_119, %select_n3A_124 : i32
      %ne3A_126 = arith.constant 0 : i32
      %ne3A_127 = arith.cmpi ne, %rem3A_125, %ne3A_126 : i32
      %lt3A_128 = arith.constant 0 : i32
      %lt3A_129 = arith.cmpi slt, %rem3A_125, %lt3A_128 : i32
      %lt3A_130 = arith.constant 0 : i32
      %lt3A_131 = arith.cmpi slt, %select_n3A_124, %lt3A_130 : i32
      %ne3A_132 = arith.xori %lt3A_129, %lt3A_131 : i1
      %and3A_133 = arith.andi %ne3A_132, %ne3A_127 : i1
      %add3A_134 = arith.addi %rem3A_125, %select_n3A_124 : i32
      %select_n3A_135 = arith.select %and3A_133, %add3A_134, %rem3A_125 : i32
      %jit3A_136 = arith.constant 8 : i32
      %eq3A_137 = arith.constant 0 : i32
      %eq3A_138 = arith.cmpi eq, %jit3A_136, %eq3A_137 : i32
      %jit3A_139 = arith.constant 1 : i32
      %select_n3A_140 = arith.select %eq3A_138, %jit3A_139, %jit3A_136 : i32
      %rem3A_141 = arith.remsi %while3A_104, %select_n3A_140 : i32
      %ne3A_142 = arith.constant 0 : i32
      %ne3A_143 = arith.cmpi ne, %rem3A_141, %ne3A_142 : i32
      %lt3A_144 = arith.constant 0 : i32
      %lt3A_145 = arith.cmpi slt, %rem3A_141, %lt3A_144 : i32
      %lt3A_146 = arith.constant 0 : i32
      %lt3A_147 = arith.cmpi slt, %select_n3A_140, %lt3A_146 : i32
      %ne3A_148 = arith.xori %lt3A_145, %lt3A_147 : i1
      %and3A_149 = arith.andi %ne3A_148, %ne3A_143 : i1
      %add3A_150 = arith.addi %rem3A_141, %select_n3A_140 : i32
      %select_n3A_151 = arith.select %and3A_149, %add3A_150, %rem3A_141 : i32
      %jit3A_152 = arith.constant 8 : i32
      %div3A = arith.divsi %while3A_104, %jit3A_152 : i32
      %sign3A = arith.constant 0 : i32
      %sign3A_153 = arith.cmpi sgt, %while3A_104, %sign3A : i32
      %sign3A_154 = arith.extui %sign3A_153 : i1 to i32
      %sign3A_155 = arith.constant 0 : i32
      %sign3A_156 = arith.cmpi slt, %while3A_104, %sign3A_155 : i32
      %sign3A_157 = arith.extui %sign3A_156 : i1 to i32
      %sign3A_158 = arith.subi %sign3A_154, %sign3A_157 : i32
      %sign3A_159 = arith.constant 0 : i32
      %sign3A_160 = arith.cmpi sgt, %jit3A_152, %sign3A_159 : i32
      %sign3A_161 = arith.extui %sign3A_160 : i1 to i32
      %sign3A_162 = arith.constant 0 : i32
      %sign3A_163 = arith.cmpi slt, %jit3A_152, %sign3A_162 : i32
      %sign3A_164 = arith.extui %sign3A_163 : i1 to i32
      %sign3A_165 = arith.subi %sign3A_161, %sign3A_164 : i32
      %ne3A_166 = arith.cmpi ne, %sign3A_158, %sign3A_165 : i32
      %rem3A_167 = arith.remsi %while3A_104, %jit3A_152 : i32
      %ne3A_168 = arith.constant 0 : i32
      %ne3A_169 = arith.cmpi ne, %rem3A_167, %ne3A_168 : i32
      %and3A_170 = arith.andi %ne3A_166, %ne3A_169 : i1
      %sub3A = arith.constant 1 : i32
      %sub3A_171 = arith.subi %div3A, %sub3A : i32
      %select_n3A_172 = arith.select %and3A_170, %sub3A_171, %div3A : i32
      %jit3A_173 = arith.constant 2 : i32
      %eq3A_174 = arith.constant 0 : i32
      %eq3A_175 = arith.cmpi eq, %jit3A_173, %eq3A_174 : i32
      %jit3A_176 = arith.constant 1 : i32
      %select_n3A_177 = arith.select %eq3A_175, %jit3A_176, %jit3A_173 : i32
      %rem3A_178 = arith.remsi %select_n3A_172, %select_n3A_177 : i32
      %ne3A_179 = arith.constant 0 : i32
      %ne3A_180 = arith.cmpi ne, %rem3A_178, %ne3A_179 : i32
      %lt3A_181 = arith.constant 0 : i32
      %lt3A_182 = arith.cmpi slt, %rem3A_178, %lt3A_181 : i32
      %lt3A_183 = arith.constant 0 : i32
      %lt3A_184 = arith.cmpi slt, %select_n3A_177, %lt3A_183 : i32
      %ne3A_185 = arith.xori %lt3A_182, %lt3A_184 : i1
      %and3A_186 = arith.andi %ne3A_185, %ne3A_180 : i1
      %add3A_187 = arith.addi %rem3A_178, %select_n3A_177 : i32
      %select_n3A_188 = arith.select %and3A_186, %add3A_187, %rem3A_178 : i32
      %dma_wait3A_189 = arith.constant 0 : i32
      %dma_wait3A_190 = arith.constant 0 : i32
      %dma_wait3A_191 = tpu.memref_slice %arg10[%select_n3A_117, %dma_wait3A_189, %dma_wait3A_190] : memref<2x64x64xi32, #tpu.memory_space<vmem>> -> memref<1x64x64xi32, #tpu.memory_space<vmem>>
      %dma_wait3A_192 = tpu.memref_squeeze %dma_wait3A_191 : memref<1x64x64xi32, #tpu.memory_space<vmem>> -> memref<64x64xi32, #tpu.memory_space<vmem>>
      %dma_wait3A_193 = arith.constant 0 : i32
      %dma_wait3A_194 = tpu.memref_slice %arg7[%select_n3A_188, %select_n3A_151, %dma_wait3A_193] : memref<2x8x64xi32, #tpu.memory_space<vmem>> -> memref<1x1x64xi32, #tpu.memory_space<vmem>>
      %dma_wait3A_195 = tpu.memref_squeeze %dma_wait3A_194 : memref<1x1x64xi32, #tpu.memory_space<vmem>> -> memref<64xi32, #tpu.memory_space<vmem>>
      %dma_wait3A_196 = arith.constant 0 : i32
      %dma_wait3A_197 = arith.constant 0 : i32
      %dma_wait3A_198 = tpu.memref_slice %arg2[%dma_wait3A_196, %dma_wait3A_197] : memref<80000x64xi32, #tpu.memory_space<hbm>> -> memref<80000x64xi32, #tpu.memory_space<hbm>>
      tpu.wait_indirect_dma semaphore(%arg13 : memref<!tpu.dma_semaphore, #tpu.memory_space<semaphore_mem>>) src(%dma_wait3A_198 : memref<80000x64xi32, #tpu.memory_space<hbm>>) dst(%dma_wait3A_192 : memref<64x64xi32, #tpu.memory_space<vmem>>)
      %gt3A = arith.constant 0 : i32
      %gt3A_199 = arith.cmpi sgt, %while3A_104, %gt3A : i32
      %convert_element_type3A = arith.extui %gt3A_199 : i1 to i32
      %cond3A = arith.constant 0 : i32
      %cond3A_200 = arith.cmpi ne, %convert_element_type3A, %cond3A : i32
      scf.if %cond3A_200 {
        %dma_wait3A_269 = arith.constant 0 : i32
        %dma_wait3A_270 = arith.constant 0 : i32
        %dma_wait3A_271 = arith.constant 0 : i32
        %dma_wait3A_272 = tpu.memref_slice %arg11[%select_n3A_135, %dma_wait3A_270, %dma_wait3A_271] : memref<2x64x128xf32, #tpu.memory_space<vmem>> -> memref<1x64x128xf32, #tpu.memory_space<vmem>>
        %dma_wait3A_273 = tpu.memref_squeeze %dma_wait3A_272 : memref<1x64x128xf32, #tpu.memory_space<vmem>> -> memref<64x128xf32, #tpu.memory_space<vmem>>
        %dma_wait3A_274 = arith.constant 0 : i32
        %dma_wait3A_275 = tpu.memref_slice %arg8[%dma_wait3A_269, %dma_wait3A_274] : memref<8x64xi32, #tpu.memory_space<vmem>> -> memref<1x64xi32, #tpu.memory_space<vmem>>
        %dma_wait3A_276 = tpu.memref_squeeze %dma_wait3A_275 : memref<1x64xi32, #tpu.memory_space<vmem>> -> memref<64xi32, #tpu.memory_space<vmem>>
        %dma_wait3A_277 = arith.constant 0 : i32
        %dma_wait3A_278 = arith.constant 0 : i32
        %dma_wait3A_279 = tpu.memref_slice %arg12[%dma_wait3A_277, %dma_wait3A_278] : memref<10112x128xf32, #tpu.memory_space<vmem_shared>> -> memref<10112x128xf32, #tpu.memory_space<vmem_shared>>
        tpu.wait_indirect_dma semaphore(%arg14 : memref<!tpu.dma_semaphore, #tpu.memory_space<semaphore_mem>>) src(%dma_wait3A_273 : memref<64x128xf32, #tpu.memory_space<vmem>>) dst(%dma_wait3A_279 : memref<10112x128xf32, #tpu.memory_space<vmem_shared>>)
      } else {
      }
      %jit3A_201 = arith.constant 8 : i32
      %eq3A_202 = arith.constant 0 : i32
      %eq3A_203 = arith.cmpi eq, %jit3A_201, %eq3A_202 : i32
      %jit3A_204 = arith.constant 1 : i32
      %select_n3A_205 = arith.select %eq3A_203, %jit3A_204, %jit3A_201 : i32
      %rem3A_206 = arith.remsi %while3A_104, %select_n3A_205 : i32
      %ne3A_207 = arith.constant 0 : i32
      %ne3A_208 = arith.cmpi ne, %rem3A_206, %ne3A_207 : i32
      %lt3A_209 = arith.constant 0 : i32
      %lt3A_210 = arith.cmpi slt, %rem3A_206, %lt3A_209 : i32
      %lt3A_211 = arith.constant 0 : i32
      %lt3A_212 = arith.cmpi slt, %select_n3A_205, %lt3A_211 : i32
      %ne3A_213 = arith.xori %lt3A_210, %lt3A_212 : i1
      %and3A_214 = arith.andi %ne3A_213, %ne3A_208 : i1
      %add3A_215 = arith.addi %rem3A_206, %select_n3A_205 : i32
      %select_n3A_216 = arith.select %and3A_214, %add3A_215, %rem3A_206 : i32
      %eq3A_217 = arith.constant 0 : i32
      %eq3A_218 = arith.cmpi eq, %select_n3A_216, %eq3A_217 : i32
      %gt3A_219 = arith.constant 0 : i32
      %gt3A_220 = arith.cmpi sgt, %while3A_104, %gt3A_219 : i32
      %and3A_221 = arith.andi %eq3A_218, %gt3A_220 : i1
      %convert_element_type3A_222 = arith.extui %and3A_221 : i1 to i32
      %cond3A_223 = arith.constant 0 : i32
      %cond3A_224 = arith.cmpi ne, %convert_element_type3A_222, %cond3A_223 : i32
      scf.if %cond3A_224 {
        %jit3A_269 = arith.constant 8 : i32
        %div3A_270 = arith.divsi %while3A_104, %jit3A_269 : i32
        %sign3A_271 = arith.constant 0 : i32
        %sign3A_272 = arith.cmpi sgt, %while3A_104, %sign3A_271 : i32
        %sign3A_273 = arith.extui %sign3A_272 : i1 to i32
        %sign3A_274 = arith.constant 0 : i32
        %sign3A_275 = arith.cmpi slt, %while3A_104, %sign3A_274 : i32
        %sign3A_276 = arith.extui %sign3A_275 : i1 to i32
        %sign3A_277 = arith.subi %sign3A_273, %sign3A_276 : i32
        %sign3A_278 = arith.constant 0 : i32
        %sign3A_279 = arith.cmpi sgt, %jit3A_269, %sign3A_278 : i32
        %sign3A_280 = arith.extui %sign3A_279 : i1 to i32
        %sign3A_281 = arith.constant 0 : i32
        %sign3A_282 = arith.cmpi slt, %jit3A_269, %sign3A_281 : i32
        %sign3A_283 = arith.extui %sign3A_282 : i1 to i32
        %sign3A_284 = arith.subi %sign3A_280, %sign3A_283 : i32
        %ne3A_285 = arith.cmpi ne, %sign3A_277, %sign3A_284 : i32
        %rem3A_286 = arith.remsi %while3A_104, %jit3A_269 : i32
        %ne3A_287 = arith.constant 0 : i32
        %ne3A_288 = arith.cmpi ne, %rem3A_286, %ne3A_287 : i32
        %and3A_289 = arith.andi %ne3A_285, %ne3A_288 : i1
        %sub3A_290 = arith.constant 1 : i32
        %sub3A_291 = arith.subi %div3A_270, %sub3A_290 : i32
        %select_n3A_292 = arith.select %and3A_289, %sub3A_291, %div3A_270 : i32
        %mul3A_293 = arith.constant 8 : i32
        %mul3A_294 = arith.muli %select_n3A_292, %mul3A_293 : i32
        %add3A_295 = arith.addi %select_n3A_8, %mul3A_294 : i32
        "tpu.region"() ({
          %run_scoped3A_297 = tpu.sem_alloc : memref<!tpu.dma_semaphore, #tpu.memory_space<semaphore_mem>>
          %dma_start3A_298 = arith.constant 0 : i32
          %dma_start3A_299 = tpu.memref_slice %arg4[%add3A_295, %dma_start3A_298] : memref<5120x64xi32, #tpu.memory_space<hbm>> -> memref<8x64xi32, #tpu.memory_space<hbm>>
          %dma_start3A_300 = arith.constant 0 : i32
          %dma_start3A_301 = tpu.memref_slice %arg4[%add3A_295, %dma_start3A_300] : memref<5120x64xi32, #tpu.memory_space<hbm>> -> memref<8x64xi32, #tpu.memory_space<hbm>>
          tpu.enqueue_dma source(%dma_start3A_301 : memref<8x64xi32, #tpu.memory_space<hbm>>) target(%arg8 : memref<8x64xi32, #tpu.memory_space<vmem>>) target_semaphore(%run_scoped3A_297 : memref<!tpu.dma_semaphore, #tpu.memory_space<semaphore_mem>>)
          %dma_wait3A_302 = arith.constant 0 : i32
          %dma_wait3A_303 = tpu.memref_slice %arg4[%add3A_295, %dma_wait3A_302] : memref<5120x64xi32, #tpu.memory_space<hbm>> -> memref<8x64xi32, #tpu.memory_space<hbm>>
          %dma_wait3A_304 = arith.constant 0 : i32
          %dma_wait3A_305 = tpu.memref_slice %arg4[%add3A_295, %dma_wait3A_304] : memref<5120x64xi32, #tpu.memory_space<hbm>> -> memref<8x64xi32, #tpu.memory_space<hbm>>
          tpu.wait_dma2 semaphore(%run_scoped3A_297 : memref<!tpu.dma_semaphore, #tpu.memory_space<semaphore_mem>>) src(%dma_wait3A_305 : memref<8x64xi32, #tpu.memory_space<hbm>>) dst(%arg8 : memref<8x64xi32, #tpu.memory_space<vmem>>)
          tpu.yield
        }) : () -> ()
        %add3A_296 = arith.addi %select_n3A_8, %mul3A_294 : i32
        "tpu.region"() ({
          %run_scoped3A_297 = tpu.sem_alloc : memref<!tpu.dma_semaphore, #tpu.memory_space<semaphore_mem>>
          %dma_start3A_298 = arith.constant 0 : i32
          %dma_start3A_299 = tpu.memref_slice %arg5[%add3A_296, %dma_start3A_298] : memref<5120x64xf32, #tpu.memory_space<hbm>> -> memref<8x64xf32, #tpu.memory_space<hbm>>
          %dma_start3A_300 = arith.constant 0 : i32
          %dma_start3A_301 = tpu.memref_slice %arg5[%add3A_296, %dma_start3A_300] : memref<5120x64xf32, #tpu.memory_space<hbm>> -> memref<8x64xf32, #tpu.memory_space<hbm>>
          tpu.enqueue_dma source(%dma_start3A_301 : memref<8x64xf32, #tpu.memory_space<hbm>>) target(%arg9 : memref<8x64xf32, #tpu.memory_space<vmem>>) target_semaphore(%run_scoped3A_297 : memref<!tpu.dma_semaphore, #tpu.memory_space<semaphore_mem>>)
          %dma_wait3A_302 = arith.constant 0 : i32
          %dma_wait3A_303 = tpu.memref_slice %arg5[%add3A_296, %dma_wait3A_302] : memref<5120x64xf32, #tpu.memory_space<hbm>> -> memref<8x64xf32, #tpu.memory_space<hbm>>
          %dma_wait3A_304 = arith.constant 0 : i32
          %dma_wait3A_305 = tpu.memref_slice %arg5[%add3A_296, %dma_wait3A_304] : memref<5120x64xf32, #tpu.memory_space<hbm>> -> memref<8x64xf32, #tpu.memory_space<hbm>>
          tpu.wait_dma2 semaphore(%run_scoped3A_297 : memref<!tpu.dma_semaphore, #tpu.memory_space<semaphore_mem>>) src(%dma_wait3A_305 : memref<8x64xf32, #tpu.memory_space<hbm>>) dst(%arg9 : memref<8x64xf32, #tpu.memory_space<vmem>>)
          tpu.yield
        }) : () -> ()
      } else {
      }
      %jit3A_225 = arith.constant 8 : i32
      %eq3A_226 = arith.constant 0 : i32
      %eq3A_227 = arith.cmpi eq, %jit3A_225, %eq3A_226 : i32
      %jit3A_228 = arith.constant 1 : i32
      %select_n3A_229 = arith.select %eq3A_227, %jit3A_228, %jit3A_225 : i32
      %rem3A_230 = arith.remsi %while3A_104, %select_n3A_229 : i32
      %ne3A_231 = arith.constant 0 : i32
      %ne3A_232 = arith.cmpi ne, %rem3A_230, %ne3A_231 : i32
      %lt3A_233 = arith.constant 0 : i32
      %lt3A_234 = arith.cmpi slt, %rem3A_230, %lt3A_233 : i32
      %lt3A_235 = arith.constant 0 : i32
      %lt3A_236 = arith.cmpi slt, %select_n3A_229, %lt3A_235 : i32
      %ne3A_237 = arith.xori %lt3A_234, %lt3A_236 : i1
      %and3A_238 = arith.andi %ne3A_237, %ne3A_232 : i1
      %add3A_239 = arith.addi %rem3A_230, %select_n3A_229 : i32
      %select_n3A_240 = arith.select %and3A_238, %add3A_239, %rem3A_230 : i32
      %eq3A_241 = arith.constant 0 : i32
      %eq3A_242 = arith.cmpi eq, %select_n3A_240, %eq3A_241 : i32
      %add3A_243 = arith.constant 8 : i32
      %add3A_244 = arith.addi %while3A_104, %add3A_243 : i32
      %lt3A_245 = arith.cmpi slt, %add3A_244, %select_n3A : i32
      %and3A_246 = arith.andi %eq3A_242, %lt3A_245 : i1
      %convert_element_type3A_247 = arith.extui %and3A_246 : i1 to i32
      %cond3A_248 = arith.constant 0 : i32
      %cond3A_249 = arith.cmpi ne, %convert_element_type3A_247, %cond3A_248 : i32
      scf.if %cond3A_249 {
        %jit3A_269 = arith.constant 8 : i32
        %div3A_270 = arith.divsi %while3A_104, %jit3A_269 : i32
        %sign3A_271 = arith.constant 0 : i32
        %sign3A_272 = arith.cmpi sgt, %while3A_104, %sign3A_271 : i32
        %sign3A_273 = arith.extui %sign3A_272 : i1 to i32
        %sign3A_274 = arith.constant 0 : i32
        %sign3A_275 = arith.cmpi slt, %while3A_104, %sign3A_274 : i32
        %sign3A_276 = arith.extui %sign3A_275 : i1 to i32
        %sign3A_277 = arith.subi %sign3A_273, %sign3A_276 : i32
        %sign3A_278 = arith.constant 0 : i32
        %sign3A_279 = arith.cmpi sgt, %jit3A_269, %sign3A_278 : i32
        %sign3A_280 = arith.extui %sign3A_279 : i1 to i32
        %sign3A_281 = arith.constant 0 : i32
        %sign3A_282 = arith.cmpi slt, %jit3A_269, %sign3A_281 : i32
        %sign3A_283 = arith.extui %sign3A_282 : i1 to i32
        %sign3A_284 = arith.subi %sign3A_280, %sign3A_283 : i32
        %ne3A_285 = arith.cmpi ne, %sign3A_277, %sign3A_284 : i32
        %rem3A_286 = arith.remsi %while3A_104, %jit3A_269 : i32
        %ne3A_287 = arith.constant 0 : i32
        %ne3A_288 = arith.cmpi ne, %rem3A_286, %ne3A_287 : i32
        %and3A_289 = arith.andi %ne3A_285, %ne3A_288 : i1
        %sub3A_290 = arith.constant 1 : i32
        %sub3A_291 = arith.subi %div3A_270, %sub3A_290 : i32
        %select_n3A_292 = arith.select %and3A_289, %sub3A_291, %div3A_270 : i32
        %mul3A_293 = arith.constant 8 : i32
        %mul3A_294 = arith.muli %select_n3A_292, %mul3A_293 : i32
        %add3A_295 = arith.addi %select_n3A_8, %mul3A_294 : i32
        %add3A_296 = arith.constant 8 : i32
        %add3A_297 = arith.addi %add3A_295, %add3A_296 : i32
        %jit3A_298 = arith.constant 8 : i32
        %div3A_299 = arith.divsi %while3A_104, %jit3A_298 : i32
        %sign3A_300 = arith.constant 0 : i32
        %sign3A_301 = arith.cmpi sgt, %while3A_104, %sign3A_300 : i32
        %sign3A_302 = arith.extui %sign3A_301 : i1 to i32
        %sign3A_303 = arith.constant 0 : i32
        %sign3A_304 = arith.cmpi slt, %while3A_104, %sign3A_303 : i32
        %sign3A_305 = arith.extui %sign3A_304 : i1 to i32
        %sign3A_306 = arith.subi %sign3A_302, %sign3A_305 : i32
        %sign3A_307 = arith.constant 0 : i32
        %sign3A_308 = arith.cmpi sgt, %jit3A_298, %sign3A_307 : i32
        %sign3A_309 = arith.extui %sign3A_308 : i1 to i32
        %sign3A_310 = arith.constant 0 : i32
        %sign3A_311 = arith.cmpi slt, %jit3A_298, %sign3A_310 : i32
        %sign3A_312 = arith.extui %sign3A_311 : i1 to i32
        %sign3A_313 = arith.subi %sign3A_309, %sign3A_312 : i32
        %ne3A_314 = arith.cmpi ne, %sign3A_306, %sign3A_313 : i32
        %rem3A_315 = arith.remsi %while3A_104, %jit3A_298 : i32
        %ne3A_316 = arith.constant 0 : i32
        %ne3A_317 = arith.cmpi ne, %rem3A_315, %ne3A_316 : i32
        %and3A_318 = arith.andi %ne3A_314, %ne3A_317 : i1
        %sub3A_319 = arith.constant 1 : i32
        %sub3A_320 = arith.subi %div3A_299, %sub3A_319 : i32
        %select_n3A_321 = arith.select %and3A_318, %sub3A_320, %div3A_299 : i32
        %add3A_322 = arith.constant 1 : i32
        %add3A_323 = arith.addi %select_n3A_321, %add3A_322 : i32
        %jit3A_324 = arith.constant 2 : i32
        %eq3A_325 = arith.constant 0 : i32
        %eq3A_326 = arith.cmpi eq, %jit3A_324, %eq3A_325 : i32
        %jit3A_327 = arith.constant 1 : i32
        %select_n3A_328 = arith.select %eq3A_326, %jit3A_327, %jit3A_324 : i32
        %rem3A_329 = arith.remsi %add3A_323, %select_n3A_328 : i32
        %ne3A_330 = arith.constant 0 : i32
        %ne3A_331 = arith.cmpi ne, %rem3A_329, %ne3A_330 : i32
        %lt3A_332 = arith.constant 0 : i32
        %lt3A_333 = arith.cmpi slt, %rem3A_329, %lt3A_332 : i32
        %lt3A_334 = arith.constant 0 : i32
        %lt3A_335 = arith.cmpi slt, %select_n3A_328, %lt3A_334 : i32
        %ne3A_336 = arith.xori %lt3A_333, %lt3A_335 : i1
        %and3A_337 = arith.andi %ne3A_336, %ne3A_331 : i1
        %add3A_338 = arith.addi %rem3A_329, %select_n3A_328 : i32
        %select_n3A_339 = arith.select %and3A_337, %add3A_338, %rem3A_329 : i32
        "tpu.region"() ({
          %run_scoped3A_340 = tpu.sem_alloc : memref<!tpu.dma_semaphore, #tpu.memory_space<semaphore_mem>>
          %dma_start3A_341 = arith.constant 0 : i32
          %dma_start3A_342 = arith.constant 0 : i32
          %dma_start3A_343 = tpu.memref_slice %arg7[%select_n3A_339, %dma_start3A_341, %dma_start3A_342] : memref<2x8x64xi32, #tpu.memory_space<vmem>> -> memref<1x8x64xi32, #tpu.memory_space<vmem>>
          %dma_start3A_344 = tpu.memref_squeeze %dma_start3A_343 : memref<1x8x64xi32, #tpu.memory_space<vmem>> -> memref<8x64xi32, #tpu.memory_space<vmem>>
          %dma_start3A_345 = arith.constant 0 : i32
          %dma_start3A_346 = tpu.memref_slice %arg3[%add3A_297, %dma_start3A_345] : memref<5120x64xi32, #tpu.memory_space<hbm>> -> memref<8x64xi32, #tpu.memory_space<hbm>>
          %dma_start3A_347 = arith.constant 0 : i32
          %dma_start3A_348 = arith.constant 0 : i32
          %dma_start3A_349 = tpu.memref_slice %arg7[%select_n3A_339, %dma_start3A_347, %dma_start3A_348] : memref<2x8x64xi32, #tpu.memory_space<vmem>> -> memref<1x8x64xi32, #tpu.memory_space<vmem>>
          %dma_start3A_350 = tpu.memref_squeeze %dma_start3A_349 : memref<1x8x64xi32, #tpu.memory_space<vmem>> -> memref<8x64xi32, #tpu.memory_space<vmem>>
          %dma_start3A_351 = arith.constant 0 : i32
          %dma_start3A_352 = tpu.memref_slice %arg3[%add3A_297, %dma_start3A_351] : memref<5120x64xi32, #tpu.memory_space<hbm>> -> memref<8x64xi32, #tpu.memory_space<hbm>>
          tpu.enqueue_dma source(%dma_start3A_352 : memref<8x64xi32, #tpu.memory_space<hbm>>) target(%dma_start3A_350 : memref<8x64xi32, #tpu.memory_space<vmem>>) target_semaphore(%run_scoped3A_340 : memref<!tpu.dma_semaphore, #tpu.memory_space<semaphore_mem>>)
          %dma_wait3A_353 = arith.constant 0 : i32
          %dma_wait3A_354 = arith.constant 0 : i32
          %dma_wait3A_355 = tpu.memref_slice %arg7[%select_n3A_339, %dma_wait3A_353, %dma_wait3A_354] : memref<2x8x64xi32, #tpu.memory_space<vmem>> -> memref<1x8x64xi32, #tpu.memory_space<vmem>>
          %dma_wait3A_356 = tpu.memref_squeeze %dma_wait3A_355 : memref<1x8x64xi32, #tpu.memory_space<vmem>> -> memref<8x64xi32, #tpu.memory_space<vmem>>
          %dma_wait3A_357 = arith.constant 0 : i32
          %dma_wait3A_358 = tpu.memref_slice %arg3[%add3A_297, %dma_wait3A_357] : memref<5120x64xi32, #tpu.memory_space<hbm>> -> memref<8x64xi32, #tpu.memory_space<hbm>>
          %dma_wait3A_359 = arith.constant 0 : i32
          %dma_wait3A_360 = arith.constant 0 : i32
          %dma_wait3A_361 = tpu.memref_slice %arg7[%select_n3A_339, %dma_wait3A_359, %dma_wait3A_360] : memref<2x8x64xi32, #tpu.memory_space<vmem>> -> memref<1x8x64xi32, #tpu.memory_space<vmem>>
          %dma_wait3A_362 = tpu.memref_squeeze %dma_wait3A_361 : memref<1x8x64xi32, #tpu.memory_space<vmem>> -> memref<8x64xi32, #tpu.memory_space<vmem>>
          %dma_wait3A_363 = arith.constant 0 : i32
          %dma_wait3A_364 = tpu.memref_slice %arg3[%add3A_297, %dma_wait3A_363] : memref<5120x64xi32, #tpu.memory_space<hbm>> -> memref<8x64xi32, #tpu.memory_space<hbm>>
          tpu.wait_dma2 semaphore(%run_scoped3A_340 : memref<!tpu.dma_semaphore, #tpu.memory_space<semaphore_mem>>) src(%dma_wait3A_364 : memref<8x64xi32, #tpu.memory_space<hbm>>) dst(%dma_wait3A_362 : memref<8x64xi32, #tpu.memory_space<vmem>>)
          tpu.yield
        }) : () -> ()
      } else {
      }
      %add3A_250 = arith.constant 1 : i32
      %add3A_251 = arith.addi %while3A_104, %add3A_250 : i32
      %lt3A_252 = arith.cmpi slt, %add3A_251, %select_n3A : i32
      %convert_element_type3A_253 = arith.extui %lt3A_252 : i1 to i32
      %cond3A_254 = arith.constant 0 : i32
      %cond3A_255 = arith.cmpi ne, %convert_element_type3A_253, %cond3A_254 : i32
      scf.if %cond3A_255 {
        %add3A_269 = arith.constant 1 : i32
        %add3A_270 = arith.addi %while3A_104, %add3A_269 : i32
        %jit3A_271 = arith.constant 8 : i32
        %div3A_272 = arith.divsi %add3A_270, %jit3A_271 : i32
        %sign3A_273 = arith.constant 0 : i32
        %sign3A_274 = arith.cmpi sgt, %add3A_270, %sign3A_273 : i32
        %sign3A_275 = arith.extui %sign3A_274 : i1 to i32
        %sign3A_276 = arith.constant 0 : i32
        %sign3A_277 = arith.cmpi slt, %add3A_270, %sign3A_276 : i32
        %sign3A_278 = arith.extui %sign3A_277 : i1 to i32
        %sign3A_279 = arith.subi %sign3A_275, %sign3A_278 : i32
        %sign3A_280 = arith.constant 0 : i32
        %sign3A_281 = arith.cmpi sgt, %jit3A_271, %sign3A_280 : i32
        %sign3A_282 = arith.extui %sign3A_281 : i1 to i32
        %sign3A_283 = arith.constant 0 : i32
        %sign3A_284 = arith.cmpi slt, %jit3A_271, %sign3A_283 : i32
        %sign3A_285 = arith.extui %sign3A_284 : i1 to i32
        %sign3A_286 = arith.subi %sign3A_282, %sign3A_285 : i32
        %ne3A_287 = arith.cmpi ne, %sign3A_279, %sign3A_286 : i32
        %rem3A_288 = arith.remsi %add3A_270, %jit3A_271 : i32
        %ne3A_289 = arith.constant 0 : i32
        %ne3A_290 = arith.cmpi ne, %rem3A_288, %ne3A_289 : i32
        %and3A_291 = arith.andi %ne3A_287, %ne3A_290 : i1
        %sub3A_292 = arith.constant 1 : i32
        %sub3A_293 = arith.subi %div3A_272, %sub3A_292 : i32
        %select_n3A_294 = arith.select %and3A_291, %sub3A_293, %div3A_272 : i32
        %jit3A_295 = arith.constant 2 : i32
        %eq3A_296 = arith.constant 0 : i32
        %eq3A_297 = arith.cmpi eq, %jit3A_295, %eq3A_296 : i32
        %jit3A_298 = arith.constant 1 : i32
        %select_n3A_299 = arith.select %eq3A_297, %jit3A_298, %jit3A_295 : i32
        %rem3A_300 = arith.remsi %select_n3A_294, %select_n3A_299 : i32
        %ne3A_301 = arith.constant 0 : i32
        %ne3A_302 = arith.cmpi ne, %rem3A_300, %ne3A_301 : i32
        %lt3A_303 = arith.constant 0 : i32
        %lt3A_304 = arith.cmpi slt, %rem3A_300, %lt3A_303 : i32
        %lt3A_305 = arith.constant 0 : i32
        %lt3A_306 = arith.cmpi slt, %select_n3A_299, %lt3A_305 : i32
        %ne3A_307 = arith.xori %lt3A_304, %lt3A_306 : i1
        %and3A_308 = arith.andi %ne3A_307, %ne3A_302 : i1
        %add3A_309 = arith.addi %rem3A_300, %select_n3A_299 : i32
        %select_n3A_310 = arith.select %and3A_308, %add3A_309, %rem3A_300 : i32
        %add3A_311 = arith.constant 1 : i32
        %add3A_312 = arith.addi %while3A_104, %add3A_311 : i32
        %jit3A_313 = arith.constant 8 : i32
        %eq3A_314 = arith.constant 0 : i32
        %eq3A_315 = arith.cmpi eq, %jit3A_313, %eq3A_314 : i32
        %jit3A_316 = arith.constant 1 : i32
        %select_n3A_317 = arith.select %eq3A_315, %jit3A_316, %jit3A_313 : i32
        %rem3A_318 = arith.remsi %add3A_312, %select_n3A_317 : i32
        %ne3A_319 = arith.constant 0 : i32
        %ne3A_320 = arith.cmpi ne, %rem3A_318, %ne3A_319 : i32
        %lt3A_321 = arith.constant 0 : i32
        %lt3A_322 = arith.cmpi slt, %rem3A_318, %lt3A_321 : i32
        %lt3A_323 = arith.constant 0 : i32
        %lt3A_324 = arith.cmpi slt, %select_n3A_317, %lt3A_323 : i32
        %ne3A_325 = arith.xori %lt3A_322, %lt3A_324 : i1
        %and3A_326 = arith.andi %ne3A_325, %ne3A_320 : i1
        %add3A_327 = arith.addi %rem3A_318, %select_n3A_317 : i32
        %select_n3A_328 = arith.select %and3A_326, %add3A_327, %rem3A_318 : i32
        %dma_start3A_329 = arith.constant 0 : i32
        %dma_start3A_330 = arith.constant 0 : i32
        %dma_start3A_331 = tpu.memref_slice %arg10[%select_n3A_135, %dma_start3A_329, %dma_start3A_330] : memref<2x64x64xi32, #tpu.memory_space<vmem>> -> memref<1x64x64xi32, #tpu.memory_space<vmem>>
        %dma_start3A_332 = tpu.memref_squeeze %dma_start3A_331 : memref<1x64x64xi32, #tpu.memory_space<vmem>> -> memref<64x64xi32, #tpu.memory_space<vmem>>
        %dma_start3A_333 = arith.constant 0 : i32
        %dma_start3A_334 = tpu.memref_slice %arg7[%select_n3A_310, %select_n3A_328, %dma_start3A_333] : memref<2x8x64xi32, #tpu.memory_space<vmem>> -> memref<1x1x64xi32, #tpu.memory_space<vmem>>
        %dma_start3A_335 = tpu.memref_squeeze %dma_start3A_334 : memref<1x1x64xi32, #tpu.memory_space<vmem>> -> memref<64xi32, #tpu.memory_space<vmem>>
        %dma_start3A_336 = arith.constant 0 : i32
        %dma_start3A_337 = arith.constant 0 : i32
        %dma_start3A_338 = tpu.memref_slice %arg2[%dma_start3A_336, %dma_start3A_337] : memref<80000x64xi32, #tpu.memory_space<hbm>> -> memref<80000x64xi32, #tpu.memory_space<hbm>>
        tpu.enqueue_indirect_dma source(%dma_start3A_338 : memref<80000x64xi32, #tpu.memory_space<hbm>>) target(%dma_start3A_332 : memref<64x64xi32, #tpu.memory_space<vmem>>) offsets(%dma_start3A_335 : memref<64xi32, #tpu.memory_space<vmem>>) semaphore(%arg13 : memref<!tpu.dma_semaphore, #tpu.memory_space<semaphore_mem>>)
      } else {
      }
      %parallel_loop3A = arith.constant 0 : i32
      %parallel_loop3A_256 = arith.constant 64 : i32
      %parallel_loop3A_257 = arith.constant 1 : i32
      scf.for %parallel_loop3A_269 = %parallel_loop3A to %parallel_loop3A_256 step %parallel_loop3A_257  : i32 {
        %parallel_loop3A_270 = vector.broadcast %select_n3A_151 : i32 to vector<16xi32>
        %parallel_loop3A_271 = vector.broadcast %parallel_loop3A_269 : i32 to vector<16xi32>
        %parallel_loop3A_272 = tpu.vector_load_idx %arg9[%parallel_loop3A_270, %parallel_loop3A_271] : memref<8x64xf32, #tpu.memory_space<vmem>>[vector<16xi32>, vector<16xi32>], vector<16xf32>,
        %parallel_loop3A_273 = arith.index_cast %select_n3A_117 : i32 to index
        %parallel_loop3A_274 = arith.index_cast %parallel_loop3A_269 : i32 to index
        %parallel_loop3A_275 = arith.constant 0 : index
        %parallel_loop3A_276 = tpu.vector_load %arg10[%parallel_loop3A_273, %parallel_loop3A_274, %parallel_loop3A_275] {strides = array<i32>} : memref<2x64x64xi32, #tpu.memory_space<vmem>>, vector<16xi32>,
        %parallel_loop3A_277 = vector.bitcast %parallel_loop3A_276 : vector<16xi32> to vector<32xbf16>
        %parallel_loop3A_278 = tpu.unpack_subelements %parallel_loop3A_277, 0 {pack_format = #tpu.pack_format<interleaved>} : vector<32xbf16> -> vector<16xf32>
        %parallel_loop3A_279 = tpu.unpack_subelements %parallel_loop3A_277, 1 {pack_format = #tpu.pack_format<interleaved>} : vector<32xbf16> -> vector<16xf32>
        %parallel_loop3A_280 = arith.mulf %parallel_loop3A_278, %parallel_loop3A_272 : vector<16xf32>
        %parallel_loop3A_281 = arith.index_cast %select_n3A_117 : i32 to index
        %parallel_loop3A_282 = arith.index_cast %parallel_loop3A_269 : i32 to index
        %parallel_loop3A_283 = arith.constant 0 : index
        %parallel_loop3A_284 = tpu.vector_load %arg11[%parallel_loop3A_281, %parallel_loop3A_282, %parallel_loop3A_283] {strides = array<i32>} : memref<2x64x128xf32, #tpu.memory_space<vmem>>, vector<16xf32>,
        tpu.vector_store %arg11[%parallel_loop3A_281, %parallel_loop3A_282, %parallel_loop3A_283], %parallel_loop3A_280 {strides = array<i32>} : memref<2x64x128xf32, #tpu.memory_space<vmem>>, vector<16xf32>,
        %parallel_loop3A_285 = arith.mulf %parallel_loop3A_279, %parallel_loop3A_272 : vector<16xf32>
        %parallel_loop3A_286 = arith.index_cast %select_n3A_117 : i32 to index
        %parallel_loop3A_287 = arith.index_cast %parallel_loop3A_269 : i32 to index
        %parallel_loop3A_288 = arith.constant 64 : index
        %parallel_loop3A_289 = tpu.vector_load %arg11[%parallel_loop3A_286, %parallel_loop3A_287, %parallel_loop3A_288] {strides = array<i32>} : memref<2x64x128xf32, #tpu.memory_space<vmem>>, vector<16xf32>,
        tpu.vector_store %arg11[%parallel_loop3A_286, %parallel_loop3A_287, %parallel_loop3A_288], %parallel_loop3A_285 {strides = array<i32>} : memref<2x64x128xf32, #tpu.memory_space<vmem>>, vector<16xf32>,
        %parallel_loop3A_290 = arith.index_cast %select_n3A_117 : i32 to index
        %parallel_loop3A_291 = arith.index_cast %parallel_loop3A_269 : i32 to index
        %parallel_loop3A_292 = arith.constant 16 : index
        %parallel_loop3A_293 = tpu.vector_load %arg10[%parallel_loop3A_290, %parallel_loop3A_291, %parallel_loop3A_292] {strides = array<i32>} : memref<2x64x64xi32, #tpu.memory_space<vmem>>, vector<16xi32>,
        %parallel_loop3A_294 = vector.bitcast %parallel_loop3A_293 : vector<16xi32> to vector<32xbf16>
        %parallel_loop3A_295 = tpu.unpack_subelements %parallel_loop3A_294, 0 {pack_format = #tpu.pack_format<interleaved>} : vector<32xbf16> -> vector<16xf32>
        %parallel_loop3A_296 = tpu.unpack_subelements %parallel_loop3A_294, 1 {pack_format = #tpu.pack_format<interleaved>} : vector<32xbf16> -> vector<16xf32>
        %parallel_loop3A_297 = arith.mulf %parallel_loop3A_295, %parallel_loop3A_272 : vector<16xf32>
        %parallel_loop3A_298 = arith.index_cast %select_n3A_117 : i32 to index
        %parallel_loop3A_299 = arith.index_cast %parallel_loop3A_269 : i32 to index
        %parallel_loop3A_300 = arith.constant 16 : index
        %parallel_loop3A_301 = tpu.vector_load %arg11[%parallel_loop3A_298, %parallel_loop3A_299, %parallel_loop3A_300] {strides = array<i32>} : memref<2x64x128xf32, #tpu.memory_space<vmem>>, vector<16xf32>,
        tpu.vector_store %arg11[%parallel_loop3A_298, %parallel_loop3A_299, %parallel_loop3A_300], %parallel_loop3A_297 {strides = array<i32>} : memref<2x64x128xf32, #tpu.memory_space<vmem>>, vector<16xf32>,
        %parallel_loop3A_302 = arith.mulf %parallel_loop3A_296, %parallel_loop3A_272 : vector<16xf32>
        %parallel_loop3A_303 = arith.index_cast %select_n3A_117 : i32 to index
        %parallel_loop3A_304 = arith.index_cast %parallel_loop3A_269 : i32 to index
        %parallel_loop3A_305 = arith.constant 80 : index
        %parallel_loop3A_306 = tpu.vector_load %arg11[%parallel_loop3A_303, %parallel_loop3A_304, %parallel_loop3A_305] {strides = array<i32>} : memref<2x64x128xf32, #tpu.memory_space<vmem>>, vector<16xf32>,
        tpu.vector_store %arg11[%parallel_loop3A_303, %parallel_loop3A_304, %parallel_loop3A_305], %parallel_loop3A_302 {strides = array<i32>} : memref<2x64x128xf32, #tpu.memory_space<vmem>>, vector<16xf32>,
        %parallel_loop3A_307 = arith.index_cast %select_n3A_117 : i32 to index
        %parallel_loop3A_308 = arith.index_cast %parallel_loop3A_269 : i32 to index
        %parallel_loop3A_309 = arith.constant 32 : index
        %parallel_loop3A_310 = tpu.vector_load %arg10[%parallel_loop3A_307, %parallel_loop3A_308, %parallel_loop3A_309] {strides = array<i32>} : memref<2x64x64xi32, #tpu.memory_space<vmem>>, vector<16xi32>,
        %parallel_loop3A_311 = vector.bitcast %parallel_loop3A_310 : vector<16xi32> to vector<32xbf16>
        %parallel_loop3A_312 = tpu.unpack_subelements %parallel_loop3A_311, 0 {pack_format = #tpu.pack_format<interleaved>} : vector<32xbf16> -> vector<16xf32>
        %parallel_loop3A_313 = tpu.unpack_subelements %parallel_loop3A_311, 1 {pack_format = #tpu.pack_format<interleaved>} : vector<32xbf16> -> vector<16xf32>
        %parallel_loop3A_314 = arith.mulf %parallel_loop3A_312, %parallel_loop3A_272 : vector<16xf32>
        %parallel_loop3A_315 = arith.index_cast %select_n3A_117 : i32 to index
        %parallel_loop3A_316 = arith.index_cast %parallel_loop3A_269 : i32 to index
        %parallel_loop3A_317 = arith.constant 32 : index
        %parallel_loop3A_318 = tpu.vector_load %arg11[%parallel_loop3A_315, %parallel_loop3A_316, %parallel_loop3A_317] {strides = array<i32>} : memref<2x64x128xf32, #tpu.memory_space<vmem>>, vector<16xf32>,
        tpu.vector_store %arg11[%parallel_loop3A_315, %parallel_loop3A_316, %parallel_loop3A_317], %parallel_loop3A_314 {strides = array<i32>} : memref<2x64x128xf32, #tpu.memory_space<vmem>>, vector<16xf32>,
        %parallel_loop3A_319 = arith.mulf %parallel_loop3A_313, %parallel_loop3A_272 : vector<16xf32>
        %parallel_loop3A_320 = arith.index_cast %select_n3A_117 : i32 to index
        %parallel_loop3A_321 = arith.index_cast %parallel_loop3A_269 : i32 to index
        %parallel_loop3A_322 = arith.constant 96 : index
        %parallel_loop3A_323 = tpu.vector_load %arg11[%parallel_loop3A_320, %parallel_loop3A_321, %parallel_loop3A_322] {strides = array<i32>} : memref<2x64x128xf32, #tpu.memory_space<vmem>>, vector<16xf32>,
        tpu.vector_store %arg11[%parallel_loop3A_320, %parallel_loop3A_321, %parallel_loop3A_322], %parallel_loop3A_319 {strides = array<i32>} : memref<2x64x128xf32, #tpu.memory_space<vmem>>, vector<16xf32>,
        %parallel_loop3A_324 = arith.index_cast %select_n3A_117 : i32 to index
        %parallel_loop3A_325 = arith.index_cast %parallel_loop3A_269 : i32 to index
        %parallel_loop3A_326 = arith.constant 48 : index
        %parallel_loop3A_327 = tpu.vector_load %arg10[%parallel_loop3A_324, %parallel_loop3A_325, %parallel_loop3A_326] {strides = array<i32>} : memref<2x64x64xi32, #tpu.memory_space<vmem>>, vector<16xi32>,
        %parallel_loop3A_328 = vector.bitcast %parallel_loop3A_327 : vector<16xi32> to vector<32xbf16>
        %parallel_loop3A_329 = tpu.unpack_subelements %parallel_loop3A_328, 0 {pack_format = #tpu.pack_format<interleaved>} : vector<32xbf16> -> vector<16xf32>
        %parallel_loop3A_330 = tpu.unpack_subelements %parallel_loop3A_328, 1 {pack_format = #tpu.pack_format<interleaved>} : vector<32xbf16> -> vector<16xf32>
        %parallel_loop3A_331 = arith.mulf %parallel_loop3A_329, %parallel_loop3A_272 : vector<16xf32>
        %parallel_loop3A_332 = arith.index_cast %select_n3A_117 : i32 to index
        %parallel_loop3A_333 = arith.index_cast %parallel_loop3A_269 : i32 to index
        %parallel_loop3A_334 = arith.constant 48 : index
        %parallel_loop3A_335 = tpu.vector_load %arg11[%parallel_loop3A_332, %parallel_loop3A_333, %parallel_loop3A_334] {strides = array<i32>} : memref<2x64x128xf32, #tpu.memory_space<vmem>>, vector<16xf32>,
        tpu.vector_store %arg11[%parallel_loop3A_332, %parallel_loop3A_333, %parallel_loop3A_334], %parallel_loop3A_331 {strides = array<i32>} : memref<2x64x128xf32, #tpu.memory_space<vmem>>, vector<16xf32>,
        %parallel_loop3A_336 = arith.mulf %parallel_loop3A_330, %parallel_loop3A_272 : vector<16xf32>
        %parallel_loop3A_337 = arith.index_cast %select_n3A_117 : i32 to index
        %parallel_loop3A_338 = arith.index_cast %parallel_loop3A_269 : i32 to index
        %parallel_loop3A_339 = arith.constant 112 : index
        %parallel_loop3A_340 = tpu.vector_load %arg11[%parallel_loop3A_337, %parallel_loop3A_338, %parallel_loop3A_339] {strides = array<i32>} : memref<2x64x128xf32, #tpu.memory_space<vmem>>, vector<16xf32>,
        tpu.vector_store %arg11[%parallel_loop3A_337, %parallel_loop3A_338, %parallel_loop3A_339], %parallel_loop3A_336 {strides = array<i32>} : memref<2x64x128xf32, #tpu.memory_space<vmem>>, vector<16xf32>,
      } {sc.loop_unroll_factor = 4 : i64, sc.parallel_access}
      %dma_start3A_258 = arith.constant 0 : i32
      %dma_start3A_259 = arith.constant 0 : i32
      %dma_start3A_260 = tpu.memref_slice %arg11[%select_n3A_117, %dma_start3A_258, %dma_start3A_259] : memref<2x64x128xf32, #tpu.memory_space<vmem>> -> memref<1x64x128xf32, #tpu.memory_space<vmem>>
      %dma_start3A_261 = tpu.memref_squeeze %dma_start3A_260 : memref<1x64x128xf32, #tpu.memory_space<vmem>> -> memref<64x128xf32, #tpu.memory_space<vmem>>
      %dma_start3A_262 = arith.constant 0 : i32
      %dma_start3A_263 = tpu.memref_slice %arg8[%select_n3A_151, %dma_start3A_262] : memref<8x64xi32, #tpu.memory_space<vmem>> -> memref<1x64xi32, #tpu.memory_space<vmem>>
      %dma_start3A_264 = tpu.memref_squeeze %dma_start3A_263 : memref<1x64xi32, #tpu.memory_space<vmem>> -> memref<64xi32, #tpu.memory_space<vmem>>
      %dma_start3A_265 = arith.constant 0 : i32
      %dma_start3A_266 = arith.constant 0 : i32
      %dma_start3A_267 = tpu.memref_slice %arg12[%dma_start3A_265, %dma_start3A_266] : memref<10112x128xf32, #tpu.memory_space<vmem_shared>> -> memref<10112x128xf32, #tpu.memory_space<vmem_shared>>
      tpu.enqueue_indirect_dma source(%dma_start3A_261 : memref<64x128xf32, #tpu.memory_space<vmem>>) target(%dma_start3A_267 : memref<10112x128xf32, #tpu.memory_space<vmem_shared>>) offsets(%dma_start3A_264 : memref<64xi32, #tpu.memory_space<vmem>>) semaphore(%arg14 : memref<!tpu.dma_semaphore, #tpu.memory_space<semaphore_mem>>) {add = true}
      %while3A_268 = arith.constant 0 : i32
      scf.yield %while3A_268 : i32
    }
    %dma_wait3A = arith.constant 0 : i32
    %dma_wait3A_88 = arith.constant 0 : i32
    %dma_wait3A_89 = arith.constant 0 : i32
    %dma_wait3A_90 = arith.constant 0 : i32
    %dma_wait3A_91 = tpu.memref_slice %arg11[%dma_wait3A, %dma_wait3A_89, %dma_wait3A_90] : memref<2x64x128xf32, #tpu.memory_space<vmem>> -> memref<1x64x128xf32, #tpu.memory_space<vmem>>
    %dma_wait3A_92 = tpu.memref_squeeze %dma_wait3A_91 : memref<1x64x128xf32, #tpu.memory_space<vmem>> -> memref<64x128xf32, #tpu.memory_space<vmem>>
    %dma_wait3A_93 = arith.constant 0 : i32
    %dma_wait3A_94 = tpu.memref_slice %arg8[%dma_wait3A_88, %dma_wait3A_93] : memref<8x64xi32, #tpu.memory_space<vmem>> -> memref<1x64xi32, #tpu.memory_space<vmem>>
    %dma_wait3A_95 = tpu.memref_squeeze %dma_wait3A_94 : memref<1x64xi32, #tpu.memory_space<vmem>> -> memref<64xi32, #tpu.memory_space<vmem>>
    %dma_wait3A_96 = arith.constant 0 : i32
    %dma_wait3A_97 = arith.constant 0 : i32
    %dma_wait3A_98 = tpu.memref_slice %arg12[%dma_wait3A_96, %dma_wait3A_97] : memref<10112x128xf32, #tpu.memory_space<vmem_shared>> -> memref<10112x128xf32, #tpu.memory_space<vmem_shared>>
    tpu.wait_indirect_dma semaphore(%arg14 : memref<!tpu.dma_semaphore, #tpu.memory_space<semaphore_mem>>) src(%dma_wait3A_92 : memref<64x128xf32, #tpu.memory_space<vmem>>) dst(%dma_wait3A_98 : memref<10112x128xf32, #tpu.memory_space<vmem_shared>>)
    %barrier3A_99 = arith.constant 0 : index
    tpu.barrier barrier_id(%barrier3A_99)
    %mul3A_100 = arith.constant 632 : i32
    %mul3A_101 = arith.muli %arg1, %mul3A_100 : i32
    %mul3A_102 = arith.constant 632 : i32
    %mul3A_103 = arith.muli %arg1, %mul3A_102 : i32
    "tpu.region"() ({
      %run_scoped3A_104 = tpu.sem_alloc : memref<!tpu.dma_semaphore, #tpu.memory_space<semaphore_mem>>
      %dma_start3A_105 = arith.constant 0 : i32
      %dma_start3A_106 = tpu.memref_slice %arg6[%arg0, %mul3A_103, %dma_start3A_105] : memref<2x10112x128xf32, #tpu.memory_space<hbm>> -> memref<1x632x128xf32, #tpu.memory_space<hbm>>
      %dma_start3A_107 = tpu.memref_squeeze %dma_start3A_106 : memref<1x632x128xf32, #tpu.memory_space<hbm>> -> memref<632x128xf32, #tpu.memory_space<hbm>>
      %dma_start3A_108 = arith.constant 0 : i32
      %dma_start3A_109 = tpu.memref_slice %arg12[%mul3A_101, %dma_start3A_108] : memref<10112x128xf32, #tpu.memory_space<vmem_shared>> -> memref<632x128xf32, #tpu.memory_space<vmem_shared>>
      tpu.enqueue_dma source(%dma_start3A_109 : memref<632x128xf32, #tpu.memory_space<vmem_shared>>) target(%dma_start3A_107 : memref<632x128xf32, #tpu.memory_space<hbm>>) target_semaphore(%run_scoped3A_104 : memref<!tpu.dma_semaphore, #tpu.memory_space<semaphore_mem>>)
      %dma_wait3A_110 = arith.constant 0 : i32
      %dma_wait3A_111 = tpu.memref_slice %arg6[%arg0, %mul3A_103, %dma_wait3A_110] : memref<2x10112x128xf32, #tpu.memory_space<hbm>> -> memref<1x632x128xf32, #tpu.memory_space<hbm>>
      %dma_wait3A_112 = tpu.memref_squeeze %dma_wait3A_111 : memref<1x632x128xf32, #tpu.memory_space<hbm>> -> memref<632x128xf32, #tpu.memory_space<hbm>>
      %dma_wait3A_113 = arith.constant 0 : i32
      %dma_wait3A_114 = tpu.memref_slice %arg12[%mul3A_101, %dma_wait3A_113] : memref<10112x128xf32, #tpu.memory_space<vmem_shared>> -> memref<632x128xf32, #tpu.memory_space<vmem_shared>>
      tpu.wait_dma2 semaphore(%run_scoped3A_104 : memref<!tpu.dma_semaphore, #tpu.memory_space<semaphore_mem>>) src(%dma_wait3A_114 : memref<632x128xf32, #tpu.memory_space<vmem_shared>>) dst(%dma_wait3A_112 : memref<632x128xf32, #tpu.memory_space<hbm>>)
      tpu.yield
    }) : () -> ()
    return
  }
}

#map = affine_map<(d0, d1) -> (0, 0)>
#map1 = affine_map<(d0, d1) -> (0, 0, 0)>
module attributes {stable_mosaic.version = 14 : i64} {
  func.func @_edge_kernel(%arg0: i32, %arg1: i32, %arg2: memref<80000x64xi32, #tpu.memory_space<hbm>>, %arg3: memref<5120x64xi32, #tpu.memory_space<hbm>>, %arg4: memref<5120x64xi32, #tpu.memory_space<hbm>>, %arg5: memref<5120x64xf32, #tpu.memory_space<hbm>>, %arg6: memref<2x10112x128xf32, #tpu.memory_space<hbm>>, %arg7: memref<2x8x64xi32, #tpu.memory_space<vmem>>, %arg8: memref<8x64xi32, #tpu.memory_space<vmem>>, %arg9: memref<8x64xf32, #tpu.memory_space<vmem>>, %arg10: memref<2x64x64xi32, #tpu.memory_space<vmem>>, %arg11: memref<2x64x128xf32, #tpu.memory_space<vmem>>, %arg12: memref<10112x128xf32, #tpu.memory_space<vmem_shared>>, %arg13: memref<!tpu.dma_semaphore, #tpu.memory_space<semaphore_mem>>, %arg14: memref<!tpu.dma_semaphore, #tpu.memory_space<semaphore_mem>>) attributes {dimension_semantics = [#tpu.dimension_semantics<core_parallel>, #tpu.dimension_semantics<subcore_parallel>], iteration_bounds = array<i64: 2, 16>, scalar_prefetch = 0 : i64, scratch_operands = 8 : i64, tpu.core_type = #tpu.core_type<sc_vector_subcore>, window_params = [{transform_indices = #map}, {transform_indices = #map}, {transform_indices = #map}, {transform_indices = #map}, {transform_indices = #map1}]} {
    %eq3A = arith.constant 0 : i32
    %eq3A_0 = arith.cmpi eq, %arg0, %eq3A : i32
    %jit3A = arith.constant 216 : i32
    %jit3A_1 = arith.constant 104 : i32
    %select_n3A = arith.select %eq3A_0, %jit3A, %jit3A_1 : i32
    %eq3A_2 = arith.constant 0 : i32
    %eq3A_3 = arith.cmpi eq, %arg0, %eq3A_2 : i32
    %mul3A = arith.constant 216 : i32
    %mul3A_4 = arith.muli %arg1, %mul3A : i32
    %mul3A_5 = arith.constant 104 : i32
    %mul3A_6 = arith.muli %arg1, %mul3A_5 : i32
    %add3A = arith.constant 3456 : i32
    %add3A_7 = arith.addi %add3A, %mul3A_6 : i32
    %select_n3A_8 = arith.select %eq3A_3, %mul3A_4, %add3A_7 : i32
    %scan3A = arith.constant 0 : i32
    %scan3A_9 = arith.constant 0 : i32
    %scan3A_10 = arith.constant 64 : i32
    %scan3A_11 = arith.addi %scan3A_9, %scan3A_10 : i32
    %scan3A_12 = arith.constant 1 : i32
    %scan3A_13 = scf.for %scan3A_104 = %scan3A_9 to %scan3A_11 step %scan3A_12 iter_args(%scan3A_105 = %scan3A) -> (i32)  : i32 {
      %broadcast_in_dim3A = arith.constant 0.000000e+00 : f32
      %broadcast_in_dim3A_106 = vector.broadcast %broadcast_in_dim3A : f32 to vector<16xf32>
      %swap3A = arith.constant 0 : i32
      %swap3A_107 = arith.index_cast %swap3A : i32 to index
      %swap3A_108 = arith.index_cast %scan3A_104 : i32 to index
      %swap3A_109 = arith.constant 0 : index
      %swap3A_110 = tpu.vector_load %arg11[%swap3A_107, %swap3A_108, %swap3A_109] {strides = array<i32>} : memref<2x64x128xf32, #tpu.memory_space<vmem>>, vector<16xf32>,
      tpu.vector_store %arg11[%swap3A_107, %swap3A_108, %swap3A_109], %broadcast_in_dim3A_106 {strides = array<i32>} : memref<2x64x128xf32, #tpu.memory_space<vmem>>, vector<16xf32>,
      %broadcast_in_dim3A_111 = arith.constant 0.000000e+00 : f32
      %broadcast_in_dim3A_112 = vector.broadcast %broadcast_in_dim3A_111 : f32 to vector<16xf32>
      %swap3A_113 = arith.constant 0 : i32
      %swap3A_114 = arith.index_cast %swap3A_113 : i32 to index
      %swap3A_115 = arith.index_cast %scan3A_104 : i32 to index
      %swap3A_116 = arith.constant 16 : index
      %swap3A_117 = tpu.vector_load %arg11[%swap3A_114, %swap3A_115, %swap3A_116] {strides = array<i32>} : memref<2x64x128xf32, #tpu.memory_space<vmem>>, vector<16xf32>,
      tpu.vector_store %arg11[%swap3A_114, %swap3A_115, %swap3A_116], %broadcast_in_dim3A_112 {strides = array<i32>} : memref<2x64x128xf32, #tpu.memory_space<vmem>>, vector<16xf32>,
      %broadcast_in_dim3A_118 = arith.constant 0.000000e+00 : f32
      %broadcast_in_dim3A_119 = vector.broadcast %broadcast_in_dim3A_118 : f32 to vector<16xf32>
      %swap3A_120 = arith.constant 0 : i32
      %swap3A_121 = arith.index_cast %swap3A_120 : i32 to index
      %swap3A_122 = arith.index_cast %scan3A_104 : i32 to index
      %swap3A_123 = arith.constant 32 : index
      %swap3A_124 = tpu.vector_load %arg11[%swap3A_121, %swap3A_122, %swap3A_123] {strides = array<i32>} : memref<2x64x128xf32, #tpu.memory_space<vmem>>, vector<16xf32>,
      tpu.vector_store %arg11[%swap3A_121, %swap3A_122, %swap3A_123], %broadcast_in_dim3A_119 {strides = array<i32>} : memref<2x64x128xf32, #tpu.memory_space<vmem>>, vector<16xf32>,
      %broadcast_in_dim3A_125 = arith.constant 0.000000e+00 : f32
      %broadcast_in_dim3A_126 = vector.broadcast %broadcast_in_dim3A_125 : f32 to vector<16xf32>
      %swap3A_127 = arith.constant 0 : i32
      %swap3A_128 = arith.index_cast %swap3A_127 : i32 to index
      %swap3A_129 = arith.index_cast %scan3A_104 : i32 to index
      %swap3A_130 = arith.constant 48 : index
      %swap3A_131 = tpu.vector_load %arg11[%swap3A_128, %swap3A_129, %swap3A_130] {strides = array<i32>} : memref<2x64x128xf32, #tpu.memory_space<vmem>>, vector<16xf32>,
      tpu.vector_store %arg11[%swap3A_128, %swap3A_129, %swap3A_130], %broadcast_in_dim3A_126 {strides = array<i32>} : memref<2x64x128xf32, #tpu.memory_space<vmem>>, vector<16xf32>,
      %broadcast_in_dim3A_132 = arith.constant 0.000000e+00 : f32
      %broadcast_in_dim3A_133 = vector.broadcast %broadcast_in_dim3A_132 : f32 to vector<16xf32>
      %swap3A_134 = arith.constant 0 : i32
      %swap3A_135 = arith.index_cast %swap3A_134 : i32 to index
      %swap3A_136 = arith.index_cast %scan3A_104 : i32 to index
      %swap3A_137 = arith.constant 64 : index
      %swap3A_138 = tpu.vector_load %arg11[%swap3A_135, %swap3A_136, %swap3A_137] {strides = array<i32>} : memref<2x64x128xf32, #tpu.memory_space<vmem>>, vector<16xf32>,
      tpu.vector_store %arg11[%swap3A_135, %swap3A_136, %swap3A_137], %broadcast_in_dim3A_133 {strides = array<i32>} : memref<2x64x128xf32, #tpu.memory_space<vmem>>, vector<16xf32>,
      %broadcast_in_dim3A_139 = arith.constant 0.000000e+00 : f32
      %broadcast_in_dim3A_140 = vector.broadcast %broadcast_in_dim3A_139 : f32 to vector<16xf32>
      %swap3A_141 = arith.constant 0 : i32
      %swap3A_142 = arith.index_cast %swap3A_141 : i32 to index
      %swap3A_143 = arith.index_cast %scan3A_104 : i32 to index
      %swap3A_144 = arith.constant 80 : index
      %swap3A_145 = tpu.vector_load %arg11[%swap3A_142, %swap3A_143, %swap3A_144] {strides = array<i32>} : memref<2x64x128xf32, #tpu.memory_space<vmem>>, vector<16xf32>,
      tpu.vector_store %arg11[%swap3A_142, %swap3A_143, %swap3A_144], %broadcast_in_dim3A_140 {strides = array<i32>} : memref<2x64x128xf32, #tpu.memory_space<vmem>>, vector<16xf32>,
      %broadcast_in_dim3A_146 = arith.constant 0.000000e+00 : f32
      %broadcast_in_dim3A_147 = vector.broadcast %broadcast_in_dim3A_146 : f32 to vector<16xf32>
      %swap3A_148 = arith.constant 0 : i32
      %swap3A_149 = arith.index_cast %swap3A_148 : i32 to index
      %swap3A_150 = arith.index_cast %scan3A_104 : i32 to index
      %swap3A_151 = arith.constant 96 : index
      %swap3A_152 = tpu.vector_load %arg11[%swap3A_149, %swap3A_150, %swap3A_151] {strides = array<i32>} : memref<2x64x128xf32, #tpu.memory_space<vmem>>, vector<16xf32>,
      tpu.vector_store %arg11[%swap3A_149, %swap3A_150, %swap3A_151], %broadcast_in_dim3A_147 {strides = array<i32>} : memref<2x64x128xf32, #tpu.memory_space<vmem>>, vector<16xf32>,
      %broadcast_in_dim3A_153 = arith.constant 0.000000e+00 : f32
      %broadcast_in_dim3A_154 = vector.broadcast %broadcast_in_dim3A_153 : f32 to vector<16xf32>
      %swap3A_155 = arith.constant 0 : i32
      %swap3A_156 = arith.index_cast %swap3A_155 : i32 to index
      %swap3A_157 = arith.index_cast %scan3A_104 : i32 to index
      %swap3A_158 = arith.constant 112 : index
      %swap3A_159 = tpu.vector_load %arg11[%swap3A_156, %swap3A_157, %swap3A_158] {strides = array<i32>} : memref<2x64x128xf32, #tpu.memory_space<vmem>>, vector<16xf32>,
      tpu.vector_store %arg11[%swap3A_156, %swap3A_157, %swap3A_158], %broadcast_in_dim3A_154 {strides = array<i32>} : memref<2x64x128xf32, #tpu.memory_space<vmem>>, vector<16xf32>,
      %scan3A_160 = arith.constant 0 : i32
      scf.yield %scan3A_160 : i32
    }
    %scan3A_14 = arith.constant 64 : i32
    %mul3A_15 = arith.constant 632 : i32
    %mul3A_16 = arith.muli %arg1, %mul3A_15 : i32
    %add3A_17 = arith.constant 0 : i32
    %add3A_18 = arith.addi %mul3A_16, %add3A_17 : i32
    %run_scoped3A = arith.constant 0 : i32
    "tpu.region"() ({
      %run_scoped3A_104 = tpu.sem_alloc : memref<!tpu.dma_semaphore, #tpu.memory_space<semaphore_mem>>
      %dma_start3A_105 = arith.constant 0 : i32
      %dma_start3A_106 = arith.constant 0 : i32
      %dma_start3A_107 = tpu.memref_slice %arg11[%run_scoped3A, %dma_start3A_105, %dma_start3A_106] : memref<2x64x128xf32, #tpu.memory_space<vmem>> -> memref<1x64x128xf32, #tpu.memory_space<vmem>>
      %dma_start3A_108 = tpu.memref_squeeze %dma_start3A_107 : memref<1x64x128xf32, #tpu.memory_space<vmem>> -> memref<64x128xf32, #tpu.memory_space<vmem>>
      %dma_start3A_109 = arith.constant 0 : i32
      %dma_start3A_110 = tpu.memref_slice %arg12[%add3A_18, %dma_start3A_109] : memref<10112x128xf32, #tpu.memory_space<vmem_shared>> -> memref<64x128xf32, #tpu.memory_space<vmem_shared>>
      %dma_start3A_111 = arith.constant 0 : i32
      %dma_start3A_112 = tpu.memref_slice %arg12[%add3A_18, %dma_start3A_111] : memref<10112x128xf32, #tpu.memory_space<vmem_shared>> -> memref<64x128xf32, #tpu.memory_space<vmem_shared>>
      %dma_start3A_113 = arith.constant 0 : i32
      %dma_start3A_114 = arith.constant 0 : i32
      %dma_start3A_115 = tpu.memref_slice %arg11[%run_scoped3A, %dma_start3A_113, %dma_start3A_114] : memref<2x64x128xf32, #tpu.memory_space<vmem>> -> memref<1x64x128xf32, #tpu.memory_space<vmem>>
      %dma_start3A_116 = tpu.memref_squeeze %dma_start3A_115 : memref<1x64x128xf32, #tpu.memory_space<vmem>> -> memref<64x128xf32, #tpu.memory_space<vmem>>
      tpu.enqueue_dma source(%dma_start3A_116 : memref<64x128xf32, #tpu.memory_space<vmem>>) target(%dma_start3A_112 : memref<64x128xf32, #tpu.memory_space<vmem_shared>>) target_semaphore(%run_scoped3A_104 : memref<!tpu.dma_semaphore, #tpu.memory_space<semaphore_mem>>)
      %dma_wait3A_117 = arith.constant 0 : i32
      %dma_wait3A_118 = arith.constant 0 : i32
      %dma_wait3A_119 = tpu.memref_slice %arg11[%run_scoped3A, %dma_wait3A_117, %dma_wait3A_118] : memref<2x64x128xf32, #tpu.memory_space<vmem>> -> memref<1x64x128xf32, #tpu.memory_space<vmem>>
      %dma_wait3A_120 = tpu.memref_squeeze %dma_wait3A_119 : memref<1x64x128xf32, #tpu.memory_space<vmem>> -> memref<64x128xf32, #tpu.memory_space<vmem>>
      %dma_wait3A_121 = arith.constant 0 : i32
      %dma_wait3A_122 = tpu.memref_slice %arg12[%add3A_18, %dma_wait3A_121] : memref<10112x128xf32, #tpu.memory_space<vmem_shared>> -> memref<64x128xf32, #tpu.memory_space<vmem_shared>>
      %dma_wait3A_123 = arith.constant 0 : i32
      %dma_wait3A_124 = tpu.memref_slice %arg12[%add3A_18, %dma_wait3A_123] : memref<10112x128xf32, #tpu.memory_space<vmem_shared>> -> memref<64x128xf32, #tpu.memory_space<vmem_shared>>
      %dma_wait3A_125 = arith.constant 0 : i32
      %dma_wait3A_126 = arith.constant 0 : i32
      %dma_wait3A_127 = tpu.memref_slice %arg11[%run_scoped3A, %dma_wait3A_125, %dma_wait3A_126] : memref<2x64x128xf32, #tpu.memory_space<vmem>> -> memref<1x64x128xf32, #tpu.memory_space<vmem>>
      %dma_wait3A_128 = tpu.memref_squeeze %dma_wait3A_127 : memref<1x64x128xf32, #tpu.memory_space<vmem>> -> memref<64x128xf32, #tpu.memory_space<vmem>>
      tpu.wait_dma2 semaphore(%run_scoped3A_104 : memref<!tpu.dma_semaphore, #tpu.memory_space<semaphore_mem>>) src(%dma_wait3A_128 : memref<64x128xf32, #tpu.memory_space<vmem>>) dst(%dma_wait3A_124 : memref<64x128xf32, #tpu.memory_space<vmem_shared>>)
      tpu.yield
    }) : () -> ()
    %mul3A_19 = arith.constant 632 : i32
    %mul3A_20 = arith.muli %arg1, %mul3A_19 : i32
    %add3A_21 = arith.constant 64 : i32
    %add3A_22 = arith.addi %mul3A_20, %add3A_21 : i32
    %run_scoped3A_23 = arith.constant 0 : i32
    "tpu.region"() ({
      %run_scoped3A_104 = tpu.sem_alloc : memref<!tpu.dma_semaphore, #tpu.memory_space<semaphore_mem>>
      %dma_start3A_105 = arith.constant 0 : i32
      %dma_start3A_106 = arith.constant 0 : i32
      %dma_start3A_107 = tpu.memref_slice %arg11[%run_scoped3A_23, %dma_start3A_105, %dma_start3A_106] : memref<2x64x128xf32, #tpu.memory_space<vmem>> -> memref<1x64x128xf32, #tpu.memory_space<vmem>>
      %dma_start3A_108 = tpu.memref_squeeze %dma_start3A_107 : memref<1x64x128xf32, #tpu.memory_space<vmem>> -> memref<64x128xf32, #tpu.memory_space<vmem>>
      %dma_start3A_109 = arith.constant 0 : i32
      %dma_start3A_110 = tpu.memref_slice %arg12[%add3A_22, %dma_start3A_109] : memref<10112x128xf32, #tpu.memory_space<vmem_shared>> -> memref<64x128xf32, #tpu.memory_space<vmem_shared>>
      %dma_start3A_111 = arith.constant 0 : i32
      %dma_start3A_112 = tpu.memref_slice %arg12[%add3A_22, %dma_start3A_111] : memref<10112x128xf32, #tpu.memory_space<vmem_shared>> -> memref<64x128xf32, #tpu.memory_space<vmem_shared>>
      %dma_start3A_113 = arith.constant 0 : i32
      %dma_start3A_114 = arith.constant 0 : i32
      %dma_start3A_115 = tpu.memref_slice %arg11[%run_scoped3A_23, %dma_start3A_113, %dma_start3A_114] : memref<2x64x128xf32, #tpu.memory_space<vmem>> -> memref<1x64x128xf32, #tpu.memory_space<vmem>>
      %dma_start3A_116 = tpu.memref_squeeze %dma_start3A_115 : memref<1x64x128xf32, #tpu.memory_space<vmem>> -> memref<64x128xf32, #tpu.memory_space<vmem>>
      tpu.enqueue_dma source(%dma_start3A_116 : memref<64x128xf32, #tpu.memory_space<vmem>>) target(%dma_start3A_112 : memref<64x128xf32, #tpu.memory_space<vmem_shared>>) target_semaphore(%run_scoped3A_104 : memref<!tpu.dma_semaphore, #tpu.memory_space<semaphore_mem>>)
      %dma_wait3A_117 = arith.constant 0 : i32
      %dma_wait3A_118 = arith.constant 0 : i32
      %dma_wait3A_119 = tpu.memref_slice %arg11[%run_scoped3A_23, %dma_wait3A_117, %dma_wait3A_118] : memref<2x64x128xf32, #tpu.memory_space<vmem>> -> memref<1x64x128xf32, #tpu.memory_space<vmem>>
      %dma_wait3A_120 = tpu.memref_squeeze %dma_wait3A_119 : memref<1x64x128xf32, #tpu.memory_space<vmem>> -> memref<64x128xf32, #tpu.memory_space<vmem>>
      %dma_wait3A_121 = arith.constant 0 : i32
      %dma_wait3A_122 = tpu.memref_slice %arg12[%add3A_22, %dma_wait3A_121] : memref<10112x128xf32, #tpu.memory_space<vmem_shared>> -> memref<64x128xf32, #tpu.memory_space<vmem_shared>>
      %dma_wait3A_123 = arith.constant 0 : i32
      %dma_wait3A_124 = tpu.memref_slice %arg12[%add3A_22, %dma_wait3A_123] : memref<10112x128xf32, #tpu.memory_space<vmem_shared>> -> memref<64x128xf32, #tpu.memory_space<vmem_shared>>
      %dma_wait3A_125 = arith.constant 0 : i32
      %dma_wait3A_126 = arith.constant 0 : i32
      %dma_wait3A_127 = tpu.memref_slice %arg11[%run_scoped3A_23, %dma_wait3A_125, %dma_wait3A_126] : memref<2x64x128xf32, #tpu.memory_space<vmem>> -> memref<1x64x128xf32, #tpu.memory_space<vmem>>
      %dma_wait3A_128 = tpu.memref_squeeze %dma_wait3A_127 : memref<1x64x128xf32, #tpu.memory_space<vmem>> -> memref<64x128xf32, #tpu.memory_space<vmem>>
      tpu.wait_dma2 semaphore(%run_scoped3A_104 : memref<!tpu.dma_semaphore, #tpu.memory_space<semaphore_mem>>) src(%dma_wait3A_128 : memref<64x128xf32, #tpu.memory_space<vmem>>) dst(%dma_wait3A_124 : memref<64x128xf32, #tpu.memory_space<vmem_shared>>)
      tpu.yield
    }) : () -> ()
    %mul3A_24 = arith.constant 632 : i32
    %mul3A_25 = arith.muli %arg1, %mul3A_24 : i32
    %add3A_26 = arith.constant 128 : i32
    %add3A_27 = arith.addi %mul3A_25, %add3A_26 : i32
    %run_scoped3A_28 = arith.constant 0 : i32
    "tpu.region"() ({
      %run_scoped3A_104 = tpu.sem_alloc : memref<!tpu.dma_semaphore, #tpu.memory_space<semaphore_mem>>
      %dma_start3A_105 = arith.constant 0 : i32
      %dma_start3A_106 = arith.constant 0 : i32
      %dma_start3A_107 = tpu.memref_slice %arg11[%run_scoped3A_28, %dma_start3A_105, %dma_start3A_106] : memref<2x64x128xf32, #tpu.memory_space<vmem>> -> memref<1x64x128xf32, #tpu.memory_space<vmem>>
      %dma_start3A_108 = tpu.memref_squeeze %dma_start3A_107 : memref<1x64x128xf32, #tpu.memory_space<vmem>> -> memref<64x128xf32, #tpu.memory_space<vmem>>
      %dma_start3A_109 = arith.constant 0 : i32
      %dma_start3A_110 = tpu.memref_slice %arg12[%add3A_27, %dma_start3A_109] : memref<10112x128xf32, #tpu.memory_space<vmem_shared>> -> memref<64x128xf32, #tpu.memory_space<vmem_shared>>
      %dma_start3A_111 = arith.constant 0 : i32
      %dma_start3A_112 = tpu.memref_slice %arg12[%add3A_27, %dma_start3A_111] : memref<10112x128xf32, #tpu.memory_space<vmem_shared>> -> memref<64x128xf32, #tpu.memory_space<vmem_shared>>
      %dma_start3A_113 = arith.constant 0 : i32
      %dma_start3A_114 = arith.constant 0 : i32
      %dma_start3A_115 = tpu.memref_slice %arg11[%run_scoped3A_28, %dma_start3A_113, %dma_start3A_114] : memref<2x64x128xf32, #tpu.memory_space<vmem>> -> memref<1x64x128xf32, #tpu.memory_space<vmem>>
      %dma_start3A_116 = tpu.memref_squeeze %dma_start3A_115 : memref<1x64x128xf32, #tpu.memory_space<vmem>> -> memref<64x128xf32, #tpu.memory_space<vmem>>
      tpu.enqueue_dma source(%dma_start3A_116 : memref<64x128xf32, #tpu.memory_space<vmem>>) target(%dma_start3A_112 : memref<64x128xf32, #tpu.memory_space<vmem_shared>>) target_semaphore(%run_scoped3A_104 : memref<!tpu.dma_semaphore, #tpu.memory_space<semaphore_mem>>)
      %dma_wait3A_117 = arith.constant 0 : i32
      %dma_wait3A_118 = arith.constant 0 : i32
      %dma_wait3A_119 = tpu.memref_slice %arg11[%run_scoped3A_28, %dma_wait3A_117, %dma_wait3A_118] : memref<2x64x128xf32, #tpu.memory_space<vmem>> -> memref<1x64x128xf32, #tpu.memory_space<vmem>>
      %dma_wait3A_120 = tpu.memref_squeeze %dma_wait3A_119 : memref<1x64x128xf32, #tpu.memory_space<vmem>> -> memref<64x128xf32, #tpu.memory_space<vmem>>
      %dma_wait3A_121 = arith.constant 0 : i32
      %dma_wait3A_122 = tpu.memref_slice %arg12[%add3A_27, %dma_wait3A_121] : memref<10112x128xf32, #tpu.memory_space<vmem_shared>> -> memref<64x128xf32, #tpu.memory_space<vmem_shared>>
      %dma_wait3A_123 = arith.constant 0 : i32
      %dma_wait3A_124 = tpu.memref_slice %arg12[%add3A_27, %dma_wait3A_123] : memref<10112x128xf32, #tpu.memory_space<vmem_shared>> -> memref<64x128xf32, #tpu.memory_space<vmem_shared>>
      %dma_wait3A_125 = arith.constant 0 : i32
      %dma_wait3A_126 = arith.constant 0 : i32
      %dma_wait3A_127 = tpu.memref_slice %arg11[%run_scoped3A_28, %dma_wait3A_125, %dma_wait3A_126] : memref<2x64x128xf32, #tpu.memory_space<vmem>> -> memref<1x64x128xf32, #tpu.memory_space<vmem>>
      %dma_wait3A_128 = tpu.memref_squeeze %dma_wait3A_127 : memref<1x64x128xf32, #tpu.memory_space<vmem>> -> memref<64x128xf32, #tpu.memory_space<vmem>>
      tpu.wait_dma2 semaphore(%run_scoped3A_104 : memref<!tpu.dma_semaphore, #tpu.memory_space<semaphore_mem>>) src(%dma_wait3A_128 : memref<64x128xf32, #tpu.memory_space<vmem>>) dst(%dma_wait3A_124 : memref<64x128xf32, #tpu.memory_space<vmem_shared>>)
      tpu.yield
    }) : () -> ()
    %mul3A_29 = arith.constant 632 : i32
    %mul3A_30 = arith.muli %arg1, %mul3A_29 : i32
    %add3A_31 = arith.constant 192 : i32
    %add3A_32 = arith.addi %mul3A_30, %add3A_31 : i32
    %run_scoped3A_33 = arith.constant 0 : i32
    "tpu.region"() ({
      %run_scoped3A_104 = tpu.sem_alloc : memref<!tpu.dma_semaphore, #tpu.memory_space<semaphore_mem>>
      %dma_start3A_105 = arith.constant 0 : i32
      %dma_start3A_106 = arith.constant 0 : i32
      %dma_start3A_107 = tpu.memref_slice %arg11[%run_scoped3A_33, %dma_start3A_105, %dma_start3A_106] : memref<2x64x128xf32, #tpu.memory_space<vmem>> -> memref<1x64x128xf32, #tpu.memory_space<vmem>>
      %dma_start3A_108 = tpu.memref_squeeze %dma_start3A_107 : memref<1x64x128xf32, #tpu.memory_space<vmem>> -> memref<64x128xf32, #tpu.memory_space<vmem>>
      %dma_start3A_109 = arith.constant 0 : i32
      %dma_start3A_110 = tpu.memref_slice %arg12[%add3A_32, %dma_start3A_109] : memref<10112x128xf32, #tpu.memory_space<vmem_shared>> -> memref<64x128xf32, #tpu.memory_space<vmem_shared>>
      %dma_start3A_111 = arith.constant 0 : i32
      %dma_start3A_112 = tpu.memref_slice %arg12[%add3A_32, %dma_start3A_111] : memref<10112x128xf32, #tpu.memory_space<vmem_shared>> -> memref<64x128xf32, #tpu.memory_space<vmem_shared>>
      %dma_start3A_113 = arith.constant 0 : i32
      %dma_start3A_114 = arith.constant 0 : i32
      %dma_start3A_115 = tpu.memref_slice %arg11[%run_scoped3A_33, %dma_start3A_113, %dma_start3A_114] : memref<2x64x128xf32, #tpu.memory_space<vmem>> -> memref<1x64x128xf32, #tpu.memory_space<vmem>>
      %dma_start3A_116 = tpu.memref_squeeze %dma_start3A_115 : memref<1x64x128xf32, #tpu.memory_space<vmem>> -> memref<64x128xf32, #tpu.memory_space<vmem>>
      tpu.enqueue_dma source(%dma_start3A_116 : memref<64x128xf32, #tpu.memory_space<vmem>>) target(%dma_start3A_112 : memref<64x128xf32, #tpu.memory_space<vmem_shared>>) target_semaphore(%run_scoped3A_104 : memref<!tpu.dma_semaphore, #tpu.memory_space<semaphore_mem>>)
      %dma_wait3A_117 = arith.constant 0 : i32
      %dma_wait3A_118 = arith.constant 0 : i32
      %dma_wait3A_119 = tpu.memref_slice %arg11[%run_scoped3A_33, %dma_wait3A_117, %dma_wait3A_118] : memref<2x64x128xf32, #tpu.memory_space<vmem>> -> memref<1x64x128xf32, #tpu.memory_space<vmem>>
      %dma_wait3A_120 = tpu.memref_squeeze %dma_wait3A_119 : memref<1x64x128xf32, #tpu.memory_space<vmem>> -> memref<64x128xf32, #tpu.memory_space<vmem>>
      %dma_wait3A_121 = arith.constant 0 : i32
      %dma_wait3A_122 = tpu.memref_slice %arg12[%add3A_32, %dma_wait3A_121] : memref<10112x128xf32, #tpu.memory_space<vmem_shared>> -> memref<64x128xf32, #tpu.memory_space<vmem_shared>>
      %dma_wait3A_123 = arith.constant 0 : i32
      %dma_wait3A_124 = tpu.memref_slice %arg12[%add3A_32, %dma_wait3A_123] : memref<10112x128xf32, #tpu.memory_space<vmem_shared>> -> memref<64x128xf32, #tpu.memory_space<vmem_shared>>
      %dma_wait3A_125 = arith.constant 0 : i32
      %dma_wait3A_126 = arith.constant 0 : i32
      %dma_wait3A_127 = tpu.memref_slice %arg11[%run_scoped3A_33, %dma_wait3A_125, %dma_wait3A_126] : memref<2x64x128xf32, #tpu.memory_space<vmem>> -> memref<1x64x128xf32, #tpu.memory_space<vmem>>
      %dma_wait3A_128 = tpu.memref_squeeze %dma_wait3A_127 : memref<1x64x128xf32, #tpu.memory_space<vmem>> -> memref<64x128xf32, #tpu.memory_space<vmem>>
      tpu.wait_dma2 semaphore(%run_scoped3A_104 : memref<!tpu.dma_semaphore, #tpu.memory_space<semaphore_mem>>) src(%dma_wait3A_128 : memref<64x128xf32, #tpu.memory_space<vmem>>) dst(%dma_wait3A_124 : memref<64x128xf32, #tpu.memory_space<vmem_shared>>)
      tpu.yield
    }) : () -> ()
    %mul3A_34 = arith.constant 632 : i32
    %mul3A_35 = arith.muli %arg1, %mul3A_34 : i32
    %add3A_36 = arith.constant 256 : i32
    %add3A_37 = arith.addi %mul3A_35, %add3A_36 : i32
    %run_scoped3A_38 = arith.constant 0 : i32
    "tpu.region"() ({
      %run_scoped3A_104 = tpu.sem_alloc : memref<!tpu.dma_semaphore, #tpu.memory_space<semaphore_mem>>
      %dma_start3A_105 = arith.constant 0 : i32
      %dma_start3A_106 = arith.constant 0 : i32
      %dma_start3A_107 = tpu.memref_slice %arg11[%run_scoped3A_38, %dma_start3A_105, %dma_start3A_106] : memref<2x64x128xf32, #tpu.memory_space<vmem>> -> memref<1x64x128xf32, #tpu.memory_space<vmem>>
      %dma_start3A_108 = tpu.memref_squeeze %dma_start3A_107 : memref<1x64x128xf32, #tpu.memory_space<vmem>> -> memref<64x128xf32, #tpu.memory_space<vmem>>
      %dma_start3A_109 = arith.constant 0 : i32
      %dma_start3A_110 = tpu.memref_slice %arg12[%add3A_37, %dma_start3A_109] : memref<10112x128xf32, #tpu.memory_space<vmem_shared>> -> memref<64x128xf32, #tpu.memory_space<vmem_shared>>
      %dma_start3A_111 = arith.constant 0 : i32
      %dma_start3A_112 = tpu.memref_slice %arg12[%add3A_37, %dma_start3A_111] : memref<10112x128xf32, #tpu.memory_space<vmem_shared>> -> memref<64x128xf32, #tpu.memory_space<vmem_shared>>
      %dma_start3A_113 = arith.constant 0 : i32
      %dma_start3A_114 = arith.constant 0 : i32
      %dma_start3A_115 = tpu.memref_slice %arg11[%run_scoped3A_38, %dma_start3A_113, %dma_start3A_114] : memref<2x64x128xf32, #tpu.memory_space<vmem>> -> memref<1x64x128xf32, #tpu.memory_space<vmem>>
      %dma_start3A_116 = tpu.memref_squeeze %dma_start3A_115 : memref<1x64x128xf32, #tpu.memory_space<vmem>> -> memref<64x128xf32, #tpu.memory_space<vmem>>
      tpu.enqueue_dma source(%dma_start3A_116 : memref<64x128xf32, #tpu.memory_space<vmem>>) target(%dma_start3A_112 : memref<64x128xf32, #tpu.memory_space<vmem_shared>>) target_semaphore(%run_scoped3A_104 : memref<!tpu.dma_semaphore, #tpu.memory_space<semaphore_mem>>)
      %dma_wait3A_117 = arith.constant 0 : i32
      %dma_wait3A_118 = arith.constant 0 : i32
      %dma_wait3A_119 = tpu.memref_slice %arg11[%run_scoped3A_38, %dma_wait3A_117, %dma_wait3A_118] : memref<2x64x128xf32, #tpu.memory_space<vmem>> -> memref<1x64x128xf32, #tpu.memory_space<vmem>>
      %dma_wait3A_120 = tpu.memref_squeeze %dma_wait3A_119 : memref<1x64x128xf32, #tpu.memory_space<vmem>> -> memref<64x128xf32, #tpu.memory_space<vmem>>
      %dma_wait3A_121 = arith.constant 0 : i32
      %dma_wait3A_122 = tpu.memref_slice %arg12[%add3A_37, %dma_wait3A_121] : memref<10112x128xf32, #tpu.memory_space<vmem_shared>> -> memref<64x128xf32, #tpu.memory_space<vmem_shared>>
      %dma_wait3A_123 = arith.constant 0 : i32
      %dma_wait3A_124 = tpu.memref_slice %arg12[%add3A_37, %dma_wait3A_123] : memref<10112x128xf32, #tpu.memory_space<vmem_shared>> -> memref<64x128xf32, #tpu.memory_space<vmem_shared>>
      %dma_wait3A_125 = arith.constant 0 : i32
      %dma_wait3A_126 = arith.constant 0 : i32
      %dma_wait3A_127 = tpu.memref_slice %arg11[%run_scoped3A_38, %dma_wait3A_125, %dma_wait3A_126] : memref<2x64x128xf32, #tpu.memory_space<vmem>> -> memref<1x64x128xf32, #tpu.memory_space<vmem>>
      %dma_wait3A_128 = tpu.memref_squeeze %dma_wait3A_127 : memref<1x64x128xf32, #tpu.memory_space<vmem>> -> memref<64x128xf32, #tpu.memory_space<vmem>>
      tpu.wait_dma2 semaphore(%run_scoped3A_104 : memref<!tpu.dma_semaphore, #tpu.memory_space<semaphore_mem>>) src(%dma_wait3A_128 : memref<64x128xf32, #tpu.memory_space<vmem>>) dst(%dma_wait3A_124 : memref<64x128xf32, #tpu.memory_space<vmem_shared>>)
      tpu.yield
    }) : () -> ()
    %mul3A_39 = arith.constant 632 : i32
    %mul3A_40 = arith.muli %arg1, %mul3A_39 : i32
    %add3A_41 = arith.constant 320 : i32
    %add3A_42 = arith.addi %mul3A_40, %add3A_41 : i32
    %run_scoped3A_43 = arith.constant 0 : i32
    "tpu.region"() ({
      %run_scoped3A_104 = tpu.sem_alloc : memref<!tpu.dma_semaphore, #tpu.memory_space<semaphore_mem>>
      %dma_start3A_105 = arith.constant 0 : i32
      %dma_start3A_106 = arith.constant 0 : i32
      %dma_start3A_107 = tpu.memref_slice %arg11[%run_scoped3A_43, %dma_start3A_105, %dma_start3A_106] : memref<2x64x128xf32, #tpu.memory_space<vmem>> -> memref<1x64x128xf32, #tpu.memory_space<vmem>>
      %dma_start3A_108 = tpu.memref_squeeze %dma_start3A_107 : memref<1x64x128xf32, #tpu.memory_space<vmem>> -> memref<64x128xf32, #tpu.memory_space<vmem>>
      %dma_start3A_109 = arith.constant 0 : i32
      %dma_start3A_110 = tpu.memref_slice %arg12[%add3A_42, %dma_start3A_109] : memref<10112x128xf32, #tpu.memory_space<vmem_shared>> -> memref<64x128xf32, #tpu.memory_space<vmem_shared>>
      %dma_start3A_111 = arith.constant 0 : i32
      %dma_start3A_112 = tpu.memref_slice %arg12[%add3A_42, %dma_start3A_111] : memref<10112x128xf32, #tpu.memory_space<vmem_shared>> -> memref<64x128xf32, #tpu.memory_space<vmem_shared>>
      %dma_start3A_113 = arith.constant 0 : i32
      %dma_start3A_114 = arith.constant 0 : i32
      %dma_start3A_115 = tpu.memref_slice %arg11[%run_scoped3A_43, %dma_start3A_113, %dma_start3A_114] : memref<2x64x128xf32, #tpu.memory_space<vmem>> -> memref<1x64x128xf32, #tpu.memory_space<vmem>>
      %dma_start3A_116 = tpu.memref_squeeze %dma_start3A_115 : memref<1x64x128xf32, #tpu.memory_space<vmem>> -> memref<64x128xf32, #tpu.memory_space<vmem>>
      tpu.enqueue_dma source(%dma_start3A_116 : memref<64x128xf32, #tpu.memory_space<vmem>>) target(%dma_start3A_112 : memref<64x128xf32, #tpu.memory_space<vmem_shared>>) target_semaphore(%run_scoped3A_104 : memref<!tpu.dma_semaphore, #tpu.memory_space<semaphore_mem>>)
      %dma_wait3A_117 = arith.constant 0 : i32
      %dma_wait3A_118 = arith.constant 0 : i32
      %dma_wait3A_119 = tpu.memref_slice %arg11[%run_scoped3A_43, %dma_wait3A_117, %dma_wait3A_118] : memref<2x64x128xf32, #tpu.memory_space<vmem>> -> memref<1x64x128xf32, #tpu.memory_space<vmem>>
      %dma_wait3A_120 = tpu.memref_squeeze %dma_wait3A_119 : memref<1x64x128xf32, #tpu.memory_space<vmem>> -> memref<64x128xf32, #tpu.memory_space<vmem>>
      %dma_wait3A_121 = arith.constant 0 : i32
      %dma_wait3A_122 = tpu.memref_slice %arg12[%add3A_42, %dma_wait3A_121] : memref<10112x128xf32, #tpu.memory_space<vmem_shared>> -> memref<64x128xf32, #tpu.memory_space<vmem_shared>>
      %dma_wait3A_123 = arith.constant 0 : i32
      %dma_wait3A_124 = tpu.memref_slice %arg12[%add3A_42, %dma_wait3A_123] : memref<10112x128xf32, #tpu.memory_space<vmem_shared>> -> memref<64x128xf32, #tpu.memory_space<vmem_shared>>
      %dma_wait3A_125 = arith.constant 0 : i32
      %dma_wait3A_126 = arith.constant 0 : i32
      %dma_wait3A_127 = tpu.memref_slice %arg11[%run_scoped3A_43, %dma_wait3A_125, %dma_wait3A_126] : memref<2x64x128xf32, #tpu.memory_space<vmem>> -> memref<1x64x128xf32, #tpu.memory_space<vmem>>
      %dma_wait3A_128 = tpu.memref_squeeze %dma_wait3A_127 : memref<1x64x128xf32, #tpu.memory_space<vmem>> -> memref<64x128xf32, #tpu.memory_space<vmem>>
      tpu.wait_dma2 semaphore(%run_scoped3A_104 : memref<!tpu.dma_semaphore, #tpu.memory_space<semaphore_mem>>) src(%dma_wait3A_128 : memref<64x128xf32, #tpu.memory_space<vmem>>) dst(%dma_wait3A_124 : memref<64x128xf32, #tpu.memory_space<vmem_shared>>)
      tpu.yield
    }) : () -> ()
    %mul3A_44 = arith.constant 632 : i32
    %mul3A_45 = arith.muli %arg1, %mul3A_44 : i32
    %add3A_46 = arith.constant 384 : i32
    %add3A_47 = arith.addi %mul3A_45, %add3A_46 : i32
    %run_scoped3A_48 = arith.constant 0 : i32
    "tpu.region"() ({
      %run_scoped3A_104 = tpu.sem_alloc : memref<!tpu.dma_semaphore, #tpu.memory_space<semaphore_mem>>
      %dma_start3A_105 = arith.constant 0 : i32
      %dma_start3A_106 = arith.constant 0 : i32
      %dma_start3A_107 = tpu.memref_slice %arg11[%run_scoped3A_48, %dma_start3A_105, %dma_start3A_106] : memref<2x64x128xf32, #tpu.memory_space<vmem>> -> memref<1x64x128xf32, #tpu.memory_space<vmem>>
      %dma_start3A_108 = tpu.memref_squeeze %dma_start3A_107 : memref<1x64x128xf32, #tpu.memory_space<vmem>> -> memref<64x128xf32, #tpu.memory_space<vmem>>
      %dma_start3A_109 = arith.constant 0 : i32
      %dma_start3A_110 = tpu.memref_slice %arg12[%add3A_47, %dma_start3A_109] : memref<10112x128xf32, #tpu.memory_space<vmem_shared>> -> memref<64x128xf32, #tpu.memory_space<vmem_shared>>
      %dma_start3A_111 = arith.constant 0 : i32
      %dma_start3A_112 = tpu.memref_slice %arg12[%add3A_47, %dma_start3A_111] : memref<10112x128xf32, #tpu.memory_space<vmem_shared>> -> memref<64x128xf32, #tpu.memory_space<vmem_shared>>
      %dma_start3A_113 = arith.constant 0 : i32
      %dma_start3A_114 = arith.constant 0 : i32
      %dma_start3A_115 = tpu.memref_slice %arg11[%run_scoped3A_48, %dma_start3A_113, %dma_start3A_114] : memref<2x64x128xf32, #tpu.memory_space<vmem>> -> memref<1x64x128xf32, #tpu.memory_space<vmem>>
      %dma_start3A_116 = tpu.memref_squeeze %dma_start3A_115 : memref<1x64x128xf32, #tpu.memory_space<vmem>> -> memref<64x128xf32, #tpu.memory_space<vmem>>
      tpu.enqueue_dma source(%dma_start3A_116 : memref<64x128xf32, #tpu.memory_space<vmem>>) target(%dma_start3A_112 : memref<64x128xf32, #tpu.memory_space<vmem_shared>>) target_semaphore(%run_scoped3A_104 : memref<!tpu.dma_semaphore, #tpu.memory_space<semaphore_mem>>)
      %dma_wait3A_117 = arith.constant 0 : i32
      %dma_wait3A_118 = arith.constant 0 : i32
      %dma_wait3A_119 = tpu.memref_slice %arg11[%run_scoped3A_48, %dma_wait3A_117, %dma_wait3A_118] : memref<2x64x128xf32, #tpu.memory_space<vmem>> -> memref<1x64x128xf32, #tpu.memory_space<vmem>>
      %dma_wait3A_120 = tpu.memref_squeeze %dma_wait3A_119 : memref<1x64x128xf32, #tpu.memory_space<vmem>> -> memref<64x128xf32, #tpu.memory_space<vmem>>
      %dma_wait3A_121 = arith.constant 0 : i32
      %dma_wait3A_122 = tpu.memref_slice %arg12[%add3A_47, %dma_wait3A_121] : memref<10112x128xf32, #tpu.memory_space<vmem_shared>> -> memref<64x128xf32, #tpu.memory_space<vmem_shared>>
      %dma_wait3A_123 = arith.constant 0 : i32
      %dma_wait3A_124 = tpu.memref_slice %arg12[%add3A_47, %dma_wait3A_123] : memref<10112x128xf32, #tpu.memory_space<vmem_shared>> -> memref<64x128xf32, #tpu.memory_space<vmem_shared>>
      %dma_wait3A_125 = arith.constant 0 : i32
      %dma_wait3A_126 = arith.constant 0 : i32
      %dma_wait3A_127 = tpu.memref_slice %arg11[%run_scoped3A_48, %dma_wait3A_125, %dma_wait3A_126] : memref<2x64x128xf32, #tpu.memory_space<vmem>> -> memref<1x64x128xf32, #tpu.memory_space<vmem>>
      %dma_wait3A_128 = tpu.memref_squeeze %dma_wait3A_127 : memref<1x64x128xf32, #tpu.memory_space<vmem>> -> memref<64x128xf32, #tpu.memory_space<vmem>>
      tpu.wait_dma2 semaphore(%run_scoped3A_104 : memref<!tpu.dma_semaphore, #tpu.memory_space<semaphore_mem>>) src(%dma_wait3A_128 : memref<64x128xf32, #tpu.memory_space<vmem>>) dst(%dma_wait3A_124 : memref<64x128xf32, #tpu.memory_space<vmem_shared>>)
      tpu.yield
    }) : () -> ()
    %mul3A_49 = arith.constant 632 : i32
    %mul3A_50 = arith.muli %arg1, %mul3A_49 : i32
    %add3A_51 = arith.constant 448 : i32
    %add3A_52 = arith.addi %mul3A_50, %add3A_51 : i32
    %run_scoped3A_53 = arith.constant 0 : i32
    "tpu.region"() ({
      %run_scoped3A_104 = tpu.sem_alloc : memref<!tpu.dma_semaphore, #tpu.memory_space<semaphore_mem>>
      %dma_start3A_105 = arith.constant 0 : i32
      %dma_start3A_106 = arith.constant 0 : i32
      %dma_start3A_107 = tpu.memref_slice %arg11[%run_scoped3A_53, %dma_start3A_105, %dma_start3A_106] : memref<2x64x128xf32, #tpu.memory_space<vmem>> -> memref<1x64x128xf32, #tpu.memory_space<vmem>>
      %dma_start3A_108 = tpu.memref_squeeze %dma_start3A_107 : memref<1x64x128xf32, #tpu.memory_space<vmem>> -> memref<64x128xf32, #tpu.memory_space<vmem>>
      %dma_start3A_109 = arith.constant 0 : i32
      %dma_start3A_110 = tpu.memref_slice %arg12[%add3A_52, %dma_start3A_109] : memref<10112x128xf32, #tpu.memory_space<vmem_shared>> -> memref<64x128xf32, #tpu.memory_space<vmem_shared>>
      %dma_start3A_111 = arith.constant 0 : i32
      %dma_start3A_112 = tpu.memref_slice %arg12[%add3A_52, %dma_start3A_111] : memref<10112x128xf32, #tpu.memory_space<vmem_shared>> -> memref<64x128xf32, #tpu.memory_space<vmem_shared>>
      %dma_start3A_113 = arith.constant 0 : i32
      %dma_start3A_114 = arith.constant 0 : i32
      %dma_start3A_115 = tpu.memref_slice %arg11[%run_scoped3A_53, %dma_start3A_113, %dma_start3A_114] : memref<2x64x128xf32, #tpu.memory_space<vmem>> -> memref<1x64x128xf32, #tpu.memory_space<vmem>>
      %dma_start3A_116 = tpu.memref_squeeze %dma_start3A_115 : memref<1x64x128xf32, #tpu.memory_space<vmem>> -> memref<64x128xf32, #tpu.memory_space<vmem>>
      tpu.enqueue_dma source(%dma_start3A_116 : memref<64x128xf32, #tpu.memory_space<vmem>>) target(%dma_start3A_112 : memref<64x128xf32, #tpu.memory_space<vmem_shared>>) target_semaphore(%run_scoped3A_104 : memref<!tpu.dma_semaphore, #tpu.memory_space<semaphore_mem>>)
      %dma_wait3A_117 = arith.constant 0 : i32
      %dma_wait3A_118 = arith.constant 0 : i32
      %dma_wait3A_119 = tpu.memref_slice %arg11[%run_scoped3A_53, %dma_wait3A_117, %dma_wait3A_118] : memref<2x64x128xf32, #tpu.memory_space<vmem>> -> memref<1x64x128xf32, #tpu.memory_space<vmem>>
      %dma_wait3A_120 = tpu.memref_squeeze %dma_wait3A_119 : memref<1x64x128xf32, #tpu.memory_space<vmem>> -> memref<64x128xf32, #tpu.memory_space<vmem>>
      %dma_wait3A_121 = arith.constant 0 : i32
      %dma_wait3A_122 = tpu.memref_slice %arg12[%add3A_52, %dma_wait3A_121] : memref<10112x128xf32, #tpu.memory_space<vmem_shared>> -> memref<64x128xf32, #tpu.memory_space<vmem_shared>>
      %dma_wait3A_123 = arith.constant 0 : i32
      %dma_wait3A_124 = tpu.memref_slice %arg12[%add3A_52, %dma_wait3A_123] : memref<10112x128xf32, #tpu.memory_space<vmem_shared>> -> memref<64x128xf32, #tpu.memory_space<vmem_shared>>
      %dma_wait3A_125 = arith.constant 0 : i32
      %dma_wait3A_126 = arith.constant 0 : i32
      %dma_wait3A_127 = tpu.memref_slice %arg11[%run_scoped3A_53, %dma_wait3A_125, %dma_wait3A_126] : memref<2x64x128xf32, #tpu.memory_space<vmem>> -> memref<1x64x128xf32, #tpu.memory_space<vmem>>
      %dma_wait3A_128 = tpu.memref_squeeze %dma_wait3A_127 : memref<1x64x128xf32, #tpu.memory_space<vmem>> -> memref<64x128xf32, #tpu.memory_space<vmem>>
      tpu.wait_dma2 semaphore(%run_scoped3A_104 : memref<!tpu.dma_semaphore, #tpu.memory_space<semaphore_mem>>) src(%dma_wait3A_128 : memref<64x128xf32, #tpu.memory_space<vmem>>) dst(%dma_wait3A_124 : memref<64x128xf32, #tpu.memory_space<vmem_shared>>)
      tpu.yield
    }) : () -> ()
    %mul3A_54 = arith.constant 632 : i32
    %mul3A_55 = arith.muli %arg1, %mul3A_54 : i32
    %add3A_56 = arith.constant 512 : i32
    %add3A_57 = arith.addi %mul3A_55, %add3A_56 : i32
    %run_scoped3A_58 = arith.constant 0 : i32
    "tpu.region"() ({
      %run_scoped3A_104 = tpu.sem_alloc : memref<!tpu.dma_semaphore, #tpu.memory_space<semaphore_mem>>
      %dma_start3A_105 = arith.constant 0 : i32
      %dma_start3A_106 = arith.constant 0 : i32
      %dma_start3A_107 = tpu.memref_slice %arg11[%run_scoped3A_58, %dma_start3A_105, %dma_start3A_106] : memref<2x64x128xf32, #tpu.memory_space<vmem>> -> memref<1x64x128xf32, #tpu.memory_space<vmem>>
      %dma_start3A_108 = tpu.memref_squeeze %dma_start3A_107 : memref<1x64x128xf32, #tpu.memory_space<vmem>> -> memref<64x128xf32, #tpu.memory_space<vmem>>
      %dma_start3A_109 = arith.constant 0 : i32
      %dma_start3A_110 = tpu.memref_slice %arg12[%add3A_57, %dma_start3A_109] : memref<10112x128xf32, #tpu.memory_space<vmem_shared>> -> memref<64x128xf32, #tpu.memory_space<vmem_shared>>
      %dma_start3A_111 = arith.constant 0 : i32
      %dma_start3A_112 = tpu.memref_slice %arg12[%add3A_57, %dma_start3A_111] : memref<10112x128xf32, #tpu.memory_space<vmem_shared>> -> memref<64x128xf32, #tpu.memory_space<vmem_shared>>
      %dma_start3A_113 = arith.constant 0 : i32
      %dma_start3A_114 = arith.constant 0 : i32
      %dma_start3A_115 = tpu.memref_slice %arg11[%run_scoped3A_58, %dma_start3A_113, %dma_start3A_114] : memref<2x64x128xf32, #tpu.memory_space<vmem>> -> memref<1x64x128xf32, #tpu.memory_space<vmem>>
      %dma_start3A_116 = tpu.memref_squeeze %dma_start3A_115 : memref<1x64x128xf32, #tpu.memory_space<vmem>> -> memref<64x128xf32, #tpu.memory_space<vmem>>
      tpu.enqueue_dma source(%dma_start3A_116 : memref<64x128xf32, #tpu.memory_space<vmem>>) target(%dma_start3A_112 : memref<64x128xf32, #tpu.memory_space<vmem_shared>>) target_semaphore(%run_scoped3A_104 : memref<!tpu.dma_semaphore, #tpu.memory_space<semaphore_mem>>)
      %dma_wait3A_117 = arith.constant 0 : i32
      %dma_wait3A_118 = arith.constant 0 : i32
      %dma_wait3A_119 = tpu.memref_slice %arg11[%run_scoped3A_58, %dma_wait3A_117, %dma_wait3A_118] : memref<2x64x128xf32, #tpu.memory_space<vmem>> -> memref<1x64x128xf32, #tpu.memory_space<vmem>>
      %dma_wait3A_120 = tpu.memref_squeeze %dma_wait3A_119 : memref<1x64x128xf32, #tpu.memory_space<vmem>> -> memref<64x128xf32, #tpu.memory_space<vmem>>
      %dma_wait3A_121 = arith.constant 0 : i32
      %dma_wait3A_122 = tpu.memref_slice %arg12[%add3A_57, %dma_wait3A_121] : memref<10112x128xf32, #tpu.memory_space<vmem_shared>> -> memref<64x128xf32, #tpu.memory_space<vmem_shared>>
      %dma_wait3A_123 = arith.constant 0 : i32
      %dma_wait3A_124 = tpu.memref_slice %arg12[%add3A_57, %dma_wait3A_123] : memref<10112x128xf32, #tpu.memory_space<vmem_shared>> -> memref<64x128xf32, #tpu.memory_space<vmem_shared>>
      %dma_wait3A_125 = arith.constant 0 : i32
      %dma_wait3A_126 = arith.constant 0 : i32
      %dma_wait3A_127 = tpu.memref_slice %arg11[%run_scoped3A_58, %dma_wait3A_125, %dma_wait3A_126] : memref<2x64x128xf32, #tpu.memory_space<vmem>> -> memref<1x64x128xf32, #tpu.memory_space<vmem>>
      %dma_wait3A_128 = tpu.memref_squeeze %dma_wait3A_127 : memref<1x64x128xf32, #tpu.memory_space<vmem>> -> memref<64x128xf32, #tpu.memory_space<vmem>>
      tpu.wait_dma2 semaphore(%run_scoped3A_104 : memref<!tpu.dma_semaphore, #tpu.memory_space<semaphore_mem>>) src(%dma_wait3A_128 : memref<64x128xf32, #tpu.memory_space<vmem>>) dst(%dma_wait3A_124 : memref<64x128xf32, #tpu.memory_space<vmem_shared>>)
      tpu.yield
    }) : () -> ()
    %mul3A_59 = arith.constant 632 : i32
    %mul3A_60 = arith.muli %arg1, %mul3A_59 : i32
    %add3A_61 = arith.constant 576 : i32
    %add3A_62 = arith.addi %mul3A_60, %add3A_61 : i32
    %run_scoped3A_63 = arith.constant 0 : i32
    "tpu.region"() ({
      %run_scoped3A_104 = tpu.sem_alloc : memref<!tpu.dma_semaphore, #tpu.memory_space<semaphore_mem>>
      %dma_start3A_105 = arith.constant 0 : i32
      %dma_start3A_106 = arith.constant 0 : i32
      %dma_start3A_107 = tpu.memref_slice %arg11[%run_scoped3A_63, %dma_start3A_105, %dma_start3A_106] : memref<2x64x128xf32, #tpu.memory_space<vmem>> -> memref<1x64x128xf32, #tpu.memory_space<vmem>>
      %dma_start3A_108 = tpu.memref_squeeze %dma_start3A_107 : memref<1x64x128xf32, #tpu.memory_space<vmem>> -> memref<64x128xf32, #tpu.memory_space<vmem>>
      %dma_start3A_109 = arith.constant 0 : i32
      %dma_start3A_110 = arith.constant 0 : i32
      %dma_start3A_111 = tpu.memref_slice %dma_start3A_108[%dma_start3A_109, %dma_start3A_110] : memref<64x128xf32, #tpu.memory_space<vmem>> -> memref<56x128xf32, #tpu.memory_space<vmem>>
      %dma_start3A_112 = arith.constant 0 : i32
      %dma_start3A_113 = tpu.memref_slice %arg12[%add3A_62, %dma_start3A_112] : memref<10112x128xf32, #tpu.memory_space<vmem_shared>> -> memref<56x128xf32, #tpu.memory_space<vmem_shared>>
      %dma_start3A_114 = arith.constant 0 : i32
      %dma_start3A_115 = tpu.memref_slice %arg12[%add3A_62, %dma_start3A_114] : memref<10112x128xf32, #tpu.memory_space<vmem_shared>> -> memref<56x128xf32, #tpu.memory_space<vmem_shared>>
      %dma_start3A_116 = arith.constant 0 : i32
      %dma_start3A_117 = arith.constant 0 : i32
      %dma_start3A_118 = tpu.memref_slice %arg11[%run_scoped3A_63, %dma_start3A_116, %dma_start3A_117] : memref<2x64x128xf32, #tpu.memory_space<vmem>> -> memref<1x64x128xf32, #tpu.memory_space<vmem>>
      %dma_start3A_119 = tpu.memref_squeeze %dma_start3A_118 : memref<1x64x128xf32, #tpu.memory_space<vmem>> -> memref<64x128xf32, #tpu.memory_space<vmem>>
      %dma_start3A_120 = arith.constant 0 : i32
      %dma_start3A_121 = arith.constant 0 : i32
      %dma_start3A_122 = tpu.memref_slice %dma_start3A_119[%dma_start3A_120, %dma_start3A_121] : memref<64x128xf32, #tpu.memory_space<vmem>> -> memref<56x128xf32, #tpu.memory_space<vmem>>
      tpu.enqueue_dma source(%dma_start3A_122 : memref<56x128xf32, #tpu.memory_space<vmem>>) target(%dma_start3A_115 : memref<56x128xf32, #tpu.memory_space<vmem_shared>>) target_semaphore(%run_scoped3A_104 : memref<!tpu.dma_semaphore, #tpu.memory_space<semaphore_mem>>)
      %dma_wait3A_123 = arith.constant 0 : i32
      %dma_wait3A_124 = arith.constant 0 : i32
      %dma_wait3A_125 = tpu.memref_slice %arg11[%run_scoped3A_63, %dma_wait3A_123, %dma_wait3A_124] : memref<2x64x128xf32, #tpu.memory_space<vmem>> -> memref<1x64x128xf32, #tpu.memory_space<vmem>>
      %dma_wait3A_126 = tpu.memref_squeeze %dma_wait3A_125 : memref<1x64x128xf32, #tpu.memory_space<vmem>> -> memref<64x128xf32, #tpu.memory_space<vmem>>
      %dma_wait3A_127 = arith.constant 0 : i32
      %dma_wait3A_128 = arith.constant 0 : i32
      %dma_wait3A_129 = tpu.memref_slice %dma_wait3A_126[%dma_wait3A_127, %dma_wait3A_128] : memref<64x128xf32, #tpu.memory_space<vmem>> -> memref<56x128xf32, #tpu.memory_space<vmem>>
      %dma_wait3A_130 = arith.constant 0 : i32
      %dma_wait3A_131 = tpu.memref_slice %arg12[%add3A_62, %dma_wait3A_130] : memref<10112x128xf32, #tpu.memory_space<vmem_shared>> -> memref<56x128xf32, #tpu.memory_space<vmem_shared>>
      %dma_wait3A_132 = arith.constant 0 : i32
      %dma_wait3A_133 = tpu.memref_slice %arg12[%add3A_62, %dma_wait3A_132] : memref<10112x128xf32, #tpu.memory_space<vmem_shared>> -> memref<56x128xf32, #tpu.memory_space<vmem_shared>>
      %dma_wait3A_134 = arith.constant 0 : i32
      %dma_wait3A_135 = arith.constant 0 : i32
      %dma_wait3A_136 = tpu.memref_slice %arg11[%run_scoped3A_63, %dma_wait3A_134, %dma_wait3A_135] : memref<2x64x128xf32, #tpu.memory_space<vmem>> -> memref<1x64x128xf32, #tpu.memory_space<vmem>>
      %dma_wait3A_137 = tpu.memref_squeeze %dma_wait3A_136 : memref<1x64x128xf32, #tpu.memory_space<vmem>> -> memref<64x128xf32, #tpu.memory_space<vmem>>
      %dma_wait3A_138 = arith.constant 0 : i32
      %dma_wait3A_139 = arith.constant 0 : i32
      %dma_wait3A_140 = tpu.memref_slice %dma_wait3A_137[%dma_wait3A_138, %dma_wait3A_139] : memref<64x128xf32, #tpu.memory_space<vmem>> -> memref<56x128xf32, #tpu.memory_space<vmem>>
      tpu.wait_dma2 semaphore(%run_scoped3A_104 : memref<!tpu.dma_semaphore, #tpu.memory_space<semaphore_mem>>) src(%dma_wait3A_140 : memref<56x128xf32, #tpu.memory_space<vmem>>) dst(%dma_wait3A_133 : memref<56x128xf32, #tpu.memory_space<vmem_shared>>)
      tpu.yield
    }) : () -> ()
    %barrier3A = arith.constant 0 : index
    tpu.barrier barrier_id(%barrier3A)
    %run_scoped3A_64 = arith.constant 0 : i32
    "tpu.region"() ({
      %run_scoped3A_104 = tpu.sem_alloc : memref<!tpu.dma_semaphore, #tpu.memory_space<semaphore_mem>>
      %dma_start3A_105 = arith.constant 0 : i32
      %dma_start3A_106 = arith.constant 0 : i32
      %dma_start3A_107 = tpu.memref_slice %arg7[%run_scoped3A_64, %dma_start3A_105, %dma_start3A_106] : memref<2x8x64xi32, #tpu.memory_space<vmem>> -> memref<1x8x64xi32, #tpu.memory_space<vmem>>
      %dma_start3A_108 = tpu.memref_squeeze %dma_start3A_107 : memref<1x8x64xi32, #tpu.memory_space<vmem>> -> memref<8x64xi32, #tpu.memory_space<vmem>>
      %dma_start3A_109 = arith.constant 0 : i32
      %dma_start3A_110 = tpu.memref_slice %arg3[%select_n3A_8, %dma_start3A_109] : memref<5120x64xi32, #tpu.memory_space<hbm>> -> memref<8x64xi32, #tpu.memory_space<hbm>>
      %dma_start3A_111 = arith.constant 0 : i32
      %dma_start3A_112 = arith.constant 0 : i32
      %dma_start3A_113 = tpu.memref_slice %arg7[%run_scoped3A_64, %dma_start3A_111, %dma_start3A_112] : memref<2x8x64xi32, #tpu.memory_space<vmem>> -> memref<1x8x64xi32, #tpu.memory_space<vmem>>
      %dma_start3A_114 = tpu.memref_squeeze %dma_start3A_113 : memref<1x8x64xi32, #tpu.memory_space<vmem>> -> memref<8x64xi32, #tpu.memory_space<vmem>>
      %dma_start3A_115 = arith.constant 0 : i32
      %dma_start3A_116 = tpu.memref_slice %arg3[%select_n3A_8, %dma_start3A_115] : memref<5120x64xi32, #tpu.memory_space<hbm>> -> memref<8x64xi32, #tpu.memory_space<hbm>>
      tpu.enqueue_dma source(%dma_start3A_116 : memref<8x64xi32, #tpu.memory_space<hbm>>) target(%dma_start3A_114 : memref<8x64xi32, #tpu.memory_space<vmem>>) target_semaphore(%run_scoped3A_104 : memref<!tpu.dma_semaphore, #tpu.memory_space<semaphore_mem>>)
      %dma_wait3A_117 = arith.constant 0 : i32
      %dma_wait3A_118 = arith.constant 0 : i32
      %dma_wait3A_119 = tpu.memref_slice %arg7[%run_scoped3A_64, %dma_wait3A_117, %dma_wait3A_118] : memref<2x8x64xi32, #tpu.memory_space<vmem>> -> memref<1x8x64xi32, #tpu.memory_space<vmem>>
      %dma_wait3A_120 = tpu.memref_squeeze %dma_wait3A_119 : memref<1x8x64xi32, #tpu.memory_space<vmem>> -> memref<8x64xi32, #tpu.memory_space<vmem>>
      %dma_wait3A_121 = arith.constant 0 : i32
      %dma_wait3A_122 = tpu.memref_slice %arg3[%select_n3A_8, %dma_wait3A_121] : memref<5120x64xi32, #tpu.memory_space<hbm>> -> memref<8x64xi32, #tpu.memory_space<hbm>>
      %dma_wait3A_123 = arith.constant 0 : i32
      %dma_wait3A_124 = arith.constant 0 : i32
      %dma_wait3A_125 = tpu.memref_slice %arg7[%run_scoped3A_64, %dma_wait3A_123, %dma_wait3A_124] : memref<2x8x64xi32, #tpu.memory_space<vmem>> -> memref<1x8x64xi32, #tpu.memory_space<vmem>>
      %dma_wait3A_126 = tpu.memref_squeeze %dma_wait3A_125 : memref<1x8x64xi32, #tpu.memory_space<vmem>> -> memref<8x64xi32, #tpu.memory_space<vmem>>
      %dma_wait3A_127 = arith.constant 0 : i32
      %dma_wait3A_128 = tpu.memref_slice %arg3[%select_n3A_8, %dma_wait3A_127] : memref<5120x64xi32, #tpu.memory_space<hbm>> -> memref<8x64xi32, #tpu.memory_space<hbm>>
      tpu.wait_dma2 semaphore(%run_scoped3A_104 : memref<!tpu.dma_semaphore, #tpu.memory_space<semaphore_mem>>) src(%dma_wait3A_128 : memref<8x64xi32, #tpu.memory_space<hbm>>) dst(%dma_wait3A_126 : memref<8x64xi32, #tpu.memory_space<vmem>>)
      tpu.yield
    }) : () -> ()
    "tpu.region"() ({
      %run_scoped3A_104 = tpu.sem_alloc : memref<!tpu.dma_semaphore, #tpu.memory_space<semaphore_mem>>
      %dma_start3A_105 = arith.constant 0 : i32
      %dma_start3A_106 = tpu.memref_slice %arg4[%select_n3A_8, %dma_start3A_105] : memref<5120x64xi32, #tpu.memory_space<hbm>> -> memref<8x64xi32, #tpu.memory_space<hbm>>
      %dma_start3A_107 = arith.constant 0 : i32
      %dma_start3A_108 = tpu.memref_slice %arg4[%select_n3A_8, %dma_start3A_107] : memref<5120x64xi32, #tpu.memory_space<hbm>> -> memref<8x64xi32, #tpu.memory_space<hbm>>
      tpu.enqueue_dma source(%dma_start3A_108 : memref<8x64xi32, #tpu.memory_space<hbm>>) target(%arg8 : memref<8x64xi32, #tpu.memory_space<vmem>>) target_semaphore(%run_scoped3A_104 : memref<!tpu.dma_semaphore, #tpu.memory_space<semaphore_mem>>)
      %dma_wait3A_109 = arith.constant 0 : i32
      %dma_wait3A_110 = tpu.memref_slice %arg4[%select_n3A_8, %dma_wait3A_109] : memref<5120x64xi32, #tpu.memory_space<hbm>> -> memref<8x64xi32, #tpu.memory_space<hbm>>
      %dma_wait3A_111 = arith.constant 0 : i32
      %dma_wait3A_112 = tpu.memref_slice %arg4[%select_n3A_8, %dma_wait3A_111] : memref<5120x64xi32, #tpu.memory_space<hbm>> -> memref<8x64xi32, #tpu.memory_space<hbm>>
      tpu.wait_dma2 semaphore(%run_scoped3A_104 : memref<!tpu.dma_semaphore, #tpu.memory_space<semaphore_mem>>) src(%dma_wait3A_112 : memref<8x64xi32, #tpu.memory_space<hbm>>) dst(%arg8 : memref<8x64xi32, #tpu.memory_space<vmem>>)
      tpu.yield
    }) : () -> ()
    "tpu.region"() ({
      %run_scoped3A_104 = tpu.sem_alloc : memref<!tpu.dma_semaphore, #tpu.memory_space<semaphore_mem>>
      %dma_start3A_105 = arith.constant 0 : i32
      %dma_start3A_106 = tpu.memref_slice %arg5[%select_n3A_8, %dma_start3A_105] : memref<5120x64xf32, #tpu.memory_space<hbm>> -> memref<8x64xf32, #tpu.memory_space<hbm>>
      %dma_start3A_107 = arith.constant 0 : i32
      %dma_start3A_108 = tpu.memref_slice %arg5[%select_n3A_8, %dma_start3A_107] : memref<5120x64xf32, #tpu.memory_space<hbm>> -> memref<8x64xf32, #tpu.memory_space<hbm>>
      tpu.enqueue_dma source(%dma_start3A_108 : memref<8x64xf32, #tpu.memory_space<hbm>>) target(%arg9 : memref<8x64xf32, #tpu.memory_space<vmem>>) target_semaphore(%run_scoped3A_104 : memref<!tpu.dma_semaphore, #tpu.memory_space<semaphore_mem>>)
      %dma_wait3A_109 = arith.constant 0 : i32
      %dma_wait3A_110 = tpu.memref_slice %arg5[%select_n3A_8, %dma_wait3A_109] : memref<5120x64xf32, #tpu.memory_space<hbm>> -> memref<8x64xf32, #tpu.memory_space<hbm>>
      %dma_wait3A_111 = arith.constant 0 : i32
      %dma_wait3A_112 = tpu.memref_slice %arg5[%select_n3A_8, %dma_wait3A_111] : memref<5120x64xf32, #tpu.memory_space<hbm>> -> memref<8x64xf32, #tpu.memory_space<hbm>>
      tpu.wait_dma2 semaphore(%run_scoped3A_104 : memref<!tpu.dma_semaphore, #tpu.memory_space<semaphore_mem>>) src(%dma_wait3A_112 : memref<8x64xf32, #tpu.memory_space<hbm>>) dst(%arg9 : memref<8x64xf32, #tpu.memory_space<vmem>>)
      tpu.yield
    }) : () -> ()
    %dma_start3A = arith.constant 0 : i32
    %dma_start3A_65 = arith.constant 0 : i32
    %dma_start3A_66 = arith.constant 0 : i32
    %dma_start3A_67 = arith.constant 0 : i32
    %dma_start3A_68 = arith.constant 0 : i32
    %dma_start3A_69 = tpu.memref_slice %arg10[%dma_start3A_66, %dma_start3A_67, %dma_start3A_68] : memref<2x64x64xi32, #tpu.memory_space<vmem>> -> memref<1x64x64xi32, #tpu.memory_space<vmem>>
    %dma_start3A_70 = tpu.memref_squeeze %dma_start3A_69 : memref<1x64x64xi32, #tpu.memory_space<vmem>> -> memref<64x64xi32, #tpu.memory_space<vmem>>
    %dma_start3A_71 = arith.constant 0 : i32
    %dma_start3A_72 = tpu.memref_slice %arg7[%dma_start3A, %dma_start3A_65, %dma_start3A_71] : memref<2x8x64xi32, #tpu.memory_space<vmem>> -> memref<1x1x64xi32, #tpu.memory_space<vmem>>
    %dma_start3A_73 = tpu.memref_squeeze %dma_start3A_72 : memref<1x1x64xi32, #tpu.memory_space<vmem>> -> memref<64xi32, #tpu.memory_space<vmem>>
    %dma_start3A_74 = arith.constant 0 : i32
    %dma_start3A_75 = arith.constant 0 : i32
    %dma_start3A_76 = tpu.memref_slice %arg2[%dma_start3A_74, %dma_start3A_75] : memref<80000x64xi32, #tpu.memory_space<hbm>> -> memref<80000x64xi32, #tpu.memory_space<hbm>>
    tpu.enqueue_indirect_dma source(%dma_start3A_76 : memref<80000x64xi32, #tpu.memory_space<hbm>>) target(%dma_start3A_70 : memref<64x64xi32, #tpu.memory_space<vmem>>) offsets(%dma_start3A_73 : memref<64xi32, #tpu.memory_space<vmem>>) semaphore(%arg13 : memref<!tpu.dma_semaphore, #tpu.memory_space<semaphore_mem>>)
    %while3A = arith.constant 0 : i32
    %while3A_77 = arith.constant 0 : i32
    %while3A_78 = arith.subi %select_n3A, %while3A : i32
    %while3A_79 = arith.addi %while3A, %while3A_78 : i32
    %while3A_80 = arith.constant 1 : i32
    %while3A_81 = arith.divsi %while3A_78, %while3A_80 : i32
    %while3A_82 = arith.muli %while3A_81, %while3A_80 : i32
    %while3A_83 = arith.addi %while3A, %while3A_82 : i32
    %while3A_84 = arith.constant 1 : i32
    %while3A_85 = scf.for %while3A_104 = %while3A to %while3A_83 step %while3A_84 iter_args(%while3A_105 = %while3A_77) -> (i32)  : i32 {
      %jit3A_106 = arith.constant 2 : i32
      %eq3A_107 = arith.constant 0 : i32
      %eq3A_108 = arith.cmpi eq, %jit3A_106, %eq3A_107 : i32
      %jit3A_109 = arith.constant 1 : i32
      %select_n3A_110 = arith.select %eq3A_108, %jit3A_109, %jit3A_106 : i32
      %rem3A = arith.remsi %while3A_104, %select_n3A_110 : i32
      %ne3A = arith.constant 0 : i32
      %ne3A_111 = arith.cmpi ne, %rem3A, %ne3A : i32
      %lt3A = arith.constant 0 : i32
      %lt3A_112 = arith.cmpi slt, %rem3A, %lt3A : i32
      %lt3A_113 = arith.constant 0 : i32
      %lt3A_114 = arith.cmpi slt, %select_n3A_110, %lt3A_113 : i32
      %ne3A_115 = arith.xori %lt3A_112, %lt3A_114 : i1
      %and3A = arith.andi %ne3A_115, %ne3A_111 : i1
      %add3A_116 = arith.addi %rem3A, %select_n3A_110 : i32
      %select_n3A_117 = arith.select %and3A, %add3A_116, %rem3A : i32
      %add3A_118 = arith.constant 1 : i32
      %add3A_119 = arith.addi %while3A_104, %add3A_118 : i32
      %jit3A_120 = arith.constant 2 : i32
      %eq3A_121 = arith.constant 0 : i32
      %eq3A_122 = arith.cmpi eq, %jit3A_120, %eq3A_121 : i32
      %jit3A_123 = arith.constant 1 : i32
      %select_n3A_124 = arith.select %eq3A_122, %jit3A_123, %jit3A_120 : i32
      %rem3A_125 = arith.remsi %add3A_119, %select_n3A_124 : i32
      %ne3A_126 = arith.constant 0 : i32
      %ne3A_127 = arith.cmpi ne, %rem3A_125, %ne3A_126 : i32
      %lt3A_128 = arith.constant 0 : i32
      %lt3A_129 = arith.cmpi slt, %rem3A_125, %lt3A_128 : i32
      %lt3A_130 = arith.constant 0 : i32
      %lt3A_131 = arith.cmpi slt, %select_n3A_124, %lt3A_130 : i32
      %ne3A_132 = arith.xori %lt3A_129, %lt3A_131 : i1
      %and3A_133 = arith.andi %ne3A_132, %ne3A_127 : i1
      %add3A_134 = arith.addi %rem3A_125, %select_n3A_124 : i32
      %select_n3A_135 = arith.select %and3A_133, %add3A_134, %rem3A_125 : i32
      %jit3A_136 = arith.constant 8 : i32
      %eq3A_137 = arith.constant 0 : i32
      %eq3A_138 = arith.cmpi eq, %jit3A_136, %eq3A_137 : i32
      %jit3A_139 = arith.constant 1 : i32
      %select_n3A_140 = arith.select %eq3A_138, %jit3A_139, %jit3A_136 : i32
      %rem3A_141 = arith.remsi %while3A_104, %select_n3A_140 : i32
      %ne3A_142 = arith.constant 0 : i32
      %ne3A_143 = arith.cmpi ne, %rem3A_141, %ne3A_142 : i32
      %lt3A_144 = arith.constant 0 : i32
      %lt3A_145 = arith.cmpi slt, %rem3A_141, %lt3A_144 : i32
      %lt3A_146 = arith.constant 0 : i32
      %lt3A_147 = arith.cmpi slt, %select_n3A_140, %lt3A_146 : i32
      %ne3A_148 = arith.xori %lt3A_145, %lt3A_147 : i1
      %and3A_149 = arith.andi %ne3A_148, %ne3A_143 : i1
      %add3A_150 = arith.addi %rem3A_141, %select_n3A_140 : i32
      %select_n3A_151 = arith.select %and3A_149, %add3A_150, %rem3A_141 : i32
      %jit3A_152 = arith.constant 8 : i32
      %div3A = arith.divsi %while3A_104, %jit3A_152 : i32
      %sign3A = arith.constant 0 : i32
      %sign3A_153 = arith.cmpi sgt, %while3A_104, %sign3A : i32
      %sign3A_154 = arith.extui %sign3A_153 : i1 to i32
      %sign3A_155 = arith.constant 0 : i32
      %sign3A_156 = arith.cmpi slt, %while3A_104, %sign3A_155 : i32
      %sign3A_157 = arith.extui %sign3A_156 : i1 to i32
      %sign3A_158 = arith.subi %sign3A_154, %sign3A_157 : i32
      %sign3A_159 = arith.constant 0 : i32
      %sign3A_160 = arith.cmpi sgt, %jit3A_152, %sign3A_159 : i32
      %sign3A_161 = arith.extui %sign3A_160 : i1 to i32
      %sign3A_162 = arith.constant 0 : i32
      %sign3A_163 = arith.cmpi slt, %jit3A_152, %sign3A_162 : i32
      %sign3A_164 = arith.extui %sign3A_163 : i1 to i32
      %sign3A_165 = arith.subi %sign3A_161, %sign3A_164 : i32
      %ne3A_166 = arith.cmpi ne, %sign3A_158, %sign3A_165 : i32
      %rem3A_167 = arith.remsi %while3A_104, %jit3A_152 : i32
      %ne3A_168 = arith.constant 0 : i32
      %ne3A_169 = arith.cmpi ne, %rem3A_167, %ne3A_168 : i32
      %and3A_170 = arith.andi %ne3A_166, %ne3A_169 : i1
      %sub3A = arith.constant 1 : i32
      %sub3A_171 = arith.subi %div3A, %sub3A : i32
      %select_n3A_172 = arith.select %and3A_170, %sub3A_171, %div3A : i32
      %jit3A_173 = arith.constant 2 : i32
      %eq3A_174 = arith.constant 0 : i32
      %eq3A_175 = arith.cmpi eq, %jit3A_173, %eq3A_174 : i32
      %jit3A_176 = arith.constant 1 : i32
      %select_n3A_177 = arith.select %eq3A_175, %jit3A_176, %jit3A_173 : i32
      %rem3A_178 = arith.remsi %select_n3A_172, %select_n3A_177 : i32
      %ne3A_179 = arith.constant 0 : i32
      %ne3A_180 = arith.cmpi ne, %rem3A_178, %ne3A_179 : i32
      %lt3A_181 = arith.constant 0 : i32
      %lt3A_182 = arith.cmpi slt, %rem3A_178, %lt3A_181 : i32
      %lt3A_183 = arith.constant 0 : i32
      %lt3A_184 = arith.cmpi slt, %select_n3A_177, %lt3A_183 : i32
      %ne3A_185 = arith.xori %lt3A_182, %lt3A_184 : i1
      %and3A_186 = arith.andi %ne3A_185, %ne3A_180 : i1
      %add3A_187 = arith.addi %rem3A_178, %select_n3A_177 : i32
      %select_n3A_188 = arith.select %and3A_186, %add3A_187, %rem3A_178 : i32
      %dma_wait3A_189 = arith.constant 0 : i32
      %dma_wait3A_190 = arith.constant 0 : i32
      %dma_wait3A_191 = tpu.memref_slice %arg10[%select_n3A_117, %dma_wait3A_189, %dma_wait3A_190] : memref<2x64x64xi32, #tpu.memory_space<vmem>> -> memref<1x64x64xi32, #tpu.memory_space<vmem>>
      %dma_wait3A_192 = tpu.memref_squeeze %dma_wait3A_191 : memref<1x64x64xi32, #tpu.memory_space<vmem>> -> memref<64x64xi32, #tpu.memory_space<vmem>>
      %dma_wait3A_193 = arith.constant 0 : i32
      %dma_wait3A_194 = tpu.memref_slice %arg7[%select_n3A_188, %select_n3A_151, %dma_wait3A_193] : memref<2x8x64xi32, #tpu.memory_space<vmem>> -> memref<1x1x64xi32, #tpu.memory_space<vmem>>
      %dma_wait3A_195 = tpu.memref_squeeze %dma_wait3A_194 : memref<1x1x64xi32, #tpu.memory_space<vmem>> -> memref<64xi32, #tpu.memory_space<vmem>>
      %dma_wait3A_196 = arith.constant 0 : i32
      %dma_wait3A_197 = arith.constant 0 : i32
      %dma_wait3A_198 = tpu.memref_slice %arg2[%dma_wait3A_196, %dma_wait3A_197] : memref<80000x64xi32, #tpu.memory_space<hbm>> -> memref<80000x64xi32, #tpu.memory_space<hbm>>
      tpu.wait_indirect_dma semaphore(%arg13 : memref<!tpu.dma_semaphore, #tpu.memory_space<semaphore_mem>>) src(%dma_wait3A_198 : memref<80000x64xi32, #tpu.memory_space<hbm>>) dst(%dma_wait3A_192 : memref<64x64xi32, #tpu.memory_space<vmem>>)
      %gt3A = arith.constant 0 : i32
      %gt3A_199 = arith.cmpi sgt, %while3A_104, %gt3A : i32
      %convert_element_type3A = arith.extui %gt3A_199 : i1 to i32
      %cond3A = arith.constant 0 : i32
      %cond3A_200 = arith.cmpi ne, %convert_element_type3A, %cond3A : i32
      scf.if %cond3A_200 {
        %dma_wait3A_269 = arith.constant 0 : i32
        %dma_wait3A_270 = arith.constant 0 : i32
        %dma_wait3A_271 = arith.constant 0 : i32
        %dma_wait3A_272 = tpu.memref_slice %arg11[%select_n3A_135, %dma_wait3A_270, %dma_wait3A_271] : memref<2x64x128xf32, #tpu.memory_space<vmem>> -> memref<1x64x128xf32, #tpu.memory_space<vmem>>
        %dma_wait3A_273 = tpu.memref_squeeze %dma_wait3A_272 : memref<1x64x128xf32, #tpu.memory_space<vmem>> -> memref<64x128xf32, #tpu.memory_space<vmem>>
        %dma_wait3A_274 = arith.constant 0 : i32
        %dma_wait3A_275 = tpu.memref_slice %arg8[%dma_wait3A_269, %dma_wait3A_274] : memref<8x64xi32, #tpu.memory_space<vmem>> -> memref<1x64xi32, #tpu.memory_space<vmem>>
        %dma_wait3A_276 = tpu.memref_squeeze %dma_wait3A_275 : memref<1x64xi32, #tpu.memory_space<vmem>> -> memref<64xi32, #tpu.memory_space<vmem>>
        %dma_wait3A_277 = arith.constant 0 : i32
        %dma_wait3A_278 = arith.constant 0 : i32
        %dma_wait3A_279 = tpu.memref_slice %arg12[%dma_wait3A_277, %dma_wait3A_278] : memref<10112x128xf32, #tpu.memory_space<vmem_shared>> -> memref<10112x128xf32, #tpu.memory_space<vmem_shared>>
        tpu.wait_indirect_dma semaphore(%arg14 : memref<!tpu.dma_semaphore, #tpu.memory_space<semaphore_mem>>) src(%dma_wait3A_273 : memref<64x128xf32, #tpu.memory_space<vmem>>) dst(%dma_wait3A_279 : memref<10112x128xf32, #tpu.memory_space<vmem_shared>>)
      } else {
      }
      %jit3A_201 = arith.constant 8 : i32
      %eq3A_202 = arith.constant 0 : i32
      %eq3A_203 = arith.cmpi eq, %jit3A_201, %eq3A_202 : i32
      %jit3A_204 = arith.constant 1 : i32
      %select_n3A_205 = arith.select %eq3A_203, %jit3A_204, %jit3A_201 : i32
      %rem3A_206 = arith.remsi %while3A_104, %select_n3A_205 : i32
      %ne3A_207 = arith.constant 0 : i32
      %ne3A_208 = arith.cmpi ne, %rem3A_206, %ne3A_207 : i32
      %lt3A_209 = arith.constant 0 : i32
      %lt3A_210 = arith.cmpi slt, %rem3A_206, %lt3A_209 : i32
      %lt3A_211 = arith.constant 0 : i32
      %lt3A_212 = arith.cmpi slt, %select_n3A_205, %lt3A_211 : i32
      %ne3A_213 = arith.xori %lt3A_210, %lt3A_212 : i1
      %and3A_214 = arith.andi %ne3A_213, %ne3A_208 : i1
      %add3A_215 = arith.addi %rem3A_206, %select_n3A_205 : i32
      %select_n3A_216 = arith.select %and3A_214, %add3A_215, %rem3A_206 : i32
      %eq3A_217 = arith.constant 0 : i32
      %eq3A_218 = arith.cmpi eq, %select_n3A_216, %eq3A_217 : i32
      %gt3A_219 = arith.constant 0 : i32
      %gt3A_220 = arith.cmpi sgt, %while3A_104, %gt3A_219 : i32
      %and3A_221 = arith.andi %eq3A_218, %gt3A_220 : i1
      %convert_element_type3A_222 = arith.extui %and3A_221 : i1 to i32
      %cond3A_223 = arith.constant 0 : i32
      %cond3A_224 = arith.cmpi ne, %convert_element_type3A_222, %cond3A_223 : i32
      scf.if %cond3A_224 {
        %jit3A_269 = arith.constant 8 : i32
        %div3A_270 = arith.divsi %while3A_104, %jit3A_269 : i32
        %sign3A_271 = arith.constant 0 : i32
        %sign3A_272 = arith.cmpi sgt, %while3A_104, %sign3A_271 : i32
        %sign3A_273 = arith.extui %sign3A_272 : i1 to i32
        %sign3A_274 = arith.constant 0 : i32
        %sign3A_275 = arith.cmpi slt, %while3A_104, %sign3A_274 : i32
        %sign3A_276 = arith.extui %sign3A_275 : i1 to i32
        %sign3A_277 = arith.subi %sign3A_273, %sign3A_276 : i32
        %sign3A_278 = arith.constant 0 : i32
        %sign3A_279 = arith.cmpi sgt, %jit3A_269, %sign3A_278 : i32
        %sign3A_280 = arith.extui %sign3A_279 : i1 to i32
        %sign3A_281 = arith.constant 0 : i32
        %sign3A_282 = arith.cmpi slt, %jit3A_269, %sign3A_281 : i32
        %sign3A_283 = arith.extui %sign3A_282 : i1 to i32
        %sign3A_284 = arith.subi %sign3A_280, %sign3A_283 : i32
        %ne3A_285 = arith.cmpi ne, %sign3A_277, %sign3A_284 : i32
        %rem3A_286 = arith.remsi %while3A_104, %jit3A_269 : i32
        %ne3A_287 = arith.constant 0 : i32
        %ne3A_288 = arith.cmpi ne, %rem3A_286, %ne3A_287 : i32
        %and3A_289 = arith.andi %ne3A_285, %ne3A_288 : i1
        %sub3A_290 = arith.constant 1 : i32
        %sub3A_291 = arith.subi %div3A_270, %sub3A_290 : i32
        %select_n3A_292 = arith.select %and3A_289, %sub3A_291, %div3A_270 : i32
        %mul3A_293 = arith.constant 8 : i32
        %mul3A_294 = arith.muli %select_n3A_292, %mul3A_293 : i32
        %add3A_295 = arith.addi %select_n3A_8, %mul3A_294 : i32
        "tpu.region"() ({
          %run_scoped3A_297 = tpu.sem_alloc : memref<!tpu.dma_semaphore, #tpu.memory_space<semaphore_mem>>
          %dma_start3A_298 = arith.constant 0 : i32
          %dma_start3A_299 = tpu.memref_slice %arg4[%add3A_295, %dma_start3A_298] : memref<5120x64xi32, #tpu.memory_space<hbm>> -> memref<8x64xi32, #tpu.memory_space<hbm>>
          %dma_start3A_300 = arith.constant 0 : i32
          %dma_start3A_301 = tpu.memref_slice %arg4[%add3A_295, %dma_start3A_300] : memref<5120x64xi32, #tpu.memory_space<hbm>> -> memref<8x64xi32, #tpu.memory_space<hbm>>
          tpu.enqueue_dma source(%dma_start3A_301 : memref<8x64xi32, #tpu.memory_space<hbm>>) target(%arg8 : memref<8x64xi32, #tpu.memory_space<vmem>>) target_semaphore(%run_scoped3A_297 : memref<!tpu.dma_semaphore, #tpu.memory_space<semaphore_mem>>)
          %dma_wait3A_302 = arith.constant 0 : i32
          %dma_wait3A_303 = tpu.memref_slice %arg4[%add3A_295, %dma_wait3A_302] : memref<5120x64xi32, #tpu.memory_space<hbm>> -> memref<8x64xi32, #tpu.memory_space<hbm>>
          %dma_wait3A_304 = arith.constant 0 : i32
          %dma_wait3A_305 = tpu.memref_slice %arg4[%add3A_295, %dma_wait3A_304] : memref<5120x64xi32, #tpu.memory_space<hbm>> -> memref<8x64xi32, #tpu.memory_space<hbm>>
          tpu.wait_dma2 semaphore(%run_scoped3A_297 : memref<!tpu.dma_semaphore, #tpu.memory_space<semaphore_mem>>) src(%dma_wait3A_305 : memref<8x64xi32, #tpu.memory_space<hbm>>) dst(%arg8 : memref<8x64xi32, #tpu.memory_space<vmem>>)
          tpu.yield
        }) : () -> ()
        %add3A_296 = arith.addi %select_n3A_8, %mul3A_294 : i32
        "tpu.region"() ({
          %run_scoped3A_297 = tpu.sem_alloc : memref<!tpu.dma_semaphore, #tpu.memory_space<semaphore_mem>>
          %dma_start3A_298 = arith.constant 0 : i32
          %dma_start3A_299 = tpu.memref_slice %arg5[%add3A_296, %dma_start3A_298] : memref<5120x64xf32, #tpu.memory_space<hbm>> -> memref<8x64xf32, #tpu.memory_space<hbm>>
          %dma_start3A_300 = arith.constant 0 : i32
          %dma_start3A_301 = tpu.memref_slice %arg5[%add3A_296, %dma_start3A_300] : memref<5120x64xf32, #tpu.memory_space<hbm>> -> memref<8x64xf32, #tpu.memory_space<hbm>>
          tpu.enqueue_dma source(%dma_start3A_301 : memref<8x64xf32, #tpu.memory_space<hbm>>) target(%arg9 : memref<8x64xf32, #tpu.memory_space<vmem>>) target_semaphore(%run_scoped3A_297 : memref<!tpu.dma_semaphore, #tpu.memory_space<semaphore_mem>>)
          %dma_wait3A_302 = arith.constant 0 : i32
          %dma_wait3A_303 = tpu.memref_slice %arg5[%add3A_296, %dma_wait3A_302] : memref<5120x64xf32, #tpu.memory_space<hbm>> -> memref<8x64xf32, #tpu.memory_space<hbm>>
          %dma_wait3A_304 = arith.constant 0 : i32
          %dma_wait3A_305 = tpu.memref_slice %arg5[%add3A_296, %dma_wait3A_304] : memref<5120x64xf32, #tpu.memory_space<hbm>> -> memref<8x64xf32, #tpu.memory_space<hbm>>
          tpu.wait_dma2 semaphore(%run_scoped3A_297 : memref<!tpu.dma_semaphore, #tpu.memory_space<semaphore_mem>>) src(%dma_wait3A_305 : memref<8x64xf32, #tpu.memory_space<hbm>>) dst(%arg9 : memref<8x64xf32, #tpu.memory_space<vmem>>)
          tpu.yield
        }) : () -> ()
      } else {
      }
      %jit3A_225 = arith.constant 8 : i32
      %eq3A_226 = arith.constant 0 : i32
      %eq3A_227 = arith.cmpi eq, %jit3A_225, %eq3A_226 : i32
      %jit3A_228 = arith.constant 1 : i32
      %select_n3A_229 = arith.select %eq3A_227, %jit3A_228, %jit3A_225 : i32
      %rem3A_230 = arith.remsi %while3A_104, %select_n3A_229 : i32
      %ne3A_231 = arith.constant 0 : i32
      %ne3A_232 = arith.cmpi ne, %rem3A_230, %ne3A_231 : i32
      %lt3A_233 = arith.constant 0 : i32
      %lt3A_234 = arith.cmpi slt, %rem3A_230, %lt3A_233 : i32
      %lt3A_235 = arith.constant 0 : i32
      %lt3A_236 = arith.cmpi slt, %select_n3A_229, %lt3A_235 : i32
      %ne3A_237 = arith.xori %lt3A_234, %lt3A_236 : i1
      %and3A_238 = arith.andi %ne3A_237, %ne3A_232 : i1
      %add3A_239 = arith.addi %rem3A_230, %select_n3A_229 : i32
      %select_n3A_240 = arith.select %and3A_238, %add3A_239, %rem3A_230 : i32
      %eq3A_241 = arith.constant 0 : i32
      %eq3A_242 = arith.cmpi eq, %select_n3A_240, %eq3A_241 : i32
      %add3A_243 = arith.constant 8 : i32
      %add3A_244 = arith.addi %while3A_104, %add3A_243 : i32
      %lt3A_245 = arith.cmpi slt, %add3A_244, %select_n3A : i32
      %and3A_246 = arith.andi %eq3A_242, %lt3A_245 : i1
      %convert_element_type3A_247 = arith.extui %and3A_246 : i1 to i32
      %cond3A_248 = arith.constant 0 : i32
      %cond3A_249 = arith.cmpi ne, %convert_element_type3A_247, %cond3A_248 : i32
      scf.if %cond3A_249 {
        %jit3A_269 = arith.constant 8 : i32
        %div3A_270 = arith.divsi %while3A_104, %jit3A_269 : i32
        %sign3A_271 = arith.constant 0 : i32
        %sign3A_272 = arith.cmpi sgt, %while3A_104, %sign3A_271 : i32
        %sign3A_273 = arith.extui %sign3A_272 : i1 to i32
        %sign3A_274 = arith.constant 0 : i32
        %sign3A_275 = arith.cmpi slt, %while3A_104, %sign3A_274 : i32
        %sign3A_276 = arith.extui %sign3A_275 : i1 to i32
        %sign3A_277 = arith.subi %sign3A_273, %sign3A_276 : i32
        %sign3A_278 = arith.constant 0 : i32
        %sign3A_279 = arith.cmpi sgt, %jit3A_269, %sign3A_278 : i32
        %sign3A_280 = arith.extui %sign3A_279 : i1 to i32
        %sign3A_281 = arith.constant 0 : i32
        %sign3A_282 = arith.cmpi slt, %jit3A_269, %sign3A_281 : i32
        %sign3A_283 = arith.extui %sign3A_282 : i1 to i32
        %sign3A_284 = arith.subi %sign3A_280, %sign3A_283 : i32
        %ne3A_285 = arith.cmpi ne, %sign3A_277, %sign3A_284 : i32
        %rem3A_286 = arith.remsi %while3A_104, %jit3A_269 : i32
        %ne3A_287 = arith.constant 0 : i32
        %ne3A_288 = arith.cmpi ne, %rem3A_286, %ne3A_287 : i32
        %and3A_289 = arith.andi %ne3A_285, %ne3A_288 : i1
        %sub3A_290 = arith.constant 1 : i32
        %sub3A_291 = arith.subi %div3A_270, %sub3A_290 : i32
        %select_n3A_292 = arith.select %and3A_289, %sub3A_291, %div3A_270 : i32
        %mul3A_293 = arith.constant 8 : i32
        %mul3A_294 = arith.muli %select_n3A_292, %mul3A_293 : i32
        %add3A_295 = arith.addi %select_n3A_8, %mul3A_294 : i32
        %add3A_296 = arith.constant 8 : i32
        %add3A_297 = arith.addi %add3A_295, %add3A_296 : i32
        %jit3A_298 = arith.constant 8 : i32
        %div3A_299 = arith.divsi %while3A_104, %jit3A_298 : i32
        %sign3A_300 = arith.constant 0 : i32
        %sign3A_301 = arith.cmpi sgt, %while3A_104, %sign3A_300 : i32
        %sign3A_302 = arith.extui %sign3A_301 : i1 to i32
        %sign3A_303 = arith.constant 0 : i32
        %sign3A_304 = arith.cmpi slt, %while3A_104, %sign3A_303 : i32
        %sign3A_305 = arith.extui %sign3A_304 : i1 to i32
        %sign3A_306 = arith.subi %sign3A_302, %sign3A_305 : i32
        %sign3A_307 = arith.constant 0 : i32
        %sign3A_308 = arith.cmpi sgt, %jit3A_298, %sign3A_307 : i32
        %sign3A_309 = arith.extui %sign3A_308 : i1 to i32
        %sign3A_310 = arith.constant 0 : i32
        %sign3A_311 = arith.cmpi slt, %jit3A_298, %sign3A_310 : i32
        %sign3A_312 = arith.extui %sign3A_311 : i1 to i32
        %sign3A_313 = arith.subi %sign3A_309, %sign3A_312 : i32
        %ne3A_314 = arith.cmpi ne, %sign3A_306, %sign3A_313 : i32
        %rem3A_315 = arith.remsi %while3A_104, %jit3A_298 : i32
        %ne3A_316 = arith.constant 0 : i32
        %ne3A_317 = arith.cmpi ne, %rem3A_315, %ne3A_316 : i32
        %and3A_318 = arith.andi %ne3A_314, %ne3A_317 : i1
        %sub3A_319 = arith.constant 1 : i32
        %sub3A_320 = arith.subi %div3A_299, %sub3A_319 : i32
        %select_n3A_321 = arith.select %and3A_318, %sub3A_320, %div3A_299 : i32
        %add3A_322 = arith.constant 1 : i32
        %add3A_323 = arith.addi %select_n3A_321, %add3A_322 : i32
        %jit3A_324 = arith.constant 2 : i32
        %eq3A_325 = arith.constant 0 : i32
        %eq3A_326 = arith.cmpi eq, %jit3A_324, %eq3A_325 : i32
        %jit3A_327 = arith.constant 1 : i32
        %select_n3A_328 = arith.select %eq3A_326, %jit3A_327, %jit3A_324 : i32
        %rem3A_329 = arith.remsi %add3A_323, %select_n3A_328 : i32
        %ne3A_330 = arith.constant 0 : i32
        %ne3A_331 = arith.cmpi ne, %rem3A_329, %ne3A_330 : i32
        %lt3A_332 = arith.constant 0 : i32
        %lt3A_333 = arith.cmpi slt, %rem3A_329, %lt3A_332 : i32
        %lt3A_334 = arith.constant 0 : i32
        %lt3A_335 = arith.cmpi slt, %select_n3A_328, %lt3A_334 : i32
        %ne3A_336 = arith.xori %lt3A_333, %lt3A_335 : i1
        %and3A_337 = arith.andi %ne3A_336, %ne3A_331 : i1
        %add3A_338 = arith.addi %rem3A_329, %select_n3A_328 : i32
        %select_n3A_339 = arith.select %and3A_337, %add3A_338, %rem3A_329 : i32
        "tpu.region"() ({
          %run_scoped3A_340 = tpu.sem_alloc : memref<!tpu.dma_semaphore, #tpu.memory_space<semaphore_mem>>
          %dma_start3A_341 = arith.constant 0 : i32
          %dma_start3A_342 = arith.constant 0 : i32
          %dma_start3A_343 = tpu.memref_slice %arg7[%select_n3A_339, %dma_start3A_341, %dma_start3A_342] : memref<2x8x64xi32, #tpu.memory_space<vmem>> -> memref<1x8x64xi32, #tpu.memory_space<vmem>>
          %dma_start3A_344 = tpu.memref_squeeze %dma_start3A_343 : memref<1x8x64xi32, #tpu.memory_space<vmem>> -> memref<8x64xi32, #tpu.memory_space<vmem>>
          %dma_start3A_345 = arith.constant 0 : i32
          %dma_start3A_346 = tpu.memref_slice %arg3[%add3A_297, %dma_start3A_345] : memref<5120x64xi32, #tpu.memory_space<hbm>> -> memref<8x64xi32, #tpu.memory_space<hbm>>
          %dma_start3A_347 = arith.constant 0 : i32
          %dma_start3A_348 = arith.constant 0 : i32
          %dma_start3A_349 = tpu.memref_slice %arg7[%select_n3A_339, %dma_start3A_347, %dma_start3A_348] : memref<2x8x64xi32, #tpu.memory_space<vmem>> -> memref<1x8x64xi32, #tpu.memory_space<vmem>>
          %dma_start3A_350 = tpu.memref_squeeze %dma_start3A_349 : memref<1x8x64xi32, #tpu.memory_space<vmem>> -> memref<8x64xi32, #tpu.memory_space<vmem>>
          %dma_start3A_351 = arith.constant 0 : i32
          %dma_start3A_352 = tpu.memref_slice %arg3[%add3A_297, %dma_start3A_351] : memref<5120x64xi32, #tpu.memory_space<hbm>> -> memref<8x64xi32, #tpu.memory_space<hbm>>
          tpu.enqueue_dma source(%dma_start3A_352 : memref<8x64xi32, #tpu.memory_space<hbm>>) target(%dma_start3A_350 : memref<8x64xi32, #tpu.memory_space<vmem>>) target_semaphore(%run_scoped3A_340 : memref<!tpu.dma_semaphore, #tpu.memory_space<semaphore_mem>>)
          %dma_wait3A_353 = arith.constant 0 : i32
          %dma_wait3A_354 = arith.constant 0 : i32
          %dma_wait3A_355 = tpu.memref_slice %arg7[%select_n3A_339, %dma_wait3A_353, %dma_wait3A_354] : memref<2x8x64xi32, #tpu.memory_space<vmem>> -> memref<1x8x64xi32, #tpu.memory_space<vmem>>
          %dma_wait3A_356 = tpu.memref_squeeze %dma_wait3A_355 : memref<1x8x64xi32, #tpu.memory_space<vmem>> -> memref<8x64xi32, #tpu.memory_space<vmem>>
          %dma_wait3A_357 = arith.constant 0 : i32
          %dma_wait3A_358 = tpu.memref_slice %arg3[%add3A_297, %dma_wait3A_357] : memref<5120x64xi32, #tpu.memory_space<hbm>> -> memref<8x64xi32, #tpu.memory_space<hbm>>
          %dma_wait3A_359 = arith.constant 0 : i32
          %dma_wait3A_360 = arith.constant 0 : i32
          %dma_wait3A_361 = tpu.memref_slice %arg7[%select_n3A_339, %dma_wait3A_359, %dma_wait3A_360] : memref<2x8x64xi32, #tpu.memory_space<vmem>> -> memref<1x8x64xi32, #tpu.memory_space<vmem>>
          %dma_wait3A_362 = tpu.memref_squeeze %dma_wait3A_361 : memref<1x8x64xi32, #tpu.memory_space<vmem>> -> memref<8x64xi32, #tpu.memory_space<vmem>>
          %dma_wait3A_363 = arith.constant 0 : i32
          %dma_wait3A_364 = tpu.memref_slice %arg3[%add3A_297, %dma_wait3A_363] : memref<5120x64xi32, #tpu.memory_space<hbm>> -> memref<8x64xi32, #tpu.memory_space<hbm>>
          tpu.wait_dma2 semaphore(%run_scoped3A_340 : memref<!tpu.dma_semaphore, #tpu.memory_space<semaphore_mem>>) src(%dma_wait3A_364 : memref<8x64xi32, #tpu.memory_space<hbm>>) dst(%dma_wait3A_362 : memref<8x64xi32, #tpu.memory_space<vmem>>)
          tpu.yield
        }) : () -> ()
      } else {
      }
      %add3A_250 = arith.constant 1 : i32
      %add3A_251 = arith.addi %while3A_104, %add3A_250 : i32
      %lt3A_252 = arith.cmpi slt, %add3A_251, %select_n3A : i32
      %convert_element_type3A_253 = arith.extui %lt3A_252 : i1 to i32
      %cond3A_254 = arith.constant 0 : i32
      %cond3A_255 = arith.cmpi ne, %convert_element_type3A_253, %cond3A_254 : i32
      scf.if %cond3A_255 {
        %add3A_269 = arith.constant 1 : i32
        %add3A_270 = arith.addi %while3A_104, %add3A_269 : i32
        %jit3A_271 = arith.constant 8 : i32
        %div3A_272 = arith.divsi %add3A_270, %jit3A_271 : i32
        %sign3A_273 = arith.constant 0 : i32
        %sign3A_274 = arith.cmpi sgt, %add3A_270, %sign3A_273 : i32
        %sign3A_275 = arith.extui %sign3A_274 : i1 to i32
        %sign3A_276 = arith.constant 0 : i32
        %sign3A_277 = arith.cmpi slt, %add3A_270, %sign3A_276 : i32
        %sign3A_278 = arith.extui %sign3A_277 : i1 to i32
        %sign3A_279 = arith.subi %sign3A_275, %sign3A_278 : i32
        %sign3A_280 = arith.constant 0 : i32
        %sign3A_281 = arith.cmpi sgt, %jit3A_271, %sign3A_280 : i32
        %sign3A_282 = arith.extui %sign3A_281 : i1 to i32
        %sign3A_283 = arith.constant 0 : i32
        %sign3A_284 = arith.cmpi slt, %jit3A_271, %sign3A_283 : i32
        %sign3A_285 = arith.extui %sign3A_284 : i1 to i32
        %sign3A_286 = arith.subi %sign3A_282, %sign3A_285 : i32
        %ne3A_287 = arith.cmpi ne, %sign3A_279, %sign3A_286 : i32
        %rem3A_288 = arith.remsi %add3A_270, %jit3A_271 : i32
        %ne3A_289 = arith.constant 0 : i32
        %ne3A_290 = arith.cmpi ne, %rem3A_288, %ne3A_289 : i32
        %and3A_291 = arith.andi %ne3A_287, %ne3A_290 : i1
        %sub3A_292 = arith.constant 1 : i32
        %sub3A_293 = arith.subi %div3A_272, %sub3A_292 : i32
        %select_n3A_294 = arith.select %and3A_291, %sub3A_293, %div3A_272 : i32
        %jit3A_295 = arith.constant 2 : i32
        %eq3A_296 = arith.constant 0 : i32
        %eq3A_297 = arith.cmpi eq, %jit3A_295, %eq3A_296 : i32
        %jit3A_298 = arith.constant 1 : i32
        %select_n3A_299 = arith.select %eq3A_297, %jit3A_298, %jit3A_295 : i32
        %rem3A_300 = arith.remsi %select_n3A_294, %select_n3A_299 : i32
        %ne3A_301 = arith.constant 0 : i32
        %ne3A_302 = arith.cmpi ne, %rem3A_300, %ne3A_301 : i32
        %lt3A_303 = arith.constant 0 : i32
        %lt3A_304 = arith.cmpi slt, %rem3A_300, %lt3A_303 : i32
        %lt3A_305 = arith.constant 0 : i32
        %lt3A_306 = arith.cmpi slt, %select_n3A_299, %lt3A_305 : i32
        %ne3A_307 = arith.xori %lt3A_304, %lt3A_306 : i1
        %and3A_308 = arith.andi %ne3A_307, %ne3A_302 : i1
        %add3A_309 = arith.addi %rem3A_300, %select_n3A_299 : i32
        %select_n3A_310 = arith.select %and3A_308, %add3A_309, %rem3A_300 : i32
        %add3A_311 = arith.constant 1 : i32
        %add3A_312 = arith.addi %while3A_104, %add3A_311 : i32
        %jit3A_313 = arith.constant 8 : i32
        %eq3A_314 = arith.constant 0 : i32
        %eq3A_315 = arith.cmpi eq, %jit3A_313, %eq3A_314 : i32
        %jit3A_316 = arith.constant 1 : i32
        %select_n3A_317 = arith.select %eq3A_315, %jit3A_316, %jit3A_313 : i32
        %rem3A_318 = arith.remsi %add3A_312, %select_n3A_317 : i32
        %ne3A_319 = arith.constant 0 : i32
        %ne3A_320 = arith.cmpi ne, %rem3A_318, %ne3A_319 : i32
        %lt3A_321 = arith.constant 0 : i32
        %lt3A_322 = arith.cmpi slt, %rem3A_318, %lt3A_321 : i32
        %lt3A_323 = arith.constant 0 : i32
        %lt3A_324 = arith.cmpi slt, %select_n3A_317, %lt3A_323 : i32
        %ne3A_325 = arith.xori %lt3A_322, %lt3A_324 : i1
        %and3A_326 = arith.andi %ne3A_325, %ne3A_320 : i1
        %add3A_327 = arith.addi %rem3A_318, %select_n3A_317 : i32
        %select_n3A_328 = arith.select %and3A_326, %add3A_327, %rem3A_318 : i32
        %dma_start3A_329 = arith.constant 0 : i32
        %dma_start3A_330 = arith.constant 0 : i32
        %dma_start3A_331 = tpu.memref_slice %arg10[%select_n3A_135, %dma_start3A_329, %dma_start3A_330] : memref<2x64x64xi32, #tpu.memory_space<vmem>> -> memref<1x64x64xi32, #tpu.memory_space<vmem>>
        %dma_start3A_332 = tpu.memref_squeeze %dma_start3A_331 : memref<1x64x64xi32, #tpu.memory_space<vmem>> -> memref<64x64xi32, #tpu.memory_space<vmem>>
        %dma_start3A_333 = arith.constant 0 : i32
        %dma_start3A_334 = tpu.memref_slice %arg7[%select_n3A_310, %select_n3A_328, %dma_start3A_333] : memref<2x8x64xi32, #tpu.memory_space<vmem>> -> memref<1x1x64xi32, #tpu.memory_space<vmem>>
        %dma_start3A_335 = tpu.memref_squeeze %dma_start3A_334 : memref<1x1x64xi32, #tpu.memory_space<vmem>> -> memref<64xi32, #tpu.memory_space<vmem>>
        %dma_start3A_336 = arith.constant 0 : i32
        %dma_start3A_337 = arith.constant 0 : i32
        %dma_start3A_338 = tpu.memref_slice %arg2[%dma_start3A_336, %dma_start3A_337] : memref<80000x64xi32, #tpu.memory_space<hbm>> -> memref<80000x64xi32, #tpu.memory_space<hbm>>
        tpu.enqueue_indirect_dma source(%dma_start3A_338 : memref<80000x64xi32, #tpu.memory_space<hbm>>) target(%dma_start3A_332 : memref<64x64xi32, #tpu.memory_space<vmem>>) offsets(%dma_start3A_335 : memref<64xi32, #tpu.memory_space<vmem>>) semaphore(%arg13 : memref<!tpu.dma_semaphore, #tpu.memory_space<semaphore_mem>>)
      } else {
      }
      %parallel_loop3A = arith.constant 0 : i32
      %parallel_loop3A_256 = arith.constant 64 : i32
      %parallel_loop3A_257 = arith.constant 1 : i32
      scf.for %parallel_loop3A_269 = %parallel_loop3A to %parallel_loop3A_256 step %parallel_loop3A_257  : i32 {
        %parallel_loop3A_270 = vector.broadcast %select_n3A_151 : i32 to vector<16xi32>
        %parallel_loop3A_271 = vector.broadcast %parallel_loop3A_269 : i32 to vector<16xi32>
        %parallel_loop3A_272 = tpu.vector_load_idx %arg9[%parallel_loop3A_270, %parallel_loop3A_271] : memref<8x64xf32, #tpu.memory_space<vmem>>[vector<16xi32>, vector<16xi32>], vector<16xf32>,
        %parallel_loop3A_273 = arith.index_cast %select_n3A_117 : i32 to index
        %parallel_loop3A_274 = arith.index_cast %parallel_loop3A_269 : i32 to index
        %parallel_loop3A_275 = arith.constant 0 : index
        %parallel_loop3A_276 = tpu.vector_load %arg10[%parallel_loop3A_273, %parallel_loop3A_274, %parallel_loop3A_275] {strides = array<i32>} : memref<2x64x64xi32, #tpu.memory_space<vmem>>, vector<16xi32>,
        %parallel_loop3A_277 = vector.bitcast %parallel_loop3A_276 : vector<16xi32> to vector<32xbf16>
        %parallel_loop3A_278 = tpu.unpack_subelements %parallel_loop3A_277, 0 {pack_format = #tpu.pack_format<interleaved>} : vector<32xbf16> -> vector<16xf32>
        %parallel_loop3A_279 = tpu.unpack_subelements %parallel_loop3A_277, 1 {pack_format = #tpu.pack_format<interleaved>} : vector<32xbf16> -> vector<16xf32>
        %parallel_loop3A_280 = arith.mulf %parallel_loop3A_278, %parallel_loop3A_272 : vector<16xf32>
        %parallel_loop3A_281 = arith.index_cast %select_n3A_117 : i32 to index
        %parallel_loop3A_282 = arith.index_cast %parallel_loop3A_269 : i32 to index
        %parallel_loop3A_283 = arith.constant 0 : index
        %parallel_loop3A_284 = tpu.vector_load %arg11[%parallel_loop3A_281, %parallel_loop3A_282, %parallel_loop3A_283] {strides = array<i32>} : memref<2x64x128xf32, #tpu.memory_space<vmem>>, vector<16xf32>,
        tpu.vector_store %arg11[%parallel_loop3A_281, %parallel_loop3A_282, %parallel_loop3A_283], %parallel_loop3A_280 {strides = array<i32>} : memref<2x64x128xf32, #tpu.memory_space<vmem>>, vector<16xf32>,
        %parallel_loop3A_285 = arith.mulf %parallel_loop3A_279, %parallel_loop3A_272 : vector<16xf32>
        %parallel_loop3A_286 = arith.index_cast %select_n3A_117 : i32 to index
        %parallel_loop3A_287 = arith.index_cast %parallel_loop3A_269 : i32 to index
        %parallel_loop3A_288 = arith.constant 64 : index
        %parallel_loop3A_289 = tpu.vector_load %arg11[%parallel_loop3A_286, %parallel_loop3A_287, %parallel_loop3A_288] {strides = array<i32>} : memref<2x64x128xf32, #tpu.memory_space<vmem>>, vector<16xf32>,
        tpu.vector_store %arg11[%parallel_loop3A_286, %parallel_loop3A_287, %parallel_loop3A_288], %parallel_loop3A_285 {strides = array<i32>} : memref<2x64x128xf32, #tpu.memory_space<vmem>>, vector<16xf32>,
        %parallel_loop3A_290 = arith.index_cast %select_n3A_117 : i32 to index
        %parallel_loop3A_291 = arith.index_cast %parallel_loop3A_269 : i32 to index
        %parallel_loop3A_292 = arith.constant 16 : index
        %parallel_loop3A_293 = tpu.vector_load %arg10[%parallel_loop3A_290, %parallel_loop3A_291, %parallel_loop3A_292] {strides = array<i32>} : memref<2x64x64xi32, #tpu.memory_space<vmem>>, vector<16xi32>,
        %parallel_loop3A_294 = vector.bitcast %parallel_loop3A_293 : vector<16xi32> to vector<32xbf16>
        %parallel_loop3A_295 = tpu.unpack_subelements %parallel_loop3A_294, 0 {pack_format = #tpu.pack_format<interleaved>} : vector<32xbf16> -> vector<16xf32>
        %parallel_loop3A_296 = tpu.unpack_subelements %parallel_loop3A_294, 1 {pack_format = #tpu.pack_format<interleaved>} : vector<32xbf16> -> vector<16xf32>
        %parallel_loop3A_297 = arith.mulf %parallel_loop3A_295, %parallel_loop3A_272 : vector<16xf32>
        %parallel_loop3A_298 = arith.index_cast %select_n3A_117 : i32 to index
        %parallel_loop3A_299 = arith.index_cast %parallel_loop3A_269 : i32 to index
        %parallel_loop3A_300 = arith.constant 16 : index
        %parallel_loop3A_301 = tpu.vector_load %arg11[%parallel_loop3A_298, %parallel_loop3A_299, %parallel_loop3A_300] {strides = array<i32>} : memref<2x64x128xf32, #tpu.memory_space<vmem>>, vector<16xf32>,
        tpu.vector_store %arg11[%parallel_loop3A_298, %parallel_loop3A_299, %parallel_loop3A_300], %parallel_loop3A_297 {strides = array<i32>} : memref<2x64x128xf32, #tpu.memory_space<vmem>>, vector<16xf32>,
        %parallel_loop3A_302 = arith.mulf %parallel_loop3A_296, %parallel_loop3A_272 : vector<16xf32>
        %parallel_loop3A_303 = arith.index_cast %select_n3A_117 : i32 to index
        %parallel_loop3A_304 = arith.index_cast %parallel_loop3A_269 : i32 to index
        %parallel_loop3A_305 = arith.constant 80 : index
        %parallel_loop3A_306 = tpu.vector_load %arg11[%parallel_loop3A_303, %parallel_loop3A_304, %parallel_loop3A_305] {strides = array<i32>} : memref<2x64x128xf32, #tpu.memory_space<vmem>>, vector<16xf32>,
        tpu.vector_store %arg11[%parallel_loop3A_303, %parallel_loop3A_304, %parallel_loop3A_305], %parallel_loop3A_302 {strides = array<i32>} : memref<2x64x128xf32, #tpu.memory_space<vmem>>, vector<16xf32>,
        %parallel_loop3A_307 = arith.index_cast %select_n3A_117 : i32 to index
        %parallel_loop3A_308 = arith.index_cast %parallel_loop3A_269 : i32 to index
        %parallel_loop3A_309 = arith.constant 32 : index
        %parallel_loop3A_310 = tpu.vector_load %arg10[%parallel_loop3A_307, %parallel_loop3A_308, %parallel_loop3A_309] {strides = array<i32>} : memref<2x64x64xi32, #tpu.memory_space<vmem>>, vector<16xi32>,
        %parallel_loop3A_311 = vector.bitcast %parallel_loop3A_310 : vector<16xi32> to vector<32xbf16>
        %parallel_loop3A_312 = tpu.unpack_subelements %parallel_loop3A_311, 0 {pack_format = #tpu.pack_format<interleaved>} : vector<32xbf16> -> vector<16xf32>
        %parallel_loop3A_313 = tpu.unpack_subelements %parallel_loop3A_311, 1 {pack_format = #tpu.pack_format<interleaved>} : vector<32xbf16> -> vector<16xf32>
        %parallel_loop3A_314 = arith.mulf %parallel_loop3A_312, %parallel_loop3A_272 : vector<16xf32>
        %parallel_loop3A_315 = arith.index_cast %select_n3A_117 : i32 to index
        %parallel_loop3A_316 = arith.index_cast %parallel_loop3A_269 : i32 to index
        %parallel_loop3A_317 = arith.constant 32 : index
        %parallel_loop3A_318 = tpu.vector_load %arg11[%parallel_loop3A_315, %parallel_loop3A_316, %parallel_loop3A_317] {strides = array<i32>} : memref<2x64x128xf32, #tpu.memory_space<vmem>>, vector<16xf32>,
        tpu.vector_store %arg11[%parallel_loop3A_315, %parallel_loop3A_316, %parallel_loop3A_317], %parallel_loop3A_314 {strides = array<i32>} : memref<2x64x128xf32, #tpu.memory_space<vmem>>, vector<16xf32>,
        %parallel_loop3A_319 = arith.mulf %parallel_loop3A_313, %parallel_loop3A_272 : vector<16xf32>
        %parallel_loop3A_320 = arith.index_cast %select_n3A_117 : i32 to index
        %parallel_loop3A_321 = arith.index_cast %parallel_loop3A_269 : i32 to index
        %parallel_loop3A_322 = arith.constant 96 : index
        %parallel_loop3A_323 = tpu.vector_load %arg11[%parallel_loop3A_320, %parallel_loop3A_321, %parallel_loop3A_322] {strides = array<i32>} : memref<2x64x128xf32, #tpu.memory_space<vmem>>, vector<16xf32>,
        tpu.vector_store %arg11[%parallel_loop3A_320, %parallel_loop3A_321, %parallel_loop3A_322], %parallel_loop3A_319 {strides = array<i32>} : memref<2x64x128xf32, #tpu.memory_space<vmem>>, vector<16xf32>,
        %parallel_loop3A_324 = arith.index_cast %select_n3A_117 : i32 to index
        %parallel_loop3A_325 = arith.index_cast %parallel_loop3A_269 : i32 to index
        %parallel_loop3A_326 = arith.constant 48 : index
        %parallel_loop3A_327 = tpu.vector_load %arg10[%parallel_loop3A_324, %parallel_loop3A_325, %parallel_loop3A_326] {strides = array<i32>} : memref<2x64x64xi32, #tpu.memory_space<vmem>>, vector<16xi32>,
        %parallel_loop3A_328 = vector.bitcast %parallel_loop3A_327 : vector<16xi32> to vector<32xbf16>
        %parallel_loop3A_329 = tpu.unpack_subelements %parallel_loop3A_328, 0 {pack_format = #tpu.pack_format<interleaved>} : vector<32xbf16> -> vector<16xf32>
        %parallel_loop3A_330 = tpu.unpack_subelements %parallel_loop3A_328, 1 {pack_format = #tpu.pack_format<interleaved>} : vector<32xbf16> -> vector<16xf32>
        %parallel_loop3A_331 = arith.mulf %parallel_loop3A_329, %parallel_loop3A_272 : vector<16xf32>
        %parallel_loop3A_332 = arith.index_cast %select_n3A_117 : i32 to index
        %parallel_loop3A_333 = arith.index_cast %parallel_loop3A_269 : i32 to index
        %parallel_loop3A_334 = arith.constant 48 : index
        %parallel_loop3A_335 = tpu.vector_load %arg11[%parallel_loop3A_332, %parallel_loop3A_333, %parallel_loop3A_334] {strides = array<i32>} : memref<2x64x128xf32, #tpu.memory_space<vmem>>, vector<16xf32>,
        tpu.vector_store %arg11[%parallel_loop3A_332, %parallel_loop3A_333, %parallel_loop3A_334], %parallel_loop3A_331 {strides = array<i32>} : memref<2x64x128xf32, #tpu.memory_space<vmem>>, vector<16xf32>,
        %parallel_loop3A_336 = arith.mulf %parallel_loop3A_330, %parallel_loop3A_272 : vector<16xf32>
        %parallel_loop3A_337 = arith.index_cast %select_n3A_117 : i32 to index
        %parallel_loop3A_338 = arith.index_cast %parallel_loop3A_269 : i32 to index
        %parallel_loop3A_339 = arith.constant 112 : index
        %parallel_loop3A_340 = tpu.vector_load %arg11[%parallel_loop3A_337, %parallel_loop3A_338, %parallel_loop3A_339] {strides = array<i32>} : memref<2x64x128xf32, #tpu.memory_space<vmem>>, vector<16xf32>,
        tpu.vector_store %arg11[%parallel_loop3A_337, %parallel_loop3A_338, %parallel_loop3A_339], %parallel_loop3A_336 {strides = array<i32>} : memref<2x64x128xf32, #tpu.memory_space<vmem>>, vector<16xf32>,
      } {sc.loop_unroll_factor = 4 : i64, sc.parallel_access}
      %dma_start3A_258 = arith.constant 0 : i32
      %dma_start3A_259 = arith.constant 0 : i32
      %dma_start3A_260 = tpu.memref_slice %arg11[%select_n3A_117, %dma_start3A_258, %dma_start3A_259] : memref<2x64x128xf32, #tpu.memory_space<vmem>> -> memref<1x64x128xf32, #tpu.memory_space<vmem>>
      %dma_start3A_261 = tpu.memref_squeeze %dma_start3A_260 : memref<1x64x128xf32, #tpu.memory_space<vmem>> -> memref<64x128xf32, #tpu.memory_space<vmem>>
      %dma_start3A_262 = arith.constant 0 : i32
      %dma_start3A_263 = tpu.memref_slice %arg8[%select_n3A_151, %dma_start3A_262] : memref<8x64xi32, #tpu.memory_space<vmem>> -> memref<1x64xi32, #tpu.memory_space<vmem>>
      %dma_start3A_264 = tpu.memref_squeeze %dma_start3A_263 : memref<1x64xi32, #tpu.memory_space<vmem>> -> memref<64xi32, #tpu.memory_space<vmem>>
      %dma_start3A_265 = arith.constant 0 : i32
      %dma_start3A_266 = arith.constant 0 : i32
      %dma_start3A_267 = tpu.memref_slice %arg12[%dma_start3A_265, %dma_start3A_266] : memref<10112x128xf32, #tpu.memory_space<vmem_shared>> -> memref<10112x128xf32, #tpu.memory_space<vmem_shared>>
      tpu.enqueue_indirect_dma source(%dma_start3A_261 : memref<64x128xf32, #tpu.memory_space<vmem>>) target(%dma_start3A_267 : memref<10112x128xf32, #tpu.memory_space<vmem_shared>>) offsets(%dma_start3A_264 : memref<64xi32, #tpu.memory_space<vmem>>) semaphore(%arg14 : memref<!tpu.dma_semaphore, #tpu.memory_space<semaphore_mem>>) {add = true}
      %while3A_268 = arith.constant 0 : i32
      scf.yield %while3A_268 : i32
    }
    %while3A_86 = arith.constant 1 : i32
    %while3A_87 = scf.for %while3A_104 = %while3A_83 to %while3A_79 step %while3A_86 iter_args(%while3A_105 = %while3A_85) -> (i32)  : i32 {
      %jit3A_106 = arith.constant 2 : i32
      %eq3A_107 = arith.constant 0 : i32
      %eq3A_108 = arith.cmpi eq, %jit3A_106, %eq3A_107 : i32
      %jit3A_109 = arith.constant 1 : i32
      %select_n3A_110 = arith.select %eq3A_108, %jit3A_109, %jit3A_106 : i32
      %rem3A = arith.remsi %while3A_104, %select_n3A_110 : i32
      %ne3A = arith.constant 0 : i32
      %ne3A_111 = arith.cmpi ne, %rem3A, %ne3A : i32
      %lt3A = arith.constant 0 : i32
      %lt3A_112 = arith.cmpi slt, %rem3A, %lt3A : i32
      %lt3A_113 = arith.constant 0 : i32
      %lt3A_114 = arith.cmpi slt, %select_n3A_110, %lt3A_113 : i32
      %ne3A_115 = arith.xori %lt3A_112, %lt3A_114 : i1
      %and3A = arith.andi %ne3A_115, %ne3A_111 : i1
      %add3A_116 = arith.addi %rem3A, %select_n3A_110 : i32
      %select_n3A_117 = arith.select %and3A, %add3A_116, %rem3A : i32
      %add3A_118 = arith.constant 1 : i32
      %add3A_119 = arith.addi %while3A_104, %add3A_118 : i32
      %jit3A_120 = arith.constant 2 : i32
      %eq3A_121 = arith.constant 0 : i32
      %eq3A_122 = arith.cmpi eq, %jit3A_120, %eq3A_121 : i32
      %jit3A_123 = arith.constant 1 : i32
      %select_n3A_124 = arith.select %eq3A_122, %jit3A_123, %jit3A_120 : i32
      %rem3A_125 = arith.remsi %add3A_119, %select_n3A_124 : i32
      %ne3A_126 = arith.constant 0 : i32
      %ne3A_127 = arith.cmpi ne, %rem3A_125, %ne3A_126 : i32
      %lt3A_128 = arith.constant 0 : i32
      %lt3A_129 = arith.cmpi slt, %rem3A_125, %lt3A_128 : i32
      %lt3A_130 = arith.constant 0 : i32
      %lt3A_131 = arith.cmpi slt, %select_n3A_124, %lt3A_130 : i32
      %ne3A_132 = arith.xori %lt3A_129, %lt3A_131 : i1
      %and3A_133 = arith.andi %ne3A_132, %ne3A_127 : i1
      %add3A_134 = arith.addi %rem3A_125, %select_n3A_124 : i32
      %select_n3A_135 = arith.select %and3A_133, %add3A_134, %rem3A_125 : i32
      %jit3A_136 = arith.constant 8 : i32
      %eq3A_137 = arith.constant 0 : i32
      %eq3A_138 = arith.cmpi eq, %jit3A_136, %eq3A_137 : i32
      %jit3A_139 = arith.constant 1 : i32
      %select_n3A_140 = arith.select %eq3A_138, %jit3A_139, %jit3A_136 : i32
      %rem3A_141 = arith.remsi %while3A_104, %select_n3A_140 : i32
      %ne3A_142 = arith.constant 0 : i32
      %ne3A_143 = arith.cmpi ne, %rem3A_141, %ne3A_142 : i32
      %lt3A_144 = arith.constant 0 : i32
      %lt3A_145 = arith.cmpi slt, %rem3A_141, %lt3A_144 : i32
      %lt3A_146 = arith.constant 0 : i32
      %lt3A_147 = arith.cmpi slt, %select_n3A_140, %lt3A_146 : i32
      %ne3A_148 = arith.xori %lt3A_145, %lt3A_147 : i1
      %and3A_149 = arith.andi %ne3A_148, %ne3A_143 : i1
      %add3A_150 = arith.addi %rem3A_141, %select_n3A_140 : i32
      %select_n3A_151 = arith.select %and3A_149, %add3A_150, %rem3A_141 : i32
      %jit3A_152 = arith.constant 8 : i32
      %div3A = arith.divsi %while3A_104, %jit3A_152 : i32
      %sign3A = arith.constant 0 : i32
      %sign3A_153 = arith.cmpi sgt, %while3A_104, %sign3A : i32
      %sign3A_154 = arith.extui %sign3A_153 : i1 to i32
      %sign3A_155 = arith.constant 0 : i32
      %sign3A_156 = arith.cmpi slt, %while3A_104, %sign3A_155 : i32
      %sign3A_157 = arith.extui %sign3A_156 : i1 to i32
      %sign3A_158 = arith.subi %sign3A_154, %sign3A_157 : i32
      %sign3A_159 = arith.constant 0 : i32
      %sign3A_160 = arith.cmpi sgt, %jit3A_152, %sign3A_159 : i32
      %sign3A_161 = arith.extui %sign3A_160 : i1 to i32
      %sign3A_162 = arith.constant 0 : i32
      %sign3A_163 = arith.cmpi slt, %jit3A_152, %sign3A_162 : i32
      %sign3A_164 = arith.extui %sign3A_163 : i1 to i32
      %sign3A_165 = arith.subi %sign3A_161, %sign3A_164 : i32
      %ne3A_166 = arith.cmpi ne, %sign3A_158, %sign3A_165 : i32
      %rem3A_167 = arith.remsi %while3A_104, %jit3A_152 : i32
      %ne3A_168 = arith.constant 0 : i32
      %ne3A_169 = arith.cmpi ne, %rem3A_167, %ne3A_168 : i32
      %and3A_170 = arith.andi %ne3A_166, %ne3A_169 : i1
      %sub3A = arith.constant 1 : i32
      %sub3A_171 = arith.subi %div3A, %sub3A : i32
      %select_n3A_172 = arith.select %and3A_170, %sub3A_171, %div3A : i32
      %jit3A_173 = arith.constant 2 : i32
      %eq3A_174 = arith.constant 0 : i32
      %eq3A_175 = arith.cmpi eq, %jit3A_173, %eq3A_174 : i32
      %jit3A_176 = arith.constant 1 : i32
      %select_n3A_177 = arith.select %eq3A_175, %jit3A_176, %jit3A_173 : i32
      %rem3A_178 = arith.remsi %select_n3A_172, %select_n3A_177 : i32
      %ne3A_179 = arith.constant 0 : i32
      %ne3A_180 = arith.cmpi ne, %rem3A_178, %ne3A_179 : i32
      %lt3A_181 = arith.constant 0 : i32
      %lt3A_182 = arith.cmpi slt, %rem3A_178, %lt3A_181 : i32
      %lt3A_183 = arith.constant 0 : i32
      %lt3A_184 = arith.cmpi slt, %select_n3A_177, %lt3A_183 : i32
      %ne3A_185 = arith.xori %lt3A_182, %lt3A_184 : i1
      %and3A_186 = arith.andi %ne3A_185, %ne3A_180 : i1
      %add3A_187 = arith.addi %rem3A_178, %select_n3A_177 : i32
      %select_n3A_188 = arith.select %and3A_186, %add3A_187, %rem3A_178 : i32
      %dma_wait3A_189 = arith.constant 0 : i32
      %dma_wait3A_190 = arith.constant 0 : i32
      %dma_wait3A_191 = tpu.memref_slice %arg10[%select_n3A_117, %dma_wait3A_189, %dma_wait3A_190] : memref<2x64x64xi32, #tpu.memory_space<vmem>> -> memref<1x64x64xi32, #tpu.memory_space<vmem>>
      %dma_wait3A_192 = tpu.memref_squeeze %dma_wait3A_191 : memref<1x64x64xi32, #tpu.memory_space<vmem>> -> memref<64x64xi32, #tpu.memory_space<vmem>>
      %dma_wait3A_193 = arith.constant 0 : i32
      %dma_wait3A_194 = tpu.memref_slice %arg7[%select_n3A_188, %select_n3A_151, %dma_wait3A_193] : memref<2x8x64xi32, #tpu.memory_space<vmem>> -> memref<1x1x64xi32, #tpu.memory_space<vmem>>
      %dma_wait3A_195 = tpu.memref_squeeze %dma_wait3A_194 : memref<1x1x64xi32, #tpu.memory_space<vmem>> -> memref<64xi32, #tpu.memory_space<vmem>>
      %dma_wait3A_196 = arith.constant 0 : i32
      %dma_wait3A_197 = arith.constant 0 : i32
      %dma_wait3A_198 = tpu.memref_slice %arg2[%dma_wait3A_196, %dma_wait3A_197] : memref<80000x64xi32, #tpu.memory_space<hbm>> -> memref<80000x64xi32, #tpu.memory_space<hbm>>
      tpu.wait_indirect_dma semaphore(%arg13 : memref<!tpu.dma_semaphore, #tpu.memory_space<semaphore_mem>>) src(%dma_wait3A_198 : memref<80000x64xi32, #tpu.memory_space<hbm>>) dst(%dma_wait3A_192 : memref<64x64xi32, #tpu.memory_space<vmem>>)
      %gt3A = arith.constant 0 : i32
      %gt3A_199 = arith.cmpi sgt, %while3A_104, %gt3A : i32
      %convert_element_type3A = arith.extui %gt3A_199 : i1 to i32
      %cond3A = arith.constant 0 : i32
      %cond3A_200 = arith.cmpi ne, %convert_element_type3A, %cond3A : i32
      scf.if %cond3A_200 {
        %dma_wait3A_269 = arith.constant 0 : i32
        %dma_wait3A_270 = arith.constant 0 : i32
        %dma_wait3A_271 = arith.constant 0 : i32
        %dma_wait3A_272 = tpu.memref_slice %arg11[%select_n3A_135, %dma_wait3A_270, %dma_wait3A_271] : memref<2x64x128xf32, #tpu.memory_space<vmem>> -> memref<1x64x128xf32, #tpu.memory_space<vmem>>
        %dma_wait3A_273 = tpu.memref_squeeze %dma_wait3A_272 : memref<1x64x128xf32, #tpu.memory_space<vmem>> -> memref<64x128xf32, #tpu.memory_space<vmem>>
        %dma_wait3A_274 = arith.constant 0 : i32
        %dma_wait3A_275 = tpu.memref_slice %arg8[%dma_wait3A_269, %dma_wait3A_274] : memref<8x64xi32, #tpu.memory_space<vmem>> -> memref<1x64xi32, #tpu.memory_space<vmem>>
        %dma_wait3A_276 = tpu.memref_squeeze %dma_wait3A_275 : memref<1x64xi32, #tpu.memory_space<vmem>> -> memref<64xi32, #tpu.memory_space<vmem>>
        %dma_wait3A_277 = arith.constant 0 : i32
        %dma_wait3A_278 = arith.constant 0 : i32
        %dma_wait3A_279 = tpu.memref_slice %arg12[%dma_wait3A_277, %dma_wait3A_278] : memref<10112x128xf32, #tpu.memory_space<vmem_shared>> -> memref<10112x128xf32, #tpu.memory_space<vmem_shared>>
        tpu.wait_indirect_dma semaphore(%arg14 : memref<!tpu.dma_semaphore, #tpu.memory_space<semaphore_mem>>) src(%dma_wait3A_273 : memref<64x128xf32, #tpu.memory_space<vmem>>) dst(%dma_wait3A_279 : memref<10112x128xf32, #tpu.memory_space<vmem_shared>>)
      } else {
      }
      %jit3A_201 = arith.constant 8 : i32
      %eq3A_202 = arith.constant 0 : i32
      %eq3A_203 = arith.cmpi eq, %jit3A_201, %eq3A_202 : i32
      %jit3A_204 = arith.constant 1 : i32
      %select_n3A_205 = arith.select %eq3A_203, %jit3A_204, %jit3A_201 : i32
      %rem3A_206 = arith.remsi %while3A_104, %select_n3A_205 : i32
      %ne3A_207 = arith.constant 0 : i32
      %ne3A_208 = arith.cmpi ne, %rem3A_206, %ne3A_207 : i32
      %lt3A_209 = arith.constant 0 : i32
      %lt3A_210 = arith.cmpi slt, %rem3A_206, %lt3A_209 : i32
      %lt3A_211 = arith.constant 0 : i32
      %lt3A_212 = arith.cmpi slt, %select_n3A_205, %lt3A_211 : i32
      %ne3A_213 = arith.xori %lt3A_210, %lt3A_212 : i1
      %and3A_214 = arith.andi %ne3A_213, %ne3A_208 : i1
      %add3A_215 = arith.addi %rem3A_206, %select_n3A_205 : i32
      %select_n3A_216 = arith.select %and3A_214, %add3A_215, %rem3A_206 : i32
      %eq3A_217 = arith.constant 0 : i32
      %eq3A_218 = arith.cmpi eq, %select_n3A_216, %eq3A_217 : i32
      %gt3A_219 = arith.constant 0 : i32
      %gt3A_220 = arith.cmpi sgt, %while3A_104, %gt3A_219 : i32
      %and3A_221 = arith.andi %eq3A_218, %gt3A_220 : i1
      %convert_element_type3A_222 = arith.extui %and3A_221 : i1 to i32
      %cond3A_223 = arith.constant 0 : i32
      %cond3A_224 = arith.cmpi ne, %convert_element_type3A_222, %cond3A_223 : i32
      scf.if %cond3A_224 {
        %jit3A_269 = arith.constant 8 : i32
        %div3A_270 = arith.divsi %while3A_104, %jit3A_269 : i32
        %sign3A_271 = arith.constant 0 : i32
        %sign3A_272 = arith.cmpi sgt, %while3A_104, %sign3A_271 : i32
        %sign3A_273 = arith.extui %sign3A_272 : i1 to i32
        %sign3A_274 = arith.constant 0 : i32
        %sign3A_275 = arith.cmpi slt, %while3A_104, %sign3A_274 : i32
        %sign3A_276 = arith.extui %sign3A_275 : i1 to i32
        %sign3A_277 = arith.subi %sign3A_273, %sign3A_276 : i32
        %sign3A_278 = arith.constant 0 : i32
        %sign3A_279 = arith.cmpi sgt, %jit3A_269, %sign3A_278 : i32
        %sign3A_280 = arith.extui %sign3A_279 : i1 to i32
        %sign3A_281 = arith.constant 0 : i32
        %sign3A_282 = arith.cmpi slt, %jit3A_269, %sign3A_281 : i32
        %sign3A_283 = arith.extui %sign3A_282 : i1 to i32
        %sign3A_284 = arith.subi %sign3A_280, %sign3A_283 : i32
        %ne3A_285 = arith.cmpi ne, %sign3A_277, %sign3A_284 : i32
        %rem3A_286 = arith.remsi %while3A_104, %jit3A_269 : i32
        %ne3A_287 = arith.constant 0 : i32
        %ne3A_288 = arith.cmpi ne, %rem3A_286, %ne3A_287 : i32
        %and3A_289 = arith.andi %ne3A_285, %ne3A_288 : i1
        %sub3A_290 = arith.constant 1 : i32
        %sub3A_291 = arith.subi %div3A_270, %sub3A_290 : i32
        %select_n3A_292 = arith.select %and3A_289, %sub3A_291, %div3A_270 : i32
        %mul3A_293 = arith.constant 8 : i32
        %mul3A_294 = arith.muli %select_n3A_292, %mul3A_293 : i32
        %add3A_295 = arith.addi %select_n3A_8, %mul3A_294 : i32
        "tpu.region"() ({
          %run_scoped3A_297 = tpu.sem_alloc : memref<!tpu.dma_semaphore, #tpu.memory_space<semaphore_mem>>
          %dma_start3A_298 = arith.constant 0 : i32
          %dma_start3A_299 = tpu.memref_slice %arg4[%add3A_295, %dma_start3A_298] : memref<5120x64xi32, #tpu.memory_space<hbm>> -> memref<8x64xi32, #tpu.memory_space<hbm>>
          %dma_start3A_300 = arith.constant 0 : i32
          %dma_start3A_301 = tpu.memref_slice %arg4[%add3A_295, %dma_start3A_300] : memref<5120x64xi32, #tpu.memory_space<hbm>> -> memref<8x64xi32, #tpu.memory_space<hbm>>
          tpu.enqueue_dma source(%dma_start3A_301 : memref<8x64xi32, #tpu.memory_space<hbm>>) target(%arg8 : memref<8x64xi32, #tpu.memory_space<vmem>>) target_semaphore(%run_scoped3A_297 : memref<!tpu.dma_semaphore, #tpu.memory_space<semaphore_mem>>)
          %dma_wait3A_302 = arith.constant 0 : i32
          %dma_wait3A_303 = tpu.memref_slice %arg4[%add3A_295, %dma_wait3A_302] : memref<5120x64xi32, #tpu.memory_space<hbm>> -> memref<8x64xi32, #tpu.memory_space<hbm>>
          %dma_wait3A_304 = arith.constant 0 : i32
          %dma_wait3A_305 = tpu.memref_slice %arg4[%add3A_295, %dma_wait3A_304] : memref<5120x64xi32, #tpu.memory_space<hbm>> -> memref<8x64xi32, #tpu.memory_space<hbm>>
          tpu.wait_dma2 semaphore(%run_scoped3A_297 : memref<!tpu.dma_semaphore, #tpu.memory_space<semaphore_mem>>) src(%dma_wait3A_305 : memref<8x64xi32, #tpu.memory_space<hbm>>) dst(%arg8 : memref<8x64xi32, #tpu.memory_space<vmem>>)
          tpu.yield
        }) : () -> ()
        %add3A_296 = arith.addi %select_n3A_8, %mul3A_294 : i32
        "tpu.region"() ({
          %run_scoped3A_297 = tpu.sem_alloc : memref<!tpu.dma_semaphore, #tpu.memory_space<semaphore_mem>>
          %dma_start3A_298 = arith.constant 0 : i32
          %dma_start3A_299 = tpu.memref_slice %arg5[%add3A_296, %dma_start3A_298] : memref<5120x64xf32, #tpu.memory_space<hbm>> -> memref<8x64xf32, #tpu.memory_space<hbm>>
          %dma_start3A_300 = arith.constant 0 : i32
          %dma_start3A_301 = tpu.memref_slice %arg5[%add3A_296, %dma_start3A_300] : memref<5120x64xf32, #tpu.memory_space<hbm>> -> memref<8x64xf32, #tpu.memory_space<hbm>>
          tpu.enqueue_dma source(%dma_start3A_301 : memref<8x64xf32, #tpu.memory_space<hbm>>) target(%arg9 : memref<8x64xf32, #tpu.memory_space<vmem>>) target_semaphore(%run_scoped3A_297 : memref<!tpu.dma_semaphore, #tpu.memory_space<semaphore_mem>>)
          %dma_wait3A_302 = arith.constant 0 : i32
          %dma_wait3A_303 = tpu.memref_slice %arg5[%add3A_296, %dma_wait3A_302] : memref<5120x64xf32, #tpu.memory_space<hbm>> -> memref<8x64xf32, #tpu.memory_space<hbm>>
          %dma_wait3A_304 = arith.constant 0 : i32
          %dma_wait3A_305 = tpu.memref_slice %arg5[%add3A_296, %dma_wait3A_304] : memref<5120x64xf32, #tpu.memory_space<hbm>> -> memref<8x64xf32, #tpu.memory_space<hbm>>
          tpu.wait_dma2 semaphore(%run_scoped3A_297 : memref<!tpu.dma_semaphore, #tpu.memory_space<semaphore_mem>>) src(%dma_wait3A_305 : memref<8x64xf32, #tpu.memory_space<hbm>>) dst(%arg9 : memref<8x64xf32, #tpu.memory_space<vmem>>)
          tpu.yield
        }) : () -> ()
      } else {
      }
      %jit3A_225 = arith.constant 8 : i32
      %eq3A_226 = arith.constant 0 : i32
      %eq3A_227 = arith.cmpi eq, %jit3A_225, %eq3A_226 : i32
      %jit3A_228 = arith.constant 1 : i32
      %select_n3A_229 = arith.select %eq3A_227, %jit3A_228, %jit3A_225 : i32
      %rem3A_230 = arith.remsi %while3A_104, %select_n3A_229 : i32
      %ne3A_231 = arith.constant 0 : i32
      %ne3A_232 = arith.cmpi ne, %rem3A_230, %ne3A_231 : i32
      %lt3A_233 = arith.constant 0 : i32
      %lt3A_234 = arith.cmpi slt, %rem3A_230, %lt3A_233 : i32
      %lt3A_235 = arith.constant 0 : i32
      %lt3A_236 = arith.cmpi slt, %select_n3A_229, %lt3A_235 : i32
      %ne3A_237 = arith.xori %lt3A_234, %lt3A_236 : i1
      %and3A_238 = arith.andi %ne3A_237, %ne3A_232 : i1
      %add3A_239 = arith.addi %rem3A_230, %select_n3A_229 : i32
      %select_n3A_240 = arith.select %and3A_238, %add3A_239, %rem3A_230 : i32
      %eq3A_241 = arith.constant 0 : i32
      %eq3A_242 = arith.cmpi eq, %select_n3A_240, %eq3A_241 : i32
      %add3A_243 = arith.constant 8 : i32
      %add3A_244 = arith.addi %while3A_104, %add3A_243 : i32
      %lt3A_245 = arith.cmpi slt, %add3A_244, %select_n3A : i32
      %and3A_246 = arith.andi %eq3A_242, %lt3A_245 : i1
      %convert_element_type3A_247 = arith.extui %and3A_246 : i1 to i32
      %cond3A_248 = arith.constant 0 : i32
      %cond3A_249 = arith.cmpi ne, %convert_element_type3A_247, %cond3A_248 : i32
      scf.if %cond3A_249 {
        %jit3A_269 = arith.constant 8 : i32
        %div3A_270 = arith.divsi %while3A_104, %jit3A_269 : i32
        %sign3A_271 = arith.constant 0 : i32
        %sign3A_272 = arith.cmpi sgt, %while3A_104, %sign3A_271 : i32
        %sign3A_273 = arith.extui %sign3A_272 : i1 to i32
        %sign3A_274 = arith.constant 0 : i32
        %sign3A_275 = arith.cmpi slt, %while3A_104, %sign3A_274 : i32
        %sign3A_276 = arith.extui %sign3A_275 : i1 to i32
        %sign3A_277 = arith.subi %sign3A_273, %sign3A_276 : i32
        %sign3A_278 = arith.constant 0 : i32
        %sign3A_279 = arith.cmpi sgt, %jit3A_269, %sign3A_278 : i32
        %sign3A_280 = arith.extui %sign3A_279 : i1 to i32
        %sign3A_281 = arith.constant 0 : i32
        %sign3A_282 = arith.cmpi slt, %jit3A_269, %sign3A_281 : i32
        %sign3A_283 = arith.extui %sign3A_282 : i1 to i32
        %sign3A_284 = arith.subi %sign3A_280, %sign3A_283 : i32
        %ne3A_285 = arith.cmpi ne, %sign3A_277, %sign3A_284 : i32
        %rem3A_286 = arith.remsi %while3A_104, %jit3A_269 : i32
        %ne3A_287 = arith.constant 0 : i32
        %ne3A_288 = arith.cmpi ne, %rem3A_286, %ne3A_287 : i32
        %and3A_289 = arith.andi %ne3A_285, %ne3A_288 : i1
        %sub3A_290 = arith.constant 1 : i32
        %sub3A_291 = arith.subi %div3A_270, %sub3A_290 : i32
        %select_n3A_292 = arith.select %and3A_289, %sub3A_291, %div3A_270 : i32
        %mul3A_293 = arith.constant 8 : i32
        %mul3A_294 = arith.muli %select_n3A_292, %mul3A_293 : i32
        %add3A_295 = arith.addi %select_n3A_8, %mul3A_294 : i32
        %add3A_296 = arith.constant 8 : i32
        %add3A_297 = arith.addi %add3A_295, %add3A_296 : i32
        %jit3A_298 = arith.constant 8 : i32
        %div3A_299 = arith.divsi %while3A_104, %jit3A_298 : i32
        %sign3A_300 = arith.constant 0 : i32
        %sign3A_301 = arith.cmpi sgt, %while3A_104, %sign3A_300 : i32
        %sign3A_302 = arith.extui %sign3A_301 : i1 to i32
        %sign3A_303 = arith.constant 0 : i32
        %sign3A_304 = arith.cmpi slt, %while3A_104, %sign3A_303 : i32
        %sign3A_305 = arith.extui %sign3A_304 : i1 to i32
        %sign3A_306 = arith.subi %sign3A_302, %sign3A_305 : i32
        %sign3A_307 = arith.constant 0 : i32
        %sign3A_308 = arith.cmpi sgt, %jit3A_298, %sign3A_307 : i32
        %sign3A_309 = arith.extui %sign3A_308 : i1 to i32
        %sign3A_310 = arith.constant 0 : i32
        %sign3A_311 = arith.cmpi slt, %jit3A_298, %sign3A_310 : i32
        %sign3A_312 = arith.extui %sign3A_311 : i1 to i32
        %sign3A_313 = arith.subi %sign3A_309, %sign3A_312 : i32
        %ne3A_314 = arith.cmpi ne, %sign3A_306, %sign3A_313 : i32
        %rem3A_315 = arith.remsi %while3A_104, %jit3A_298 : i32
        %ne3A_316 = arith.constant 0 : i32
        %ne3A_317 = arith.cmpi ne, %rem3A_315, %ne3A_316 : i32
        %and3A_318 = arith.andi %ne3A_314, %ne3A_317 : i1
        %sub3A_319 = arith.constant 1 : i32
        %sub3A_320 = arith.subi %div3A_299, %sub3A_319 : i32
        %select_n3A_321 = arith.select %and3A_318, %sub3A_320, %div3A_299 : i32
        %add3A_322 = arith.constant 1 : i32
        %add3A_323 = arith.addi %select_n3A_321, %add3A_322 : i32
        %jit3A_324 = arith.constant 2 : i32
        %eq3A_325 = arith.constant 0 : i32
        %eq3A_326 = arith.cmpi eq, %jit3A_324, %eq3A_325 : i32
        %jit3A_327 = arith.constant 1 : i32
        %select_n3A_328 = arith.select %eq3A_326, %jit3A_327, %jit3A_324 : i32
        %rem3A_329 = arith.remsi %add3A_323, %select_n3A_328 : i32
        %ne3A_330 = arith.constant 0 : i32
        %ne3A_331 = arith.cmpi ne, %rem3A_329, %ne3A_330 : i32
        %lt3A_332 = arith.constant 0 : i32
        %lt3A_333 = arith.cmpi slt, %rem3A_329, %lt3A_332 : i32
        %lt3A_334 = arith.constant 0 : i32
        %lt3A_335 = arith.cmpi slt, %select_n3A_328, %lt3A_334 : i32
        %ne3A_336 = arith.xori %lt3A_333, %lt3A_335 : i1
        %and3A_337 = arith.andi %ne3A_336, %ne3A_331 : i1
        %add3A_338 = arith.addi %rem3A_329, %select_n3A_328 : i32
        %select_n3A_339 = arith.select %and3A_337, %add3A_338, %rem3A_329 : i32
        "tpu.region"() ({
          %run_scoped3A_340 = tpu.sem_alloc : memref<!tpu.dma_semaphore, #tpu.memory_space<semaphore_mem>>
          %dma_start3A_341 = arith.constant 0 : i32
          %dma_start3A_342 = arith.constant 0 : i32
          %dma_start3A_343 = tpu.memref_slice %arg7[%select_n3A_339, %dma_start3A_341, %dma_start3A_342] : memref<2x8x64xi32, #tpu.memory_space<vmem>> -> memref<1x8x64xi32, #tpu.memory_space<vmem>>
          %dma_start3A_344 = tpu.memref_squeeze %dma_start3A_343 : memref<1x8x64xi32, #tpu.memory_space<vmem>> -> memref<8x64xi32, #tpu.memory_space<vmem>>
          %dma_start3A_345 = arith.constant 0 : i32
          %dma_start3A_346 = tpu.memref_slice %arg3[%add3A_297, %dma_start3A_345] : memref<5120x64xi32, #tpu.memory_space<hbm>> -> memref<8x64xi32, #tpu.memory_space<hbm>>
          %dma_start3A_347 = arith.constant 0 : i32
          %dma_start3A_348 = arith.constant 0 : i32
          %dma_start3A_349 = tpu.memref_slice %arg7[%select_n3A_339, %dma_start3A_347, %dma_start3A_348] : memref<2x8x64xi32, #tpu.memory_space<vmem>> -> memref<1x8x64xi32, #tpu.memory_space<vmem>>
          %dma_start3A_350 = tpu.memref_squeeze %dma_start3A_349 : memref<1x8x64xi32, #tpu.memory_space<vmem>> -> memref<8x64xi32, #tpu.memory_space<vmem>>
          %dma_start3A_351 = arith.constant 0 : i32
          %dma_start3A_352 = tpu.memref_slice %arg3[%add3A_297, %dma_start3A_351] : memref<5120x64xi32, #tpu.memory_space<hbm>> -> memref<8x64xi32, #tpu.memory_space<hbm>>
          tpu.enqueue_dma source(%dma_start3A_352 : memref<8x64xi32, #tpu.memory_space<hbm>>) target(%dma_start3A_350 : memref<8x64xi32, #tpu.memory_space<vmem>>) target_semaphore(%run_scoped3A_340 : memref<!tpu.dma_semaphore, #tpu.memory_space<semaphore_mem>>)
          %dma_wait3A_353 = arith.constant 0 : i32
          %dma_wait3A_354 = arith.constant 0 : i32
          %dma_wait3A_355 = tpu.memref_slice %arg7[%select_n3A_339, %dma_wait3A_353, %dma_wait3A_354] : memref<2x8x64xi32, #tpu.memory_space<vmem>> -> memref<1x8x64xi32, #tpu.memory_space<vmem>>
          %dma_wait3A_356 = tpu.memref_squeeze %dma_wait3A_355 : memref<1x8x64xi32, #tpu.memory_space<vmem>> -> memref<8x64xi32, #tpu.memory_space<vmem>>
          %dma_wait3A_357 = arith.constant 0 : i32
          %dma_wait3A_358 = tpu.memref_slice %arg3[%add3A_297, %dma_wait3A_357] : memref<5120x64xi32, #tpu.memory_space<hbm>> -> memref<8x64xi32, #tpu.memory_space<hbm>>
          %dma_wait3A_359 = arith.constant 0 : i32
          %dma_wait3A_360 = arith.constant 0 : i32
          %dma_wait3A_361 = tpu.memref_slice %arg7[%select_n3A_339, %dma_wait3A_359, %dma_wait3A_360] : memref<2x8x64xi32, #tpu.memory_space<vmem>> -> memref<1x8x64xi32, #tpu.memory_space<vmem>>
          %dma_wait3A_362 = tpu.memref_squeeze %dma_wait3A_361 : memref<1x8x64xi32, #tpu.memory_space<vmem>> -> memref<8x64xi32, #tpu.memory_space<vmem>>
          %dma_wait3A_363 = arith.constant 0 : i32
          %dma_wait3A_364 = tpu.memref_slice %arg3[%add3A_297, %dma_wait3A_363] : memref<5120x64xi32, #tpu.memory_space<hbm>> -> memref<8x64xi32, #tpu.memory_space<hbm>>
          tpu.wait_dma2 semaphore(%run_scoped3A_340 : memref<!tpu.dma_semaphore, #tpu.memory_space<semaphore_mem>>) src(%dma_wait3A_364 : memref<8x64xi32, #tpu.memory_space<hbm>>) dst(%dma_wait3A_362 : memref<8x64xi32, #tpu.memory_space<vmem>>)
          tpu.yield
        }) : () -> ()
      } else {
      }
      %add3A_250 = arith.constant 1 : i32
      %add3A_251 = arith.addi %while3A_104, %add3A_250 : i32
      %lt3A_252 = arith.cmpi slt, %add3A_251, %select_n3A : i32
      %convert_element_type3A_253 = arith.extui %lt3A_252 : i1 to i32
      %cond3A_254 = arith.constant 0 : i32
      %cond3A_255 = arith.cmpi ne, %convert_element_type3A_253, %cond3A_254 : i32
      scf.if %cond3A_255 {
        %add3A_269 = arith.constant 1 : i32
        %add3A_270 = arith.addi %while3A_104, %add3A_269 : i32
        %jit3A_271 = arith.constant 8 : i32
        %div3A_272 = arith.divsi %add3A_270, %jit3A_271 : i32
        %sign3A_273 = arith.constant 0 : i32
        %sign3A_274 = arith.cmpi sgt, %add3A_270, %sign3A_273 : i32
        %sign3A_275 = arith.extui %sign3A_274 : i1 to i32
        %sign3A_276 = arith.constant 0 : i32
        %sign3A_277 = arith.cmpi slt, %add3A_270, %sign3A_276 : i32
        %sign3A_278 = arith.extui %sign3A_277 : i1 to i32
        %sign3A_279 = arith.subi %sign3A_275, %sign3A_278 : i32
        %sign3A_280 = arith.constant 0 : i32
        %sign3A_281 = arith.cmpi sgt, %jit3A_271, %sign3A_280 : i32
        %sign3A_282 = arith.extui %sign3A_281 : i1 to i32
        %sign3A_283 = arith.constant 0 : i32
        %sign3A_284 = arith.cmpi slt, %jit3A_271, %sign3A_283 : i32
        %sign3A_285 = arith.extui %sign3A_284 : i1 to i32
        %sign3A_286 = arith.subi %sign3A_282, %sign3A_285 : i32
        %ne3A_287 = arith.cmpi ne, %sign3A_279, %sign3A_286 : i32
        %rem3A_288 = arith.remsi %add3A_270, %jit3A_271 : i32
        %ne3A_289 = arith.constant 0 : i32
        %ne3A_290 = arith.cmpi ne, %rem3A_288, %ne3A_289 : i32
        %and3A_291 = arith.andi %ne3A_287, %ne3A_290 : i1
        %sub3A_292 = arith.constant 1 : i32
        %sub3A_293 = arith.subi %div3A_272, %sub3A_292 : i32
        %select_n3A_294 = arith.select %and3A_291, %sub3A_293, %div3A_272 : i32
        %jit3A_295 = arith.constant 2 : i32
        %eq3A_296 = arith.constant 0 : i32
        %eq3A_297 = arith.cmpi eq, %jit3A_295, %eq3A_296 : i32
        %jit3A_298 = arith.constant 1 : i32
        %select_n3A_299 = arith.select %eq3A_297, %jit3A_298, %jit3A_295 : i32
        %rem3A_300 = arith.remsi %select_n3A_294, %select_n3A_299 : i32
        %ne3A_301 = arith.constant 0 : i32
        %ne3A_302 = arith.cmpi ne, %rem3A_300, %ne3A_301 : i32
        %lt3A_303 = arith.constant 0 : i32
        %lt3A_304 = arith.cmpi slt, %rem3A_300, %lt3A_303 : i32
        %lt3A_305 = arith.constant 0 : i32
        %lt3A_306 = arith.cmpi slt, %select_n3A_299, %lt3A_305 : i32
        %ne3A_307 = arith.xori %lt3A_304, %lt3A_306 : i1
        %and3A_308 = arith.andi %ne3A_307, %ne3A_302 : i1
        %add3A_309 = arith.addi %rem3A_300, %select_n3A_299 : i32
        %select_n3A_310 = arith.select %and3A_308, %add3A_309, %rem3A_300 : i32
        %add3A_311 = arith.constant 1 : i32
        %add3A_312 = arith.addi %while3A_104, %add3A_311 : i32
        %jit3A_313 = arith.constant 8 : i32
        %eq3A_314 = arith.constant 0 : i32
        %eq3A_315 = arith.cmpi eq, %jit3A_313, %eq3A_314 : i32
        %jit3A_316 = arith.constant 1 : i32
        %select_n3A_317 = arith.select %eq3A_315, %jit3A_316, %jit3A_313 : i32
        %rem3A_318 = arith.remsi %add3A_312, %select_n3A_317 : i32
        %ne3A_319 = arith.constant 0 : i32
        %ne3A_320 = arith.cmpi ne, %rem3A_318, %ne3A_319 : i32
        %lt3A_321 = arith.constant 0 : i32
        %lt3A_322 = arith.cmpi slt, %rem3A_318, %lt3A_321 : i32
        %lt3A_323 = arith.constant 0 : i32
        %lt3A_324 = arith.cmpi slt, %select_n3A_317, %lt3A_323 : i32
        %ne3A_325 = arith.xori %lt3A_322, %lt3A_324 : i1
        %and3A_326 = arith.andi %ne3A_325, %ne3A_320 : i1
        %add3A_327 = arith.addi %rem3A_318, %select_n3A_317 : i32
        %select_n3A_328 = arith.select %and3A_326, %add3A_327, %rem3A_318 : i32
        %dma_start3A_329 = arith.constant 0 : i32
        %dma_start3A_330 = arith.constant 0 : i32
        %dma_start3A_331 = tpu.memref_slice %arg10[%select_n3A_135, %dma_start3A_329, %dma_start3A_330] : memref<2x64x64xi32, #tpu.memory_space<vmem>> -> memref<1x64x64xi32, #tpu.memory_space<vmem>>
        %dma_start3A_332 = tpu.memref_squeeze %dma_start3A_331 : memref<1x64x64xi32, #tpu.memory_space<vmem>> -> memref<64x64xi32, #tpu.memory_space<vmem>>
        %dma_start3A_333 = arith.constant 0 : i32
        %dma_start3A_334 = tpu.memref_slice %arg7[%select_n3A_310, %select_n3A_328, %dma_start3A_333] : memref<2x8x64xi32, #tpu.memory_space<vmem>> -> memref<1x1x64xi32, #tpu.memory_space<vmem>>
        %dma_start3A_335 = tpu.memref_squeeze %dma_start3A_334 : memref<1x1x64xi32, #tpu.memory_space<vmem>> -> memref<64xi32, #tpu.memory_space<vmem>>
        %dma_start3A_336 = arith.constant 0 : i32
        %dma_start3A_337 = arith.constant 0 : i32
        %dma_start3A_338 = tpu.memref_slice %arg2[%dma_start3A_336, %dma_start3A_337] : memref<80000x64xi32, #tpu.memory_space<hbm>> -> memref<80000x64xi32, #tpu.memory_space<hbm>>
        tpu.enqueue_indirect_dma source(%dma_start3A_338 : memref<80000x64xi32, #tpu.memory_space<hbm>>) target(%dma_start3A_332 : memref<64x64xi32, #tpu.memory_space<vmem>>) offsets(%dma_start3A_335 : memref<64xi32, #tpu.memory_space<vmem>>) semaphore(%arg13 : memref<!tpu.dma_semaphore, #tpu.memory_space<semaphore_mem>>)
      } else {
      }
      %parallel_loop3A = arith.constant 0 : i32
      %parallel_loop3A_256 = arith.constant 64 : i32
      %parallel_loop3A_257 = arith.constant 1 : i32
      scf.for %parallel_loop3A_269 = %parallel_loop3A to %parallel_loop3A_256 step %parallel_loop3A_257  : i32 {
        %parallel_loop3A_270 = vector.broadcast %select_n3A_151 : i32 to vector<16xi32>
        %parallel_loop3A_271 = vector.broadcast %parallel_loop3A_269 : i32 to vector<16xi32>
        %parallel_loop3A_272 = tpu.vector_load_idx %arg9[%parallel_loop3A_270, %parallel_loop3A_271] : memref<8x64xf32, #tpu.memory_space<vmem>>[vector<16xi32>, vector<16xi32>], vector<16xf32>,
        %parallel_loop3A_273 = arith.index_cast %select_n3A_117 : i32 to index
        %parallel_loop3A_274 = arith.index_cast %parallel_loop3A_269 : i32 to index
        %parallel_loop3A_275 = arith.constant 0 : index
        %parallel_loop3A_276 = tpu.vector_load %arg10[%parallel_loop3A_273, %parallel_loop3A_274, %parallel_loop3A_275] {strides = array<i32>} : memref<2x64x64xi32, #tpu.memory_space<vmem>>, vector<16xi32>,
        %parallel_loop3A_277 = vector.bitcast %parallel_loop3A_276 : vector<16xi32> to vector<32xbf16>
        %parallel_loop3A_278 = tpu.unpack_subelements %parallel_loop3A_277, 0 {pack_format = #tpu.pack_format<interleaved>} : vector<32xbf16> -> vector<16xf32>
        %parallel_loop3A_279 = tpu.unpack_subelements %parallel_loop3A_277, 1 {pack_format = #tpu.pack_format<interleaved>} : vector<32xbf16> -> vector<16xf32>
        %parallel_loop3A_280 = arith.mulf %parallel_loop3A_278, %parallel_loop3A_272 : vector<16xf32>
        %parallel_loop3A_281 = arith.index_cast %select_n3A_117 : i32 to index
        %parallel_loop3A_282 = arith.index_cast %parallel_loop3A_269 : i32 to index
        %parallel_loop3A_283 = arith.constant 0 : index
        %parallel_loop3A_284 = tpu.vector_load %arg11[%parallel_loop3A_281, %parallel_loop3A_282, %parallel_loop3A_283] {strides = array<i32>} : memref<2x64x128xf32, #tpu.memory_space<vmem>>, vector<16xf32>,
        tpu.vector_store %arg11[%parallel_loop3A_281, %parallel_loop3A_282, %parallel_loop3A_283], %parallel_loop3A_280 {strides = array<i32>} : memref<2x64x128xf32, #tpu.memory_space<vmem>>, vector<16xf32>,
        %parallel_loop3A_285 = arith.mulf %parallel_loop3A_279, %parallel_loop3A_272 : vector<16xf32>
        %parallel_loop3A_286 = arith.index_cast %select_n3A_117 : i32 to index
        %parallel_loop3A_287 = arith.index_cast %parallel_loop3A_269 : i32 to index
        %parallel_loop3A_288 = arith.constant 64 : index
        %parallel_loop3A_289 = tpu.vector_load %arg11[%parallel_loop3A_286, %parallel_loop3A_287, %parallel_loop3A_288] {strides = array<i32>} : memref<2x64x128xf32, #tpu.memory_space<vmem>>, vector<16xf32>,
        tpu.vector_store %arg11[%parallel_loop3A_286, %parallel_loop3A_287, %parallel_loop3A_288], %parallel_loop3A_285 {strides = array<i32>} : memref<2x64x128xf32, #tpu.memory_space<vmem>>, vector<16xf32>,
        %parallel_loop3A_290 = arith.index_cast %select_n3A_117 : i32 to index
        %parallel_loop3A_291 = arith.index_cast %parallel_loop3A_269 : i32 to index
        %parallel_loop3A_292 = arith.constant 16 : index
        %parallel_loop3A_293 = tpu.vector_load %arg10[%parallel_loop3A_290, %parallel_loop3A_291, %parallel_loop3A_292] {strides = array<i32>} : memref<2x64x64xi32, #tpu.memory_space<vmem>>, vector<16xi32>,
        %parallel_loop3A_294 = vector.bitcast %parallel_loop3A_293 : vector<16xi32> to vector<32xbf16>
        %parallel_loop3A_295 = tpu.unpack_subelements %parallel_loop3A_294, 0 {pack_format = #tpu.pack_format<interleaved>} : vector<32xbf16> -> vector<16xf32>
        %parallel_loop3A_296 = tpu.unpack_subelements %parallel_loop3A_294, 1 {pack_format = #tpu.pack_format<interleaved>} : vector<32xbf16> -> vector<16xf32>
        %parallel_loop3A_297 = arith.mulf %parallel_loop3A_295, %parallel_loop3A_272 : vector<16xf32>
        %parallel_loop3A_298 = arith.index_cast %select_n3A_117 : i32 to index
        %parallel_loop3A_299 = arith.index_cast %parallel_loop3A_269 : i32 to index
        %parallel_loop3A_300 = arith.constant 16 : index
        %parallel_loop3A_301 = tpu.vector_load %arg11[%parallel_loop3A_298, %parallel_loop3A_299, %parallel_loop3A_300] {strides = array<i32>} : memref<2x64x128xf32, #tpu.memory_space<vmem>>, vector<16xf32>,
        tpu.vector_store %arg11[%parallel_loop3A_298, %parallel_loop3A_299, %parallel_loop3A_300], %parallel_loop3A_297 {strides = array<i32>} : memref<2x64x128xf32, #tpu.memory_space<vmem>>, vector<16xf32>,
        %parallel_loop3A_302 = arith.mulf %parallel_loop3A_296, %parallel_loop3A_272 : vector<16xf32>
        %parallel_loop3A_303 = arith.index_cast %select_n3A_117 : i32 to index
        %parallel_loop3A_304 = arith.index_cast %parallel_loop3A_269 : i32 to index
        %parallel_loop3A_305 = arith.constant 80 : index
        %parallel_loop3A_306 = tpu.vector_load %arg11[%parallel_loop3A_303, %parallel_loop3A_304, %parallel_loop3A_305] {strides = array<i32>} : memref<2x64x128xf32, #tpu.memory_space<vmem>>, vector<16xf32>,
        tpu.vector_store %arg11[%parallel_loop3A_303, %parallel_loop3A_304, %parallel_loop3A_305], %parallel_loop3A_302 {strides = array<i32>} : memref<2x64x128xf32, #tpu.memory_space<vmem>>, vector<16xf32>,
        %parallel_loop3A_307 = arith.index_cast %select_n3A_117 : i32 to index
        %parallel_loop3A_308 = arith.index_cast %parallel_loop3A_269 : i32 to index
        %parallel_loop3A_309 = arith.constant 32 : index
        %parallel_loop3A_310 = tpu.vector_load %arg10[%parallel_loop3A_307, %parallel_loop3A_308, %parallel_loop3A_309] {strides = array<i32>} : memref<2x64x64xi32, #tpu.memory_space<vmem>>, vector<16xi32>,
        %parallel_loop3A_311 = vector.bitcast %parallel_loop3A_310 : vector<16xi32> to vector<32xbf16>
        %parallel_loop3A_312 = tpu.unpack_subelements %parallel_loop3A_311, 0 {pack_format = #tpu.pack_format<interleaved>} : vector<32xbf16> -> vector<16xf32>
        %parallel_loop3A_313 = tpu.unpack_subelements %parallel_loop3A_311, 1 {pack_format = #tpu.pack_format<interleaved>} : vector<32xbf16> -> vector<16xf32>
        %parallel_loop3A_314 = arith.mulf %parallel_loop3A_312, %parallel_loop3A_272 : vector<16xf32>
        %parallel_loop3A_315 = arith.index_cast %select_n3A_117 : i32 to index
        %parallel_loop3A_316 = arith.index_cast %parallel_loop3A_269 : i32 to index
        %parallel_loop3A_317 = arith.constant 32 : index
        %parallel_loop3A_318 = tpu.vector_load %arg11[%parallel_loop3A_315, %parallel_loop3A_316, %parallel_loop3A_317] {strides = array<i32>} : memref<2x64x128xf32, #tpu.memory_space<vmem>>, vector<16xf32>,
        tpu.vector_store %arg11[%parallel_loop3A_315, %parallel_loop3A_316, %parallel_loop3A_317], %parallel_loop3A_314 {strides = array<i32>} : memref<2x64x128xf32, #tpu.memory_space<vmem>>, vector<16xf32>,
        %parallel_loop3A_319 = arith.mulf %parallel_loop3A_313, %parallel_loop3A_272 : vector<16xf32>
        %parallel_loop3A_320 = arith.index_cast %select_n3A_117 : i32 to index
        %parallel_loop3A_321 = arith.index_cast %parallel_loop3A_269 : i32 to index
        %parallel_loop3A_322 = arith.constant 96 : index
        %parallel_loop3A_323 = tpu.vector_load %arg11[%parallel_loop3A_320, %parallel_loop3A_321, %parallel_loop3A_322] {strides = array<i32>} : memref<2x64x128xf32, #tpu.memory_space<vmem>>, vector<16xf32>,
        tpu.vector_store %arg11[%parallel_loop3A_320, %parallel_loop3A_321, %parallel_loop3A_322], %parallel_loop3A_319 {strides = array<i32>} : memref<2x64x128xf32, #tpu.memory_space<vmem>>, vector<16xf32>,
        %parallel_loop3A_324 = arith.index_cast %select_n3A_117 : i32 to index
        %parallel_loop3A_325 = arith.index_cast %parallel_loop3A_269 : i32 to index
        %parallel_loop3A_326 = arith.constant 48 : index
        %parallel_loop3A_327 = tpu.vector_load %arg10[%parallel_loop3A_324, %parallel_loop3A_325, %parallel_loop3A_326] {strides = array<i32>} : memref<2x64x64xi32, #tpu.memory_space<vmem>>, vector<16xi32>,
        %parallel_loop3A_328 = vector.bitcast %parallel_loop3A_327 : vector<16xi32> to vector<32xbf16>
        %parallel_loop3A_329 = tpu.unpack_subelements %parallel_loop3A_328, 0 {pack_format = #tpu.pack_format<interleaved>} : vector<32xbf16> -> vector<16xf32>
        %parallel_loop3A_330 = tpu.unpack_subelements %parallel_loop3A_328, 1 {pack_format = #tpu.pack_format<interleaved>} : vector<32xbf16> -> vector<16xf32>
        %parallel_loop3A_331 = arith.mulf %parallel_loop3A_329, %parallel_loop3A_272 : vector<16xf32>
        %parallel_loop3A_332 = arith.index_cast %select_n3A_117 : i32 to index
        %parallel_loop3A_333 = arith.index_cast %parallel_loop3A_269 : i32 to index
        %parallel_loop3A_334 = arith.constant 48 : index
        %parallel_loop3A_335 = tpu.vector_load %arg11[%parallel_loop3A_332, %parallel_loop3A_333, %parallel_loop3A_334] {strides = array<i32>} : memref<2x64x128xf32, #tpu.memory_space<vmem>>, vector<16xf32>,
        tpu.vector_store %arg11[%parallel_loop3A_332, %parallel_loop3A_333, %parallel_loop3A_334], %parallel_loop3A_331 {strides = array<i32>} : memref<2x64x128xf32, #tpu.memory_space<vmem>>, vector<16xf32>,
        %parallel_loop3A_336 = arith.mulf %parallel_loop3A_330, %parallel_loop3A_272 : vector<16xf32>
        %parallel_loop3A_337 = arith.index_cast %select_n3A_117 : i32 to index
        %parallel_loop3A_338 = arith.index_cast %parallel_loop3A_269 : i32 to index
        %parallel_loop3A_339 = arith.constant 112 : index
        %parallel_loop3A_340 = tpu.vector_load %arg11[%parallel_loop3A_337, %parallel_loop3A_338, %parallel_loop3A_339] {strides = array<i32>} : memref<2x64x128xf32, #tpu.memory_space<vmem>>, vector<16xf32>,
        tpu.vector_store %arg11[%parallel_loop3A_337, %parallel_loop3A_338, %parallel_loop3A_339], %parallel_loop3A_336 {strides = array<i32>} : memref<2x64x128xf32, #tpu.memory_space<vmem>>, vector<16xf32>,
      } {sc.loop_unroll_factor = 4 : i64, sc.parallel_access}
      %dma_start3A_258 = arith.constant 0 : i32
      %dma_start3A_259 = arith.constant 0 : i32
      %dma_start3A_260 = tpu.memref_slice %arg11[%select_n3A_117, %dma_start3A_258, %dma_start3A_259] : memref<2x64x128xf32, #tpu.memory_space<vmem>> -> memref<1x64x128xf32, #tpu.memory_space<vmem>>
      %dma_start3A_261 = tpu.memref_squeeze %dma_start3A_260 : memref<1x64x128xf32, #tpu.memory_space<vmem>> -> memref<64x128xf32, #tpu.memory_space<vmem>>
      %dma_start3A_262 = arith.constant 0 : i32
      %dma_start3A_263 = tpu.memref_slice %arg8[%select_n3A_151, %dma_start3A_262] : memref<8x64xi32, #tpu.memory_space<vmem>> -> memref<1x64xi32, #tpu.memory_space<vmem>>
      %dma_start3A_264 = tpu.memref_squeeze %dma_start3A_263 : memref<1x64xi32, #tpu.memory_space<vmem>> -> memref<64xi32, #tpu.memory_space<vmem>>
      %dma_start3A_265 = arith.constant 0 : i32
      %dma_start3A_266 = arith.constant 0 : i32
      %dma_start3A_267 = tpu.memref_slice %arg12[%dma_start3A_265, %dma_start3A_266] : memref<10112x128xf32, #tpu.memory_space<vmem_shared>> -> memref<10112x128xf32, #tpu.memory_space<vmem_shared>>
      tpu.enqueue_indirect_dma source(%dma_start3A_261 : memref<64x128xf32, #tpu.memory_space<vmem>>) target(%dma_start3A_267 : memref<10112x128xf32, #tpu.memory_space<vmem_shared>>) offsets(%dma_start3A_264 : memref<64xi32, #tpu.memory_space<vmem>>) semaphore(%arg14 : memref<!tpu.dma_semaphore, #tpu.memory_space<semaphore_mem>>) {add = true}
      %while3A_268 = arith.constant 0 : i32
      scf.yield %while3A_268 : i32
    }
    %dma_wait3A = arith.constant 0 : i32
    %dma_wait3A_88 = arith.constant 0 : i32
    %dma_wait3A_89 = arith.constant 0 : i32
    %dma_wait3A_90 = arith.constant 0 : i32
    %dma_wait3A_91 = tpu.memref_slice %arg11[%dma_wait3A, %dma_wait3A_89, %dma_wait3A_90] : memref<2x64x128xf32, #tpu.memory_space<vmem>> -> memref<1x64x128xf32, #tpu.memory_space<vmem>>
    %dma_wait3A_92 = tpu.memref_squeeze %dma_wait3A_91 : memref<1x64x128xf32, #tpu.memory_space<vmem>> -> memref<64x128xf32, #tpu.memory_space<vmem>>
    %dma_wait3A_93 = arith.constant 0 : i32
    %dma_wait3A_94 = tpu.memref_slice %arg8[%dma_wait3A_88, %dma_wait3A_93] : memref<8x64xi32, #tpu.memory_space<vmem>> -> memref<1x64xi32, #tpu.memory_space<vmem>>
    %dma_wait3A_95 = tpu.memref_squeeze %dma_wait3A_94 : memref<1x64xi32, #tpu.memory_space<vmem>> -> memref<64xi32, #tpu.memory_space<vmem>>
    %dma_wait3A_96 = arith.constant 0 : i32
    %dma_wait3A_97 = arith.constant 0 : i32
    %dma_wait3A_98 = tpu.memref_slice %arg12[%dma_wait3A_96, %dma_wait3A_97] : memref<10112x128xf32, #tpu.memory_space<vmem_shared>> -> memref<10112x128xf32, #tpu.memory_space<vmem_shared>>
    tpu.wait_indirect_dma semaphore(%arg14 : memref<!tpu.dma_semaphore, #tpu.memory_space<semaphore_mem>>) src(%dma_wait3A_92 : memref<64x128xf32, #tpu.memory_space<vmem>>) dst(%dma_wait3A_98 : memref<10112x128xf32, #tpu.memory_space<vmem_shared>>)
    %barrier3A_99 = arith.constant 0 : index
    tpu.barrier barrier_id(%barrier3A_99)
    %mul3A_100 = arith.constant 632 : i32
    %mul3A_101 = arith.muli %arg1, %mul3A_100 : i32
    %mul3A_102 = arith.constant 632 : i32
    %mul3A_103 = arith.muli %arg1, %mul3A_102 : i32
    "tpu.region"() ({
      %run_scoped3A_104 = tpu.sem_alloc : memref<!tpu.dma_semaphore, #tpu.memory_space<semaphore_mem>>
      %dma_start3A_105 = arith.constant 0 : i32
      %dma_start3A_106 = tpu.memref_slice %arg6[%arg0, %mul3A_103, %dma_start3A_105] : memref<2x10112x128xf32, #tpu.memory_space<hbm>> -> memref<1x632x128xf32, #tpu.memory_space<hbm>>
      %dma_start3A_107 = tpu.memref_squeeze %dma_start3A_106 : memref<1x632x128xf32, #tpu.memory_space<hbm>> -> memref<632x128xf32, #tpu.memory_space<hbm>>
      %dma_start3A_108 = arith.constant 0 : i32
      %dma_start3A_109 = tpu.memref_slice %arg12[%mul3A_101, %dma_start3A_108] : memref<10112x128xf32, #tpu.memory_space<vmem_shared>> -> memref<632x128xf32, #tpu.memory_space<vmem_shared>>
      tpu.enqueue_dma source(%dma_start3A_109 : memref<632x128xf32, #tpu.memory_space<vmem_shared>>) target(%dma_start3A_107 : memref<632x128xf32, #tpu.memory_space<hbm>>) target_semaphore(%run_scoped3A_104 : memref<!tpu.dma_semaphore, #tpu.memory_space<semaphore_mem>>)
      %dma_wait3A_110 = arith.constant 0 : i32
      %dma_wait3A_111 = tpu.memref_slice %arg6[%arg0, %mul3A_103, %dma_wait3A_110] : memref<2x10112x128xf32, #tpu.memory_space<hbm>> -> memref<1x632x128xf32, #tpu.memory_space<hbm>>
      %dma_wait3A_112 = tpu.memref_squeeze %dma_wait3A_111 : memref<1x632x128xf32, #tpu.memory_space<hbm>> -> memref<632x128xf32, #tpu.memory_space<hbm>>
      %dma_wait3A_113 = arith.constant 0 : i32
      %dma_wait3A_114 = tpu.memref_slice %arg12[%mul3A_101, %dma_wait3A_113] : memref<10112x128xf32, #tpu.memory_space<vmem_shared>> -> memref<632x128xf32, #tpu.memory_space<vmem_shared>>
      tpu.wait_dma2 semaphore(%run_scoped3A_104 : memref<!tpu.dma_semaphore, #tpu.memory_space<semaphore_mem>>) src(%dma_wait3A_114 : memref<632x128xf32, #tpu.memory_space<vmem_shared>>) dst(%dma_wait3A_112 : memref<632x128xf32, #tpu.memory_space<hbm>>)
      tpu.yield
    }) : () -> ()
    return
  }
}

module attributes {stable_mosaic.version = 14 : i64} {
  func.func @_xr_body(%arg0: i32, %arg1: i32, %arg2: memref<2000x128xf32, #tpu.memory_space<vmem>>, %arg3: memref<1x128x128xf32, #tpu.memory_space<vmem>>, %arg4: memref<1x2000x64xi32, #tpu.memory_space<vmem>>) attributes {dimension_semantics = [#tpu.dimension_semantics<arbitrary>, #tpu.dimension_semantics<arbitrary>], iteration_bounds = array<i64: 8, 5>, scalar_prefetch = 0 : i64, scratch_operands = 0 : i64, tpu.core_type = #tpu.core_type<tc>, window_params = [{transform_indices = @transform_0, window_bounds = array<i64: 2000, 128>}, {transform_indices = @transform_1, window_bounds = array<i64: 1, 128, 128>}, {transform_indices = @transform_2, window_bounds = array<i64: 1, 2000, 64>}]} {
    %get3A = arith.constant 0 : index
    %get3A_0 = arith.constant 0 : index
    %get3A_1 = vector.load %arg2[%get3A, %get3A_0] : memref<2000x128xf32, #tpu.memory_space<vmem>>, vector<2000x128xf32>
    %get3A_2 = arith.constant 0 : index
    %get3A_3 = arith.constant 0 : index
    %get3A_4 = arith.constant 0 : index
    %get3A_5 = vector.load %arg3[%get3A_2, %get3A_3, %get3A_4] : memref<1x128x128xf32, #tpu.memory_space<vmem>>, vector<1x128x128xf32>
    %get3A_6 = vector.shape_cast %get3A_5 : vector<1x128x128xf32> to vector<128x128xf32>
    %dot_general3A = arith.constant dense<0.000000e+00> : vector<2000x128xf32>
    %dot_general3A_7 = tpu.matmul %get3A_1, %get3A_6, %dot_general3A {dimension_numbers = #tpu.dot_dimension_numbers<[1], [0], [0], [1], [0, 0, 1, 1], [], []>, transpose_lhs_hint = false} : vector<2000x128xf32>, vector<128x128xf32>, vector<2000x128xf32> -> vector<2000x128xf32>
    %convert_element_type3A = arith.truncf %dot_general3A_7 : vector<2000x128xf32> to vector<2000x128xbf16>
    %convert_element_type3A_8 = arith.extf %convert_element_type3A : vector<2000x128xbf16> to vector<2000x128xf32>
    %bitcast_convert_type3A = tpu.bitcast %convert_element_type3A_8 : vector<2000x128xf32> -> vector<2000x128xi32>
    %slice3A = vector.extract_strided_slice %bitcast_convert_type3A {offsets = [0, 0], sizes = [2000, 64], strides = [1, 1]} : vector<2000x128xi32> to vector<2000x64xi32>
    %shift_right_logical3A = arith.constant 16 : i32
    %shift_right_logical3A_9 = vector.broadcast %shift_right_logical3A : i32 to vector<2000x64xi32>
    %shift_right_logical3A_10 = arith.shrui %slice3A, %shift_right_logical3A_9 : vector<2000x64xi32>
    %slice3A_11 = vector.extract_strided_slice %bitcast_convert_type3A {offsets = [0, 64], sizes = [2000, 64], strides = [1, 1]} : vector<2000x128xi32> to vector<2000x64xi32>
    %and3A = arith.constant -65536 : i32
    %and3A_12 = vector.broadcast %and3A : i32 to vector<2000x64xi32>
    %and3A_13 = arith.andi %slice3A_11, %and3A_12 : vector<2000x64xi32>
    %or3A = arith.ori %shift_right_logical3A_10, %and3A_13 : vector<2000x64xi32>
    %bitcast_convert_type3A_14 = tpu.bitcast %or3A : vector<2000x64xi32> -> vector<2000x64xi32>
    %swap3A = arith.constant 0 : index
    %swap3A_15 = arith.constant 0 : index
    %swap3A_16 = arith.constant 0 : index
    %swap3A_17 = vector.load %arg4[%swap3A, %swap3A_15, %swap3A_16] : memref<1x2000x64xi32, #tpu.memory_space<vmem>>, vector<1x2000x64xi32>
    %swap3A_18 = vector.shape_cast %swap3A_17 : vector<1x2000x64xi32> to vector<2000x64xi32>
    %swap3A_19 = vector.shape_cast %bitcast_convert_type3A_14 : vector<2000x64xi32> to vector<1x2000x64xi32>
    tpu.vector_store %arg4[%swap3A, %swap3A_15, %swap3A_16], %swap3A_19 {strides = array<i32>} : memref<1x2000x64xi32, #tpu.memory_space<vmem>>, vector<1x2000x64xi32>,
    return
  }
  func.func @transform_0(%arg0: i32, %arg1: i32) -> (i32, i32) {
    %c0_i32 = arith.constant 0 : i32
    %c0_i32_0 = arith.constant 0 : i32
    return %arg1, %c0_i32 : i32, i32
  }
  func.func @transform_1(%arg0: i32, %arg1: i32) -> (i32, i32, i32) {
    %c0_i32 = arith.constant 0 : i32
    %c0_i32_0 = arith.constant 0 : i32
    %c0_i32_1 = arith.constant 0 : i32
    return %arg0, %c0_i32, %c0_i32_0 : i32, i32, i32
  }
  func.func @transform_2(%arg0: i32, %arg1: i32) -> (i32, i32, i32) {
    %c0_i32 = arith.constant 0 : i32
    %c0_i32_0 = arith.constant 0 : i32
    return %arg0, %arg1, %c0_i32 : i32, i32, i32
  }
}

module attributes {stable_mosaic.version = 14 : i64} {
  func.func @_combine_body(%arg0: i32, %arg1: memref<2000x128xf32, #tpu.memory_space<vmem>>, %arg2: memref<128x128xf32, #tpu.memory_space<vmem>>, %arg3: memref<2x2000x128xf32, #tpu.memory_space<vmem>>, %arg4: memref<2000x128xf32, #tpu.memory_space<vmem>>) attributes {dimension_semantics = [#tpu.dimension_semantics<arbitrary>], iteration_bounds = array<i64: 5>, scalar_prefetch = 0 : i64, scratch_operands = 0 : i64, tpu.core_type = #tpu.core_type<tc>, window_params = [{transform_indices = @transform_0, window_bounds = array<i64: 2000, 128>}, {pipeline_mode = #tpu.pipeline_mode<synchronous>, transform_indices = @transform_1, window_bounds = array<i64: 128, 128>}, {transform_indices = @transform_2, window_bounds = array<i64: 2, 2000, 128>}, {transform_indices = @transform_3, window_bounds = array<i64: 2000, 128>}]} {
    %get3A = arith.constant 0 : index
    %get3A_0 = arith.constant 0 : index
    %get3A_1 = vector.load %arg1[%get3A, %get3A_0] : memref<2000x128xf32, #tpu.memory_space<vmem>>, vector<2000x128xf32>
    %get3A_2 = arith.constant 0 : index
    %get3A_3 = arith.constant 0 : index
    %get3A_4 = vector.load %arg2[%get3A_2, %get3A_3] : memref<128x128xf32, #tpu.memory_space<vmem>>, vector<128x128xf32>
    %dot_general3A = arith.constant dense<0.000000e+00> : vector<2000x128xf32>
    %dot_general3A_5 = tpu.matmul %get3A_1, %get3A_4, %dot_general3A {dimension_numbers = #tpu.dot_dimension_numbers<[1], [0], [0], [1], [0, 0, 1, 1], [], []>, transpose_lhs_hint = false} : vector<2000x128xf32>, vector<128x128xf32>, vector<2000x128xf32> -> vector<2000x128xf32>
    %get3A_6 = arith.constant 0 : index
    %get3A_7 = arith.constant 0 : index
    %get3A_8 = arith.constant 0 : index
    %get3A_9 = vector.load %arg3[%get3A_6, %get3A_7, %get3A_8] : memref<2x2000x128xf32, #tpu.memory_space<vmem>>, vector<1x2000x128xf32>
    %get3A_10 = vector.shape_cast %get3A_9 : vector<1x2000x128xf32> to vector<2000x128xf32>
    %add3A = arith.addf %dot_general3A_5, %get3A_10 : vector<2000x128xf32>
    %get3A_11 = arith.constant 1 : index
    %get3A_12 = arith.constant 0 : index
    %get3A_13 = arith.constant 0 : index
    %get3A_14 = vector.load %arg3[%get3A_11, %get3A_12, %get3A_13] : memref<2x2000x128xf32, #tpu.memory_space<vmem>>, vector<1x2000x128xf32>
    %get3A_15 = vector.shape_cast %get3A_14 : vector<1x2000x128xf32> to vector<2000x128xf32>
    %add3A_16 = arith.addf %add3A, %get3A_15 : vector<2000x128xf32>
    %max3A = arith.constant 0.000000e+00 : f32
    %max3A_17 = vector.broadcast %max3A : f32 to vector<2000x128xf32>
    %max3A_18 = arith.maximumf %add3A_16, %max3A_17 : vector<2000x128xf32>
    %swap3A = arith.constant 0 : index
    %swap3A_19 = arith.constant 0 : index
    %swap3A_20 = vector.load %arg4[%swap3A, %swap3A_19] : memref<2000x128xf32, #tpu.memory_space<vmem>>, vector<2000x128xf32>
    tpu.vector_store %arg4[%swap3A, %swap3A_19], %max3A_18 {strides = array<i32>} : memref<2000x128xf32, #tpu.memory_space<vmem>>, vector<2000x128xf32>,
    return
  }
  func.func @transform_0(%arg0: i32) -> (i32, i32) {
    %c0_i32 = arith.constant 0 : i32
    %c0_i32_0 = arith.constant 0 : i32
    return %arg0, %c0_i32 : i32, i32
  }
  func.func @transform_1(%arg0: i32) -> (i32, i32) {
    %c0_i32 = arith.constant 0 : i32
    %c0_i32_0 = arith.constant 0 : i32
    %c0_i32_1 = arith.constant 0 : i32
    return %c0_i32, %c0_i32_0 : i32, i32
  }
  func.func @transform_2(%arg0: i32) -> (i32, i32, i32) {
    %c0_i32 = arith.constant 0 : i32
    %c0_i32_0 = arith.constant 0 : i32
    %c0_i32_1 = arith.constant 0 : i32
    return %c0_i32, %arg0, %c0_i32_0 : i32, i32, i32
  }
  func.func @transform_3(%arg0: i32) -> (i32, i32) {
    %c0_i32 = arith.constant 0 : i32
    %c0_i32_0 = arith.constant 0 : i32
    return %arg0, %c0_i32 : i32, i32
  }
}

module attributes {stable_mosaic.version = 14 : i64} {
  func.func @_combine_body(%arg0: i32, %arg1: memref<2000x128xf32, #tpu.memory_space<vmem>>, %arg2: memref<128x128xf32, #tpu.memory_space<vmem>>, %arg3: memref<2x2000x128xf32, #tpu.memory_space<vmem>>, %arg4: memref<2000x128xf32, #tpu.memory_space<vmem>>) attributes {dimension_semantics = [#tpu.dimension_semantics<arbitrary>], iteration_bounds = array<i64: 5>, scalar_prefetch = 0 : i64, scratch_operands = 0 : i64, tpu.core_type = #tpu.core_type<tc>, window_params = [{transform_indices = @transform_0, window_bounds = array<i64: 2000, 128>}, {pipeline_mode = #tpu.pipeline_mode<synchronous>, transform_indices = @transform_1, window_bounds = array<i64: 128, 128>}, {transform_indices = @transform_2, window_bounds = array<i64: 2, 2000, 128>}, {transform_indices = @transform_3, window_bounds = array<i64: 2000, 128>}]} {
    %get3A = arith.constant 0 : index
    %get3A_0 = arith.constant 0 : index
    %get3A_1 = vector.load %arg1[%get3A, %get3A_0] : memref<2000x128xf32, #tpu.memory_space<vmem>>, vector<2000x128xf32>
    %get3A_2 = arith.constant 0 : index
    %get3A_3 = arith.constant 0 : index
    %get3A_4 = vector.load %arg2[%get3A_2, %get3A_3] : memref<128x128xf32, #tpu.memory_space<vmem>>, vector<128x128xf32>
    %dot_general3A = arith.constant dense<0.000000e+00> : vector<2000x128xf32>
    %dot_general3A_5 = tpu.matmul %get3A_1, %get3A_4, %dot_general3A {dimension_numbers = #tpu.dot_dimension_numbers<[1], [0], [0], [1], [0, 0, 1, 1], [], []>, transpose_lhs_hint = false} : vector<2000x128xf32>, vector<128x128xf32>, vector<2000x128xf32> -> vector<2000x128xf32>
    %get3A_6 = arith.constant 0 : index
    %get3A_7 = arith.constant 0 : index
    %get3A_8 = arith.constant 0 : index
    %get3A_9 = vector.load %arg3[%get3A_6, %get3A_7, %get3A_8] : memref<2x2000x128xf32, #tpu.memory_space<vmem>>, vector<1x2000x128xf32>
    %get3A_10 = vector.shape_cast %get3A_9 : vector<1x2000x128xf32> to vector<2000x128xf32>
    %add3A = arith.addf %dot_general3A_5, %get3A_10 : vector<2000x128xf32>
    %get3A_11 = arith.constant 1 : index
    %get3A_12 = arith.constant 0 : index
    %get3A_13 = arith.constant 0 : index
    %get3A_14 = vector.load %arg3[%get3A_11, %get3A_12, %get3A_13] : memref<2x2000x128xf32, #tpu.memory_space<vmem>>, vector<1x2000x128xf32>
    %get3A_15 = vector.shape_cast %get3A_14 : vector<1x2000x128xf32> to vector<2000x128xf32>
    %add3A_16 = arith.addf %add3A, %get3A_15 : vector<2000x128xf32>
    %swap3A = arith.constant 0 : index
    %swap3A_17 = arith.constant 0 : index
    %swap3A_18 = vector.load %arg4[%swap3A, %swap3A_17] : memref<2000x128xf32, #tpu.memory_space<vmem>>, vector<2000x128xf32>
    tpu.vector_store %arg4[%swap3A, %swap3A_17], %add3A_16 {strides = array<i32>} : memref<2000x128xf32, #tpu.memory_space<vmem>>, vector<2000x128xf32>,
    return
  }
  func.func @transform_0(%arg0: i32) -> (i32, i32) {
    %c0_i32 = arith.constant 0 : i32
    %c0_i32_0 = arith.constant 0 : i32
    return %arg0, %c0_i32 : i32, i32
  }
  func.func @transform_1(%arg0: i32) -> (i32, i32) {
    %c0_i32 = arith.constant 0 : i32
    %c0_i32_0 = arith.constant 0 : i32
    %c0_i32_1 = arith.constant 0 : i32
    return %c0_i32, %c0_i32_0 : i32, i32
  }
  func.func @transform_2(%arg0: i32) -> (i32, i32, i32) {
    %c0_i32 = arith.constant 0 : i32
    %c0_i32_0 = arith.constant 0 : i32
    %c0_i32_1 = arith.constant 0 : i32
    return %c0_i32, %arg0, %c0_i32_0 : i32, i32, i32
  }
  func.func @transform_3(%arg0: i32) -> (i32, i32) {
    %c0_i32 = arith.constant 0 : i32
    %c0_i32_0 = arith.constant 0 : i32
    return %arg0, %c0_i32 : i32, i32
  }
}

</mosaic_0001>

<sc_bundles>
// kernel: kernel.10.cloned.1.call-start
scs
__scs_entry_jumppad:
0x0: {  	(pc) =	sbr.rel $0x88, $3  }
0x1: {  	(tag) =	ssettag $0x0;
	lr =	simm.s32 $0x1  }
0x2: {  	[smem:$0x3F9A] =	sst lr;
	_ =	strace $0xD0000000  }
0x3: {  	_ = 	snop  }
0x4: {  	_ = 	snop  }
0x5: {  	_ = 	snop  }
0x6: {  	_ = 	snop  }
0x7: {  	_ = 	snop  }
__scs_overlays_trampoline_lowered:
0x8: {  	[smem:$0x3FA9] =	sst s0  }
0x9: {  	[smem:$0x3FAA] =	sst s1  }
0xa: {  	[smem:$0x3FAB] =	sst s2  }
0xb: {  	[smem:$0x3FAC] =	sst s3  }
0xc: {  	[smem:$0x3FAD] =	sst s4  }
0xd: {  	[smem:$0x3FAE] =	sst s5  }
0xe: {  	[smem:$0x3FAF] =	sst s6  }
0xf: {  	[smem:$0x3FB0] =	sst s7  }
0x10: {  	[smem:$0x3FB1] =	sst s8  }
0x11: {  	[smem:$0x3FB2] =	sst s9;
	s0 =	simm.s32 @!p0 $0x0  }
0x12: {  	s1 =	sld [smem:$0x3F98];
	s0 =	simm.s32 @p0 $0x1  }
0x13: {  	[smem:$0x3FB3] =	sst s0;
	s0 =	simm.s32 @!p1 $0x0  }
0x14: {  	s2 =	sld [smem:$0x3F97];
	s0 =	simm.s32 @p1 $0x1  }
0x15: {  	[smem:$0x3FB4] =	sst s0;
	s0 =	simm.s32 @!p2 $0x0  }
0x16: {  	s3 =	sld [smem:$0x3FDB];
	s0 =	simm.s32 @p2 $0x1  }
0x17: {  	s4 =	simm.s32 $0x1BF5;
	[smem:$0x3FB6] =	sst s0  }
0x18: {  	s0 =	sld [smem:$0x3F99];
	_ =	swait.ge [sflag:s4], $0x0  }
0x19: {  	s7 =	sld [smem:$0x3F9A]  }
0x1a: {  	s8 =	sadd.s32 $0xFFFFE003, lr  }
0x1b: {  	s9 =	sadd.s32 $0xFFFFFEF7, lr;
	s5 =	simm.s32 $0xFFFFFFFF;
	p2 =	slt.u32 s8, $0xFFFFF086  }
0x1c: {  	p1 =	slt.u32 s9, $0xF7A;
	s5 =	simm.s32 @!p2 $0x0  }
0x1d: {  	s5 =	simm.s32 @p1 $0x1;
	p0 =	seq.s32 s7, s2  }
0x1e: {  	s7 =	smul.u32 @!p0 $0xF7A, s2;
	p2 =	seq.s32 @!p0 s5, $0x0  }
0x1f: {  	s9 =	smul.u32 $0xF7A, s1;
	s8 =	simm.s32 @!p0 $0x1BF5;
	p2 =	por !p2, p0  }
0x20: {  	[sflag:s8] =	ssyncset.s32 @!p0 $0xFFFFF086;
	s6 =	sadd.s32 @!p0 s3, s7;
	s7 =	simm.s32 @!p0 $0x108  }
0x21: {  	s3 =	sadd.s32 s3, s9;
	s6 =	sadd.s32 @!p0 $0x88, s6;
	s7 =	simm.s32 @p2 $0x1082  }
0x22: {  	[simem:s7], [sflag:s8] =	dma.local @!p0 [hbm:s6], $0xF7A  }
0x23: {  	s9 =	sor.u32 $0xD0000000, s2;
	s6 =	simm.s32 $0x108;
	_ =	swait.ge @!p0 [sflag:s8], $0x0  }
0x24: {  	s3 =	sadd.s32 $0x88, s3;
	s6 =	simm.s32 @!p1 $0x1082;
	[sflag:s4] =	ssyncset.s32 $0xFFFFF086  }
0x25: {  	[simem:s6], [sflag:s4] =	dma.local [hbm:s3], $0xF7A  }
0x26: {  	[smem:$0x3F9A] =	sst s1;
	(tag) =	ssettag s2;
	_ =	strace s9  }
0x27: {  	s1 =	sld [smem:$0x3FAA]  }
0x28: {  	s2 =	sld [smem:$0x3FAB]  }
0x29: {  	s4 =	sld [smem:$0x3FAD]  }
0x2a: {  	p0 =	seq.s32 s5, $0x0;
	s5 =	sld [smem:$0x3FAE]  }
0x2b: {  	s6 =	sld [smem:$0x3FAF]  }
0x2c: {  	s7 =	sld [smem:$0x3FB0]  }
0x2d: {  	s3 =	simm.s32 $0x108;
	s8 =	sld [smem:$0x3FB1]  }
0x2e: {  	s3 =	simm.s32 @!p0 $0x1082;
	s9 =	sld [smem:$0x3FB2]  }
0x2f: {  	lr =	sadd.s32 s0, s3;
	s0 =	sld [smem:$0x3FA9]  }
0x30: {  	s3 =	sld [smem:$0x3FAC]  }
0x31: {  	[smem:$0x3FB5] =	sst s10  }
0x32: {  	s10 =	sld [smem:$0x3FB3];
	_ =	sdelay $0x3  }
0x33: {  	p0 =	seq.s32 s10, $0x1;
	s10 =	sld [smem:$0x3FB5];
	_ =	sdelay $0x3  }
0x34: {  	[smem:$0x3FB5] =	sst s10  }
0x35: {  	s10 =	sld [smem:$0x3FB4];
	_ =	sdelay $0x3  }
0x36: {  	p1 =	seq.s32 s10, $0x1;
	s10 =	sld [smem:$0x3FB5];
	_ =	sdelay $0x3  }
0x37: {  	[smem:$0x3FB5] =	sst s10  }
0x38: {  	s10 =	sld [smem:$0x3FB6]  }
0x39: {  	_ = 	snop;
	(pc) =	sbr.ind lr, $3  }
0x3a: {  	_ = 	snop  }
0x3b: {  	_ = 	snop  }
0x3c: {  	p2 =	seq.s32 s10, $0x1;
	s10 =	sld [smem:$0x3FB5]  }
0x3d: {  	_ =	shalt  }
0x3e: {  	_ =	shalt  }
0x3f: {  	_ =	shalt  }
0x40: {  	_ =	shalt  }
0x41: {  	_ =	shalt  }
0x42: {  	_ =	shalt  }
0x43: {  	_ =	shalt  }
0x44: {  	_ =	shalt  }
0x45: {  	_ =	shalt  }
0x46: {  	_ =	shalt  }
0x47: {  	_ =	shalt  }
0x48: {  	_ =	shalt  }
0x49: {  	_ =	shalt  }
0x4a: {  	_ =	shalt  }
0x4b: {  	_ =	shalt  }
0x4c: {  	_ =	shalt  }
0x4d: {  	_ =	shalt  }
0x4e: {  	_ =	shalt  }
0x4f: {  	_ =	shalt  }
0x50: {  	_ =	shalt  }
0x51: {  	_ =	shalt  }
0x52: {  	_ =	shalt  }
0x53: {  	_ =	shalt  }
0x54: {  	_ =	shalt  }
0x55: {  	_ =	shalt  }
0x56: {  	_ =	shalt  }
0x57: {  	_ =	shalt  }
0x58: {  	_ =	shalt  }
0x59: {  	_ =	shalt  }
0x5a: {  	_ =	shalt  }
0x5b: {  	_ =	shalt  }
0x5c: {  	_ =	shalt  }
0x5d: {  	_ =	shalt  }
0x5e: {  	_ =	shalt  }
0x5f: {  	_ =	shalt  }
0x60: {  	_ =	shalt  }
0x61: {  	_ =	shalt  }
0x62: {  	_ =	shalt  }
0x63: {  	_ =	shalt  }
0x64: {  	_ =	shalt  }
0x65: {  	_ =	shalt  }
0x66: {  	_ =	shalt  }
0x67: {  	_ =	shalt  }
0x68: {  	_ =	shalt  }
0x69: {  	_ =	shalt  }
0x6a: {  	_ =	shalt  }
0x6b: {  	_ =	shalt  }
0x6c: {  	_ =	shalt  }
0x6d: {  	_ =	shalt  }
0x6e: {  	_ =	shalt  }
0x6f: {  	_ =	shalt  }
0x70: {  	_ =	shalt  }
0x71: {  	_ =	shalt  }
0x72: {  	_ =	shalt  }
0x73: {  	_ =	shalt  }
0x74: {  	_ =	shalt  }
0x75: {  	_ =	shalt  }
0x76: {  	_ =	shalt  }
0x77: {  	_ =	shalt  }
0x78: {  	_ =	shalt  }
0x79: {  	_ =	shalt  }
0x7a: {  	_ =	shalt  }
0x7b: {  	_ =	shalt  }
0x7c: {  	_ =	shalt  }
0x7d: {  	_ =	shalt  }
0x7e: {  	_ =	shalt  }
0x7f: {  	_ =	shalt  }
0x80: {  	_ =	shalt  }
0x81: {  	_ =	shalt  }
0x82: {  	_ =	shalt  }
0x83: {  	_ =	shalt  }
0x84: {  	_ =	shalt  }
0x85: {  	_ =	shalt  }
0x86: {  	_ =	shalt  }
0x87: {  	_ =	shalt  }
.Lfunc_end0:
.L_simem_size_0:
called_computation_lowered:
.L_overlay_start_0:
0x88: {  	s2 =	sld [smem:$0x3FD9]  }
0x89: {  	s3 =	sld [smem:$0x3FFE];
	_ =	sdelay $0x1  }
0x8a: {  	s1 =	srdreg.scid  }
0x8b: {  	s0 =	sand.u32 $0x1, s1  }
0x8c: {  	s17 =	sshll.u32 s0, $0xA;
	s2 =	sadd.s32 s3, s2  }
0x8d: {  	s2 =	sadd.s32 s2, s17  }
0x8e: {  	[smem:$0x3FC1] =	sst s2  }
0x8f: {  	_ = 	snop  }
0x90: {  	s2 =	sld [smem:$0x3FD0];
	(tm) =	ssettm $0x1  }
0x91: {  	s18 =	sld [smem:$0x3FFB];
	_ =	sdelay $0x3  }
0x92: {  	_ =	strace s18  }
0x93: {  	s3 =	sld [smem:$0x3FFC];
	_ =	sdelay $0x3  }
0x94: {  	_ =	strace s3  }
0x95: {  	s3 =	sld [smem:$0x3FFD];
	_ =	sdelay $0x3  }
0x96: {  	_ =	strace s3  }
0x97: {  	_ =	strace $0x8FFFFFFF  }
0x98: {  	s19 =	sld [smem:$0x3FDB];
	_ =	sdelay $0x1  }
0x99: {  	s4 =	simm.s32 $_scs_section_size  }
0x9a: {  	s5 =	simm.s32 $_size__tile_overlayer_lowered;
	s6 =	simm.s32 $_tile_overlayer_lowered  }
0x9b: {  	s22 =	simm.s32 $0x1BFF;
	s21 =	sshll.u32 s6, $0x1;
	s3 =	sadd.s32 s4, s19  }
0x9c: {  	s7 =	simm.s32 $0x0;
	s20 =	sshll.u32 s5, $0x1;
	s5 =	sadd.s32 s21, s3  }
0x9d: {  	[timem:s7], [sflag:s22] =	dma.local [hbm:s5], s20  }
0x9e: {  	_ =	swait.ge [sflag:s22], s20  }
0x9f: {  	s4 =	ssub.s32 $0x0, s20;
	[sflag:s22] =	ssyncset.done $0x0  }
0xa0: {  	[sflag:s22] =	ssyncadd.s32 s4;
	_ =	sdelay $0x1  }
0xa1: {  	s23 =	simm.s32 $0x1B8B  }
0xa2: {  	_ =	swait.ge [sflag:s23], $0x1  }
0xa3: {  	[sflag:s23] =	ssyncset.done $0x0  }
0xa4: {  	s25 =	simm.s32 $0x1B8E;
	s24 =	sld [smem:$0x3FFE];
	[sflag:s23] =	ssyncadd.s32 $0xFFFFFFFF  }
0xa5: {  	s26 =	simm.s32 $execute0_lowered;
	[smem:$0x3FD2] =	sst s25  }
0xa6: {  	s5 =	sshll.u32 s26, $0x1;
	_ =	strace $0x80000046;
	[dreg:$0x1] =	wrdreg $0xFFFFFFFF  }
0xa7: {  	s28 =	simm.s32 $_size_execute0_lowered;
	s3 =	sadd.s32 s3, s5;
	[dreg:$0x0] =	wrdreg $0x0  }
0xa8: {  	s5 =	sshll.u32 s28, $0x1;
	[dreg:$0x2] =	wrdreg s3  }
0xa9: {  	[dreg:$0x3] =	wrdreg s5  }
0xaa: {  	[dreg:$0x4] =	wrdreg $0xC0  }
0xab: {  	_ =	task [dreg:s7], $0x5FFFF  }
0xac: {  	[dreg:$0x1] =	wrdreg $0xFFFFFFFF  }
0xad: {  	[dreg:$0x0] =	wrdreg $0x60  }
0xae: {  	[dreg:$0x2] =	wrdreg s24  }
0xaf: {  	[dreg:$0x3] =	wrdreg s2  }
0xb0: {  	[dreg:$0x4] =	wrdreg $0x94000  }
0xb1: {  	[dreg:$0x5] =	wrdreg $0x9  }
0xb2: {  	_ =	task.clear_ibuf [dreg:s7], $0x6FFFF;
	_ =	strace $0x90000046  }
0xb3: {  	s29 =	simm.s32 $0x9;
	_ =	strace $0x80000048  }
0xb4: {  	_ =	swait.ge [sflag:s29], $0x1  }
0xb5: {  	[sflag:s29] =	ssyncadd.s32 $0xFFFFFFFF  }
0xb6: {  	_ =	strace $0x90000048  }
0xb7: {  	_ =	sfence  }
0xb8: {  	s30 =	sld [smem:$0x0];
	_ =	sdelay $0x2  }
0xb9: {  	s31 =	sshll.u32 s1, $0xD;
	s1 =	sshrl.u32 s1, $0x2  }
0xba: {  	s3 =	sand.u32 $0x4000, s31;
	s1 =	sadd.s32 s1, s30  }
0xbb: {  	s0 =	sor.u32 s3, s0;
	s1 =	sshll.u32 s1, $0x11  }
0xbc: {  	s0 =	sor.u32 s1, s0  }
0xbd: {  	s0 =	sadd.s32 $0x8F2B, s0  }
0xbe: {  	[sflag:s0] =	ssyncadd.remote.s32 $0x1  }
0xbf: {  	_ =	sfence.sel $0xFFFF  }
0xc0: {  	[dreg:$0x0] =	wrdreg $0xFFFFFFFF;
	(pc) =	sbr.abs _section_cstart, $3  }
0xc1: {  	[dreg:$0x1] =	wrdreg $0xFFFFFFFF  }
0xc2: {  	_ =	task.clear_ibuf [dreg:s7], $0x2FFFF;
	_ =	strace $0x9FFFFFFF  }
0xc3: {  	(tm) =	ssettm $0x7FFFFFFF  }
tec
execute0_lowered:
.L_overlay_start_1:
0x0: {  	(tag) =	ssettag $0x1  }
0x1: {  	s4 =	rddreg [dreg:$0x0]  }
0x2: {  	s1 =	srdreg.scid;
	s9 =	rddreg [dreg:$0x1]  }
0x3: {  	s0 =	stileid.u32;
	s2 =	rddreg [dreg:$0x2];
	s3 =	simm.s32 $0x0  }
0x4: {  	s13 =	simm.s32 $0x80;
	s14 =	simm.s32 $0x2800;
	s15 =	simm.s32 $0x8000  }
0x5: {  	s16 =	simm.s32 $0x0;
	s5 =	sand.u32 $0x1, s1;
	s7 =	smul.u32 $0x50000, s0  }
0x6: {  	s30 =	sshll.u32 s0, $0x1;
	s1 =	rddreg [dreg:$0x3];
	s8 =	smul.u32 $0x1400, s0  }
0x7: {  	s6 =	sor.u32 s5, s30;
	s10 =	ssub.s32 $0x2, s5;
	s11 =	smul.u32 $0x14000, s5  }
0x8: {  	[smem:$0x7FF] =	sst s3;
	s6 =	smul.u32 $0x500, s6;
	s31 =	sshrl.u32 s10, $0x1  }
0x9: {  	_ =	strace $0x80000047;
	s7 =	sshrl.u32 s7, $0x2;
	s10 =	ssub.s32 s10, s31  }
0xa: {  	s8 =	sadd.s32 s8, s11;
	s12 =	sadd.s32 s6, s4;
	s4 =	sadd.s32 s7, s2  }
0xb: {  	s11 =	sshrl.u32 s8, $0x3;
	s10 =	smax.u32 s10, $0x1;
	s5 =	sadd.s32 $0x5000, s4  }
0xc: {  	v2 =	vlaneseq.u32;
	s6 =	sadd.s32 $0xA000, s4;
	s7 =	sadd.s32 $0xF000, s4;
	s8 =	sadd.s32 $0x2000, s12  }
0xd: {  	v0 =	vimm.f32 $1.000000000e+00;
	v1 =	vimm.f32 $0.0e+00;
	v2 =	vmul.u32 $0x10, v2;
	s9 =	sadd.s32 s9, s11;
	s11 =	simm.s32 $0x3000;
	s12 =	simm.s32 $0x1  }
.LBB2_1:
0xe: {  	s17 =	simm.s32 $0x0  }
.LBB2_2:
0xf: {  	p0 =	sne.s32 s17, $0x1FC0  }
.Ltmp0:
0x10: {  	_ = 	snop;
	(pc) =	sbr.rel @p0 .LBB2_2-.Ltmp0, $3  }
0x11: {  	_ =	sdelay $0x1  }
0x12: {  	s18 =	sshra.s32 s17, $0x2  }
0x13: {  	s17 =	sadd.s32 $0x40, s17;
	[tilespmem:s18+$0x2800] =	vst v0  }
0x14: {  	s17 =	simm.s32 $0x40;
	s18 =	simm.s32 $0x0  }
.LBB2_4:
0x15: {  	p0 =	sne.s32 s17, $0x13FC0;
	[tilespmem:s18+$0x3000] =	vst v1;
	s18 =	smov.u32 s17;
	s17 =	sadd.s32 $0x40, s17  }
.Ltmp1:
0x16: {  	(pc) =	sbr.rel @p0 .LBB2_4-.Ltmp1, $2  }
0x17: {  	_ =	sdelay $0x2  }
0x18: {  	s18 =	sshra.s32 s18, $0x2  }
0x19: {  	[tilespmem:s18+$0x3000] =	vst v1  }
0x1a: {  	[spmem:s4] =	stream.linear.scatter [tilespmem:s11], [sflag:$0x1], $0x5000, $0x38;
	[tilespmem:$0x1D400] =	vst v63  }
0x1b: {  	_ =	swait.ge [sflag:s12], $0x5000  }
0x1c: {  	[sflag:s12] =	ssyncset.done $0x0  }
0x1d: {  	[sflag:s12] =	ssyncadd.s32 $0xFFFFB000  }
0x1e: {  	[spmem:s5] =	stream.linear.scatter [tilespmem:s11], [sflag:$0x1], $0x5000, $0x38;
	[tilespmem:$0x1D400] =	vst v63  }
0x1f: {  	_ =	swait.ge [sflag:s12], $0x5000  }
0x20: {  	[sflag:s12] =	ssyncset.done $0x0  }
0x21: {  	[sflag:s12] =	ssyncadd.s32 $0xFFFFB000  }
0x22: {  	[spmem:s6] =	stream.linear.scatter [tilespmem:s11], [sflag:$0x1], $0x5000, $0x38;
	[tilespmem:$0x1D400] =	vst v63  }
0x23: {  	_ =	swait.ge [sflag:s12], $0x5000  }
0x24: {  	[sflag:s12] =	ssyncset.done $0x0  }
0x25: {  	[sflag:s12] =	ssyncadd.s32 $0xFFFFB000  }
0x26: {  	[spmem:s7] =	stream.linear.scatter [tilespmem:s11], [sflag:$0x1], $0x5000, $0x38;
	[tilespmem:$0x1D400] =	vst v63  }
0x27: {  	_ =	swait.ge [sflag:s12], $0x5000  }
0x28: {  	[sflag:s12] =	ssyncset.done $0x0  }
0x29: {  	[sflag:s12] =	ssyncadd.s32 $0xFFFFB000  }
0x2a: {  	s17 =	simm.s32 $0x0;
	[bflag:$0x0] =	sbarrier.arrive $0xFFFF  }
0x2b: {  	[tilespmem:s17], [sflag:$0x1] =	stream.linear.gather [hbm4b:s8+s17], $0x2800, $0x38;
	[tilespmem:$0x1D400] =	vst v63  }
0x2c: {  	_ =	swait.ge [sflag:s12], $0x2800  }
0x2d: {  	[sflag:s12] =	ssyncset.done $0x0  }
0x2e: {  	s31 =	simm.s32 $0x0;
	[sflag:s12] =	ssyncadd.s32 $0xFFFFD800  }
0x2f: {  	[spmem:s2] =	stream.indirect.scatter.add.f32 [tilespmem:s14], [sflag:$0x1], $0x10, s31, s13, $0xb8;
	[tilespmem:$0x1D400] =	vst v63  }
0x30: {  	_ =	swait.ge [sflag:s12], $0x800  }
0x31: {  	s17 =	simm.s32 $0x200;
	[sflag:s12] =	ssyncset.done $0x0  }
.LBB2_6:
0x32: {  	s18 =	sshra.s32 s17, $0x2;
	[sflag:s12] =	ssyncadd.s32 $0xFFFFF800;
	p0 =	sne.s32 s17, $0x9E00  }
0x33: {  	[spmem:s2] =	stream.indirect.scatter.add.f32 [tilespmem:s14], [sflag:$0x1], $0x10, s18, s13, $0xb8;
	[tilespmem:$0x1D400] =	vst v63  }
.Ltmp2:
0x34: {  	_ = 	snop;
	(pc) =	sbr.rel @p0 .LBB2_6-.Ltmp2, $4  }
0x35: {  	_ = 	snop  }
0x36: {  	s17 =	sadd.s32 $0x200, s17  }
0x37: {  	_ =	swait.ge [sflag:s12], $0x800  }
0x38: {  	[sflag:s12] =	ssyncset.done $0x0  }
0x39: {  	s17 =	simm.s32 $0x0  }
0x3a: {  	v3 =	vmov s17  }
0x3b: {  	[sflag:s12] =	ssyncadd.s32 $0xFFFFF800;
	v3 =	vshll.u32 v3, $0x4  }
0x3c: {  	[bflag:$0x0] =	sbarrier.arrive $0xFFFF;
	v3 =	vor.u32 v2, v3  }
0x3d: {  	[tilespmem:s11], [sflag:$0x1] =	stream.linear.gather [spmem:s4], $0x5000, $0x38;
	[tilespmem:$0x1D400] =	vst v63  }
0x3e: {  	_ =	swait.ge [sflag:s12], $0x5000  }
0x3f: {  	s31 =	simm.s32 $0x10;
	[sflag:s12] =	ssyncset.done $0x0  }
0x40: {  	v4 =	vmov s31;
	[sflag:s12] =	ssyncadd.s32 $0xFFFFB000  }
0x41: {  	v4 =	vshll.u32 v4, $0x4;
	v3 =	vld.idx.msk [tilespmem:v3+s11+$0x0], $0xffff  }
0x42: {  	v5 =	vor.u32 v2, v4;
	_ =	sdelay $0x2  }
0x43: {  	s17 =	simm.s32 $0x8000  }
0x44: {  	s18 =	simm.s32 $0x20;
	[tilespmem:s17+$0x0] =	vst v3  }
0x45: {  	v4 =	vmov s18;
	s18 =	simm.s32 $0x30;
	v3 =	vld.idx.msk [tilespmem:v5+s11+$0x0], $0xffff  }
.LBB2_8:
0x46: {  	p0 =	sne.s32 s18, $0x4F0;
	v4 =	vshll.u32 v4, $0x4  }
0x47: {  	v5 =	vor.u32 v2, v4  }
.Ltmp3:
0x48: {  	(pc) =	sbr.rel @p0 .LBB2_8-.Ltmp3, $4  }
0x49: {  	_ = 	snop  }
0x4a: {  	s17 =	sadd.s32 $0x10, s17  }
0x4b: {  	[tilespmem:s17+$0x0] =	vst v3  }
0x4c: {  	v4 =	vmov s18;
	s18 =	sadd.s32 $0x10, s18;
	v3 =	vld.idx.msk [tilespmem:v5+s11+$0x0], $0xffff  }
0x4d: {  	v4 =	vshll.u32 v4, $0x4  }
0x4e: {  	v4 =	vor.u32 v2, v4;
	_ =	sdelay $0x2  }
0x4f: {  	s17 =	sadd.s32 $0x10, s17  }
0x50: {  	[tilespmem:s17+$0x0] =	vst v3  }
0x51: {  	v3 =	vld.idx.msk [tilespmem:v4+s11+$0x0], $0xffff;
	_ =	sdelay $0x1  }
0x52: {  	s18 =	simm.s32 $0x0  }
0x53: {  	v4 =	vmov s18  }
0x54: {  	s17 =	sadd.s32 $0x10, s17;
	v4 =	vshll.u32 v4, $0x4  }
0x55: {  	[tilespmem:s17+$0x0] =	vst v3;
	v3 =	vor.u32 v2, v4  }
0x56: {  	[tilespmem:s11], [sflag:$0x1] =	stream.linear.gather [spmem:s5], $0x5000, $0x38;
	[tilespmem:$0x1D400] =	vst v63  }
0x57: {  	_ =	swait.ge [sflag:s12], $0x5000  }
0x58: {  	s30 =	simm.s32 $0x10;
	[sflag:s12] =	ssyncset.done $0x0  }
0x59: {  	v4 =	vmov s30;
	[sflag:s12] =	ssyncadd.s32 $0xFFFFB000  }
0x5a: {  	v4 =	vshll.u32 v4, $0x4;
	v3 =	vld.idx.msk [tilespmem:v3+s11+$0x0], $0xffff  }
0x5b: {  	v5 =	vor.u32 v2, v4;
	_ =	sdelay $0x2  }
0x5c: {  	s17 =	simm.s32 $0x8500  }
0x5d: {  	s31 =	simm.s32 $0x20;
	[tilespmem:s17+$0x0] =	vst v3  }
0x5e: {  	s18 =	simm.s32 $0x30;
	v4 =	vmov s31;
	v3 =	vld.idx.msk [tilespmem:v5+s11+$0x0], $0xffff  }
.LBB2_10:
0x5f: {  	p0 =	sne.s32 s18, $0x4F0;
	v4 =	vshll.u32 v4, $0x4  }
0x60: {  	v5 =	vor.u32 v2, v4  }
.Ltmp4:
0x61: {  	(pc) =	sbr.rel @p0 .LBB2_10-.Ltmp4, $4  }
0x62: {  	_ = 	snop  }
0x63: {  	s17 =	sadd.s32 $0x10, s17  }
0x64: {  	[tilespmem:s17+$0x0] =	vst v3  }
0x65: {  	v4 =	vmov s18;
	s18 =	sadd.s32 $0x10, s18;
	v3 =	vld.idx.msk [tilespmem:v5+s11+$0x0], $0xffff  }
0x66: {  	v4 =	vshll.u32 v4, $0x4  }
0x67: {  	v4 =	vor.u32 v2, v4;
	_ =	sdelay $0x2  }
0x68: {  	s17 =	sadd.s32 $0x10, s17  }
0x69: {  	[tilespmem:s17+$0x0] =	vst v3  }
0x6a: {  	v3 =	vld.idx.msk [tilespmem:v4+s11+$0x0], $0xffff;
	_ =	sdelay $0x1  }
0x6b: {  	s18 =	simm.s32 $0x0  }
0x6c: {  	v4 =	vmov s18  }
0x6d: {  	s17 =	sadd.s32 $0x10, s17;
	v4 =	vshll.u32 v4, $0x4  }
0x6e: {  	[tilespmem:s17+$0x0] =	vst v3;
	v3 =	vor.u32 v2, v4  }
0x6f: {  	[tilespmem:s11], [sflag:$0x1] =	stream.linear.gather [spmem:s6], $0x5000, $0x38;
	[tilespmem:$0x1D400] =	vst v63  }
0x70: {  	_ =	swait.ge [sflag:s12], $0x5000  }
0x71: {  	s30 =	simm.s32 $0x10;
	[sflag:s12] =	ssyncset.done $0x0  }
0x72: {  	v4 =	vmov s30;
	[sflag:s12] =	ssyncadd.s32 $0xFFFFB000  }
0x73: {  	v4 =	vshll.u32 v4, $0x4;
	v3 =	vld.idx.msk [tilespmem:v3+s11+$0x0], $0xffff  }
0x74: {  	v5 =	vor.u32 v2, v4;
	_ =	sdelay $0x2  }
0x75: {  	s17 =	simm.s32 $0x8A00  }
0x76: {  	s31 =	simm.s32 $0x20;
	[tilespmem:s17+$0x0] =	vst v3  }
0x77: {  	s18 =	simm.s32 $0x30;
	v4 =	vmov s31;
	v3 =	vld.idx.msk [tilespmem:v5+s11+$0x0], $0xffff  }
.LBB2_12:
0x78: {  	p0 =	sne.s32 s18, $0x4F0;
	v4 =	vshll.u32 v4, $0x4  }
0x79: {  	v5 =	vor.u32 v2, v4  }
.Ltmp5:
0x7a: {  	(pc) =	sbr.rel @p0 .LBB2_12-.Ltmp5, $4  }
0x7b: {  	_ = 	snop  }
0x7c: {  	s17 =	sadd.s32 $0x10, s17  }
0x7d: {  	[tilespmem:s17+$0x0] =	vst v3  }
0x7e: {  	v4 =	vmov s18;
	s18 =	sadd.s32 $0x10, s18;
	v3 =	vld.idx.msk [tilespmem:v5+s11+$0x0], $0xffff  }
0x7f: {  	v4 =	vshll.u32 v4, $0x4  }
0x80: {  	v4 =	vor.u32 v2, v4;
	_ =	sdelay $0x2  }
0x81: {  	s17 =	sadd.s32 $0x10, s17  }
0x82: {  	[tilespmem:s17+$0x0] =	vst v3  }
0x83: {  	v3 =	vld.idx.msk [tilespmem:v4+s11+$0x0], $0xffff;
	_ =	sdelay $0x1  }
0x84: {  	s18 =	simm.s32 $0x0  }
0x85: {  	v4 =	vmov s18  }
0x86: {  	s17 =	sadd.s32 $0x10, s17;
	v4 =	vshll.u32 v4, $0x4  }
0x87: {  	[tilespmem:s17+$0x0] =	vst v3;
	v3 =	vor.u32 v2, v4  }
0x88: {  	[tilespmem:s11], [sflag:$0x1] =	stream.linear.gather [spmem:s7], $0x5000, $0x38;
	[tilespmem:$0x1D400] =	vst v63  }
0x89: {  	_ =	swait.ge [sflag:s12], $0x5000  }
0x8a: {  	s30 =	simm.s32 $0x10;
	[sflag:s12] =	ssyncset.done $0x0  }
0x8b: {  	v4 =	vmov s30;
	[sflag:s12] =	ssyncadd.s32 $0xFFFFB000  }
0x8c: {  	v4 =	vshll.u32 v4, $0x4;
	v3 =	vld.idx.msk [tilespmem:v3+s11+$0x0], $0xffff  }
0x8d: {  	v5 =	vor.u32 v2, v4;
	_ =	sdelay $0x2  }
0x8e: {  	s17 =	simm.s32 $0x8F00  }
0x8f: {  	s31 =	simm.s32 $0x20;
	[tilespmem:s17+$0x0] =	vst v3  }
0x90: {  	s18 =	simm.s32 $0x30;
	v4 =	vmov s31;
	v3 =	vld.idx.msk [tilespmem:v5+s11+$0x0], $0xffff  }
.LBB2_14:
0x91: {  	p0 =	sne.s32 s18, $0x4F0;
	v4 =	vshll.u32 v4, $0x4  }
0x92: {  	v5 =	vor.u32 v2, v4  }
.Ltmp6:
0x93: {  	(pc) =	sbr.rel @p0 .LBB2_14-.Ltmp6, $4  }
0x94: {  	_ = 	snop  }
0x95: {  	s17 =	sadd.s32 $0x10, s17  }
0x96: {  	[tilespmem:s17+$0x0] =	vst v3  }
0x97: {  	v4 =	vmov s18;
	s18 =	sadd.s32 $0x10, s18;
	v3 =	vld.idx.msk [tilespmem:v5+s11+$0x0], $0xffff  }
0x98: {  	v4 =	vshll.u32 v4, $0x4  }
0x99: {  	v4 =	vor.u32 v2, v4;
	_ =	sdelay $0x2  }
0x9a: {  	s17 =	sadd.s32 $0x10, s17  }
0x9b: {  	[tilespmem:s17+$0x0] =	vst v3  }
0x9c: {  	v3 =	vld.idx.msk [tilespmem:v4+s11+$0x0], $0xffff;
	_ =	sdelay $0x2  }
0x9d: {  	s16 =	sadd.s32 $0x1, s16  }
0x9e: {  	p0 =	sne.s32 s16, s10;
	s17 =	sadd.s32 $0x10, s17  }
.Ltmp7:
0x9f: {  	[tilespmem:s17+$0x0] =	vst v3;
	(pc) =	sbr.rel @p0 .LBB2_1-.Ltmp7, $4  }
0xa0: {  	[hbm4b:s9+s3] =	stream.linear.scatter [tilespmem:s15], [sflag:$0x1], $0x1400, $0x38;
	[tilespmem:$0x1D400] =	vst v63  }
0xa1: {  	_ =	swait.ge [sflag:s12], $0x1400  }
0xa2: {  	[sflag:s12] =	ssyncset.done $0x0  }
0xa3: {  	[sflag:s12] =	ssyncadd.s32 $0xFFFFEC00  }
0xa4: {  	_ =	sfence.sel $0x180000  }
0xa5: {  	[bflag:$0x0] =	sbarrier.arrive $0xFFFF  }
0xa6: {  	p0 =	sne.s32 s0, $0x0;
	_ =	strace $0x90000047  }
0xa7: {  	s0 =	sadd.s32 @!p0 $0x100000, s1;
	[bflag:$0x2] =	sbarrier.arrive $0xFFFF  }
0xa8: {  	[sflag:s0] =	ssyncadd.tile.s32 @!p0 $0x1;
	_ =	shalt  }
.Lfunc_end2:
_tile_overlayer_lowered:
.L_overlay_start_2:
0xa9: {  	(tag) =	ssettag $0x2  }
0xaa: {  	s0 =	rddreg [dreg:$0x0];
	s2 =	stileid.u32  }
0xab: {  	s1 =	rddreg [dreg:$0x1];
	p0 =	sne.s32 s2, $0x0  }
0xac: {  	s3 =	rddreg [dreg:$0x2];
	[bflag:$0x3] =	sbarrier.arrive $0xFFFF;
	s2 =	simm.s32 @!p0 $0x1C01  }
0xad: {  	[timem:s3], [sflag:s2] =	dma.local @!p0 [hbm:s0], s1  }
0xae: {  	s0 =	simm.s32 @!p0 $0x1  }
0xaf: {  	_ =	swait.ge @!p0 [sflag:s0], s1  }
0xb0: {  	s1 =	ssub.s32 @!p0 $0x0, s1;
	[sflag:s0] =	ssyncset.done @!p0 $0x0  }
0xb1: {  	[sflag:s0] =	ssyncadd.s32 @!p0 s1  }
0xb2: {  	[bflag:$0x3] =	sbarrier.arrive $0xFFFF  }
0xb3: {  	_ =	shalt  }

// kernel: kernel.13.cloned.1.call-start
scs
__scs_entry_jumppad:
0x0: {  	(pc) =	sbr.rel $0x88, $3  }
0x1: {  	(tag) =	ssettag $0x0;
	lr =	simm.s32 $0x1  }
0x2: {  	[smem:$0x3F9A] =	sst lr;
	_ =	strace $0xD0000000  }
0x3: {  	_ = 	snop  }
0x4: {  	_ = 	snop  }
0x5: {  	_ = 	snop  }
0x6: {  	_ = 	snop  }
0x7: {  	_ = 	snop  }
__scs_overlays_trampoline_lowered:
0x8: {  	[smem:$0x3FA9] =	sst s0  }
0x9: {  	[smem:$0x3FAA] =	sst s1  }
0xa: {  	[smem:$0x3FAB] =	sst s2  }
0xb: {  	[smem:$0x3FAC] =	sst s3  }
0xc: {  	[smem:$0x3FAD] =	sst s4  }
0xd: {  	[smem:$0x3FAE] =	sst s5  }
0xe: {  	[smem:$0x3FAF] =	sst s6  }
0xf: {  	[smem:$0x3FB0] =	sst s7  }
0x10: {  	[smem:$0x3FB1] =	sst s8  }
0x11: {  	[smem:$0x3FB2] =	sst s9;
	s0 =	simm.s32 @!p0 $0x0  }
0x12: {  	s1 =	sld [smem:$0x3F98];
	s0 =	simm.s32 @p0 $0x1  }
0x13: {  	[smem:$0x3FB3] =	sst s0;
	s0 =	simm.s32 @!p1 $0x0  }
0x14: {  	s2 =	sld [smem:$0x3F97];
	s0 =	simm.s32 @p1 $0x1  }
0x15: {  	[smem:$0x3FB4] =	sst s0;
	s0 =	simm.s32 @!p2 $0x0  }
0x16: {  	s3 =	sld [smem:$0x3FDB];
	s0 =	simm.s32 @p2 $0x1  }
0x17: {  	s4 =	simm.s32 $0x1BF5;
	[smem:$0x3FB6] =	sst s0  }
0x18: {  	s0 =	sld [smem:$0x3F99];
	_ =	swait.ge [sflag:s4], $0x0  }
0x19: {  	s7 =	sld [smem:$0x3F9A]  }
0x1a: {  	s8 =	sadd.s32 $0xFFFFE003, lr  }
0x1b: {  	s9 =	sadd.s32 $0xFFFFFEF7, lr;
	s5 =	simm.s32 $0xFFFFFFFF;
	p2 =	slt.u32 s8, $0xFFFFF086  }
0x1c: {  	p1 =	slt.u32 s9, $0xF7A;
	s5 =	simm.s32 @!p2 $0x0  }
0x1d: {  	s5 =	simm.s32 @p1 $0x1;
	p0 =	seq.s32 s7, s2  }
0x1e: {  	s7 =	smul.u32 @!p0 $0xF7A, s2;
	p2 =	seq.s32 @!p0 s5, $0x0  }
0x1f: {  	s9 =	smul.u32 $0xF7A, s1;
	s8 =	simm.s32 @!p0 $0x1BF5;
	p2 =	por !p2, p0  }
0x20: {  	[sflag:s8] =	ssyncset.s32 @!p0 $0xFFFFF086;
	s6 =	sadd.s32 @!p0 s3, s7;
	s7 =	simm.s32 @!p0 $0x108  }
0x21: {  	s3 =	sadd.s32 s3, s9;
	s6 =	sadd.s32 @!p0 $0x88, s6;
	s7 =	simm.s32 @p2 $0x1082  }
0x22: {  	[simem:s7], [sflag:s8] =	dma.local @!p0 [hbm:s6], $0xF7A  }
0x23: {  	s9 =	sor.u32 $0xD0000000, s2;
	s6 =	simm.s32 $0x108;
	_ =	swait.ge @!p0 [sflag:s8], $0x0  }
0x24: {  	s3 =	sadd.s32 $0x88, s3;
	s6 =	simm.s32 @!p1 $0x1082;
	[sflag:s4] =	ssyncset.s32 $0xFFFFF086  }
0x25: {  	[simem:s6], [sflag:s4] =	dma.local [hbm:s3], $0xF7A  }
0x26: {  	[smem:$0x3F9A] =	sst s1;
	(tag) =	ssettag s2;
	_ =	strace s9  }
0x27: {  	s1 =	sld [smem:$0x3FAA]  }
0x28: {  	s2 =	sld [smem:$0x3FAB]  }
0x29: {  	s4 =	sld [smem:$0x3FAD]  }
0x2a: {  	p0 =	seq.s32 s5, $0x0;
	s5 =	sld [smem:$0x3FAE]  }
0x2b: {  	s6 =	sld [smem:$0x3FAF]  }
0x2c: {  	s7 =	sld [smem:$0x3FB0]  }
0x2d: {  	s3 =	simm.s32 $0x108;
	s8 =	sld [smem:$0x3FB1]  }
0x2e: {  	s3 =	simm.s32 @!p0 $0x1082;
	s9 =	sld [smem:$0x3FB2]  }
0x2f: {  	lr =	sadd.s32 s0, s3;
	s0 =	sld [smem:$0x3FA9]  }
0x30: {  	s3 =	sld [smem:$0x3FAC]  }
0x31: {  	[smem:$0x3FB5] =	sst s10  }
0x32: {  	s10 =	sld [smem:$0x3FB3];
	_ =	sdelay $0x3  }
0x33: {  	p0 =	seq.s32 s10, $0x1;
	s10 =	sld [smem:$0x3FB5];
	_ =	sdelay $0x3  }
0x34: {  	[smem:$0x3FB5] =	sst s10  }
0x35: {  	s10 =	sld [smem:$0x3FB4];
	_ =	sdelay $0x3  }
0x36: {  	p1 =	seq.s32 s10, $0x1;
	s10 =	sld [smem:$0x3FB5];
	_ =	sdelay $0x3  }
0x37: {  	[smem:$0x3FB5] =	sst s10  }
0x38: {  	s10 =	sld [smem:$0x3FB6]  }
0x39: {  	_ = 	snop;
	(pc) =	sbr.ind lr, $3  }
0x3a: {  	_ = 	snop  }
0x3b: {  	_ = 	snop  }
0x3c: {  	p2 =	seq.s32 s10, $0x1;
	s10 =	sld [smem:$0x3FB5]  }
0x3d: {  	_ =	shalt  }
0x3e: {  	_ =	shalt  }
0x3f: {  	_ =	shalt  }
0x40: {  	_ =	shalt  }
0x41: {  	_ =	shalt  }
0x42: {  	_ =	shalt  }
0x43: {  	_ =	shalt  }
0x44: {  	_ =	shalt  }
0x45: {  	_ =	shalt  }
0x46: {  	_ =	shalt  }
0x47: {  	_ =	shalt  }
0x48: {  	_ =	shalt  }
0x49: {  	_ =	shalt  }
0x4a: {  	_ =	shalt  }
0x4b: {  	_ =	shalt  }
0x4c: {  	_ =	shalt  }
0x4d: {  	_ =	shalt  }
0x4e: {  	_ =	shalt  }
0x4f: {  	_ =	shalt  }
0x50: {  	_ =	shalt  }
0x51: {  	_ =	shalt  }
0x52: {  	_ =	shalt  }
0x53: {  	_ =	shalt  }
0x54: {  	_ =	shalt  }
0x55: {  	_ =	shalt  }
0x56: {  	_ =	shalt  }
0x57: {  	_ =	shalt  }
0x58: {  	_ =	shalt  }
0x59: {  	_ =	shalt  }
0x5a: {  	_ =	shalt  }
0x5b: {  	_ =	shalt  }
0x5c: {  	_ =	shalt  }
0x5d: {  	_ =	shalt  }
0x5e: {  	_ =	shalt  }
0x5f: {  	_ =	shalt  }
0x60: {  	_ =	shalt  }
0x61: {  	_ =	shalt  }
0x62: {  	_ =	shalt  }
0x63: {  	_ =	shalt  }
0x64: {  	_ =	shalt  }
0x65: {  	_ =	shalt  }
0x66: {  	_ =	shalt  }
0x67: {  	_ =	shalt  }
0x68: {  	_ =	shalt  }
0x69: {  	_ =	shalt  }
0x6a: {  	_ =	shalt  }
0x6b: {  	_ =	shalt  }
0x6c: {  	_ =	shalt  }
0x6d: {  	_ =	shalt  }
0x6e: {  	_ =	shalt  }
0x6f: {  	_ =	shalt  }
0x70: {  	_ =	shalt  }
0x71: {  	_ =	shalt  }
0x72: {  	_ =	shalt  }
0x73: {  	_ =	shalt  }
0x74: {  	_ =	shalt  }
0x75: {  	_ =	shalt  }
0x76: {  	_ =	shalt  }
0x77: {  	_ =	shalt  }
0x78: {  	_ =	shalt  }
0x79: {  	_ =	shalt  }
0x7a: {  	_ =	shalt  }
0x7b: {  	_ =	shalt  }
0x7c: {  	_ =	shalt  }
0x7d: {  	_ =	shalt  }
0x7e: {  	_ =	shalt  }
0x7f: {  	_ =	shalt  }
0x80: {  	_ =	shalt  }
0x81: {  	_ =	shalt  }
0x82: {  	_ =	shalt  }
0x83: {  	_ =	shalt  }
0x84: {  	_ =	shalt  }
0x85: {  	_ =	shalt  }
0x86: {  	_ =	shalt  }
0x87: {  	_ =	shalt  }
.Lfunc_end0:
.L_simem_size_0:
called_computation.1_lowered:
.L_overlay_start_0:
0x88: {  	s2 =	sld [smem:$0x3FD9]  }
0x89: {  	s3 =	sld [smem:$0x3FFE];
	_ =	sdelay $0x1  }
0x8a: {  	s1 =	srdreg.scid  }
0x8b: {  	s0 =	sand.u32 $0x1, s1  }
0x8c: {  	s16 =	sshll.u32 s0, $0xA;
	s2 =	sadd.s32 s3, s2  }
0x8d: {  	s2 =	sadd.s32 s2, s16  }
0x8e: {  	[smem:$0x3FC1] =	sst s2  }
0x8f: {  	_ = 	snop  }
0x90: {  	(tm) =	ssettm $0x1  }
0x91: {  	s17 =	sld [smem:$0x3FFB];
	_ =	sdelay $0x3  }
0x92: {  	_ =	strace s17  }
0x93: {  	s2 =	sld [smem:$0x3FFC];
	_ =	sdelay $0x3  }
0x94: {  	_ =	strace s2  }
0x95: {  	s2 =	sld [smem:$0x3FFD];
	_ =	sdelay $0x3  }
0x96: {  	_ =	strace s2  }
0x97: {  	_ =	strace $0x8FFFFFFF  }
0x98: {  	s18 =	sld [smem:$0x3FDB];
	_ =	sdelay $0x1  }
0x99: {  	s19 =	simm.s32 $_scs_section_size  }
0x9a: {  	s4 =	simm.s32 $_size__tile_overlayer_lowered;
	s5 =	simm.s32 $_tile_overlayer_lowered  }
0x9b: {  	s22 =	simm.s32 $0x1BFF;
	s21 =	sshll.u32 s5, $0x1;
	s2 =	sadd.s32 s19, s18  }
0x9c: {  	s6 =	simm.s32 $0x0;
	s20 =	sshll.u32 s4, $0x1;
	s4 =	sadd.s32 s21, s2  }
0x9d: {  	[timem:s6], [sflag:s22] =	dma.local [hbm:s4], s20  }
0x9e: {  	_ =	swait.ge [sflag:s22], s20  }
0x9f: {  	s3 =	ssub.s32 $0x0, s20;
	[sflag:s22] =	ssyncset.done $0x0  }
0xa0: {  	[sflag:s22] =	ssyncadd.s32 s3;
	_ =	sdelay $0x1  }
0xa1: {  	s23 =	simm.s32 $0x1B8B  }
0xa2: {  	_ =	swait.ge [sflag:s23], $0x1  }
0xa3: {  	[sflag:s23] =	ssyncset.done $0x0  }
0xa4: {  	s25 =	simm.s32 $0x1B8E;
	s24 =	sld [smem:$0x3FFE];
	[sflag:s23] =	ssyncadd.s32 $0xFFFFFFFF  }
0xa5: {  	s26 =	simm.s32 $execute0_lowered;
	[smem:$0x3FD2] =	sst s25  }
0xa6: {  	s4 =	sshll.u32 s26, $0x1;
	_ =	strace $0x80000049;
	[dreg:$0x1] =	wrdreg $0xFFFFFFFF  }
0xa7: {  	s28 =	simm.s32 $_size_execute0_lowered;
	s2 =	sadd.s32 s2, s4;
	[dreg:$0x0] =	wrdreg $0x0  }
0xa8: {  	s4 =	sshll.u32 s28, $0x1;
	[dreg:$0x2] =	wrdreg s2  }
0xa9: {  	[dreg:$0x3] =	wrdreg s4  }
0xaa: {  	[dreg:$0x4] =	wrdreg $0xC0  }
0xab: {  	_ =	task [dreg:s6], $0x5FFFF  }
0xac: {  	[dreg:$0x1] =	wrdreg $0xFFFFFFFF  }
0xad: {  	[dreg:$0x0] =	wrdreg $0x60  }
0xae: {  	[dreg:$0x2] =	wrdreg s24  }
0xaf: {  	[dreg:$0x3] =	wrdreg $0x9  }
0xb0: {  	_ =	task.clear_ibuf [dreg:s6], $0x4FFFF;
	_ =	strace $0x90000049  }
0xb1: {  	s29 =	simm.s32 $0x9;
	_ =	strace $0x8000004B  }
0xb2: {  	_ =	swait.ge [sflag:s29], $0x1  }
0xb3: {  	[sflag:s29] =	ssyncadd.s32 $0xFFFFFFFF  }
0xb4: {  	_ =	strace $0x9000004B  }
0xb5: {  	_ =	sfence  }
0xb6: {  	s30 =	sld [smem:$0x0];
	_ =	sdelay $0x2  }
0xb7: {  	s31 =	sshll.u32 s1, $0xD;
	s1 =	sshrl.u32 s1, $0x2  }
0xb8: {  	s3 =	sand.u32 $0x4000, s31;
	s1 =	sadd.s32 s1, s30  }
0xb9: {  	s0 =	sor.u32 s3, s0;
	s1 =	sshll.u32 s1, $0x11  }
0xba: {  	s0 =	sor.u32 s1, s0  }
0xbb: {  	s0 =	sadd.s32 $0x8F2B, s0  }
0xbc: {  	[sflag:s0] =	ssyncadd.remote.s32 $0x1  }
0xbd: {  	_ =	sfence.sel $0xFFFF  }
0xbe: {  	[dreg:$0x0] =	wrdreg $0xFFFFFFFF;
	(pc) =	sbr.abs _section_cstart, $3  }
0xbf: {  	[dreg:$0x1] =	wrdreg $0xFFFFFFFF  }
0xc0: {  	_ =	task.clear_ibuf [dreg:s6], $0x2FFFF;
	_ =	strace $0x9FFFFFFF  }
0xc1: {  	(tm) =	ssettm $0x7FFFFFFF  }
tec
execute0_lowered:
.L_overlay_start_1:
0x0: {  	(tag) =	ssettag $0x1  }
0x1: {  	s1 =	srdreg.scid;
	s0 =	stileid.u32  }
0x2: {  	s4 =	rddreg [dreg:$0x0];
	s2 =	simm.s32 $0x0;
	s8 =	simm.s32 $0x14000  }
0x3: {  	s9 =	simm.s32 $0x16800;
	s3 =	sand.u32 $0x1, s1;
	s31 =	sshll.u32 s0, $0x1  }
0x4: {  	s10 =	simm.s32 $0x0;
	s1 =	rddreg [dreg:$0x1];
	s5 =	sor.u32 s3, s31  }
0x5: {  	[smem:$0x7FF] =	sst s2;
	s6 =	ssub.s32 $0x2, s3;
	s5 =	smul.u32 $0x500, s5  }
0x6: {  	_ =	strace $0x8000004A;
	s3 =	sadd.s32 $0xC000, s4;
	s7 =	sshrl.u32 s6, $0x1  }
0x7: {  	s6 =	ssub.s32 s6, s7;
	s7 =	simm.s32 $0x1;
	s5 =	sadd.s32 s5, s4  }
0x8: {  	s6 =	smax.u32 s6, $0x1;
	s4 =	sadd.s32 $0x2000, s5;
	s5 =	sadd.s32 $0xE800, s5  }
.LBB2_1:
0x9: {  	[tilespmem:s2], [sflag:$0x1] =	stream.linear.gather [hbm4b:s3+s2], $0x14000, $0x38;
	[tilespmem:$0x19000] =	vst v63  }
0xa: {  	_ =	swait.ge [sflag:s7], $0x14000  }
0xb: {  	[sflag:s7] =	ssyncset.done $0x0  }
0xc: {  	[sflag:s7] =	ssyncadd.s32 $0xFFFEC000  }
0xd: {  	[tilespmem:s8], [sflag:$0x1] =	stream.linear.gather [hbm4b:s4+s2], $0x2800, $0x38;
	[tilespmem:$0x19000] =	vst v63  }
0xe: {  	_ =	swait.ge [sflag:s7], $0x2800  }
0xf: {  	[sflag:s7] =	ssyncset.done $0x0  }
0x10: {  	s11 =	simm.s32 $0x0;
	[sflag:s7] =	ssyncadd.s32 $0xFFFFD800  }
0x11: {  	v0 =	vld [tilespmem:s11+$0x14000];
	_ =	sdelay $0x7  }
0x12: {  	s12 =	simm.s32 $0x10;
	s13 =	simm.s32 $0x80;
	v0 =	vld.idx.msk [tilespmem:v0+s2+$0x0], $0xffff  }
.LBB2_2:
0x13: {  	p0 =	sne.s32 s13, $0x9FC0;
	v1 =	vld [tilespmem:s12+$0x14000];
	_ =	sdelay $0x3  }
.Ltmp0:
0x14: {  	(pc) =	sbr.rel @p0 .LBB2_2-.Ltmp0, $2  }
0x15: {  	[tilespmem:s11+$0x16800] =	vst v0;
	s11 =	smov.u32 s12;
	_ =	sdelay $0x2  }
0x16: {  	s12 =	sshra.s32 s13, $0x2;
	s13 =	sadd.s32 $0x40, s13;
	v0 =	vld.idx.msk [tilespmem:v1+s2+$0x0], $0xffff  }
0x17: {  	v1 =	vld [tilespmem:s12+$0x14000];
	_ =	sdelay $0x6  }
0x18: {  	[tilespmem:s11+$0x16800] =	vst v0  }
0x19: {  	v0 =	vld.idx.msk [tilespmem:v1+s2+$0x0], $0xffff;
	_ =	sdelay $0x2  }
0x1a: {  	s10 =	sadd.s32 $0x1, s10  }
0x1b: {  	p0 =	sne.s32 s10, s6  }
.Ltmp1:
0x1c: {  	[tilespmem:s12+$0x16800] =	vst v0;
	(pc) =	sbr.rel @p0 .LBB2_1-.Ltmp1, $4  }
0x1d: {  	[hbm4b:s5+s2] =	stream.linear.scatter [tilespmem:s9], [sflag:$0x1], $0x2800, $0x38;
	[tilespmem:$0x19000] =	vst v63  }
0x1e: {  	_ =	swait.ge [sflag:s7], $0x2800  }
0x1f: {  	[sflag:s7] =	ssyncset.done $0x0  }
0x20: {  	[sflag:s7] =	ssyncadd.s32 $0xFFFFD800  }
0x21: {  	_ =	sfence.sel $0x180000  }
0x22: {  	[bflag:$0x0] =	sbarrier.arrive $0xFFFF  }
0x23: {  	p0 =	sne.s32 s0, $0x0;
	_ =	strace $0x9000004A  }
0x24: {  	s0 =	sadd.s32 @!p0 $0x100000, s1;
	[bflag:$0x2] =	sbarrier.arrive $0xFFFF  }
0x25: {  	[sflag:s0] =	ssyncadd.tile.s32 @!p0 $0x1;
	_ =	shalt  }
.Lfunc_end2:
_tile_overlayer_lowered:
.L_overlay_start_2:
0x26: {  	(tag) =	ssettag $0x2  }
0x27: {  	s0 =	rddreg [dreg:$0x0];
	s2 =	stileid.u32  }
0x28: {  	s1 =	rddreg [dreg:$0x1];
	p0 =	sne.s32 s2, $0x0  }
0x29: {  	s3 =	rddreg [dreg:$0x2];
	[bflag:$0x3] =	sbarrier.arrive $0xFFFF;
	s2 =	simm.s32 @!p0 $0x1C01  }
0x2a: {  	[timem:s3], [sflag:s2] =	dma.local @!p0 [hbm:s0], s1  }
0x2b: {  	s0 =	simm.s32 @!p0 $0x1  }
0x2c: {  	_ =	swait.ge @!p0 [sflag:s0], s1  }
0x2d: {  	s1 =	ssub.s32 @!p0 $0x0, s1;
	[sflag:s0] =	ssyncset.done @!p0 $0x0  }
0x2e: {  	[sflag:s0] =	ssyncadd.s32 @!p0 s1  }
0x2f: {  	[bflag:$0x3] =	sbarrier.arrive $0xFFFF  }
0x30: {  	_ =	shalt  }

// kernel: kernel.16.cloned.1.call-start
scs
__scs_entry_jumppad:
0x0: {  	(pc) =	sbr.rel $0x88, $3  }
0x1: {  	(tag) =	ssettag $0x0;
	lr =	simm.s32 $0x1  }
0x2: {  	[smem:$0x3F9A] =	sst lr;
	_ =	strace $0xD0000000  }
0x3: {  	_ = 	snop  }
0x4: {  	_ = 	snop  }
0x5: {  	_ = 	snop  }
0x6: {  	_ = 	snop  }
0x7: {  	_ = 	snop  }
__scs_overlays_trampoline_lowered:
0x8: {  	[smem:$0x3FA9] =	sst s0  }
0x9: {  	[smem:$0x3FAA] =	sst s1  }
0xa: {  	[smem:$0x3FAB] =	sst s2  }
0xb: {  	[smem:$0x3FAC] =	sst s3  }
0xc: {  	[smem:$0x3FAD] =	sst s4  }
0xd: {  	[smem:$0x3FAE] =	sst s5  }
0xe: {  	[smem:$0x3FAF] =	sst s6  }
0xf: {  	[smem:$0x3FB0] =	sst s7  }
0x10: {  	[smem:$0x3FB1] =	sst s8  }
0x11: {  	[smem:$0x3FB2] =	sst s9;
	s0 =	simm.s32 @!p0 $0x0  }
0x12: {  	s1 =	sld [smem:$0x3F98];
	s0 =	simm.s32 @p0 $0x1  }
0x13: {  	[smem:$0x3FB3] =	sst s0;
	s0 =	simm.s32 @!p1 $0x0  }
0x14: {  	s2 =	sld [smem:$0x3F97];
	s0 =	simm.s32 @p1 $0x1  }
0x15: {  	[smem:$0x3FB4] =	sst s0;
	s0 =	simm.s32 @!p2 $0x0  }
0x16: {  	s3 =	sld [smem:$0x3FDB];
	s0 =	simm.s32 @p2 $0x1  }
0x17: {  	s4 =	simm.s32 $0x1BF5;
	[smem:$0x3FB6] =	sst s0  }
0x18: {  	s0 =	sld [smem:$0x3F99];
	_ =	swait.ge [sflag:s4], $0x0  }
0x19: {  	s7 =	sld [smem:$0x3F9A]  }
0x1a: {  	s8 =	sadd.s32 $0xFFFFE003, lr  }
0x1b: {  	s9 =	sadd.s32 $0xFFFFFEF7, lr;
	s5 =	simm.s32 $0xFFFFFFFF;
	p2 =	slt.u32 s8, $0xFFFFF086  }
0x1c: {  	p1 =	slt.u32 s9, $0xF7A;
	s5 =	simm.s32 @!p2 $0x0  }
0x1d: {  	s5 =	simm.s32 @p1 $0x1;
	p0 =	seq.s32 s7, s2  }
0x1e: {  	s7 =	smul.u32 @!p0 $0xF7A, s2;
	p2 =	seq.s32 @!p0 s5, $0x0  }
0x1f: {  	s9 =	smul.u32 $0xF7A, s1;
	s8 =	simm.s32 @!p0 $0x1BF5;
	p2 =	por !p2, p0  }
0x20: {  	[sflag:s8] =	ssyncset.s32 @!p0 $0xFFFFF086;
	s6 =	sadd.s32 @!p0 s3, s7;
	s7 =	simm.s32 @!p0 $0x108  }
0x21: {  	s3 =	sadd.s32 s3, s9;
	s6 =	sadd.s32 @!p0 $0x88, s6;
	s7 =	simm.s32 @p2 $0x1082  }
0x22: {  	[simem:s7], [sflag:s8] =	dma.local @!p0 [hbm:s6], $0xF7A  }
0x23: {  	s9 =	sor.u32 $0xD0000000, s2;
	s6 =	simm.s32 $0x108;
	_ =	swait.ge @!p0 [sflag:s8], $0x0  }
0x24: {  	s3 =	sadd.s32 $0x88, s3;
	s6 =	simm.s32 @!p1 $0x1082;
	[sflag:s4] =	ssyncset.s32 $0xFFFFF086  }
0x25: {  	[simem:s6], [sflag:s4] =	dma.local [hbm:s3], $0xF7A  }
0x26: {  	[smem:$0x3F9A] =	sst s1;
	(tag) =	ssettag s2;
	_ =	strace s9  }
0x27: {  	s1 =	sld [smem:$0x3FAA]  }
0x28: {  	s2 =	sld [smem:$0x3FAB]  }
0x29: {  	s4 =	sld [smem:$0x3FAD]  }
0x2a: {  	p0 =	seq.s32 s5, $0x0;
	s5 =	sld [smem:$0x3FAE]  }
0x2b: {  	s6 =	sld [smem:$0x3FAF]  }
0x2c: {  	s7 =	sld [smem:$0x3FB0]  }
0x2d: {  	s3 =	simm.s32 $0x108;
	s8 =	sld [smem:$0x3FB1]  }
0x2e: {  	s3 =	simm.s32 @!p0 $0x1082;
	s9 =	sld [smem:$0x3FB2]  }
0x2f: {  	lr =	sadd.s32 s0, s3;
	s0 =	sld [smem:$0x3FA9]  }
0x30: {  	s3 =	sld [smem:$0x3FAC]  }
0x31: {  	[smem:$0x3FB5] =	sst s10  }
0x32: {  	s10 =	sld [smem:$0x3FB3];
	_ =	sdelay $0x3  }
0x33: {  	p0 =	seq.s32 s10, $0x1;
	s10 =	sld [smem:$0x3FB5];
	_ =	sdelay $0x3  }
0x34: {  	[smem:$0x3FB5] =	sst s10  }
0x35: {  	s10 =	sld [smem:$0x3FB4];
	_ =	sdelay $0x3  }
0x36: {  	p1 =	seq.s32 s10, $0x1;
	s10 =	sld [smem:$0x3FB5];
	_ =	sdelay $0x3  }
0x37: {  	[smem:$0x3FB5] =	sst s10  }
0x38: {  	s10 =	sld [smem:$0x3FB6]  }
0x39: {  	_ = 	snop;
	(pc) =	sbr.ind lr, $3  }
0x3a: {  	_ = 	snop  }
0x3b: {  	_ = 	snop  }
0x3c: {  	p2 =	seq.s32 s10, $0x1;
	s10 =	sld [smem:$0x3FB5]  }
0x3d: {  	_ =	shalt  }
0x3e: {  	_ =	shalt  }
0x3f: {  	_ =	shalt  }
0x40: {  	_ =	shalt  }
0x41: {  	_ =	shalt  }
0x42: {  	_ =	shalt  }
0x43: {  	_ =	shalt  }
0x44: {  	_ =	shalt  }
0x45: {  	_ =	shalt  }
0x46: {  	_ =	shalt  }
0x47: {  	_ =	shalt  }
0x48: {  	_ =	shalt  }
0x49: {  	_ =	shalt  }
0x4a: {  	_ =	shalt  }
0x4b: {  	_ =	shalt  }
0x4c: {  	_ =	shalt  }
0x4d: {  	_ =	shalt  }
0x4e: {  	_ =	shalt  }
0x4f: {  	_ =	shalt  }
0x50: {  	_ =	shalt  }
0x51: {  	_ =	shalt  }
0x52: {  	_ =	shalt  }
0x53: {  	_ =	shalt  }
0x54: {  	_ =	shalt  }
0x55: {  	_ =	shalt  }
0x56: {  	_ =	shalt  }
0x57: {  	_ =	shalt  }
0x58: {  	_ =	shalt  }
0x59: {  	_ =	shalt  }
0x5a: {  	_ =	shalt  }
0x5b: {  	_ =	shalt  }
0x5c: {  	_ =	shalt  }
0x5d: {  	_ =	shalt  }
0x5e: {  	_ =	shalt  }
0x5f: {  	_ =	shalt  }
0x60: {  	_ =	shalt  }
0x61: {  	_ =	shalt  }
0x62: {  	_ =	shalt  }
0x63: {  	_ =	shalt  }
0x64: {  	_ =	shalt  }
0x65: {  	_ =	shalt  }
0x66: {  	_ =	shalt  }
0x67: {  	_ =	shalt  }
0x68: {  	_ =	shalt  }
0x69: {  	_ =	shalt  }
0x6a: {  	_ =	shalt  }
0x6b: {  	_ =	shalt  }
0x6c: {  	_ =	shalt  }
0x6d: {  	_ =	shalt  }
0x6e: {  	_ =	shalt  }
0x6f: {  	_ =	shalt  }
0x70: {  	_ =	shalt  }
0x71: {  	_ =	shalt  }
0x72: {  	_ =	shalt  }
0x73: {  	_ =	shalt  }
0x74: {  	_ =	shalt  }
0x75: {  	_ =	shalt  }
0x76: {  	_ =	shalt  }
0x77: {  	_ =	shalt  }
0x78: {  	_ =	shalt  }
0x79: {  	_ =	shalt  }
0x7a: {  	_ =	shalt  }
0x7b: {  	_ =	shalt  }
0x7c: {  	_ =	shalt  }
0x7d: {  	_ =	shalt  }
0x7e: {  	_ =	shalt  }
0x7f: {  	_ =	shalt  }
0x80: {  	_ =	shalt  }
0x81: {  	_ =	shalt  }
0x82: {  	_ =	shalt  }
0x83: {  	_ =	shalt  }
0x84: {  	_ =	shalt  }
0x85: {  	_ =	shalt  }
0x86: {  	_ =	shalt  }
0x87: {  	_ =	shalt  }
.Lfunc_end0:
.L_simem_size_0:
called_computation.2_lowered:
.L_overlay_start_0:
0x88: {  	s2 =	sld [smem:$0x3FD9]  }
0x89: {  	s3 =	sld [smem:$0x3FFE];
	_ =	sdelay $0x1  }
0x8a: {  	s1 =	srdreg.scid  }
0x8b: {  	s0 =	sand.u32 $0x1, s1  }
0x8c: {  	s17 =	sshll.u32 s0, $0xA;
	s2 =	sadd.s32 s3, s2  }
0x8d: {  	s2 =	sadd.s32 s2, s17  }
0x8e: {  	[smem:$0x3FC1] =	sst s2  }
0x8f: {  	_ = 	snop  }
0x90: {  	s2 =	sld [smem:$0x3FD0];
	(tm) =	ssettm $0x1  }
0x91: {  	s18 =	sld [smem:$0x3FFB];
	_ =	sdelay $0x3  }
0x92: {  	_ =	strace s18  }
0x93: {  	s3 =	sld [smem:$0x3FFC];
	_ =	sdelay $0x3  }
0x94: {  	_ =	strace s3  }
0x95: {  	s3 =	sld [smem:$0x3FFD];
	_ =	sdelay $0x3  }
0x96: {  	_ =	strace s3  }
0x97: {  	_ =	strace $0x8FFFFFFF  }
0x98: {  	s19 =	sld [smem:$0x3FDB];
	_ =	sdelay $0x1  }
0x99: {  	s4 =	simm.s32 $_scs_section_size  }
0x9a: {  	s5 =	simm.s32 $_size__tile_overlayer_lowered;
	s6 =	simm.s32 $_tile_overlayer_lowered  }
0x9b: {  	s22 =	simm.s32 $0x1BFF;
	s21 =	sshll.u32 s6, $0x1;
	s3 =	sadd.s32 s4, s19  }
0x9c: {  	s7 =	simm.s32 $0x0;
	s20 =	sshll.u32 s5, $0x1;
	s5 =	sadd.s32 s21, s3  }
0x9d: {  	[timem:s7], [sflag:s22] =	dma.local [hbm:s5], s20  }
0x9e: {  	_ =	swait.ge [sflag:s22], s20  }
0x9f: {  	s4 =	ssub.s32 $0x0, s20;
	[sflag:s22] =	ssyncset.done $0x0  }
0xa0: {  	[sflag:s22] =	ssyncadd.s32 s4;
	_ =	sdelay $0x1  }
0xa1: {  	s23 =	simm.s32 $0x1B8B  }
0xa2: {  	_ =	swait.ge [sflag:s23], $0x1  }
0xa3: {  	[sflag:s23] =	ssyncset.done $0x0  }
0xa4: {  	s25 =	simm.s32 $0x1B8E;
	s24 =	sld [smem:$0x3FFE];
	[sflag:s23] =	ssyncadd.s32 $0xFFFFFFFF  }
0xa5: {  	s26 =	simm.s32 $execute0_lowered;
	[smem:$0x3FD2] =	sst s25  }
0xa6: {  	s5 =	sshll.u32 s26, $0x1;
	_ =	strace $0x8000004C;
	[dreg:$0x1] =	wrdreg $0xFFFFFFFF  }
0xa7: {  	s28 =	simm.s32 $_size_execute0_lowered;
	s3 =	sadd.s32 s3, s5;
	[dreg:$0x0] =	wrdreg $0x0  }
0xa8: {  	s5 =	sshll.u32 s28, $0x1;
	[dreg:$0x2] =	wrdreg s3  }
0xa9: {  	[dreg:$0x3] =	wrdreg s5  }
0xaa: {  	[dreg:$0x4] =	wrdreg $0xC0  }
0xab: {  	_ =	task [dreg:s7], $0x5FFFF  }
0xac: {  	[dreg:$0x1] =	wrdreg $0xFFFFFFFF  }
0xad: {  	[dreg:$0x0] =	wrdreg $0x60  }
0xae: {  	[dreg:$0x2] =	wrdreg s24  }
0xaf: {  	[dreg:$0x3] =	wrdreg s2  }
0xb0: {  	[dreg:$0x4] =	wrdreg $0x68000  }
0xb1: {  	[dreg:$0x5] =	wrdreg $0x9  }
0xb2: {  	_ =	task.clear_ibuf [dreg:s7], $0x6FFFF;
	_ =	strace $0x9000004C  }
0xb3: {  	s29 =	simm.s32 $0x9;
	_ =	strace $0x8000004E  }
0xb4: {  	_ =	swait.ge [sflag:s29], $0x1  }
0xb5: {  	[sflag:s29] =	ssyncadd.s32 $0xFFFFFFFF  }
0xb6: {  	_ =	strace $0x9000004E  }
0xb7: {  	_ =	sfence  }
0xb8: {  	s30 =	sld [smem:$0x0];
	_ =	sdelay $0x2  }
0xb9: {  	s31 =	sshll.u32 s1, $0xD;
	s1 =	sshrl.u32 s1, $0x2  }
0xba: {  	s3 =	sand.u32 $0x4000, s31;
	s1 =	sadd.s32 s1, s30  }
0xbb: {  	s0 =	sor.u32 s3, s0;
	s1 =	sshll.u32 s1, $0x11  }
0xbc: {  	s0 =	sor.u32 s1, s0  }
0xbd: {  	s0 =	sadd.s32 $0x8F2B, s0  }
0xbe: {  	[sflag:s0] =	ssyncadd.remote.s32 $0x1  }
0xbf: {  	_ =	sfence.sel $0xFFFF  }
0xc0: {  	[dreg:$0x0] =	wrdreg $0xFFFFFFFF;
	(pc) =	sbr.abs _section_cstart, $3  }
0xc1: {  	[dreg:$0x1] =	wrdreg $0xFFFFFFFF  }
0xc2: {  	_ =	task.clear_ibuf [dreg:s7], $0x2FFFF;
	_ =	strace $0x9FFFFFFF  }
0xc3: {  	(tm) =	ssettm $0x7FFFFFFF  }
tec
execute0_lowered:
.L_overlay_start_1:
0x0: {  	(tag) =	ssettag $0x1  }
0x1: {  	s0 =	rddreg [dreg:$0x0]  }
0x2: {  	s2 =	rddreg [dreg:$0x1]  }
0x3: {  	s3 =	rddreg [dreg:$0x2]  }
0x4: {  	s1 =	srdreg.scid;
	s13 =	stileid.u32;
	s4 =	simm.s32 $0x0  }
0x5: {  	s28 =	simm.s32 $0x3;
	s29 =	simm.s32 $0x400;
	s10 =	smul.u32 $0x13C00, s13  }
0x6: {  	s30 =	simm.s32 $0x600;
	s31 =	simm.s32 $0x40;
	s11 =	smul.u32 $0x4F000, s13  }
0x7: {  	s1 =	sand.u32 $0x1, s1;
	[smem:$0x7FF] =	sst s4;
	s15 =	smul.u32 $0x68, s13  }
0x8: {  	s5 =	sadd.s32 $0x15B000, s0;
	s6 =	sadd.s32 $0x18800, s0;
	s13 =	smul.u32 $0xD8, s13  }
0x9: {  	s7 =	smul.u32 $0x13C000, s1;
	_ =	strace $0x8000004D;
	s11 =	sshrl.u32 s11, $0x2  }
0xa: {  	s9 =	ssub.s32 $0x2, s1;
	p0 =	seq.s32 s1, $0x0;
	s16 =	sadd.s32 s11, s3  }
0xb: {  	s14 =	sshrl.u32 s9, $0x1;
	s8 =	sadd.s32 s10, s7;
	s11 =	sadd.s32 $0x2000, s16  }
0xc: {  	s7 =	sadd.s32 $0xE800, s0;
	s17 =	sadd.s32 $0x4000, s16;
	[dreg:$0x4] =	wrdreg s11  }
0xd: {  	s12 =	ssub.s32 s9, s14;
	s18 =	sadd.s32 $0x6000, s16;
	[dreg:$0x5] =	wrdreg s17  }
0xe: {  	s9 =	sadd.s32 $0xD80, s15;
	s19 =	sadd.s32 $0x8000, s16;
	[dreg:$0x6] =	wrdreg s18  }
0xf: {  	s10 =	sadd.s32 s10, s3;
	s20 =	sadd.s32 $0xA000, s16;
	[dreg:$0x7] =	wrdreg s19  }
0x10: {  	s8 =	sshrl.u32 s8, $0x3;
	s21 =	sadd.s32 $0xC000, s16;
	[dreg:$0x8] =	wrdreg s20  }
0x11: {  	s9 =	smov.u32 @p0 s13;
	s22 =	sadd.s32 $0xE000, s16;
	[dreg:$0x9] =	wrdreg s21  }
0x12: {  	s23 =	sadd.s32 $0x10000, s16;
	s1 =	sadd.s32 $0x12000, s16;
	[dreg:$0xa] =	wrdreg s22  }
0x13: {  	s0 =	sadd.s32 s8, s0;
	s8 =	simm.s32 $0xD8;
	[dreg:$0xb] =	wrdreg s23  }
0x14: {  	[dreg:$0xc] =	wrdreg s1;
	s24 =	sshll.u32 s9, $0x3;
	s1 =	simm.s32 $0x2  }
0x15: {  	s11 =	simm.s32 $0x0;
	s8 =	simm.s32 @!p0 $0x68;
	s25 =	sadd.s32 s2, s24  }
0x16: {  	s26 =	sadd.s32 s6, s24;
	s22 =	sadd.s32 s7, s24;
	[dreg:$0xd] =	wrdreg s25  }
0x17: {  	s24 =	sadd.s32 $0x22800, s0;
	s0 =	simm.s32 $0x1;
	[dreg:$0xe] =	wrdreg s26  }
0x18: {  	v0 =	vimm.f32 $0.0e+00;
	s23 =	sadd.s32 $0xFFFFFFF8, s8;
	s25 =	smax.u32 s12, $0x1;
	s26 =	simm.s32 $0x2800  }
.LBB2_1:
0x19: {  	s12 =	simm.s32 $0x0;
	s13 =	simm.s32 $0x200  }
.LBB2_2:
0x1a: {  	p0 =	sne.s32 s13, $0x7E00;
	[tilespmem:s12+$0x2870] =	vst v0  }
0x1b: {  	[tilespmem:s12+$0x2800] =	vst v0  }
0x1c: {  	[tilespmem:s12+$0x2810] =	vst v0  }
.Ltmp0:
0x1d: {  	[tilespmem:s12+$0x2820] =	vst v0;
	(pc) =	sbr.rel @p0 .LBB2_2-.Ltmp0, $4  }
0x1e: {  	[tilespmem:s12+$0x2830] =	vst v0  }
0x1f: {  	[tilespmem:s12+$0x2840] =	vst v0  }
0x20: {  	[tilespmem:s12+$0x2850] =	vst v0  }
0x21: {  	[tilespmem:s12+$0x2860] =	vst v0;
	s12 =	sshra.s32 s13, $0x2;
	s13 =	sadd.s32 $0x200, s13  }
0x22: {  	[tilespmem:s12+$0x2870] =	vst v0  }
0x23: {  	[tilespmem:s12+$0x2800] =	vst v0  }
0x24: {  	[tilespmem:s12+$0x2810] =	vst v0  }
0x25: {  	[tilespmem:s12+$0x2820] =	vst v0  }
0x26: {  	[tilespmem:s12+$0x2830] =	vst v0  }
0x27: {  	[tilespmem:s12+$0x2840] =	vst v0  }
0x28: {  	[tilespmem:s12+$0x2850] =	vst v0  }
0x29: {  	[tilespmem:s12+$0x2860] =	vst v0  }
0x2a: {  	[spmem:s10] =	stream.linear.scatter [tilespmem:s26], [sflag:$0x3], $0x2000, $0x38;
	[tilespmem:$0x1A400] =	vst v63  }
0x2b: {  	_ =	swait.ge [sflag:s28], $0x2000  }
0x2c: {  	[sflag:s28] =	ssyncset.done $0x0  }
0x2d: {  	s20 =	rddreg [dreg:$0x4];
	[sflag:s28] =	ssyncadd.s32 $0xFFFFE000  }
0x2e: {  	[spmem:s20] =	stream.linear.scatter [tilespmem:s26], [sflag:$0x3], $0x2000, $0x38;
	[tilespmem:$0x1A400] =	vst v63  }
0x2f: {  	_ =	swait.ge [sflag:s28], $0x2000  }
0x30: {  	[sflag:s28] =	ssyncset.done $0x0  }
0x31: {  	s21 =	rddreg [dreg:$0x5];
	[sflag:s28] =	ssyncadd.s32 $0xFFFFE000  }
0x32: {  	[spmem:s21] =	stream.linear.scatter [tilespmem:s26], [sflag:$0x3], $0x2000, $0x38;
	[tilespmem:$0x1A400] =	vst v63  }
0x33: {  	_ =	swait.ge [sflag:s28], $0x2000  }
0x34: {  	[sflag:s28] =	ssyncset.done $0x0  }
0x35: {  	s13 =	rddreg [dreg:$0x6];
	[sflag:s28] =	ssyncadd.s32 $0xFFFFE000  }
0x36: {  	[spmem:s13] =	stream.linear.scatter [tilespmem:s26], [sflag:$0x3], $0x2000, $0x38;
	[tilespmem:$0x1A400] =	vst v63  }
0x37: {  	_ =	swait.ge [sflag:s28], $0x2000  }
0x38: {  	[sflag:s28] =	ssyncset.done $0x0  }
0x39: {  	s14 =	rddreg [dreg:$0x7];
	[sflag:s28] =	ssyncadd.s32 $0xFFFFE000  }
0x3a: {  	[spmem:s14] =	stream.linear.scatter [tilespmem:s26], [sflag:$0x3], $0x2000, $0x38;
	[tilespmem:$0x1A400] =	vst v63  }
0x3b: {  	_ =	swait.ge [sflag:s28], $0x2000  }
0x3c: {  	[sflag:s28] =	ssyncset.done $0x0  }
0x3d: {  	s15 =	rddreg [dreg:$0x8];
	[sflag:s28] =	ssyncadd.s32 $0xFFFFE000  }
0x3e: {  	[spmem:s15] =	stream.linear.scatter [tilespmem:s26], [sflag:$0x3], $0x2000, $0x38;
	[tilespmem:$0x1A400] =	vst v63  }
0x3f: {  	_ =	swait.ge [sflag:s28], $0x2000  }
0x40: {  	[sflag:s28] =	ssyncset.done $0x0  }
0x41: {  	s16 =	rddreg [dreg:$0x9];
	[sflag:s28] =	ssyncadd.s32 $0xFFFFE000  }
0x42: {  	[spmem:s16] =	stream.linear.scatter [tilespmem:s26], [sflag:$0x3], $0x2000, $0x38;
	[tilespmem:$0x1A400] =	vst v63  }
0x43: {  	_ =	swait.ge [sflag:s28], $0x2000  }
0x44: {  	[sflag:s28] =	ssyncset.done $0x0  }
0x45: {  	s17 =	rddreg [dreg:$0xa];
	[sflag:s28] =	ssyncadd.s32 $0xFFFFE000  }
0x46: {  	[spmem:s17] =	stream.linear.scatter [tilespmem:s26], [sflag:$0x3], $0x2000, $0x38;
	[tilespmem:$0x1A400] =	vst v63  }
0x47: {  	_ =	swait.ge [sflag:s28], $0x2000  }
0x48: {  	[sflag:s28] =	ssyncset.done $0x0  }
0x49: {  	s18 =	rddreg [dreg:$0xb];
	[sflag:s28] =	ssyncadd.s32 $0xFFFFE000  }
0x4a: {  	[spmem:s18] =	stream.linear.scatter [tilespmem:s26], [sflag:$0x3], $0x2000, $0x38;
	[tilespmem:$0x1A400] =	vst v63  }
0x4b: {  	_ =	swait.ge [sflag:s28], $0x2000  }
0x4c: {  	[sflag:s28] =	ssyncset.done $0x0  }
0x4d: {  	s19 =	rddreg [dreg:$0xc];
	[sflag:s28] =	ssyncadd.s32 $0xFFFFE000  }
0x4e: {  	[spmem:s19] =	stream.linear.scatter [tilespmem:s26], [sflag:$0x3], $0x1C00, $0x38;
	[tilespmem:$0x1A400] =	vst v63  }
0x4f: {  	_ =	swait.ge [sflag:s28], $0x1C00  }
0x50: {  	[sflag:s28] =	ssyncset.done $0x0  }
0x51: {  	[sflag:s28] =	ssyncadd.s32 $0xFFFFE400  }
0x52: {  	[bflag:$0x0] =	sbarrier.arrive $0xFFFF  }
0x53: {  	s12 =	simm.s32 $0x0;
	s13 =	rddreg [dreg:$0xd]  }
0x54: {  	[tilespmem:s12], [sflag:$0x3] =	stream.linear.gather [hbm4b:s13+s12], $0x200, $0x38;
	[tilespmem:$0x1A400] =	vst v63  }
0x55: {  	_ =	swait.ge [sflag:s28], $0x200  }
0x56: {  	[sflag:s28] =	ssyncset.done $0x0  }
0x57: {  	s20 =	rddreg [dreg:$0xe];
	[sflag:s28] =	ssyncadd.s32 $0xFFFFFE00  }
0x58: {  	[tilespmem:s29], [sflag:$0x3] =	stream.linear.gather [hbm4b:s20+s12], $0x200, $0x38;
	[tilespmem:$0x1A400] =	vst v63  }
0x59: {  	_ =	swait.ge [sflag:s28], $0x200  }
0x5a: {  	[sflag:s28] =	ssyncset.done $0x0  }
0x5b: {  	[sflag:s28] =	ssyncadd.s32 $0xFFFFFE00  }
0x5c: {  	[tilespmem:s30], [sflag:$0x3] =	stream.linear.gather [hbm4b:s22+s12], $0x200, $0x38;
	[tilespmem:$0x1A400] =	vst v63  }
0x5d: {  	_ =	swait.ge [sflag:s28], $0x200  }
0x5e: {  	[sflag:s28] =	ssyncset.done $0x0  }
0x5f: {  	p0 =	por $0x0, $0x0;
	s21 =	simm.s32 $0x800;
	[sflag:s28] =	ssyncadd.s32 $0xFFFFFE00  }
0x60: {  	[tilespmem:s21], [sflag:$0x1] =	stream.indirect.gather [hbm4b:s5+s31], $0x40, s12, s31, $0xb8;
	[tilespmem:$0x1A400] =	vst v63  }
.LBB2_4:
0x61: {  	p1 =	seq.s32 s12, $0x0  }
.Ltmp1:
0x62: {  	_ = 	snop;
	(pc) =	sbr.rel @p1 .LBB2_7-.Ltmp1, $4  }
0x63: {  	_ = 	snop  }
0x64: {  	_ =	swait.ge [sflag:s0], $0x1000  }
0x65: {  	[sflag:s0] =	ssyncset.done $0x0  }
0x66: {  	s13 =	sand.u32 $0x7, s12;
	[sflag:s0] =	ssyncadd.s32 $0xFFFFF000  }
0x67: {  	p1 =	sne.s32 s13, $0x0  }
.Ltmp2:
0x68: {  	_ = 	snop;
	(pc) =	sbr.rel @p1 .LBB2_8-.Ltmp2, $4  }
0x69: {  	_ = 	snop  }
0x6a: {  	_ =	swait.ge [sflag:s1], $0x2000  }
0x6b: {  	[sflag:s1] =	ssyncset.done $0x0  }
0x6c: {  	[sflag:s1] =	ssyncadd.s32 $0xFFFFE000  }
0x6d: {  	s14 =	sand.u32 $0x3FFFFF8, s12  }
0x6e: {  	s14 =	sadd.s32 s9, s14  }
0x6f: {  	s14 =	sshll.u32 s14, $0x3  }
0x70: {  	s14 =	sand.u32 $0x1FFFFFC0, s14  }
0x71: {  	s15 =	sadd.s32 s6, s14  }
0x72: {  	[tilespmem:s29], [sflag:$0x3] =	stream.linear.gather [hbm4b:s15+s4], $0x200, $0x38;
	[tilespmem:$0x1A400] =	vst v63  }
0x73: {  	_ =	swait.ge [sflag:s28], $0x200  }
0x74: {  	[sflag:s28] =	ssyncset.done $0x0  }
0x75: {  	s14 =	sadd.s32 s7, s14;
	[sflag:s28] =	ssyncadd.s32 $0xFFFFFE00  }
0x76: {  	[tilespmem:s30], [sflag:$0x3] =	stream.linear.gather [hbm4b:s14+s4], $0x200, $0x38;
	[tilespmem:$0x1A400] =	vst v63  }
0x77: {  	_ =	swait.ge [sflag:s28], $0x200  }
0x78: {  	[sflag:s28] =	ssyncset.done $0x0  }
0x79: {  	[sflag:s28] =	ssyncadd.s32 $0xFFFFFE00  }
.LBB2_7:
0x7a: {  	p1 =	sge.u32 s12, s23  }
0x7b: {  	s14 =	sadd.s32 @!p1 s9, s12  }
0x7c: {  	s14 =	sshll.u32 @!p1 s14, $0x3  }
0x7d: {  	s15 =	sxor.u32 @!p1 $0xFFFFFFFF, s12;
	s14 =	sand.u32 @!p1 $0x1FFFFFF8, s14  }
0x7e: {  	s15 =	sshll.u32 @!p1 s15, $0x6;
	s14 =	sadd.s32 @!p1 s2, s14  }
0x7f: {  	s16 =	simm.s32 @!p1 $0x0;
	s15 =	sand.u32 @!p1 $0x200, s15;
	s14 =	sadd.s32 @!p1 $0x40, s14  }
0x80: {  	[tilespmem:s15], [sflag:$0x3] =	stream.linear.gather @!p1 [hbm4b:s14+s16], $0x200, $0x38;
	[tilespmem:$0x1A400] =	vst v63  }
0x81: {  	s14 =	simm.s32 @!p1 $0x3  }
0x82: {  	_ =	swait.ge @!p1 [sflag:s14], $0x200  }
0x83: {  	[sflag:s14] =	ssyncset.done @!p1 $0x0  }
0x84: {  	[sflag:s14] =	ssyncadd.s32 @!p1 $0xFFFFFE00  }
.LBB2_8:
0x85: {  	s14 =	simm.s32 $0x3  }
0x86: {  	s13 =	sshll.u32 s13, $0x6;
	v1 =	vmov s14  }
0x87: {  	s15 =	sand.u32 $0x1, s12;
	v2 =	vmov s13;
	v1 =	vand.u32 $0x3F, v1  }
0x88: {  	s12 =	sadd.s32 $0x1, s12;
	s17 =	simm.s32 $0x1;
	s20 =	simm.s32 $0x2;
	v1 =	vor.u32 v2, v1  }
0x89: {  	p1 =	sge.u32 s12, s8;
	s14 =	simm.s32 $0x1;
	v4 =	vmov s20;
	s20 =	simm.s32 $0x0;
	v1 =	vbroadcast v1, $0x0  }
0x8a: {  	v3 =	vmov s17;
	s16 =	sshll.u32 @!p1 s12, $0xC;
	s14 =	simm.s32 @!p0 $0x0;
	s19 =	sshll.u32 @!p1 s12, $0x6  }
0x8b: {  	v3 =	vand.u32 $0x3D, v3;
	s16 =	sand.u32 @!p1 $0x1000, s16;
	s18 =	sshll.u32 s14, $0xC;
	s17 =	sand.u32 @!p1 $0x3C0, s19  }
0x8c: {  	s19 =	simm.s32 @!p1 $0x40;
	v3 =	vor.u32 v2, v3;
	s16 =	sor.u32 @!p1 $0x800, s16;
	s18 =	sor.u32 $0x880, s18  }
0x8d: {  	v4 =	vand.u32 $0x3E, v4;
	v3 =	vbroadcast v3, $0x0;
	[tilespmem:s16], [sflag:$0x1] =	stream.indirect.gather @!p1 [hbm4b:s5+s19], $0x40, s17, s19, $0xb8;
	[tilespmem:$0x1A400] =	vst v63  }
0x8e: {  	v5 =	vmov s20;
	v4 =	vor.u32 v2, v4;
	v6 =	vld [tilespmem:s18+$0x40]  }
0x8f: {  	v5 =	vand.u32 $0x3C, v5;
	v4 =	vbroadcast v4, $0x0;
	v9 =	vld.idx.msk [tilespmem:v1+s30+$0x0], $0xffff  }
0x90: {  	v1 =	vor.u32 v2, v5  }
0x91: {  	v1 =	vbroadcast v1, $0x0  }
0x92: {  	v5 =	vld [tilespmem:s18+$0xFFFFFFC0]  }
0x93: {  	v7 =	vld.idx.msk [tilespmem:v3+s30+$0x0], $0xffff;
	v3 =	vunpack.i.l.bf16.f32 v6  }
0x94: {  	s14 =	sshll.u32 s14, $0xD;
	v10 =	vld [tilespmem:s18+$0x0];
	v6 =	vunpack.i.u.bf16.f32 v6;
	v3 =	vmul.f32 v3, v9  }
0x95: {  	s14 =	sadd.s32 $0x2900, s14;
	v8 =	vld.idx.msk [tilespmem:v4+s30+$0x0], $0xffff;
	v4 =	vmul.f32 v6, v9  }
0x96: {  	v11 =	vld [tilespmem:s18+$0xFFFFFF80];
	[tilespmem:s14+$0x80] =	vst v3  }
0x97: {  	v6 =	vld.idx.msk [tilespmem:v1+s30+$0x0], $0xffff;
	v1 =	vunpack.i.l.bf16.f32 v5;
	[tilespmem:s14+$0xC0] =	vst v4  }
0x98: {  	v3 =	vunpack.i.u.bf16.f32 v5;
	v1 =	vmul.f32 v1, v7;
	v4 =	vld [tilespmem:s18+$0x50]  }
0x99: {  	v5 =	vunpack.i.l.bf16.f32 v10;
	v3 =	vmul.f32 v3, v7  }
0x9a: {  	v10 =	vunpack.i.u.bf16.f32 v10;
	v5 =	vmul.f32 v5, v8;
	[tilespmem:s14+$0xFFFFFF80] =	vst v1  }
0x9b: {  	v10 =	vmul.f32 v10, v8;
	v1 =	vunpack.i.l.bf16.f32 v11;
	[tilespmem:s14+$0xFFFFFFC0] =	vst v3  }
0x9c: {  	v3 =	vunpack.i.u.bf16.f32 v11;
	[tilespmem:s14+$0x0] =	vst v5;
	v11 =	vld [tilespmem:s18+$0xFFFFFFD0];
	v1 =	vmul.f32 v1, v6  }
0x9d: {  	[tilespmem:s14+$0x40] =	vst v10;
	v3 =	vmul.f32 v3, v6;
	v5 =	vunpack.i.l.bf16.f32 v4  }
0x9e: {  	s21 =	simm.s32 $0x4;
	v4 =	vunpack.i.u.bf16.f32 v4;
	[tilespmem:s14+$0xFFFFFF00] =	vst v1;
	v1 =	vld [tilespmem:s18+$0x10];
	v5 =	vmul.f32 v5, v9  }
0x9f: {  	s17 =	simm.s32 $0x5;
	v10 =	vmov s21;
	[tilespmem:s14+$0xFFFFFF40] =	vst v3;
	v3 =	vmul.f32 v4, v9  }
0xa0: {  	v4 =	vand.u32 $0x3C, v10;
	v10 =	vmov s17;
	v12 =	vld [tilespmem:s18+$0xFFFFFF90];
	[tilespmem:s14+$0x90] =	vst v5  }
0xa1: {  	v4 =	vor.u32 v2, v4;
	v5 =	vand.u32 $0x3D, v10;
	v10 =	vunpack.i.l.bf16.f32 v11;
	[tilespmem:s14+$0xD0] =	vst v3  }
0xa2: {  	v3 =	vbroadcast v4, $0x0;
	v4 =	vunpack.i.u.bf16.f32 v11;
	v10 =	vmul.f32 v10, v7;
	v11 =	vld [tilespmem:s18+$0x60]  }
0xa3: {  	v5 =	vor.u32 v2, v5;
	v4 =	vmul.f32 v4, v7;
	v13 =	vunpack.i.l.bf16.f32 v1  }
0xa4: {  	s19 =	simm.s32 $0x7;
	v5 =	vbroadcast v5, $0x0;
	v1 =	vunpack.i.u.bf16.f32 v1;
	[tilespmem:s14+$0xFFFFFF90] =	vst v10;
	v10 =	vmul.f32 v13, v8  }
0xa5: {  	[tilespmem:s14+$0xFFFFFFD0] =	vst v4;
	v4 =	vmov s19;
	v1 =	vmul.f32 v1, v8;
	v13 =	vunpack.i.l.bf16.f32 v12  }
0xa6: {  	v12 =	vunpack.i.u.bf16.f32 v12;
	v14 =	vld [tilespmem:s18+$0xFFFFFFE0];
	v4 =	vand.u32 $0x3F, v4;
	v13 =	vmul.f32 v13, v6;
	[tilespmem:s14+$0x10] =	vst v10  }
0xa7: {  	v10 =	vmul.f32 v12, v6;
	[tilespmem:s14+$0x50] =	vst v1;
	v1 =	vor.u32 v2, v4;
	v4 =	vunpack.i.l.bf16.f32 v11  }
0xa8: {  	v11 =	vunpack.i.u.bf16.f32 v11;
	[tilespmem:s14+$0xFFFFFF10] =	vst v13;
	v12 =	vld [tilespmem:s18+$0x20];
	v13 =	vbroadcast v1, $0x0;
	v4 =	vmul.f32 v4, v9  }
0xa9: {  	s20 =	simm.s32 $0x6;
	v1 =	vld.idx.msk [tilespmem:v3+s30+$0x0], $0xffff;
	v3 =	vmul.f32 v11, v9;
	[tilespmem:s14+$0xFFFFFF50] =	vst v10  }
0xaa: {  	v10 =	vmov s20;
	v11 =	vld [tilespmem:s18+$0xFFFFFFA0];
	[tilespmem:s14+$0xA0] =	vst v4  }
0xab: {  	v10 =	vand.u32 $0x3E, v10;
	v4 =	vld.idx.msk [tilespmem:v5+s30+$0x0], $0xffff;
	v5 =	vunpack.i.l.bf16.f32 v14;
	[tilespmem:s14+$0xE0] =	vst v3  }
0xac: {  	s17 =	sadd.s32 $0x100, s18;
	v3 =	vor.u32 v2, v10;
	v10 =	vunpack.i.u.bf16.f32 v14;
	v5 =	vmul.f32 v5, v7;
	v14 =	vld [tilespmem:s18+$0x70]  }
0xad: {  	v16 =	vld [tilespmem:s17+$0x40];
	v10 =	vmul.f32 v10, v7;
	v15 =	vunpack.i.l.bf16.f32 v12  }
0xae: {  	v3 =	vbroadcast v3, $0x0;
	v12 =	vunpack.i.u.bf16.f32 v12;
	[tilespmem:s14+$0xFFFFFFA0] =	vst v5;
	v15 =	vmul.f32 v15, v8;
	v5 =	vld.idx.msk [tilespmem:v13+s30+$0x0], $0xffff  }
0xaf: {  	v12 =	vmul.f32 v12, v8;
	[tilespmem:s14+$0xFFFFFFE0] =	vst v10;
	v13 =	vunpack.i.l.bf16.f32 v11  }
0xb0: {  	v10 =	vld [tilespmem:s17+$0xFFFFFF80];
	v11 =	vunpack.i.u.bf16.f32 v11;
	v13 =	vmul.f32 v13, v6;
	[tilespmem:s14+$0x20] =	vst v15  }
0xb1: {  	v15 =	vld [tilespmem:s17+$0xFFFFFFC0];
	v11 =	vmul.f32 v11, v6;
	[tilespmem:s14+$0x60] =	vst v12;
	v17 =	vunpack.i.u.bf16.f32 v14  }
0xb2: {  	v18 =	vunpack.i.l.bf16.f32 v16;
	v12 =	vld [tilespmem:s17+$0x0];
	v17 =	vmul.f32 v17, v9;
	[tilespmem:s14+$0xFFFFFF20] =	vst v13  }
0xb3: {  	s21 =	simm.s32 $0x8;
	v13 =	vunpack.i.l.bf16.f32 v14;
	v14 =	vld [tilespmem:s18+$0xFFFFFFF0];
	[tilespmem:s14+$0xFFFFFF60] =	vst v11;
	v11 =	vunpack.i.u.bf16.f32 v16;
	v16 =	vmul.f32 v18, v5  }
0xb4: {  	s16 =	sadd.s32 $0x200, s14;
	v19 =	vmov s21;
	s19 =	simm.s32 $0x9;
	v3 =	vld.idx.msk [tilespmem:v3+s30+$0x0], $0xffff;
	[tilespmem:s14+$0xF0] =	vst v17;
	v11 =	vmul.f32 v11, v5  }
0xb5: {  	v22 =	vmov s19;
	v9 =	vmul.f32 v13, v9;
	v18 =	vld [tilespmem:s18+$0x30];
	v17 =	vunpack.i.u.bf16.f32 v10;
	[tilespmem:s16+$0x80] =	vst v16  }
0xb6: {  	v13 =	vand.u32 $0x3C, v19;
	v19 =	vld [tilespmem:s18+$0xFFFFFFB0];
	v17 =	vmul.f32 v17, v1;
	v20 =	vunpack.i.l.bf16.f32 v15;
	[tilespmem:s16+$0xC0] =	vst v11  }
0xb7: {  	v10 =	vunpack.i.l.bf16.f32 v10;
	v15 =	vunpack.i.u.bf16.f32 v15;
	[tilespmem:s14+$0xB0] =	vst v9;
	v20 =	vmul.f32 v20, v4  }
0xb8: {  	v10 =	vmul.f32 v10, v1;
	v9 =	vunpack.i.l.bf16.f32 v12;
	v11 =	vmul.f32 v15, v4;
	v15 =	vld [tilespmem:s17+$0x50];
	[tilespmem:s16+$0xFFFFFF40] =	vst v17  }
0xb9: {  	s20 =	simm.s32 $0xA;
	v13 =	vor.u32 v2, v13;
	v16 =	vunpack.i.u.bf16.f32 v12;
	v9 =	vmul.f32 v9, v3;
	[tilespmem:s16+$0xFFFFFF80] =	vst v20  }
0xba: {  	v17 =	vmov s20;
	v12 =	vunpack.i.u.bf16.f32 v14;
	v16 =	vmul.f32 v16, v3;
	[tilespmem:s16+$0xFFFFFFC0] =	vst v11  }
0xbb: {  	v14 =	vunpack.i.l.bf16.f32 v14;
	v20 =	vunpack.i.u.bf16.f32 v18;
	v11 =	vunpack.i.u.bf16.f32 v19;
	v21 =	vld [tilespmem:s17+$0xFFFFFFD0];
	[tilespmem:s16+$0x0] =	vst v9  }
0xbc: {  	v19 =	vunpack.i.l.bf16.f32 v19;
	v18 =	vunpack.i.l.bf16.f32 v18;
	v14 =	vmul.f32 v14, v7;
	[tilespmem:s16+$0x40] =	vst v16  }
0xbd: {  	[tilespmem:s16+$0xFFFFFF00] =	vst v10;
	v12 =	vmul.f32 v12, v7;
	v9 =	vmul.f32 v18, v8;
	v16 =	vld [tilespmem:s17+$0x10];
	v10 =	vunpack.i.l.bf16.f32 v15  }
0xbe: {  	v7 =	vmul.f32 v19, v6;
	[tilespmem:s14+$0xFFFFFFB0] =	vst v14;
	v15 =	vunpack.i.u.bf16.f32 v15;
	v10 =	vmul.f32 v10, v5  }
0xbf: {  	v6 =	vmul.f32 v11, v6;
	v18 =	vld [tilespmem:s17+$0xFFFFFF90];
	v14 =	vand.u32 $0x3D, v22;
	[tilespmem:s14+$0xFFFFFFF0] =	vst v12;
	v11 =	vmul.f32 v15, v5  }
0xc0: {  	v17 =	vand.u32 $0x3E, v17;
	v12 =	vor.u32 v2, v14;
	v15 =	vunpack.i.l.bf16.f32 v21;
	[tilespmem:s16+$0x90] =	vst v10  }
0xc1: {  	v19 =	vunpack.i.u.bf16.f32 v21;
	[tilespmem:s16+$0xD0] =	vst v11;
	v10 =	vbroadcast v13, $0x0;
	v15 =	vmul.f32 v15, v4  }
0xc2: {  	v19 =	vmul.f32 v19, v4;
	v11 =	vunpack.i.l.bf16.f32 v16;
	v13 =	vld [tilespmem:s17+$0x60];
	v14 =	vunpack.i.u.bf16.f32 v16  }
0xc3: {  	s21 =	simm.s32 $0xB;
	v16 =	vmul.f32 v14, v3;
	v14 =	vor.u32 v2, v17;
	[tilespmem:s16+$0xFFFFFF90] =	vst v15;
	v15 =	vmul.f32 v11, v3  }
0xc4: {  	v17 =	vmov s21;
	v11 =	vbroadcast v12, $0x0;
	v12 =	vunpack.i.l.bf16.f32 v18;
	[tilespmem:s16+$0xFFFFFFD0] =	vst v19  }
0xc5: {  	s15 =	sshll.u32 s15, $0xD;
	v19 =	vmul.f32 v12, v1;
	v12 =	vbroadcast v14, $0x0;
	v14 =	vld [tilespmem:s17+$0xFFFFFFE0];
	[tilespmem:s16+$0x10] =	vst v15;
	v15 =	vunpack.i.u.bf16.f32 v18  }
0xc6: {  	s15 =	sadd.s32 $0x2800, s15;
	v17 =	vand.u32 $0x3F, v17;
	[tilespmem:s16+$0x50] =	vst v16;
	v16 =	vmul.f32 v15, v1  }
0xc7: {  	s19 =	smov.u32 s17;
	s18 =	smov.u32 s16;
	s20 =	simm.s32 $0xC;
	v8 =	vmul.f32 v20, v8;
	v17 =	vor.u32 v2, v17;
	[tilespmem:s16+$0xFFFFFF10] =	vst v19;
	v15 =	vld [tilespmem:s17+$0x20];
	v18 =	vunpack.i.l.bf16.f32 v13  }
.LBB2_9:
0xc8: {  	p1 =	slt.u32 s20, $0x3C;
	v10 =	vld.idx.msk [tilespmem:v10+s30+$0x0], $0xffff;
	v17 =	vbroadcast v17, $0x0;
	[tilespmem:s16+$0xFFFFFF50] =	vst v16;
	v13 =	vunpack.i.u.bf16.f32 v13;
	v16 =	vmul.f32 v18, v5  }
0xc9: {  	v18 =	vld [tilespmem:s17+$0xFFFFFFA0];
	v13 =	vmul.f32 v13, v5;
	[tilespmem:s14+$0x30] =	vst v9  }
0xca: {  	v9 =	vld.idx.msk [tilespmem:v11+s30+$0x0], $0xffff;
	v11 =	vunpack.i.u.bf16.f32 v14;
	v14 =	vunpack.i.l.bf16.f32 v14;
	[tilespmem:s16+$0xA0] =	vst v16  }
0xcb: {  	v12 =	vld.idx.msk [tilespmem:v12+s30+$0x0], $0xffff;
	v14 =	vmul.f32 v14, v4;
	v11 =	vmul.f32 v11, v4;
	[tilespmem:s16+$0xE0] =	vst v13  }
0xcc: {  	s17 =	sadd.s32 $0x100, s17;
	v13 =	vunpack.i.u.bf16.f32 v15;
	v15 =	vunpack.i.l.bf16.f32 v15;
	v16 =	vld [tilespmem:s19+$0x70];
	[tilespmem:s14+$0x70] =	vst v8  }
0xcd: {  	v8 =	vld [tilespmem:s17+$0x40];
	[tilespmem:s16+$0xFFFFFFA0] =	vst v14;
	v14 =	vmul.f32 v15, v3;
	v13 =	vmul.f32 v13, v3  }
0xce: {  	v15 =	vld.idx.msk [tilespmem:v17+s30+$0x0], $0xffff;
	v17 =	vunpack.i.u.bf16.f32 v18;
	v18 =	vunpack.i.l.bf16.f32 v18;
	[tilespmem:s16+$0xFFFFFFE0] =	vst v11  }
0xcf: {  	v11 =	vld [tilespmem:s17+$0xFFFFFF80];
	v18 =	vmul.f32 v18, v1;
	v17 =	vmul.f32 v17, v1;
	[tilespmem:s16+$0x20] =	vst v14  }
0xd0: {  	v14 =	vld [tilespmem:s17+$0xFFFFFFC0];
	[tilespmem:s16+$0x60] =	vst v13  }
0xd1: {  	v13 =	vld [tilespmem:s17+$0x0];
	[tilespmem:s16+$0xFFFFFF20] =	vst v18;
	v18 =	vunpack.i.u.bf16.f32 v16;
	v16 =	vunpack.i.l.bf16.f32 v16  }
0xd2: {  	v19 =	vmov s20;
	[tilespmem:s16+$0xFFFFFF60] =	vst v17;
	v17 =	vld [tilespmem:s19+$0xFFFFFFF0];
	v16 =	vmul.f32 v16, v5;
	v22 =	vmul.f32 v18, v5  }
0xd3: {  	v18 =	vand.u32 $0x3C, v19;
	v19 =	vunpack.i.l.bf16.f32 v8;
	v20 =	vld [tilespmem:s19+$0x30];
	[tilespmem:s14+$0xFFFFFF30] =	vst v7  }
0xd4: {  	v8 =	vunpack.i.u.bf16.f32 v8;
	v19 =	vmul.f32 v19, v15;
	v5 =	vmovc v15;
	v7 =	vunpack.i.u.bf16.f32 v11;
	v21 =	vld [tilespmem:s19+$0xFFFFFFB0];
	[tilespmem:s16+$0xF0] =	vst v22;
	s19 =	smov.u32 s17  }
0xd5: {  	v11 =	vunpack.i.l.bf16.f32 v11;
	v8 =	vmul.f32 v8, v5;
	s16 =	sadd.s32 $0x200, s16;
	v15 =	vunpack.i.u.bf16.f32 v14;
	[tilespmem:s18+$0xB0] =	vst v16  }
0xd6: {  	v14 =	vunpack.i.l.bf16.f32 v14;
	v16 =	vunpack.i.u.bf16.f32 v13;
	v13 =	vunpack.i.l.bf16.f32 v13;
	[tilespmem:s16+$0x80] =	vst v19  }
0xd7: {  	v14 =	vmul.f32 v14, v9;
	v15 =	vmul.f32 v15, v9;
	[tilespmem:s16+$0xC0] =	vst v8;
	v8 =	vunpack.i.u.bf16.f32 v17  }
0xd8: {  	v13 =	vmul.f32 v13, v12;
	v16 =	vmul.f32 v16, v12;
	v17 =	vunpack.i.l.bf16.f32 v17;
	v19 =	vld [tilespmem:s17+$0x50];
	[tilespmem:s14+$0xFFFFFF70] =	vst v6;
	s14 =	smov.u32 s18;
	s18 =	smov.u32 s16  }
0xd9: {  	v6 =	vmul.f32 v11, v10;
	v11 =	vmul.f32 v7, v10;
	v7 =	vunpack.i.u.bf16.f32 v20;
	[tilespmem:s16+$0xFFFFFF80] =	vst v14  }
0xda: {  	s21 =	sadd.s32 $0x1, s20;
	v20 =	vunpack.i.l.bf16.f32 v20;
	v14 =	vunpack.i.u.bf16.f32 v21;
	[tilespmem:s16+$0xFFFFFFC0] =	vst v15;
	v15 =	vunpack.i.l.bf16.f32 v21  }
0xdb: {  	v21 =	vmov s21;
	s21 =	sadd.s32 $0x2, s20;
	v22 =	vld [tilespmem:s17+$0xFFFFFFD0];
	[tilespmem:s16+$0x0] =	vst v13;
	v13 =	vmul.f32 v17, v4;
	v17 =	vmul.f32 v8, v4;
	v4 =	vmovc v9  }
0xdc: {  	v23 =	vmov s21;
	v9 =	vmul.f32 v20, v3;
	v8 =	vmul.f32 v7, v3;
	v3 =	vmovc v12;
	[tilespmem:s16+$0x40] =	vst v16  }
0xdd: {  	v7 =	vmul.f32 v15, v1;
	[tilespmem:s16+$0xFFFFFF00] =	vst v6;
	v12 =	vld [tilespmem:s17+$0x10];
	v16 =	vunpack.i.l.bf16.f32 v19;
	v6 =	vmul.f32 v14, v1;
	v1 =	vmovc v10  }
0xde: {  	v10 =	vor.u32 v2, v18;
	[tilespmem:s16+$0xFFFFFF40] =	vst v11;
	v11 =	vunpack.i.u.bf16.f32 v19;
	v14 =	vmul.f32 v16, v5  }
0xdf: {  	v15 =	vand.u32 $0x3D, v21;
	v16 =	vand.u32 $0x3E, v23;
	v18 =	vld [tilespmem:s17+$0xFFFFFF90];
	v11 =	vmul.f32 v11, v5;
	[tilespmem:s14+$0xFFFFFFB0] =	vst v13  }
0xe0: {  	v10 =	vbroadcast v10, $0x0;
	v13 =	vunpack.i.u.bf16.f32 v22;
	v19 =	vunpack.i.l.bf16.f32 v22;
	[tilespmem:s16+$0x90] =	vst v14  }
0xe1: {  	v14 =	vor.u32 v2, v15;
	v15 =	vmul.f32 v19, v4;
	v19 =	vmul.f32 v13, v4;
	[tilespmem:s16+$0xD0] =	vst v11  }
0xe2: {  	v11 =	vbroadcast v14, $0x0;
	v14 =	vunpack.i.u.bf16.f32 v12;
	v12 =	vunpack.i.l.bf16.f32 v12;
	v13 =	vld [tilespmem:s17+$0x60];
	[tilespmem:s14+$0xFFFFFFF0] =	vst v17  }
.Ltmp3:
0xe3: {  	v16 =	vor.u32 v2, v16;
	[tilespmem:s16+$0xFFFFFF90] =	vst v15;
	v15 =	vmul.f32 v12, v3;
	v17 =	vmul.f32 v14, v3;
	(pc) =	sbr.rel @p1 .LBB2_9-.Ltmp3, $4  }
0xe4: {  	s21 =	sadd.s32 $0x3, s20;
	v12 =	vbroadcast v16, $0x0;
	v14 =	vunpack.i.u.bf16.f32 v18;
	v16 =	vunpack.i.l.bf16.f32 v18;
	[tilespmem:s16+$0xFFFFFFD0] =	vst v19  }
0xe5: {  	v18 =	vmov s21;
	v19 =	vmul.f32 v16, v1;
	v16 =	vmul.f32 v14, v1;
	v14 =	vld [tilespmem:s17+$0xFFFFFFE0];
	[tilespmem:s16+$0x10] =	vst v15  }
0xe6: {  	v15 =	vand.u32 $0x3F, v18;
	[tilespmem:s16+$0x50] =	vst v17  }
0xe7: {  	s20 =	sadd.s32 $0x4, s20;
	v17 =	vor.u32 v2, v15;
	[tilespmem:s16+$0xFFFFFF10] =	vst v19;
	v15 =	vld [tilespmem:s17+$0x20];
	v18 =	vunpack.i.l.bf16.f32 v13  }
0xe8: {  	[tilespmem:s16+$0xFFFFFF50] =	vst v16  }
0xe9: {  	[tilespmem:s14+$0x30] =	vst v9  }
0xea: {  	v2 =	vunpack.i.u.bf16.f32 v13;
	v43 =	vmul.f32 v18, v5;
	v44 =	vbroadcast v17, $0x0;
	[tilespmem:s14+$0x70] =	vst v8  }
0xeb: {  	[tilespmem:s14+$0xFFFFFF30] =	vst v7;
	v45 =	vld [tilespmem:s17+$0xFFFFFFA0];
	v2 =	vmul.f32 v2, v5  }
0xec: {  	s20 =	sadd.s32 $0x100, s17;
	v7 =	vld.idx.msk [tilespmem:v12+s30+$0x0], $0xffff;
	v46 =	vunpack.i.l.bf16.f32 v14;
	[tilespmem:s16+$0xA0] =	vst v43  }
0xed: {  	v59 =	vld [tilespmem:s20+$0x0];
	v47 =	vunpack.i.u.bf16.f32 v14;
	v9 =	vmul.f32 v46, v4;
	[tilespmem:s16+$0xE0] =	vst v2  }
0xee: {  	[tilespmem:s14+$0xFFFFFF70] =	vst v6;
	v2 =	vmul.f32 v47, v4;
	v48 =	vunpack.i.l.bf16.f32 v15;
	v49 =	vld [tilespmem:s19+$0x70]  }
0xef: {  	v52 =	vld [tilespmem:s20+$0x40];
	v50 =	vunpack.i.u.bf16.f32 v15;
	[tilespmem:s16+$0xFFFFFFA0] =	vst v9;
	v51 =	vmul.f32 v48, v3  }
0xf0: {  	v8 =	vmul.f32 v50, v3;
	[tilespmem:s16+$0xFFFFFFE0] =	vst v2;
	v53 =	vunpack.i.l.bf16.f32 v45;
	v16 =	vld.idx.msk [tilespmem:v44+s30+$0x0], $0xffff  }
0xf1: {  	v55 =	vld [tilespmem:s20+$0xFFFFFFC0];
	v2 =	vunpack.i.u.bf16.f32 v45;
	v15 =	vmul.f32 v53, v1;
	[tilespmem:s16+$0x20] =	vst v51  }
0xf2: {  	v20 =	vunpack.i.u.bf16.f32 v59;
	v54 =	vmul.f32 v2, v1;
	[tilespmem:s16+$0x60] =	vst v8;
	v2 =	vld.idx.msk [tilespmem:v11+s30+$0x0], $0xffff  }
0xf3: {  	v6 =	vmul.f32 v20, v7;
	[tilespmem:s16+$0xFFFFFF20] =	vst v15;
	v56 =	vunpack.i.u.bf16.f32 v49  }
0xf4: {  	s21 =	sadd.s32 $0x200, s16;
	v61 =	vunpack.i.l.bf16.f32 v52;
	[tilespmem:s16+$0xFFFFFF60] =	vst v54;
	v58 =	vmul.f32 v56, v5  }
0xf5: {  	v63 =	vld [tilespmem:s20+$0xFFFFFF80];
	v62 =	vunpack.i.u.bf16.f32 v52;
	v57 =	vunpack.i.l.bf16.f32 v49;
	[tilespmem:s21+$0x40] =	vst v6;
	v11 =	vmul.f32 v61, v16  }
0xf6: {  	v15 =	vunpack.i.l.bf16.f32 v55;
	v60 =	vmul.f32 v57, v5;
	v5 =	vld.idx.msk [tilespmem:v10+s30+$0x0], $0xffff;
	v12 =	vmul.f32 v62, v16;
	[tilespmem:s16+$0xF0] =	vst v58  }
0xf7: {  	v17 =	vld [tilespmem:s19+$0xFFFFFFF0];
	v8 =	vunpack.i.u.bf16.f32 v55;
	v10 =	vmul.f32 v15, v2;
	[tilespmem:s21+$0x80] =	vst v11  }
0xf8: {  	v8 =	vmul.f32 v8, v2;
	[tilespmem:s21+$0xC0] =	vst v12  }
0xf9: {  	v18 =	vunpack.i.l.bf16.f32 v59;
	v19 =	vld [tilespmem:s20+$0x50];
	[tilespmem:s21+$0xFFFFFF80] =	vst v10  }
0xfa: {  	v21 =	vunpack.i.l.bf16.f32 v63;
	v12 =	vmul.f32 v18, v7;
	[tilespmem:s21+$0xFFFFFFC0] =	vst v8  }
0xfb: {  	v22 =	vunpack.i.u.bf16.f32 v63;
	[tilespmem:s18+$0xB0] =	vst v60;
	v23 =	vmul.f32 v21, v5;
	v24 =	vld [tilespmem:s20+$0xFFFFFFD0]  }
0xfc: {  	v25 =	vunpack.i.l.bf16.f32 v17;
	[tilespmem:s21+$0x0] =	vst v12;
	v8 =	vmul.f32 v22, v5  }
0xfd: {  	v26 =	vmul.f32 v25, v4;
	v11 =	vunpack.i.u.bf16.f32 v17;
	v27 =	vld [tilespmem:s20+$0x10];
	[tilespmem:s21+$0xFFFFFF00] =	vst v23  }
0xfe: {  	v31 =	vmul.f32 v11, v4;
	[tilespmem:s21+$0xFFFFFF40] =	vst v8;
	v28 =	vunpack.i.l.bf16.f32 v19  }
0xff: {  	[tilespmem:s18+$0xFFFFFFB0] =	vst v26;
	v30 =	vld [tilespmem:s20+$0xFFFFFF90];
	v29 =	vunpack.i.u.bf16.f32 v19;
	v12 =	vmul.f32 v28, v16  }
0x100: {  	[tilespmem:s18+$0xFFFFFFF0] =	vst v31;
	v8 =	vmul.f32 v29, v16;
	v32 =	vunpack.i.l.bf16.f32 v24  }
0x101: {  	v33 =	vld [tilespmem:s19+$0x30];
	v10 =	vunpack.i.u.bf16.f32 v24;
	v6 =	vmul.f32 v32, v2;
	[tilespmem:s21+$0x90] =	vst v12  }
0x102: {  	v34 =	vmul.f32 v10, v2;
	v35 =	vunpack.i.l.bf16.f32 v27;
	[tilespmem:s21+$0xD0] =	vst v8  }
0x103: {  	v36 =	vunpack.i.u.bf16.f32 v27;
	v37 =	vmul.f32 v35, v7;
	v12 =	vld [tilespmem:s20+$0x60];
	[tilespmem:s21+$0xFFFFFF90] =	vst v6  }
0x104: {  	v4 =	vmul.f32 v36, v7;
	v38 =	vunpack.i.l.bf16.f32 v30;
	[tilespmem:s21+$0xFFFFFFD0] =	vst v34  }
0x105: {  	v39 =	vunpack.i.u.bf16.f32 v30;
	v9 =	vmul.f32 v38, v5;
	v40 =	vld [tilespmem:s20+$0xFFFFFFE0];
	[tilespmem:s21+$0x10] =	vst v37  }
0x106: {  	v41 =	vunpack.i.l.bf16.f32 v33;
	v8 =	vmul.f32 v39, v5;
	[tilespmem:s21+$0x50] =	vst v4  }
0x107: {  	v42 =	vmul.f32 v41, v3;
	v11 =	vunpack.i.u.bf16.f32 v33;
	v43 =	vld [tilespmem:s20+$0x20];
	[tilespmem:s21+$0xFFFFFF10] =	vst v9  }
0x108: {  	v3 =	vmul.f32 v11, v3;
	[tilespmem:s21+$0xFFFFFF50] =	vst v8;
	v44 =	vunpack.i.l.bf16.f32 v12  }
0x109: {  	[tilespmem:s18+$0x30] =	vst v42;
	v46 =	vld [tilespmem:s20+$0xFFFFFFA0];
	v45 =	vunpack.i.u.bf16.f32 v12;
	v9 =	vmul.f32 v44, v16  }
0x10a: {  	[tilespmem:s18+$0x70] =	vst v3;
	v8 =	vmul.f32 v45, v16;
	v47 =	vunpack.i.l.bf16.f32 v40  }
0x10b: {  	v48 =	vld [tilespmem:s19+$0xFFFFFFB0];
	v10 =	vunpack.i.u.bf16.f32 v40;
	v4 =	vmul.f32 v47, v2;
	[tilespmem:s21+$0xA0] =	vst v9  }
0x10c: {  	v49 =	vmul.f32 v10, v2;
	v50 =	vunpack.i.l.bf16.f32 v43;
	[tilespmem:s21+$0xE0] =	vst v8  }
0x10d: {  	v3 =	vunpack.i.u.bf16.f32 v43;
	v52 =	vmul.f32 v50, v7;
	v51 =	vld [tilespmem:s20+$0x70];
	[tilespmem:s21+$0xFFFFFFA0] =	vst v4  }
0x10e: {  	v3 =	vmul.f32 v3, v7;
	v53 =	vunpack.i.l.bf16.f32 v46;
	[tilespmem:s21+$0xFFFFFFE0] =	vst v49  }
0x10f: {  	v54 =	vunpack.i.u.bf16.f32 v46;
	v6 =	vmul.f32 v53, v5;
	[tilespmem:s21+$0x20] =	vst v52;
	v55 =	vld [tilespmem:s20+$0xFFFFFFF0]  }
0x110: {  	v56 =	vunpack.i.l.bf16.f32 v48;
	v8 =	vmul.f32 v54, v5;
	[tilespmem:s21+$0x60] =	vst v3  }
0x111: {  	v59 =	vunpack.i.u.bf16.f32 v48;
	v3 =	vmul.f32 v56, v1;
	v58 =	vld [tilespmem:s20+$0x30];
	[tilespmem:s21+$0xFFFFFF20] =	vst v6  }
0x112: {  	v1 =	vmul.f32 v59, v1;
	[tilespmem:s21+$0xFFFFFF60] =	vst v8;
	v57 =	vunpack.i.u.bf16.f32 v51  }
0x113: {  	[tilespmem:s18+$0xFFFFFF30] =	vst v3;
	v3 =	vld [tilespmem:s20+$0xFFFFFFB0];
	v11 =	vunpack.i.l.bf16.f32 v51;
	v6 =	vmul.f32 v57, v16  }
0x114: {  	[tilespmem:s18+$0xFFFFFF70] =	vst v1;
	v60 =	vmul.f32 v11, v16;
	v61 =	vunpack.i.l.bf16.f32 v55  }
0x115: {  	v4 =	vunpack.i.u.bf16.f32 v55;
	[tilespmem:s21+$0xF0] =	vst v6;
	v6 =	vmul.f32 v61, v2  }
0x116: {  	v1 =	vunpack.i.l.bf16.f32 v58;
	[tilespmem:s21+$0xB0] =	vst v60;
	v2 =	vmul.f32 v4, v2  }
0x117: {  	v62 =	vunpack.i.u.bf16.f32 v58;
	v1 =	vmul.f32 v1, v7;
	[tilespmem:s21+$0xFFFFFFB0] =	vst v6  }
0x118: {  	p1 =	sne.s32 s12, s8;
	v4 =	vmul.f32 v62, v7;
	v63 =	vunpack.i.l.bf16.f32 v3;
	[tilespmem:s21+$0xFFFFFFF0] =	vst v2  }
.Ltmp4:
0x119: {  	v2 =	vunpack.i.u.bf16.f32 v3;
	v3 =	vmul.f32 v63, v5;
	[tilespmem:s21+$0x30] =	vst v1;
	(pc) =	sbr.rel @p1 .LBB2_4-.Ltmp4, $4  }
0x11a: {  	[tilespmem:s21+$0x70] =	vst v4;
	v1 =	vmul.f32 v2, v5  }
0x11b: {  	[tilespmem:s21+$0xFFFFFF30] =	vst v3  }
0x11c: {  	s13 =	sor.u32 $0x400, s13;
	p0 =	por !p0, !p0;
	[tilespmem:s21+$0xFFFFFF70] =	vst v1  }
0x11d: {  	[spmem:s3] =	stream.indirect.scatter.add.f32 [tilespmem:s15], [sflag:$0x2], $0x80, s13, s31, $0xb8;
	[tilespmem:$0x1A400] =	vst v63  }
0x11e: {  	_ =	swait.ge [sflag:s1], $0x2000;
	s12 =	stileid.u32  }
0x11f: {  	s13 =	sshrl.u32 s10, $0x3;
	s11 =	sadd.s32 $0x1, s11;
	[sflag:s1] =	ssyncset.done $0x0  }
0x120: {  	s12 =	sshll.u32 s12, $0x6;
	p0 =	sne.s32 s11, s25;
	[sflag:s1] =	ssyncadd.s32 $0xFFFFE000  }
.Ltmp5:
0x121: {  	s12 =	sor.u32 $0x1C03, s12;
	[bflag:$0x0] =	sbarrier.arrive $0xFFFF;
	(pc) =	sbr.rel @p0 .LBB2_1-.Ltmp5, $4  }
0x122: {  	[hbm:s24], [sflag:s12] =	dma.local [spmem:s13], $0x2780  }
0x123: {  	_ =	swait.ge [sflag:s28], $0x2780  }
0x124: {  	[sflag:s28] =	ssyncset.done $0x0  }
0x125: {  	[sflag:s28] =	ssyncadd.s32 $0xFFFFD880  }
0x126: {  	_ =	sfence.sel $0x180000  }
0x127: {  	[bflag:$0x0] =	sbarrier.arrive $0xFFFF  }
0x128: {  	_ =	strace $0x9000004D  }
0x129: {  	s0 =	stileid.u32;
	[bflag:$0x2] =	sbarrier.arrive $0xFFFF  }
0x12a: {  	p0 =	sne.s32 s0, $0x0;
	s0 =	rddreg [dreg:$0x3]  }
0x12b: {  	s0 =	sadd.s32 @!p0 $0x100000, s0  }
0x12c: {  	[sflag:s0] =	ssyncadd.tile.s32 @!p0 $0x1;
	_ =	shalt  }
.Lfunc_end2:
_tile_overlayer_lowered:
.L_overlay_start_2:
0x12d: {  	(tag) =	ssettag $0x2  }
0x12e: {  	s0 =	rddreg [dreg:$0x0];
	s2 =	stileid.u32  }
0x12f: {  	s1 =	rddreg [dreg:$0x1];
	p0 =	sne.s32 s2, $0x0  }
0x130: {  	s3 =	rddreg [dreg:$0x2];
	[bflag:$0x3] =	sbarrier.arrive $0xFFFF;
	s2 =	simm.s32 @!p0 $0x1C03  }
0x131: {  	[timem:s3], [sflag:s2] =	dma.local @!p0 [hbm:s0], s1  }
0x132: {  	s0 =	simm.s32 @!p0 $0x3  }
0x133: {  	_ =	swait.ge @!p0 [sflag:s0], s1  }
0x134: {  	s1 =	ssub.s32 @!p0 $0x0, s1;
	[sflag:s0] =	ssyncset.done @!p0 $0x0  }
0x135: {  	[sflag:s0] =	ssyncadd.s32 @!p0 s1  }
0x136: {  	[bflag:$0x3] =	sbarrier.arrive $0xFFFF  }
0x137: {  	_ =	shalt  }

// kernel: kernel.19.cloned.1.call-start
scs
__scs_entry_jumppad:
0x0: {  	(pc) =	sbr.rel $0x88, $3  }
0x1: {  	(tag) =	ssettag $0x0;
	lr =	simm.s32 $0x1  }
0x2: {  	[smem:$0x3F9A] =	sst lr;
	_ =	strace $0xD0000000  }
0x3: {  	_ = 	snop  }
0x4: {  	_ = 	snop  }
0x5: {  	_ = 	snop  }
0x6: {  	_ = 	snop  }
0x7: {  	_ = 	snop  }
__scs_overlays_trampoline_lowered:
0x8: {  	[smem:$0x3FA9] =	sst s0  }
0x9: {  	[smem:$0x3FAA] =	sst s1  }
0xa: {  	[smem:$0x3FAB] =	sst s2  }
0xb: {  	[smem:$0x3FAC] =	sst s3  }
0xc: {  	[smem:$0x3FAD] =	sst s4  }
0xd: {  	[smem:$0x3FAE] =	sst s5  }
0xe: {  	[smem:$0x3FAF] =	sst s6  }
0xf: {  	[smem:$0x3FB0] =	sst s7  }
0x10: {  	[smem:$0x3FB1] =	sst s8  }
0x11: {  	[smem:$0x3FB2] =	sst s9;
	s0 =	simm.s32 @!p0 $0x0  }
0x12: {  	s1 =	sld [smem:$0x3F98];
	s0 =	simm.s32 @p0 $0x1  }
0x13: {  	[smem:$0x3FB3] =	sst s0;
	s0 =	simm.s32 @!p1 $0x0  }
0x14: {  	s2 =	sld [smem:$0x3F97];
	s0 =	simm.s32 @p1 $0x1  }
0x15: {  	[smem:$0x3FB4] =	sst s0;
	s0 =	simm.s32 @!p2 $0x0  }
0x16: {  	s3 =	sld [smem:$0x3FDB];
	s0 =	simm.s32 @p2 $0x1  }
0x17: {  	s4 =	simm.s32 $0x1BF5;
	[smem:$0x3FB6] =	sst s0  }
0x18: {  	s0 =	sld [smem:$0x3F99];
	_ =	swait.ge [sflag:s4], $0x0  }
0x19: {  	s7 =	sld [smem:$0x3F9A]  }
0x1a: {  	s8 =	sadd.s32 $0xFFFFE003, lr  }
0x1b: {  	s9 =	sadd.s32 $0xFFFFFEF7, lr;
	s5 =	simm.s32 $0xFFFFFFFF;
	p2 =	slt.u32 s8, $0xFFFFF086  }
0x1c: {  	p1 =	slt.u32 s9, $0xF7A;
	s5 =	simm.s32 @!p2 $0x0  }
0x1d: {  	s5 =	simm.s32 @p1 $0x1;
	p0 =	seq.s32 s7, s2  }
0x1e: {  	s7 =	smul.u32 @!p0 $0xF7A, s2;
	p2 =	seq.s32 @!p0 s5, $0x0  }
0x1f: {  	s9 =	smul.u32 $0xF7A, s1;
	s8 =	simm.s32 @!p0 $0x1BF5;
	p2 =	por !p2, p0  }
0x20: {  	[sflag:s8] =	ssyncset.s32 @!p0 $0xFFFFF086;
	s6 =	sadd.s32 @!p0 s3, s7;
	s7 =	simm.s32 @!p0 $0x108  }
0x21: {  	s3 =	sadd.s32 s3, s9;
	s6 =	sadd.s32 @!p0 $0x88, s6;
	s7 =	simm.s32 @p2 $0x1082  }
0x22: {  	[simem:s7], [sflag:s8] =	dma.local @!p0 [hbm:s6], $0xF7A  }
0x23: {  	s9 =	sor.u32 $0xD0000000, s2;
	s6 =	simm.s32 $0x108;
	_ =	swait.ge @!p0 [sflag:s8], $0x0  }
0x24: {  	s3 =	sadd.s32 $0x88, s3;
	s6 =	simm.s32 @!p1 $0x1082;
	[sflag:s4] =	ssyncset.s32 $0xFFFFF086  }
0x25: {  	[simem:s6], [sflag:s4] =	dma.local [hbm:s3], $0xF7A  }
0x26: {  	[smem:$0x3F9A] =	sst s1;
	(tag) =	ssettag s2;
	_ =	strace s9  }
0x27: {  	s1 =	sld [smem:$0x3FAA]  }
0x28: {  	s2 =	sld [smem:$0x3FAB]  }
0x29: {  	s4 =	sld [smem:$0x3FAD]  }
0x2a: {  	p0 =	seq.s32 s5, $0x0;
	s5 =	sld [smem:$0x3FAE]  }
0x2b: {  	s6 =	sld [smem:$0x3FAF]  }
0x2c: {  	s7 =	sld [smem:$0x3FB0]  }
0x2d: {  	s3 =	simm.s32 $0x108;
	s8 =	sld [smem:$0x3FB1]  }
0x2e: {  	s3 =	simm.s32 @!p0 $0x1082;
	s9 =	sld [smem:$0x3FB2]  }
0x2f: {  	lr =	sadd.s32 s0, s3;
	s0 =	sld [smem:$0x3FA9]  }
0x30: {  	s3 =	sld [smem:$0x3FAC]  }
0x31: {  	[smem:$0x3FB5] =	sst s10  }
0x32: {  	s10 =	sld [smem:$0x3FB3];
	_ =	sdelay $0x3  }
0x33: {  	p0 =	seq.s32 s10, $0x1;
	s10 =	sld [smem:$0x3FB5];
	_ =	sdelay $0x3  }
0x34: {  	[smem:$0x3FB5] =	sst s10  }
0x35: {  	s10 =	sld [smem:$0x3FB4];
	_ =	sdelay $0x3  }
0x36: {  	p1 =	seq.s32 s10, $0x1;
	s10 =	sld [smem:$0x3FB5];
	_ =	sdelay $0x3  }
0x37: {  	[smem:$0x3FB5] =	sst s10  }
0x38: {  	s10 =	sld [smem:$0x3FB6]  }
0x39: {  	_ = 	snop;
	(pc) =	sbr.ind lr, $3  }
0x3a: {  	_ = 	snop  }
0x3b: {  	_ = 	snop  }
0x3c: {  	p2 =	seq.s32 s10, $0x1;
	s10 =	sld [smem:$0x3FB5]  }
0x3d: {  	_ =	shalt  }
0x3e: {  	_ =	shalt  }
0x3f: {  	_ =	shalt  }
0x40: {  	_ =	shalt  }
0x41: {  	_ =	shalt  }
0x42: {  	_ =	shalt  }
0x43: {  	_ =	shalt  }
0x44: {  	_ =	shalt  }
0x45: {  	_ =	shalt  }
0x46: {  	_ =	shalt  }
0x47: {  	_ =	shalt  }
0x48: {  	_ =	shalt  }
0x49: {  	_ =	shalt  }
0x4a: {  	_ =	shalt  }
0x4b: {  	_ =	shalt  }
0x4c: {  	_ =	shalt  }
0x4d: {  	_ =	shalt  }
0x4e: {  	_ =	shalt  }
0x4f: {  	_ =	shalt  }
0x50: {  	_ =	shalt  }
0x51: {  	_ =	shalt  }
0x52: {  	_ =	shalt  }
0x53: {  	_ =	shalt  }
0x54: {  	_ =	shalt  }
0x55: {  	_ =	shalt  }
0x56: {  	_ =	shalt  }
0x57: {  	_ =	shalt  }
0x58: {  	_ =	shalt  }
0x59: {  	_ =	shalt  }
0x5a: {  	_ =	shalt  }
0x5b: {  	_ =	shalt  }
0x5c: {  	_ =	shalt  }
0x5d: {  	_ =	shalt  }
0x5e: {  	_ =	shalt  }
0x5f: {  	_ =	shalt  }
0x60: {  	_ =	shalt  }
0x61: {  	_ =	shalt  }
0x62: {  	_ =	shalt  }
0x63: {  	_ =	shalt  }
0x64: {  	_ =	shalt  }
0x65: {  	_ =	shalt  }
0x66: {  	_ =	shalt  }
0x67: {  	_ =	shalt  }
0x68: {  	_ =	shalt  }
0x69: {  	_ =	shalt  }
0x6a: {  	_ =	shalt  }
0x6b: {  	_ =	shalt  }
0x6c: {  	_ =	shalt  }
0x6d: {  	_ =	shalt  }
0x6e: {  	_ =	shalt  }
0x6f: {  	_ =	shalt  }
0x70: {  	_ =	shalt  }
0x71: {  	_ =	shalt  }
0x72: {  	_ =	shalt  }
0x73: {  	_ =	shalt  }
0x74: {  	_ =	shalt  }
0x75: {  	_ =	shalt  }
0x76: {  	_ =	shalt  }
0x77: {  	_ =	shalt  }
0x78: {  	_ =	shalt  }
0x79: {  	_ =	shalt  }
0x7a: {  	_ =	shalt  }
0x7b: {  	_ =	shalt  }
0x7c: {  	_ =	shalt  }
0x7d: {  	_ =	shalt  }
0x7e: {  	_ =	shalt  }
0x7f: {  	_ =	shalt  }
0x80: {  	_ =	shalt  }
0x81: {  	_ =	shalt  }
0x82: {  	_ =	shalt  }
0x83: {  	_ =	shalt  }
0x84: {  	_ =	shalt  }
0x85: {  	_ =	shalt  }
0x86: {  	_ =	shalt  }
0x87: {  	_ =	shalt  }
.Lfunc_end0:
.L_simem_size_0:
called_computation.3_lowered:
.L_overlay_start_0:
0x88: {  	s2 =	sld [smem:$0x3FD9]  }
0x89: {  	s3 =	sld [smem:$0x3FFE];
	_ =	sdelay $0x1  }
0x8a: {  	s1 =	srdreg.scid  }
0x8b: {  	s0 =	sand.u32 $0x1, s1  }
0x8c: {  	s17 =	sshll.u32 s0, $0xA;
	s2 =	sadd.s32 s3, s2  }
0x8d: {  	s2 =	sadd.s32 s2, s17  }
0x8e: {  	[smem:$0x3FC1] =	sst s2  }
0x8f: {  	_ = 	snop  }
0x90: {  	s2 =	sld [smem:$0x3FD0];
	(tm) =	ssettm $0x1  }
0x91: {  	s18 =	sld [smem:$0x3FFB];
	_ =	sdelay $0x3  }
0x92: {  	_ =	strace s18  }
0x93: {  	s3 =	sld [smem:$0x3FFC];
	_ =	sdelay $0x3  }
0x94: {  	_ =	strace s3  }
0x95: {  	s3 =	sld [smem:$0x3FFD];
	_ =	sdelay $0x3  }
0x96: {  	_ =	strace s3  }
0x97: {  	_ =	strace $0x8FFFFFFF  }
0x98: {  	s19 =	sld [smem:$0x3FDB];
	_ =	sdelay $0x1  }
0x99: {  	s4 =	simm.s32 $_scs_section_size  }
0x9a: {  	s5 =	simm.s32 $_size__tile_overlayer_lowered;
	s6 =	simm.s32 $_tile_overlayer_lowered  }
0x9b: {  	s22 =	simm.s32 $0x1BFF;
	s21 =	sshll.u32 s6, $0x1;
	s3 =	sadd.s32 s4, s19  }
0x9c: {  	s7 =	simm.s32 $0x0;
	s20 =	sshll.u32 s5, $0x1;
	s5 =	sadd.s32 s21, s3  }
0x9d: {  	[timem:s7], [sflag:s22] =	dma.local [hbm:s5], s20  }
0x9e: {  	_ =	swait.ge [sflag:s22], s20  }
0x9f: {  	s4 =	ssub.s32 $0x0, s20;
	[sflag:s22] =	ssyncset.done $0x0  }
0xa0: {  	[sflag:s22] =	ssyncadd.s32 s4;
	_ =	sdelay $0x1  }
0xa1: {  	s23 =	simm.s32 $0x1B8B  }
0xa2: {  	_ =	swait.ge [sflag:s23], $0x1  }
0xa3: {  	[sflag:s23] =	ssyncset.done $0x0  }
0xa4: {  	s25 =	simm.s32 $0x1B8E;
	s24 =	sld [smem:$0x3FFE];
	[sflag:s23] =	ssyncadd.s32 $0xFFFFFFFF  }
0xa5: {  	s26 =	simm.s32 $execute0_lowered;
	[smem:$0x3FD2] =	sst s25  }
0xa6: {  	s5 =	sshll.u32 s26, $0x1;
	_ =	strace $0x8000004F;
	[dreg:$0x1] =	wrdreg $0xFFFFFFFF  }
0xa7: {  	s28 =	simm.s32 $_size_execute0_lowered;
	s3 =	sadd.s32 s3, s5;
	[dreg:$0x0] =	wrdreg $0x0  }
0xa8: {  	s5 =	sshll.u32 s28, $0x1;
	[dreg:$0x2] =	wrdreg s3  }
0xa9: {  	[dreg:$0x3] =	wrdreg s5  }
0xaa: {  	[dreg:$0x4] =	wrdreg $0xC0  }
0xab: {  	_ =	task [dreg:s7], $0x5FFFF  }
0xac: {  	[dreg:$0x1] =	wrdreg $0xFFFFFFFF  }
0xad: {  	[dreg:$0x0] =	wrdreg $0x60  }
0xae: {  	[dreg:$0x2] =	wrdreg s24  }
0xaf: {  	[dreg:$0x3] =	wrdreg s2  }
0xb0: {  	[dreg:$0x4] =	wrdreg $0x68000  }
0xb1: {  	[dreg:$0x5] =	wrdreg $0x9  }
0xb2: {  	_ =	task.clear_ibuf [dreg:s7], $0x6FFFF;
	_ =	strace $0x9000004F  }
0xb3: {  	s29 =	simm.s32 $0x9;
	_ =	strace $0x80000051  }
0xb4: {  	_ =	swait.ge [sflag:s29], $0x1  }
0xb5: {  	[sflag:s29] =	ssyncadd.s32 $0xFFFFFFFF  }
0xb6: {  	_ =	strace $0x90000051  }
0xb7: {  	_ =	sfence  }
0xb8: {  	s30 =	sld [smem:$0x0];
	_ =	sdelay $0x2  }
0xb9: {  	s31 =	sshll.u32 s1, $0xD;
	s1 =	sshrl.u32 s1, $0x2  }
0xba: {  	s3 =	sand.u32 $0x4000, s31;
	s1 =	sadd.s32 s1, s30  }
0xbb: {  	s0 =	sor.u32 s3, s0;
	s1 =	sshll.u32 s1, $0x11  }
0xbc: {  	s0 =	sor.u32 s1, s0  }
0xbd: {  	s0 =	sadd.s32 $0x8F2B, s0  }
0xbe: {  	[sflag:s0] =	ssyncadd.remote.s32 $0x1  }
0xbf: {  	_ =	sfence.sel $0xFFFF  }
0xc0: {  	[dreg:$0x0] =	wrdreg $0xFFFFFFFF;
	(pc) =	sbr.abs _section_cstart, $3  }
0xc1: {  	[dreg:$0x1] =	wrdreg $0xFFFFFFFF  }
0xc2: {  	_ =	task.clear_ibuf [dreg:s7], $0x2FFFF;
	_ =	strace $0x9FFFFFFF  }
0xc3: {  	(tm) =	ssettm $0x7FFFFFFF  }
tec
execute0_lowered:
.L_overlay_start_1:
0x0: {  	(tag) =	ssettag $0x1  }
0x1: {  	s0 =	rddreg [dreg:$0x0]  }
0x2: {  	s2 =	rddreg [dreg:$0x1]  }
0x3: {  	s3 =	rddreg [dreg:$0x2]  }
0x4: {  	s1 =	srdreg.scid;
	s13 =	stileid.u32;
	s4 =	simm.s32 $0x0  }
0x5: {  	s28 =	simm.s32 $0x3;
	s29 =	simm.s32 $0x400;
	s10 =	smul.u32 $0x13C00, s13  }
0x6: {  	s30 =	simm.s32 $0x600;
	s31 =	simm.s32 $0x40;
	s11 =	smul.u32 $0x4F000, s13  }
0x7: {  	s1 =	sand.u32 $0x1, s1;
	[smem:$0x7FF] =	sst s4;
	s15 =	smul.u32 $0x68, s13  }
0x8: {  	s5 =	sadd.s32 $0x15B000, s0;
	s6 =	sadd.s32 $0x18800, s0;
	s13 =	smul.u32 $0xD8, s13  }
0x9: {  	s7 =	smul.u32 $0x13C000, s1;
	_ =	strace $0x80000050;
	s11 =	sshrl.u32 s11, $0x2  }
0xa: {  	s9 =	ssub.s32 $0x2, s1;
	p0 =	seq.s32 s1, $0x0;
	s16 =	sadd.s32 s11, s3  }
0xb: {  	s14 =	sshrl.u32 s9, $0x1;
	s8 =	sadd.s32 s10, s7;
	s11 =	sadd.s32 $0x2000, s16  }
0xc: {  	s7 =	sadd.s32 $0xE800, s0;
	s17 =	sadd.s32 $0x4000, s16;
	[dreg:$0x4] =	wrdreg s11  }
0xd: {  	s12 =	ssub.s32 s9, s14;
	s18 =	sadd.s32 $0x6000, s16;
	[dreg:$0x5] =	wrdreg s17  }
0xe: {  	s9 =	sadd.s32 $0xD80, s15;
	s19 =	sadd.s32 $0x8000, s16;
	[dreg:$0x6] =	wrdreg s18  }
0xf: {  	s10 =	sadd.s32 s10, s3;
	s20 =	sadd.s32 $0xA000, s16;
	[dreg:$0x7] =	wrdreg s19  }
0x10: {  	s8 =	sshrl.u32 s8, $0x3;
	s21 =	sadd.s32 $0xC000, s16;
	[dreg:$0x8] =	wrdreg s20  }
0x11: {  	s9 =	smov.u32 @p0 s13;
	s22 =	sadd.s32 $0xE000, s16;
	[dreg:$0x9] =	wrdreg s21  }
0x12: {  	s23 =	sadd.s32 $0x10000, s16;
	s1 =	sadd.s32 $0x12000, s16;
	[dreg:$0xa] =	wrdreg s22  }
0x13: {  	s0 =	sadd.s32 s8, s0;
	s8 =	simm.s32 $0xD8;
	[dreg:$0xb] =	wrdreg s23  }
0x14: {  	[dreg:$0xc] =	wrdreg s1;
	s24 =	sshll.u32 s9, $0x3;
	s1 =	simm.s32 $0x2  }
0x15: {  	s11 =	simm.s32 $0x0;
	s8 =	simm.s32 @!p0 $0x68;
	s25 =	sadd.s32 s2, s24  }
0x16: {  	s26 =	sadd.s32 s6, s24;
	s22 =	sadd.s32 s7, s24;
	[dreg:$0xd] =	wrdreg s25  }
0x17: {  	s24 =	sadd.s32 $0x22800, s0;
	s0 =	simm.s32 $0x1;
	[dreg:$0xe] =	wrdreg s26  }
0x18: {  	v0 =	vimm.f32 $0.0e+00;
	s23 =	sadd.s32 $0xFFFFFFF8, s8;
	s25 =	smax.u32 s12, $0x1;
	s26 =	simm.s32 $0x2800  }
.LBB2_1:
0x19: {  	s12 =	simm.s32 $0x0;
	s13 =	simm.s32 $0x200  }
.LBB2_2:
0x1a: {  	p0 =	sne.s32 s13, $0x7E00;
	[tilespmem:s12+$0x2870] =	vst v0  }
0x1b: {  	[tilespmem:s12+$0x2800] =	vst v0  }
0x1c: {  	[tilespmem:s12+$0x2810] =	vst v0  }
.Ltmp0:
0x1d: {  	[tilespmem:s12+$0x2820] =	vst v0;
	(pc) =	sbr.rel @p0 .LBB2_2-.Ltmp0, $4  }
0x1e: {  	[tilespmem:s12+$0x2830] =	vst v0  }
0x1f: {  	[tilespmem:s12+$0x2840] =	vst v0  }
0x20: {  	[tilespmem:s12+$0x2850] =	vst v0  }
0x21: {  	[tilespmem:s12+$0x2860] =	vst v0;
	s12 =	sshra.s32 s13, $0x2;
	s13 =	sadd.s32 $0x200, s13  }
0x22: {  	[tilespmem:s12+$0x2870] =	vst v0  }
0x23: {  	[tilespmem:s12+$0x2800] =	vst v0  }
0x24: {  	[tilespmem:s12+$0x2810] =	vst v0  }
0x25: {  	[tilespmem:s12+$0x2820] =	vst v0  }
0x26: {  	[tilespmem:s12+$0x2830] =	vst v0  }
0x27: {  	[tilespmem:s12+$0x2840] =	vst v0  }
0x28: {  	[tilespmem:s12+$0x2850] =	vst v0  }
0x29: {  	[tilespmem:s12+$0x2860] =	vst v0  }
0x2a: {  	[spmem:s10] =	stream.linear.scatter [tilespmem:s26], [sflag:$0x3], $0x2000, $0x38;
	[tilespmem:$0x1A400] =	vst v63  }
0x2b: {  	_ =	swait.ge [sflag:s28], $0x2000  }
0x2c: {  	[sflag:s28] =	ssyncset.done $0x0  }
0x2d: {  	s20 =	rddreg [dreg:$0x4];
	[sflag:s28] =	ssyncadd.s32 $0xFFFFE000  }
0x2e: {  	[spmem:s20] =	stream.linear.scatter [tilespmem:s26], [sflag:$0x3], $0x2000, $0x38;
	[tilespmem:$0x1A400] =	vst v63  }
0x2f: {  	_ =	swait.ge [sflag:s28], $0x2000  }
0x30: {  	[sflag:s28] =	ssyncset.done $0x0  }
0x31: {  	s21 =	rddreg [dreg:$0x5];
	[sflag:s28] =	ssyncadd.s32 $0xFFFFE000  }
0x32: {  	[spmem:s21] =	stream.linear.scatter [tilespmem:s26], [sflag:$0x3], $0x2000, $0x38;
	[tilespmem:$0x1A400] =	vst v63  }
0x33: {  	_ =	swait.ge [sflag:s28], $0x2000  }
0x34: {  	[sflag:s28] =	ssyncset.done $0x0  }
0x35: {  	s13 =	rddreg [dreg:$0x6];
	[sflag:s28] =	ssyncadd.s32 $0xFFFFE000  }
0x36: {  	[spmem:s13] =	stream.linear.scatter [tilespmem:s26], [sflag:$0x3], $0x2000, $0x38;
	[tilespmem:$0x1A400] =	vst v63  }
0x37: {  	_ =	swait.ge [sflag:s28], $0x2000  }
0x38: {  	[sflag:s28] =	ssyncset.done $0x0  }
0x39: {  	s14 =	rddreg [dreg:$0x7];
	[sflag:s28] =	ssyncadd.s32 $0xFFFFE000  }
0x3a: {  	[spmem:s14] =	stream.linear.scatter [tilespmem:s26], [sflag:$0x3], $0x2000, $0x38;
	[tilespmem:$0x1A400] =	vst v63  }
0x3b: {  	_ =	swait.ge [sflag:s28], $0x2000  }
0x3c: {  	[sflag:s28] =	ssyncset.done $0x0  }
0x3d: {  	s15 =	rddreg [dreg:$0x8];
	[sflag:s28] =	ssyncadd.s32 $0xFFFFE000  }
0x3e: {  	[spmem:s15] =	stream.linear.scatter [tilespmem:s26], [sflag:$0x3], $0x2000, $0x38;
	[tilespmem:$0x1A400] =	vst v63  }
0x3f: {  	_ =	swait.ge [sflag:s28], $0x2000  }
0x40: {  	[sflag:s28] =	ssyncset.done $0x0  }
0x41: {  	s16 =	rddreg [dreg:$0x9];
	[sflag:s28] =	ssyncadd.s32 $0xFFFFE000  }
0x42: {  	[spmem:s16] =	stream.linear.scatter [tilespmem:s26], [sflag:$0x3], $0x2000, $0x38;
	[tilespmem:$0x1A400] =	vst v63  }
0x43: {  	_ =	swait.ge [sflag:s28], $0x2000  }
0x44: {  	[sflag:s28] =	ssyncset.done $0x0  }
0x45: {  	s17 =	rddreg [dreg:$0xa];
	[sflag:s28] =	ssyncadd.s32 $0xFFFFE000  }
0x46: {  	[spmem:s17] =	stream.linear.scatter [tilespmem:s26], [sflag:$0x3], $0x2000, $0x38;
	[tilespmem:$0x1A400] =	vst v63  }
0x47: {  	_ =	swait.ge [sflag:s28], $0x2000  }
0x48: {  	[sflag:s28] =	ssyncset.done $0x0  }
0x49: {  	s18 =	rddreg [dreg:$0xb];
	[sflag:s28] =	ssyncadd.s32 $0xFFFFE000  }
0x4a: {  	[spmem:s18] =	stream.linear.scatter [tilespmem:s26], [sflag:$0x3], $0x2000, $0x38;
	[tilespmem:$0x1A400] =	vst v63  }
0x4b: {  	_ =	swait.ge [sflag:s28], $0x2000  }
0x4c: {  	[sflag:s28] =	ssyncset.done $0x0  }
0x4d: {  	s19 =	rddreg [dreg:$0xc];
	[sflag:s28] =	ssyncadd.s32 $0xFFFFE000  }
0x4e: {  	[spmem:s19] =	stream.linear.scatter [tilespmem:s26], [sflag:$0x3], $0x1C00, $0x38;
	[tilespmem:$0x1A400] =	vst v63  }
0x4f: {  	_ =	swait.ge [sflag:s28], $0x1C00  }
0x50: {  	[sflag:s28] =	ssyncset.done $0x0  }
0x51: {  	[sflag:s28] =	ssyncadd.s32 $0xFFFFE400  }
0x52: {  	[bflag:$0x0] =	sbarrier.arrive $0xFFFF  }
0x53: {  	s12 =	simm.s32 $0x0;
	s13 =	rddreg [dreg:$0xd]  }
0x54: {  	[tilespmem:s12], [sflag:$0x3] =	stream.linear.gather [hbm4b:s13+s12], $0x200, $0x38;
	[tilespmem:$0x1A400] =	vst v63  }
0x55: {  	_ =	swait.ge [sflag:s28], $0x200  }
0x56: {  	[sflag:s28] =	ssyncset.done $0x0  }
0x57: {  	s20 =	rddreg [dreg:$0xe];
	[sflag:s28] =	ssyncadd.s32 $0xFFFFFE00  }
0x58: {  	[tilespmem:s29], [sflag:$0x3] =	stream.linear.gather [hbm4b:s20+s12], $0x200, $0x38;
	[tilespmem:$0x1A400] =	vst v63  }
0x59: {  	_ =	swait.ge [sflag:s28], $0x200  }
0x5a: {  	[sflag:s28] =	ssyncset.done $0x0  }
0x5b: {  	[sflag:s28] =	ssyncadd.s32 $0xFFFFFE00  }
0x5c: {  	[tilespmem:s30], [sflag:$0x3] =	stream.linear.gather [hbm4b:s22+s12], $0x200, $0x38;
	[tilespmem:$0x1A400] =	vst v63  }
0x5d: {  	_ =	swait.ge [sflag:s28], $0x200  }
0x5e: {  	[sflag:s28] =	ssyncset.done $0x0  }
0x5f: {  	p0 =	por $0x0, $0x0;
	s21 =	simm.s32 $0x800;
	[sflag:s28] =	ssyncadd.s32 $0xFFFFFE00  }
0x60: {  	[tilespmem:s21], [sflag:$0x1] =	stream.indirect.gather [hbm4b:s5+s31], $0x40, s12, s31, $0xb8;
	[tilespmem:$0x1A400] =	vst v63  }
.LBB2_4:
0x61: {  	p1 =	seq.s32 s12, $0x0  }
.Ltmp1:
0x62: {  	_ = 	snop;
	(pc) =	sbr.rel @p1 .LBB2_7-.Ltmp1, $4  }
0x63: {  	_ = 	snop  }
0x64: {  	_ =	swait.ge [sflag:s0], $0x1000  }
0x65: {  	[sflag:s0] =	ssyncset.done $0x0  }
0x66: {  	s13 =	sand.u32 $0x7, s12;
	[sflag:s0] =	ssyncadd.s32 $0xFFFFF000  }
0x67: {  	p1 =	sne.s32 s13, $0x0  }
.Ltmp2:
0x68: {  	_ = 	snop;
	(pc) =	sbr.rel @p1 .LBB2_8-.Ltmp2, $4  }
0x69: {  	_ = 	snop  }
0x6a: {  	_ =	swait.ge [sflag:s1], $0x2000  }
0x6b: {  	[sflag:s1] =	ssyncset.done $0x0  }
0x6c: {  	[sflag:s1] =	ssyncadd.s32 $0xFFFFE000  }
0x6d: {  	s14 =	sand.u32 $0x3FFFFF8, s12  }
0x6e: {  	s14 =	sadd.s32 s9, s14  }
0x6f: {  	s14 =	sshll.u32 s14, $0x3  }
0x70: {  	s14 =	sand.u32 $0x1FFFFFC0, s14  }
0x71: {  	s15 =	sadd.s32 s6, s14  }
0x72: {  	[tilespmem:s29], [sflag:$0x3] =	stream.linear.gather [hbm4b:s15+s4], $0x200, $0x38;
	[tilespmem:$0x1A400] =	vst v63  }
0x73: {  	_ =	swait.ge [sflag:s28], $0x200  }
0x74: {  	[sflag:s28] =	ssyncset.done $0x0  }
0x75: {  	s14 =	sadd.s32 s7, s14;
	[sflag:s28] =	ssyncadd.s32 $0xFFFFFE00  }
0x76: {  	[tilespmem:s30], [sflag:$0x3] =	stream.linear.gather [hbm4b:s14+s4], $0x200, $0x38;
	[tilespmem:$0x1A400] =	vst v63  }
0x77: {  	_ =	swait.ge [sflag:s28], $0x200  }
0x78: {  	[sflag:s28] =	ssyncset.done $0x0  }
0x79: {  	[sflag:s28] =	ssyncadd.s32 $0xFFFFFE00  }
.LBB2_7:
0x7a: {  	p1 =	sge.u32 s12, s23  }
0x7b: {  	s14 =	sadd.s32 @!p1 s9, s12  }
0x7c: {  	s14 =	sshll.u32 @!p1 s14, $0x3  }
0x7d: {  	s15 =	sxor.u32 @!p1 $0xFFFFFFFF, s12;
	s14 =	sand.u32 @!p1 $0x1FFFFFF8, s14  }
0x7e: {  	s15 =	sshll.u32 @!p1 s15, $0x6;
	s14 =	sadd.s32 @!p1 s2, s14  }
0x7f: {  	s16 =	simm.s32 @!p1 $0x0;
	s15 =	sand.u32 @!p1 $0x200, s15;
	s14 =	sadd.s32 @!p1 $0x40, s14  }
0x80: {  	[tilespmem:s15], [sflag:$0x3] =	stream.linear.gather @!p1 [hbm4b:s14+s16], $0x200, $0x38;
	[tilespmem:$0x1A400] =	vst v63  }
0x81: {  	s14 =	simm.s32 @!p1 $0x3  }
0x82: {  	_ =	swait.ge @!p1 [sflag:s14], $0x200  }
0x83: {  	[sflag:s14] =	ssyncset.done @!p1 $0x0  }
0x84: {  	[sflag:s14] =	ssyncadd.s32 @!p1 $0xFFFFFE00  }
.LBB2_8:
0x85: {  	s14 =	simm.s32 $0x3  }
0x86: {  	s13 =	sshll.u32 s13, $0x6;
	v1 =	vmov s14  }
0x87: {  	s15 =	sand.u32 $0x1, s12;
	v2 =	vmov s13;
	v1 =	vand.u32 $0x3F, v1  }
0x88: {  	s12 =	sadd.s32 $0x1, s12;
	s17 =	simm.s32 $0x1;
	s20 =	simm.s32 $0x2;
	v1 =	vor.u32 v2, v1  }
0x89: {  	p1 =	sge.u32 s12, s8;
	s14 =	simm.s32 $0x1;
	v4 =	vmov s20;
	s20 =	simm.s32 $0x0;
	v1 =	vbroadcast v1, $0x0  }
0x8a: {  	v3 =	vmov s17;
	s16 =	sshll.u32 @!p1 s12, $0xC;
	s14 =	simm.s32 @!p0 $0x0;
	s19 =	sshll.u32 @!p1 s12, $0x6  }
0x8b: {  	v3 =	vand.u32 $0x3D, v3;
	s16 =	sand.u32 @!p1 $0x1000, s16;
	s18 =	sshll.u32 s14, $0xC;
	s17 =	sand.u32 @!p1 $0x3C0, s19  }
0x8c: {  	s19 =	simm.s32 @!p1 $0x40;
	v3 =	vor.u32 v2, v3;
	s16 =	sor.u32 @!p1 $0x800, s16;
	s18 =	sor.u32 $0x880, s18  }
0x8d: {  	v4 =	vand.u32 $0x3E, v4;
	v3 =	vbroadcast v3, $0x0;
	[tilespmem:s16], [sflag:$0x1] =	stream.indirect.gather @!p1 [hbm4b:s5+s19], $0x40, s17, s19, $0xb8;
	[tilespmem:$0x1A400] =	vst v63  }
0x8e: {  	v5 =	vmov s20;
	v4 =	vor.u32 v2, v4;
	v6 =	vld [tilespmem:s18+$0x40]  }
0x8f: {  	v5 =	vand.u32 $0x3C, v5;
	v4 =	vbroadcast v4, $0x0;
	v9 =	vld.idx.msk [tilespmem:v1+s30+$0x0], $0xffff  }
0x90: {  	v1 =	vor.u32 v2, v5  }
0x91: {  	v1 =	vbroadcast v1, $0x0  }
0x92: {  	v5 =	vld [tilespmem:s18+$0xFFFFFFC0]  }
0x93: {  	v7 =	vld.idx.msk [tilespmem:v3+s30+$0x0], $0xffff;
	v3 =	vunpack.i.l.bf16.f32 v6  }
0x94: {  	s14 =	sshll.u32 s14, $0xD;
	v10 =	vld [tilespmem:s18+$0x0];
	v6 =	vunpack.i.u.bf16.f32 v6;
	v3 =	vmul.f32 v3, v9  }
0x95: {  	s14 =	sadd.s32 $0x2900, s14;
	v8 =	vld.idx.msk [tilespmem:v4+s30+$0x0], $0xffff;
	v4 =	vmul.f32 v6, v9  }
0x96: {  	v11 =	vld [tilespmem:s18+$0xFFFFFF80];
	[tilespmem:s14+$0x80] =	vst v3  }
0x97: {  	v6 =	vld.idx.msk [tilespmem:v1+s30+$0x0], $0xffff;
	v1 =	vunpack.i.l.bf16.f32 v5;
	[tilespmem:s14+$0xC0] =	vst v4  }
0x98: {  	v3 =	vunpack.i.u.bf16.f32 v5;
	v1 =	vmul.f32 v1, v7;
	v4 =	vld [tilespmem:s18+$0x50]  }
0x99: {  	v5 =	vunpack.i.l.bf16.f32 v10;
	v3 =	vmul.f32 v3, v7  }
0x9a: {  	v10 =	vunpack.i.u.bf16.f32 v10;
	v5 =	vmul.f32 v5, v8;
	[tilespmem:s14+$0xFFFFFF80] =	vst v1  }
0x9b: {  	v10 =	vmul.f32 v10, v8;
	v1 =	vunpack.i.l.bf16.f32 v11;
	[tilespmem:s14+$0xFFFFFFC0] =	vst v3  }
0x9c: {  	v3 =	vunpack.i.u.bf16.f32 v11;
	[tilespmem:s14+$0x0] =	vst v5;
	v11 =	vld [tilespmem:s18+$0xFFFFFFD0];
	v1 =	vmul.f32 v1, v6  }
0x9d: {  	[tilespmem:s14+$0x40] =	vst v10;
	v3 =	vmul.f32 v3, v6;
	v5 =	vunpack.i.l.bf16.f32 v4  }
0x9e: {  	s21 =	simm.s32 $0x4;
	v4 =	vunpack.i.u.bf16.f32 v4;
	[tilespmem:s14+$0xFFFFFF00] =	vst v1;
	v1 =	vld [tilespmem:s18+$0x10];
	v5 =	vmul.f32 v5, v9  }
0x9f: {  	s17 =	simm.s32 $0x5;
	v10 =	vmov s21;
	[tilespmem:s14+$0xFFFFFF40] =	vst v3;
	v3 =	vmul.f32 v4, v9  }
0xa0: {  	v4 =	vand.u32 $0x3C, v10;
	v10 =	vmov s17;
	v12 =	vld [tilespmem:s18+$0xFFFFFF90];
	[tilespmem:s14+$0x90] =	vst v5  }
0xa1: {  	v4 =	vor.u32 v2, v4;
	v5 =	vand.u32 $0x3D, v10;
	v10 =	vunpack.i.l.bf16.f32 v11;
	[tilespmem:s14+$0xD0] =	vst v3  }
0xa2: {  	v3 =	vbroadcast v4, $0x0;
	v4 =	vunpack.i.u.bf16.f32 v11;
	v10 =	vmul.f32 v10, v7;
	v11 =	vld [tilespmem:s18+$0x60]  }
0xa3: {  	v5 =	vor.u32 v2, v5;
	v4 =	vmul.f32 v4, v7;
	v13 =	vunpack.i.l.bf16.f32 v1  }
0xa4: {  	s19 =	simm.s32 $0x7;
	v5 =	vbroadcast v5, $0x0;
	v1 =	vunpack.i.u.bf16.f32 v1;
	[tilespmem:s14+$0xFFFFFF90] =	vst v10;
	v10 =	vmul.f32 v13, v8  }
0xa5: {  	[tilespmem:s14+$0xFFFFFFD0] =	vst v4;
	v4 =	vmov s19;
	v1 =	vmul.f32 v1, v8;
	v13 =	vunpack.i.l.bf16.f32 v12  }
0xa6: {  	v12 =	vunpack.i.u.bf16.f32 v12;
	v14 =	vld [tilespmem:s18+$0xFFFFFFE0];
	v4 =	vand.u32 $0x3F, v4;
	v13 =	vmul.f32 v13, v6;
	[tilespmem:s14+$0x10] =	vst v10  }
0xa7: {  	v10 =	vmul.f32 v12, v6;
	[tilespmem:s14+$0x50] =	vst v1;
	v1 =	vor.u32 v2, v4;
	v4 =	vunpack.i.l.bf16.f32 v11  }
0xa8: {  	v11 =	vunpack.i.u.bf16.f32 v11;
	[tilespmem:s14+$0xFFFFFF10] =	vst v13;
	v12 =	vld [tilespmem:s18+$0x20];
	v13 =	vbroadcast v1, $0x0;
	v4 =	vmul.f32 v4, v9  }
0xa9: {  	s20 =	simm.s32 $0x6;
	v1 =	vld.idx.msk [tilespmem:v3+s30+$0x0], $0xffff;
	v3 =	vmul.f32 v11, v9;
	[tilespmem:s14+$0xFFFFFF50] =	vst v10  }
0xaa: {  	v10 =	vmov s20;
	v11 =	vld [tilespmem:s18+$0xFFFFFFA0];
	[tilespmem:s14+$0xA0] =	vst v4  }
0xab: {  	v10 =	vand.u32 $0x3E, v10;
	v4 =	vld.idx.msk [tilespmem:v5+s30+$0x0], $0xffff;
	v5 =	vunpack.i.l.bf16.f32 v14;
	[tilespmem:s14+$0xE0] =	vst v3  }
0xac: {  	s17 =	sadd.s32 $0x100, s18;
	v3 =	vor.u32 v2, v10;
	v10 =	vunpack.i.u.bf16.f32 v14;
	v5 =	vmul.f32 v5, v7;
	v14 =	vld [tilespmem:s18+$0x70]  }
0xad: {  	v16 =	vld [tilespmem:s17+$0x40];
	v10 =	vmul.f32 v10, v7;
	v15 =	vunpack.i.l.bf16.f32 v12  }
0xae: {  	v3 =	vbroadcast v3, $0x0;
	v12 =	vunpack.i.u.bf16.f32 v12;
	[tilespmem:s14+$0xFFFFFFA0] =	vst v5;
	v15 =	vmul.f32 v15, v8;
	v5 =	vld.idx.msk [tilespmem:v13+s30+$0x0], $0xffff  }
0xaf: {  	v12 =	vmul.f32 v12, v8;
	[tilespmem:s14+$0xFFFFFFE0] =	vst v10;
	v13 =	vunpack.i.l.bf16.f32 v11  }
0xb0: {  	v10 =	vld [tilespmem:s17+$0xFFFFFF80];
	v11 =	vunpack.i.u.bf16.f32 v11;
	v13 =	vmul.f32 v13, v6;
	[tilespmem:s14+$0x20] =	vst v15  }
0xb1: {  	v15 =	vld [tilespmem:s17+$0xFFFFFFC0];
	v11 =	vmul.f32 v11, v6;
	[tilespmem:s14+$0x60] =	vst v12;
	v17 =	vunpack.i.u.bf16.f32 v14  }
0xb2: {  	v18 =	vunpack.i.l.bf16.f32 v16;
	v12 =	vld [tilespmem:s17+$0x0];
	v17 =	vmul.f32 v17, v9;
	[tilespmem:s14+$0xFFFFFF20] =	vst v13  }
0xb3: {  	s21 =	simm.s32 $0x8;
	v13 =	vunpack.i.l.bf16.f32 v14;
	v14 =	vld [tilespmem:s18+$0xFFFFFFF0];
	[tilespmem:s14+$0xFFFFFF60] =	vst v11;
	v11 =	vunpack.i.u.bf16.f32 v16;
	v16 =	vmul.f32 v18, v5  }
0xb4: {  	s16 =	sadd.s32 $0x200, s14;
	v19 =	vmov s21;
	s19 =	simm.s32 $0x9;
	v3 =	vld.idx.msk [tilespmem:v3+s30+$0x0], $0xffff;
	[tilespmem:s14+$0xF0] =	vst v17;
	v11 =	vmul.f32 v11, v5  }
0xb5: {  	v22 =	vmov s19;
	v9 =	vmul.f32 v13, v9;
	v18 =	vld [tilespmem:s18+$0x30];
	v17 =	vunpack.i.u.bf16.f32 v10;
	[tilespmem:s16+$0x80] =	vst v16  }
0xb6: {  	v13 =	vand.u32 $0x3C, v19;
	v19 =	vld [tilespmem:s18+$0xFFFFFFB0];
	v17 =	vmul.f32 v17, v1;
	v20 =	vunpack.i.l.bf16.f32 v15;
	[tilespmem:s16+$0xC0] =	vst v11  }
0xb7: {  	v10 =	vunpack.i.l.bf16.f32 v10;
	v15 =	vunpack.i.u.bf16.f32 v15;
	[tilespmem:s14+$0xB0] =	vst v9;
	v20 =	vmul.f32 v20, v4  }
0xb8: {  	v10 =	vmul.f32 v10, v1;
	v9 =	vunpack.i.l.bf16.f32 v12;
	v11 =	vmul.f32 v15, v4;
	v15 =	vld [tilespmem:s17+$0x50];
	[tilespmem:s16+$0xFFFFFF40] =	vst v17  }
0xb9: {  	s20 =	simm.s32 $0xA;
	v13 =	vor.u32 v2, v13;
	v16 =	vunpack.i.u.bf16.f32 v12;
	v9 =	vmul.f32 v9, v3;
	[tilespmem:s16+$0xFFFFFF80] =	vst v20  }
0xba: {  	v17 =	vmov s20;
	v12 =	vunpack.i.u.bf16.f32 v14;
	v16 =	vmul.f32 v16, v3;
	[tilespmem:s16+$0xFFFFFFC0] =	vst v11  }
0xbb: {  	v14 =	vunpack.i.l.bf16.f32 v14;
	v20 =	vunpack.i.u.bf16.f32 v18;
	v11 =	vunpack.i.u.bf16.f32 v19;
	v21 =	vld [tilespmem:s17+$0xFFFFFFD0];
	[tilespmem:s16+$0x0] =	vst v9  }
0xbc: {  	v19 =	vunpack.i.l.bf16.f32 v19;
	v18 =	vunpack.i.l.bf16.f32 v18;
	v14 =	vmul.f32 v14, v7;
	[tilespmem:s16+$0x40] =	vst v16  }
0xbd: {  	[tilespmem:s16+$0xFFFFFF00] =	vst v10;
	v12 =	vmul.f32 v12, v7;
	v9 =	vmul.f32 v18, v8;
	v16 =	vld [tilespmem:s17+$0x10];
	v10 =	vunpack.i.l.bf16.f32 v15  }
0xbe: {  	v7 =	vmul.f32 v19, v6;
	[tilespmem:s14+$0xFFFFFFB0] =	vst v14;
	v15 =	vunpack.i.u.bf16.f32 v15;
	v10 =	vmul.f32 v10, v5  }
0xbf: {  	v6 =	vmul.f32 v11, v6;
	v18 =	vld [tilespmem:s17+$0xFFFFFF90];
	v14 =	vand.u32 $0x3D, v22;
	[tilespmem:s14+$0xFFFFFFF0] =	vst v12;
	v11 =	vmul.f32 v15, v5  }
0xc0: {  	v17 =	vand.u32 $0x3E, v17;
	v12 =	vor.u32 v2, v14;
	v15 =	vunpack.i.l.bf16.f32 v21;
	[tilespmem:s16+$0x90] =	vst v10  }
0xc1: {  	v19 =	vunpack.i.u.bf16.f32 v21;
	[tilespmem:s16+$0xD0] =	vst v11;
	v10 =	vbroadcast v13, $0x0;
	v15 =	vmul.f32 v15, v4  }
0xc2: {  	v19 =	vmul.f32 v19, v4;
	v11 =	vunpack.i.l.bf16.f32 v16;
	v13 =	vld [tilespmem:s17+$0x60];
	v14 =	vunpack.i.u.bf16.f32 v16  }
0xc3: {  	s21 =	simm.s32 $0xB;
	v16 =	vmul.f32 v14, v3;
	v14 =	vor.u32 v2, v17;
	[tilespmem:s16+$0xFFFFFF90] =	vst v15;
	v15 =	vmul.f32 v11, v3  }
0xc4: {  	v17 =	vmov s21;
	v11 =	vbroadcast v12, $0x0;
	v12 =	vunpack.i.l.bf16.f32 v18;
	[tilespmem:s16+$0xFFFFFFD0] =	vst v19  }
0xc5: {  	s15 =	sshll.u32 s15, $0xD;
	v19 =	vmul.f32 v12, v1;
	v12 =	vbroadcast v14, $0x0;
	v14 =	vld [tilespmem:s17+$0xFFFFFFE0];
	[tilespmem:s16+$0x10] =	vst v15;
	v15 =	vunpack.i.u.bf16.f32 v18  }
0xc6: {  	s15 =	sadd.s32 $0x2800, s15;
	v17 =	vand.u32 $0x3F, v17;
	[tilespmem:s16+$0x50] =	vst v16;
	v16 =	vmul.f32 v15, v1  }
0xc7: {  	s19 =	smov.u32 s17;
	s18 =	smov.u32 s16;
	s20 =	simm.s32 $0xC;
	v8 =	vmul.f32 v20, v8;
	v17 =	vor.u32 v2, v17;
	[tilespmem:s16+$0xFFFFFF10] =	vst v19;
	v15 =	vld [tilespmem:s17+$0x20];
	v18 =	vunpack.i.l.bf16.f32 v13  }
.LBB2_9:
0xc8: {  	p1 =	slt.u32 s20, $0x3C;
	v10 =	vld.idx.msk [tilespmem:v10+s30+$0x0], $0xffff;
	v17 =	vbroadcast v17, $0x0;
	[tilespmem:s16+$0xFFFFFF50] =	vst v16;
	v13 =	vunpack.i.u.bf16.f32 v13;
	v16 =	vmul.f32 v18, v5  }
0xc9: {  	v18 =	vld [tilespmem:s17+$0xFFFFFFA0];
	v13 =	vmul.f32 v13, v5;
	[tilespmem:s14+$0x30] =	vst v9  }
0xca: {  	v9 =	vld.idx.msk [tilespmem:v11+s30+$0x0], $0xffff;
	v11 =	vunpack.i.u.bf16.f32 v14;
	v14 =	vunpack.i.l.bf16.f32 v14;
	[tilespmem:s16+$0xA0] =	vst v16  }
0xcb: {  	v12 =	vld.idx.msk [tilespmem:v12+s30+$0x0], $0xffff;
	v14 =	vmul.f32 v14, v4;
	v11 =	vmul.f32 v11, v4;
	[tilespmem:s16+$0xE0] =	vst v13  }
0xcc: {  	s17 =	sadd.s32 $0x100, s17;
	v13 =	vunpack.i.u.bf16.f32 v15;
	v15 =	vunpack.i.l.bf16.f32 v15;
	v16 =	vld [tilespmem:s19+$0x70];
	[tilespmem:s14+$0x70] =	vst v8  }
0xcd: {  	v8 =	vld [tilespmem:s17+$0x40];
	[tilespmem:s16+$0xFFFFFFA0] =	vst v14;
	v14 =	vmul.f32 v15, v3;
	v13 =	vmul.f32 v13, v3  }
0xce: {  	v15 =	vld.idx.msk [tilespmem:v17+s30+$0x0], $0xffff;
	v17 =	vunpack.i.u.bf16.f32 v18;
	v18 =	vunpack.i.l.bf16.f32 v18;
	[tilespmem:s16+$0xFFFFFFE0] =	vst v11  }
0xcf: {  	v11 =	vld [tilespmem:s17+$0xFFFFFF80];
	v18 =	vmul.f32 v18, v1;
	v17 =	vmul.f32 v17, v1;
	[tilespmem:s16+$0x20] =	vst v14  }
0xd0: {  	v14 =	vld [tilespmem:s17+$0xFFFFFFC0];
	[tilespmem:s16+$0x60] =	vst v13  }
0xd1: {  	v13 =	vld [tilespmem:s17+$0x0];
	[tilespmem:s16+$0xFFFFFF20] =	vst v18;
	v18 =	vunpack.i.u.bf16.f32 v16;
	v16 =	vunpack.i.l.bf16.f32 v16  }
0xd2: {  	v19 =	vmov s20;
	[tilespmem:s16+$0xFFFFFF60] =	vst v17;
	v17 =	vld [tilespmem:s19+$0xFFFFFFF0];
	v16 =	vmul.f32 v16, v5;
	v22 =	vmul.f32 v18, v5  }
0xd3: {  	v18 =	vand.u32 $0x3C, v19;
	v19 =	vunpack.i.l.bf16.f32 v8;
	v20 =	vld [tilespmem:s19+$0x30];
	[tilespmem:s14+$0xFFFFFF30] =	vst v7  }
0xd4: {  	v8 =	vunpack.i.u.bf16.f32 v8;
	v19 =	vmul.f32 v19, v15;
	v5 =	vmovc v15;
	v7 =	vunpack.i.u.bf16.f32 v11;
	v21 =	vld [tilespmem:s19+$0xFFFFFFB0];
	[tilespmem:s16+$0xF0] =	vst v22;
	s19 =	smov.u32 s17  }
0xd5: {  	v11 =	vunpack.i.l.bf16.f32 v11;
	v8 =	vmul.f32 v8, v5;
	s16 =	sadd.s32 $0x200, s16;
	v15 =	vunpack.i.u.bf16.f32 v14;
	[tilespmem:s18+$0xB0] =	vst v16  }
0xd6: {  	v14 =	vunpack.i.l.bf16.f32 v14;
	v16 =	vunpack.i.u.bf16.f32 v13;
	v13 =	vunpack.i.l.bf16.f32 v13;
	[tilespmem:s16+$0x80] =	vst v19  }
0xd7: {  	v14 =	vmul.f32 v14, v9;
	v15 =	vmul.f32 v15, v9;
	[tilespmem:s16+$0xC0] =	vst v8;
	v8 =	vunpack.i.u.bf16.f32 v17  }
0xd8: {  	v13 =	vmul.f32 v13, v12;
	v16 =	vmul.f32 v16, v12;
	v17 =	vunpack.i.l.bf16.f32 v17;
	v19 =	vld [tilespmem:s17+$0x50];
	[tilespmem:s14+$0xFFFFFF70] =	vst v6;
	s14 =	smov.u32 s18;
	s18 =	smov.u32 s16  }
0xd9: {  	v6 =	vmul.f32 v11, v10;
	v11 =	vmul.f32 v7, v10;
	v7 =	vunpack.i.u.bf16.f32 v20;
	[tilespmem:s16+$0xFFFFFF80] =	vst v14  }
0xda: {  	s21 =	sadd.s32 $0x1, s20;
	v20 =	vunpack.i.l.bf16.f32 v20;
	v14 =	vunpack.i.u.bf16.f32 v21;
	[tilespmem:s16+$0xFFFFFFC0] =	vst v15;
	v15 =	vunpack.i.l.bf16.f32 v21  }
0xdb: {  	v21 =	vmov s21;
	s21 =	sadd.s32 $0x2, s20;
	v22 =	vld [tilespmem:s17+$0xFFFFFFD0];
	[tilespmem:s16+$0x0] =	vst v13;
	v13 =	vmul.f32 v17, v4;
	v17 =	vmul.f32 v8, v4;
	v4 =	vmovc v9  }
0xdc: {  	v23 =	vmov s21;
	v9 =	vmul.f32 v20, v3;
	v8 =	vmul.f32 v7, v3;
	v3 =	vmovc v12;
	[tilespmem:s16+$0x40] =	vst v16  }
0xdd: {  	v7 =	vmul.f32 v15, v1;
	[tilespmem:s16+$0xFFFFFF00] =	vst v6;
	v12 =	vld [tilespmem:s17+$0x10];
	v16 =	vunpack.i.l.bf16.f32 v19;
	v6 =	vmul.f32 v14, v1;
	v1 =	vmovc v10  }
0xde: {  	v10 =	vor.u32 v2, v18;
	[tilespmem:s16+$0xFFFFFF40] =	vst v11;
	v11 =	vunpack.i.u.bf16.f32 v19;
	v14 =	vmul.f32 v16, v5  }
0xdf: {  	v15 =	vand.u32 $0x3D, v21;
	v16 =	vand.u32 $0x3E, v23;
	v18 =	vld [tilespmem:s17+$0xFFFFFF90];
	v11 =	vmul.f32 v11, v5;
	[tilespmem:s14+$0xFFFFFFB0] =	vst v13  }
0xe0: {  	v10 =	vbroadcast v10, $0x0;
	v13 =	vunpack.i.u.bf16.f32 v22;
	v19 =	vunpack.i.l.bf16.f32 v22;
	[tilespmem:s16+$0x90] =	vst v14  }
0xe1: {  	v14 =	vor.u32 v2, v15;
	v15 =	vmul.f32 v19, v4;
	v19 =	vmul.f32 v13, v4;
	[tilespmem:s16+$0xD0] =	vst v11  }
0xe2: {  	v11 =	vbroadcast v14, $0x0;
	v14 =	vunpack.i.u.bf16.f32 v12;
	v12 =	vunpack.i.l.bf16.f32 v12;
	v13 =	vld [tilespmem:s17+$0x60];
	[tilespmem:s14+$0xFFFFFFF0] =	vst v17  }
.Ltmp3:
0xe3: {  	v16 =	vor.u32 v2, v16;
	[tilespmem:s16+$0xFFFFFF90] =	vst v15;
	v15 =	vmul.f32 v12, v3;
	v17 =	vmul.f32 v14, v3;
	(pc) =	sbr.rel @p1 .LBB2_9-.Ltmp3, $4  }
0xe4: {  	s21 =	sadd.s32 $0x3, s20;
	v12 =	vbroadcast v16, $0x0;
	v14 =	vunpack.i.u.bf16.f32 v18;
	v16 =	vunpack.i.l.bf16.f32 v18;
	[tilespmem:s16+$0xFFFFFFD0] =	vst v19  }
0xe5: {  	v18 =	vmov s21;
	v19 =	vmul.f32 v16, v1;
	v16 =	vmul.f32 v14, v1;
	v14 =	vld [tilespmem:s17+$0xFFFFFFE0];
	[tilespmem:s16+$0x10] =	vst v15  }
0xe6: {  	v15 =	vand.u32 $0x3F, v18;
	[tilespmem:s16+$0x50] =	vst v17  }
0xe7: {  	s20 =	sadd.s32 $0x4, s20;
	v17 =	vor.u32 v2, v15;
	[tilespmem:s16+$0xFFFFFF10] =	vst v19;
	v15 =	vld [tilespmem:s17+$0x20];
	v18 =	vunpack.i.l.bf16.f32 v13  }
0xe8: {  	[tilespmem:s16+$0xFFFFFF50] =	vst v16  }
0xe9: {  	[tilespmem:s14+$0x30] =	vst v9  }
0xea: {  	v2 =	vunpack.i.u.bf16.f32 v13;
	v43 =	vmul.f32 v18, v5;
	v44 =	vbroadcast v17, $0x0;
	[tilespmem:s14+$0x70] =	vst v8  }
0xeb: {  	[tilespmem:s14+$0xFFFFFF30] =	vst v7;
	v45 =	vld [tilespmem:s17+$0xFFFFFFA0];
	v2 =	vmul.f32 v2, v5  }
0xec: {  	s20 =	sadd.s32 $0x100, s17;
	v7 =	vld.idx.msk [tilespmem:v12+s30+$0x0], $0xffff;
	v46 =	vunpack.i.l.bf16.f32 v14;
	[tilespmem:s16+$0xA0] =	vst v43  }
0xed: {  	v59 =	vld [tilespmem:s20+$0x0];
	v47 =	vunpack.i.u.bf16.f32 v14;
	v9 =	vmul.f32 v46, v4;
	[tilespmem:s16+$0xE0] =	vst v2  }
0xee: {  	[tilespmem:s14+$0xFFFFFF70] =	vst v6;
	v2 =	vmul.f32 v47, v4;
	v48 =	vunpack.i.l.bf16.f32 v15;
	v49 =	vld [tilespmem:s19+$0x70]  }
0xef: {  	v52 =	vld [tilespmem:s20+$0x40];
	v50 =	vunpack.i.u.bf16.f32 v15;
	[tilespmem:s16+$0xFFFFFFA0] =	vst v9;
	v51 =	vmul.f32 v48, v3  }
0xf0: {  	v8 =	vmul.f32 v50, v3;
	[tilespmem:s16+$0xFFFFFFE0] =	vst v2;
	v53 =	vunpack.i.l.bf16.f32 v45;
	v16 =	vld.idx.msk [tilespmem:v44+s30+$0x0], $0xffff  }
0xf1: {  	v55 =	vld [tilespmem:s20+$0xFFFFFFC0];
	v2 =	vunpack.i.u.bf16.f32 v45;
	v15 =	vmul.f32 v53, v1;
	[tilespmem:s16+$0x20] =	vst v51  }
0xf2: {  	v20 =	vunpack.i.u.bf16.f32 v59;
	v54 =	vmul.f32 v2, v1;
	[tilespmem:s16+$0x60] =	vst v8;
	v2 =	vld.idx.msk [tilespmem:v11+s30+$0x0], $0xffff  }
0xf3: {  	v6 =	vmul.f32 v20, v7;
	[tilespmem:s16+$0xFFFFFF20] =	vst v15;
	v56 =	vunpack.i.u.bf16.f32 v49  }
0xf4: {  	s21 =	sadd.s32 $0x200, s16;
	v61 =	vunpack.i.l.bf16.f32 v52;
	[tilespmem:s16+$0xFFFFFF60] =	vst v54;
	v58 =	vmul.f32 v56, v5  }
0xf5: {  	v63 =	vld [tilespmem:s20+$0xFFFFFF80];
	v62 =	vunpack.i.u.bf16.f32 v52;
	v57 =	vunpack.i.l.bf16.f32 v49;
	[tilespmem:s21+$0x40] =	vst v6;
	v11 =	vmul.f32 v61, v16  }
0xf6: {  	v15 =	vunpack.i.l.bf16.f32 v55;
	v60 =	vmul.f32 v57, v5;
	v5 =	vld.idx.msk [tilespmem:v10+s30+$0x0], $0xffff;
	v12 =	vmul.f32 v62, v16;
	[tilespmem:s16+$0xF0] =	vst v58  }
0xf7: {  	v17 =	vld [tilespmem:s19+$0xFFFFFFF0];
	v8 =	vunpack.i.u.bf16.f32 v55;
	v10 =	vmul.f32 v15, v2;
	[tilespmem:s21+$0x80] =	vst v11  }
0xf8: {  	v8 =	vmul.f32 v8, v2;
	[tilespmem:s21+$0xC0] =	vst v12  }
0xf9: {  	v18 =	vunpack.i.l.bf16.f32 v59;
	v19 =	vld [tilespmem:s20+$0x50];
	[tilespmem:s21+$0xFFFFFF80] =	vst v10  }
0xfa: {  	v21 =	vunpack.i.l.bf16.f32 v63;
	v12 =	vmul.f32 v18, v7;
	[tilespmem:s21+$0xFFFFFFC0] =	vst v8  }
0xfb: {  	v22 =	vunpack.i.u.bf16.f32 v63;
	[tilespmem:s18+$0xB0] =	vst v60;
	v23 =	vmul.f32 v21, v5;
	v24 =	vld [tilespmem:s20+$0xFFFFFFD0]  }
0xfc: {  	v25 =	vunpack.i.l.bf16.f32 v17;
	[tilespmem:s21+$0x0] =	vst v12;
	v8 =	vmul.f32 v22, v5  }
0xfd: {  	v26 =	vmul.f32 v25, v4;
	v11 =	vunpack.i.u.bf16.f32 v17;
	v27 =	vld [tilespmem:s20+$0x10];
	[tilespmem:s21+$0xFFFFFF00] =	vst v23  }
0xfe: {  	v31 =	vmul.f32 v11, v4;
	[tilespmem:s21+$0xFFFFFF40] =	vst v8;
	v28 =	vunpack.i.l.bf16.f32 v19  }
0xff: {  	[tilespmem:s18+$0xFFFFFFB0] =	vst v26;
	v30 =	vld [tilespmem:s20+$0xFFFFFF90];
	v29 =	vunpack.i.u.bf16.f32 v19;
	v12 =	vmul.f32 v28, v16  }
0x100: {  	[tilespmem:s18+$0xFFFFFFF0] =	vst v31;
	v8 =	vmul.f32 v29, v16;
	v32 =	vunpack.i.l.bf16.f32 v24  }
0x101: {  	v33 =	vld [tilespmem:s19+$0x30];
	v10 =	vunpack.i.u.bf16.f32 v24;
	v6 =	vmul.f32 v32, v2;
	[tilespmem:s21+$0x90] =	vst v12  }
0x102: {  	v34 =	vmul.f32 v10, v2;
	v35 =	vunpack.i.l.bf16.f32 v27;
	[tilespmem:s21+$0xD0] =	vst v8  }
0x103: {  	v36 =	vunpack.i.u.bf16.f32 v27;
	v37 =	vmul.f32 v35, v7;
	v12 =	vld [tilespmem:s20+$0x60];
	[tilespmem:s21+$0xFFFFFF90] =	vst v6  }
0x104: {  	v4 =	vmul.f32 v36, v7;
	v38 =	vunpack.i.l.bf16.f32 v30;
	[tilespmem:s21+$0xFFFFFFD0] =	vst v34  }
0x105: {  	v39 =	vunpack.i.u.bf16.f32 v30;
	v9 =	vmul.f32 v38, v5;
	v40 =	vld [tilespmem:s20+$0xFFFFFFE0];
	[tilespmem:s21+$0x10] =	vst v37  }
0x106: {  	v41 =	vunpack.i.l.bf16.f32 v33;
	v8 =	vmul.f32 v39, v5;
	[tilespmem:s21+$0x50] =	vst v4  }
0x107: {  	v42 =	vmul.f32 v41, v3;
	v11 =	vunpack.i.u.bf16.f32 v33;
	v43 =	vld [tilespmem:s20+$0x20];
	[tilespmem:s21+$0xFFFFFF10] =	vst v9  }
0x108: {  	v3 =	vmul.f32 v11, v3;
	[tilespmem:s21+$0xFFFFFF50] =	vst v8;
	v44 =	vunpack.i.l.bf16.f32 v12  }
0x109: {  	[tilespmem:s18+$0x30] =	vst v42;
	v46 =	vld [tilespmem:s20+$0xFFFFFFA0];
	v45 =	vunpack.i.u.bf16.f32 v12;
	v9 =	vmul.f32 v44, v16  }
0x10a: {  	[tilespmem:s18+$0x70] =	vst v3;
	v8 =	vmul.f32 v45, v16;
	v47 =	vunpack.i.l.bf16.f32 v40  }
0x10b: {  	v48 =	vld [tilespmem:s19+$0xFFFFFFB0];
	v10 =	vunpack.i.u.bf16.f32 v40;
	v4 =	vmul.f32 v47, v2;
	[tilespmem:s21+$0xA0] =	vst v9  }
0x10c: {  	v49 =	vmul.f32 v10, v2;
	v50 =	vunpack.i.l.bf16.f32 v43;
	[tilespmem:s21+$0xE0] =	vst v8  }
0x10d: {  	v3 =	vunpack.i.u.bf16.f32 v43;
	v52 =	vmul.f32 v50, v7;
	v51 =	vld [tilespmem:s20+$0x70];
	[tilespmem:s21+$0xFFFFFFA0] =	vst v4  }
0x10e: {  	v3 =	vmul.f32 v3, v7;
	v53 =	vunpack.i.l.bf16.f32 v46;
	[tilespmem:s21+$0xFFFFFFE0] =	vst v49  }
0x10f: {  	v54 =	vunpack.i.u.bf16.f32 v46;
	v6 =	vmul.f32 v53, v5;
	[tilespmem:s21+$0x20] =	vst v52;
	v55 =	vld [tilespmem:s20+$0xFFFFFFF0]  }
0x110: {  	v56 =	vunpack.i.l.bf16.f32 v48;
	v8 =	vmul.f32 v54, v5;
	[tilespmem:s21+$0x60] =	vst v3  }
0x111: {  	v59 =	vunpack.i.u.bf16.f32 v48;
	v3 =	vmul.f32 v56, v1;
	v58 =	vld [tilespmem:s20+$0x30];
	[tilespmem:s21+$0xFFFFFF20] =	vst v6  }
0x112: {  	v1 =	vmul.f32 v59, v1;
	[tilespmem:s21+$0xFFFFFF60] =	vst v8;
	v57 =	vunpack.i.u.bf16.f32 v51  }
0x113: {  	[tilespmem:s18+$0xFFFFFF30] =	vst v3;
	v3 =	vld [tilespmem:s20+$0xFFFFFFB0];
	v11 =	vunpack.i.l.bf16.f32 v51;
	v6 =	vmul.f32 v57, v16  }
0x114: {  	[tilespmem:s18+$0xFFFFFF70] =	vst v1;
	v60 =	vmul.f32 v11, v16;
	v61 =	vunpack.i.l.bf16.f32 v55  }
0x115: {  	v4 =	vunpack.i.u.bf16.f32 v55;
	[tilespmem:s21+$0xF0] =	vst v6;
	v6 =	vmul.f32 v61, v2  }
0x116: {  	v1 =	vunpack.i.l.bf16.f32 v58;
	[tilespmem:s21+$0xB0] =	vst v60;
	v2 =	vmul.f32 v4, v2  }
0x117: {  	v62 =	vunpack.i.u.bf16.f32 v58;
	v1 =	vmul.f32 v1, v7;
	[tilespmem:s21+$0xFFFFFFB0] =	vst v6  }
0x118: {  	p1 =	sne.s32 s12, s8;
	v4 =	vmul.f32 v62, v7;
	v63 =	vunpack.i.l.bf16.f32 v3;
	[tilespmem:s21+$0xFFFFFFF0] =	vst v2  }
.Ltmp4:
0x119: {  	v2 =	vunpack.i.u.bf16.f32 v3;
	v3 =	vmul.f32 v63, v5;
	[tilespmem:s21+$0x30] =	vst v1;
	(pc) =	sbr.rel @p1 .LBB2_4-.Ltmp4, $4  }
0x11a: {  	[tilespmem:s21+$0x70] =	vst v4;
	v1 =	vmul.f32 v2, v5  }
0x11b: {  	[tilespmem:s21+$0xFFFFFF30] =	vst v3  }
0x11c: {  	s13 =	sor.u32 $0x400, s13;
	p0 =	por !p0, !p0;
	[tilespmem:s21+$0xFFFFFF70] =	vst v1  }
0x11d: {  	[spmem:s3] =	stream.indirect.scatter.add.f32 [tilespmem:s15], [sflag:$0x2], $0x80, s13, s31, $0xb8;
	[tilespmem:$0x1A400] =	vst v63  }
0x11e: {  	_ =	swait.ge [sflag:s1], $0x2000;
	s12 =	stileid.u32  }
0x11f: {  	s13 =	sshrl.u32 s10, $0x3;
	s11 =	sadd.s32 $0x1, s11;
	[sflag:s1] =	ssyncset.done $0x0  }
0x120: {  	s12 =	sshll.u32 s12, $0x6;
	p0 =	sne.s32 s11, s25;
	[sflag:s1] =	ssyncadd.s32 $0xFFFFE000  }
.Ltmp5:
0x121: {  	s12 =	sor.u32 $0x1C03, s12;
	[bflag:$0x0] =	sbarrier.arrive $0xFFFF;
	(pc) =	sbr.rel @p0 .LBB2_1-.Ltmp5, $4  }
0x122: {  	[hbm:s24], [sflag:s12] =	dma.local [spmem:s13], $0x2780  }
0x123: {  	_ =	swait.ge [sflag:s28], $0x2780  }
0x124: {  	[sflag:s28] =	ssyncset.done $0x0  }
0x125: {  	[sflag:s28] =	ssyncadd.s32 $0xFFFFD880  }
0x126: {  	_ =	sfence.sel $0x180000  }
0x127: {  	[bflag:$0x0] =	sbarrier.arrive $0xFFFF  }
0x128: {  	_ =	strace $0x90000050  }
0x129: {  	s0 =	stileid.u32;
	[bflag:$0x2] =	sbarrier.arrive $0xFFFF  }
0x12a: {  	p0 =	sne.s32 s0, $0x0;
	s0 =	rddreg [dreg:$0x3]  }
0x12b: {  	s0 =	sadd.s32 @!p0 $0x100000, s0  }
0x12c: {  	[sflag:s0] =	ssyncadd.tile.s32 @!p0 $0x1;
	_ =	shalt  }
.Lfunc_end2:
_tile_overlayer_lowered:
.L_overlay_start_2:
0x12d: {  	(tag) =	ssettag $0x2  }
0x12e: {  	s0 =	rddreg [dreg:$0x0];
	s2 =	stileid.u32  }
0x12f: {  	s1 =	rddreg [dreg:$0x1];
	p0 =	sne.s32 s2, $0x0  }
0x130: {  	s3 =	rddreg [dreg:$0x2];
	[bflag:$0x3] =	sbarrier.arrive $0xFFFF;
	s2 =	simm.s32 @!p0 $0x1C03  }
0x131: {  	[timem:s3], [sflag:s2] =	dma.local @!p0 [hbm:s0], s1  }
0x132: {  	s0 =	simm.s32 @!p0 $0x3  }
0x133: {  	_ =	swait.ge @!p0 [sflag:s0], s1  }
0x134: {  	s1 =	ssub.s32 @!p0 $0x0, s1;
	[sflag:s0] =	ssyncset.done @!p0 $0x0  }
0x135: {  	[sflag:s0] =	ssyncadd.s32 @!p0 s1  }
0x136: {  	[bflag:$0x3] =	sbarrier.arrive $0xFFFF  }
0x137: {  	_ =	shalt  }

</sc_bundles>
